<compile_context>
chip_gen: v7x
topology: tpu7x:2x2x1
jax: 0.10.2.dev20260603
libtpu: 0.0.44.dev20260713+nightly
codegen_flags: <defaults>
</compile_context>

<pallas_src>
import functools

import jax
import jax.numpy as jnp
from jax import lax
from jax.experimental import pallas as pl
from jax.experimental.pallas import tpu as pltpu
from jax.experimental.pallas import tpu_sc as plsc

_N = 10000
_K = 32
_D = 128
_NT = 3600
_BN = 400
_CB = 8
_NW = 32
_PW = (_N - _NT) // _NW
_NCH = _PW // _CB
_DG = _D // 16


def _tc_body(ce_ref, al_ref, msg_ref, out_ref):
    a = al_ref[...]
    m = msg_ref[...]
    w = m * a[:, :, None]
    w = w[:, :16, :] + w[:, 16:, :]
    w = w[:, :8, :] + w[:, 8:, :]
    acc = jnp.sum(w, axis=1)
    out_ref[...] = ce_ref[...] + acc


def _sc_body(ce_hbm, al_hbm, msg_hbm, out_hbm, msg_v, al_v, ce_v, out_all,
             sem0, sem1):
    info = plsc.get_sparse_core_info()
    nc = info.num_cores
    wid = lax.axis_index("s") * nc + lax.axis_index("c")
    o_start = _PW * wid
    n_start = _NT + o_start
    sems = (sem0, sem1)

    def chunk_off(c):
        return jnp.minimum(c, _NCH - 1) * _CB

    def issue(c, slot):
        st = n_start + chunk_off(c)
        sem = sems[slot]
        pltpu.async_copy(msg_hbm.at[pl.ds(st, _CB)], msg_v.at[slot], sem)
        pltpu.async_copy(al_hbm.at[pl.ds(st, _CB)], al_v.at[slot], sem)
        pltpu.async_copy(
            ce_hbm.at[pl.ds(st, _CB), pl.ds(0, 1)], ce_v.at[slot], sem)

    def drain(c, slot):
        st = n_start + chunk_off(c)
        sem = sems[slot]
        pltpu.make_async_copy(
            msg_hbm.at[pl.ds(st, _CB)], msg_v.at[slot], sem).wait()
        pltpu.make_async_copy(
            al_hbm.at[pl.ds(st, _CB)], al_v.at[slot], sem).wait()
        pltpu.make_async_copy(
            ce_hbm.at[pl.ds(st, _CB), pl.ds(0, 1)], ce_v.at[slot], sem).wait()

    def compute(c, slot):
        row0 = chunk_off(c)

        def ibody(i, carry):
            accs = tuple(
                ce_v[slot, i, 0, pl.ds(g * 16, 16)] for g in range(_DG))

            def kgbody(kg, accs):
                av = al_v[slot, i, pl.ds(kg * 16, 16)]
                for j in range(16):
                    a = av[j]
                    k = kg * 16 + j
                    accs = tuple(
                        accs[g] + a * msg_v[slot, i, k, pl.ds(g * 16, 16)]
                        for g in range(_DG))
                return accs

            accs = lax.fori_loop(0, _K // 16, kgbody, accs)
            for g in range(_DG):
                out_all[row0 + i, pl.ds(g * 16, 16)] = accs[g]
            return carry

        lax.fori_loop(0, _CB, ibody, 0)

    issue(0, 0)
    nloop = (_NCH + 1) // 2

    def loop_body(c2, carry):
        for b in (0, 1):
            cur = 2 * c2 + b
            issue(cur + 1, b ^ 1)
            drain(cur, b)
            compute(cur, b)
        return carry

    lax.fori_loop(0, nloop, loop_body, 0)
    drain(2 * nloop, 0)

    pltpu.sync_copy(out_all, out_hbm.at[pl.ds(o_start, _PW)])


def kernel(curr_emb, alpha, msg):
    al = alpha[:, :, 0]
    ce_tc = curr_emb[:_NT, 0, :]
    grid = (_NT // _BN,)
    out_tc = pl.pallas_call(
        _tc_body,
        grid=grid,
        in_specs=[
            pl.BlockSpec((_BN, _D), lambda i: (i, 0)),
            pl.BlockSpec((_BN, _K), lambda i: (i, 0)),
            pl.BlockSpec((_BN, _K, _D), lambda i: (i, 0, 0)),
        ],
        out_specs=pl.BlockSpec((_BN, _D), lambda i: (i, 0)),
        out_shape=jax.ShapeDtypeStruct((_NT, _D), jnp.float32),
        compiler_params=pltpu.CompilerParams(
            dimension_semantics=("parallel",),
        ),
    )(ce_tc, al, msg)

    mesh = plsc.VectorSubcoreMesh(core_axis_name="c", subcore_axis_name="s")
    out_sc = functools.partial(
        pl.kernel,
        mesh=mesh,
        out_type=jax.ShapeDtypeStruct((_N - _NT, _D), jnp.float32),
        scratch_types=[
            pltpu.VMEM((2, _CB, _K, _D), jnp.float32),
            pltpu.VMEM((2, _CB, _K), jnp.float32),
            pltpu.VMEM((2, _CB, 1, _D), jnp.float32),
            pltpu.VMEM((_PW, _D), jnp.float32),
            pltpu.SemaphoreType.DMA,
            pltpu.SemaphoreType.DMA,
        ],
    )(_sc_body)(curr_emb, al, msg)

    return jnp.concatenate([out_tc, out_sc], axis=0)

# --- scband reference (transcript-rebuilt; emitter-appended) ---
"""Pipeline reference for scband-aggregator-70806830842506 (READ-ONLY COPY).

The authoritative reference and input builder live on the scoring server;
editing this copy changes nothing except your own understanding.
"""

import jax, jax.numpy as jnp
import numpy as np

N = 10000
K = 32
D = 128

def setup_inputs(seed: int = 0) -> dict:
    key = jax.random.key(seed)
    k1, k2, k3 = jax.random.split(key, 3)
    curr_emb = jax.random.normal(k1, (N, K, D), dtype=jnp.float32)
    alpha = jax.random.uniform(k2, (N, K, 1), dtype=jnp.float32)
    msg = jax.random.normal(k3, (N, K, D), dtype=jnp.float32)
    return {"curr_emb": curr_emb, "alpha": alpha, "msg": msg}

def reference(curr_emb, alpha, msg):
    # curr_emb: [N, K, D] mailbox of current embeddings (all rows identical per node);
    # take the first copy, as in node.mailbox['curr_emb'][:, 0, :]
    ce = curr_emb[:, 0, :]
    # torch.bmm(alpha.transpose(1, 2), msg).squeeze(1):
    # alpha [N, K, 1] -> [N, 1, K]; bmm with msg [N, K, D] -> [N, 1, D]; squeeze -> [N, D]
    nei_msg = jnp.squeeze(
        jnp.matmul(jnp.transpose(alpha, (0, 2, 1)), msg), axis=1
    )
    # update_embedding is abstract; faithful concrete choice (SumAggregator, as in GraIL):
    # new_emb = curr_emb + nei_msg
    new_emb = ce + nei_msg
    return new_emb

if __name__ == "__main__":
    import jax
    _d = setup_inputs()
    print(jax.jit(kernel)(*tuple(_d.values())))

</pallas_src>

<mosaic_0001>
#map = affine_map<(d0, d1) -> (0, 0, 0)>
#map1 = affine_map<(d0, d1) -> (0, 0)>
module attributes {stable_mosaic.version = 14 : i64} {
  func.func @_sc_body(%arg0: i32, %arg1: i32, %arg2: memref<10000x32x128xf32, #tpu.memory_space<hbm>>, %arg3: memref<10000x32xf32, #tpu.memory_space<hbm>>, %arg4: memref<10000x32x128xf32, #tpu.memory_space<hbm>>, %arg5: memref<6400x128xf32, #tpu.memory_space<hbm>>, %arg6: memref<2x8x32x128xf32, #tpu.memory_space<vmem>>, %arg7: memref<2x8x32xf32, #tpu.memory_space<vmem>>, %arg8: memref<2x8x1x128xf32, #tpu.memory_space<vmem>>, %arg9: memref<200x128xf32, #tpu.memory_space<vmem>>, %arg10: memref<!tpu.dma_semaphore, #tpu.memory_space<semaphore_mem>>, %arg11: memref<!tpu.dma_semaphore, #tpu.memory_space<semaphore_mem>>) attributes {dimension_semantics = [#tpu.dimension_semantics<core_parallel>, #tpu.dimension_semantics<subcore_parallel>], iteration_bounds = array<i64: 2, 16>, scalar_prefetch = 0 : i64, scratch_operands = 6 : i64, tpu.core_type = #tpu.core_type<sc_vector_subcore>, window_params = [{transform_indices = #map}, {transform_indices = #map1}, {transform_indices = #map}, {transform_indices = #map1}]} {
    %mul3A = arith.constant 2 : i32
    %mul3A_0 = arith.muli %arg1, %mul3A : i32
    %add3A = arith.addi %mul3A_0, %arg0 : i32
    %mul3A_1 = arith.constant 200 : i32
    %mul3A_2 = arith.muli %mul3A_1, %add3A : i32
    %add3A_3 = arith.constant 3600 : i32
    %add3A_4 = arith.addi %add3A_3, %mul3A_2 : i32
    %min3A = arith.constant 0 : i32
    %min3A_5 = arith.constant 24 : i32
    %min3A_6 = arith.minsi %min3A, %min3A_5 : i32
    %mul3A_7 = arith.constant 8 : i32
    %mul3A_8 = arith.muli %min3A_6, %mul3A_7 : i32
    %add3A_9 = arith.addi %add3A_4, %mul3A_8 : i32
    %dma_start3A = arith.constant 0 : i32
    %dma_start3A_10 = arith.constant 0 : i32
    %dma_start3A_11 = arith.constant 0 : i32
    %dma_start3A_12 = arith.constant 0 : i32
    %dma_start3A_13 = tpu.memref_slice %arg6[%dma_start3A, %dma_start3A_10, %dma_start3A_11, %dma_start3A_12] : memref<2x8x32x128xf32, #tpu.memory_space<vmem>> -> memref<1x8x32x128xf32, #tpu.memory_space<vmem>>
    %dma_start3A_14 = tpu.memref_squeeze %dma_start3A_13 : memref<1x8x32x128xf32, #tpu.memory_space<vmem>> -> memref<8x32x128xf32, #tpu.memory_space<vmem>>
    %dma_start3A_15 = arith.constant 0 : i32
    %dma_start3A_16 = arith.constant 0 : i32
    %dma_start3A_17 = tpu.memref_slice %arg4[%add3A_9, %dma_start3A_15, %dma_start3A_16] : memref<10000x32x128xf32, #tpu.memory_space<hbm>> -> memref<8x32x128xf32, #tpu.memory_space<hbm>>
    %dma_start3A_18 = arith.constant 0 : i32
    %dma_start3A_19 = arith.constant 0 : i32
    %dma_start3A_20 = arith.constant 0 : i32
    %dma_start3A_21 = tpu.memref_slice %arg6[%dma_start3A, %dma_start3A_18, %dma_start3A_19, %dma_start3A_20] : memref<2x8x32x128xf32, #tpu.memory_space<vmem>> -> memref<1x8x32x128xf32, #tpu.memory_space<vmem>>
    %dma_start3A_22 = tpu.memref_squeeze %dma_start3A_21 : memref<1x8x32x128xf32, #tpu.memory_space<vmem>> -> memref<8x32x128xf32, #tpu.memory_space<vmem>>
    %dma_start3A_23 = arith.constant 0 : i32
    %dma_start3A_24 = arith.constant 0 : i32
    %dma_start3A_25 = tpu.memref_slice %arg4[%add3A_9, %dma_start3A_23, %dma_start3A_24] : memref<10000x32x128xf32, #tpu.memory_space<hbm>> -> memref<8x32x128xf32, #tpu.memory_space<hbm>>
    tpu.enqueue_dma source(%dma_start3A_25 : memref<8x32x128xf32, #tpu.memory_space<hbm>>) target(%dma_start3A_22 : memref<8x32x128xf32, #tpu.memory_space<vmem>>) target_semaphore(%arg10 : memref<!tpu.dma_semaphore, #tpu.memory_space<semaphore_mem>>)
    %dma_start3A_26 = arith.constant 0 : i32
    %dma_start3A_27 = arith.constant 0 : i32
    %dma_start3A_28 = arith.constant 0 : i32
    %dma_start3A_29 = tpu.memref_slice %arg7[%dma_start3A_26, %dma_start3A_27, %dma_start3A_28] : memref<2x8x32xf32, #tpu.memory_space<vmem>> -> memref<1x8x32xf32, #tpu.memory_space<vmem>>
    %dma_start3A_30 = tpu.memref_squeeze %dma_start3A_29 : memref<1x8x32xf32, #tpu.memory_space<vmem>> -> memref<8x32xf32, #tpu.memory_space<vmem>>
    %dma_start3A_31 = arith.constant 0 : i32
    %dma_start3A_32 = tpu.memref_slice %arg3[%add3A_9, %dma_start3A_31] : memref<10000x32xf32, #tpu.memory_space<hbm>> -> memref<8x32xf32, #tpu.memory_space<hbm>>
    %dma_start3A_33 = arith.constant 0 : i32
    %dma_start3A_34 = arith.constant 0 : i32
    %dma_start3A_35 = tpu.memref_slice %arg7[%dma_start3A_26, %dma_start3A_33, %dma_start3A_34] : memref<2x8x32xf32, #tpu.memory_space<vmem>> -> memref<1x8x32xf32, #tpu.memory_space<vmem>>
    %dma_start3A_36 = tpu.memref_squeeze %dma_start3A_35 : memref<1x8x32xf32, #tpu.memory_space<vmem>> -> memref<8x32xf32, #tpu.memory_space<vmem>>
    %dma_start3A_37 = arith.constant 0 : i32
    %dma_start3A_38 = tpu.memref_slice %arg3[%add3A_9, %dma_start3A_37] : memref<10000x32xf32, #tpu.memory_space<hbm>> -> memref<8x32xf32, #tpu.memory_space<hbm>>
    tpu.enqueue_dma source(%dma_start3A_38 : memref<8x32xf32, #tpu.memory_space<hbm>>) target(%dma_start3A_36 : memref<8x32xf32, #tpu.memory_space<vmem>>) target_semaphore(%arg10 : memref<!tpu.dma_semaphore, #tpu.memory_space<semaphore_mem>>)
    %dma_start3A_39 = arith.constant 0 : i32
    %dma_start3A_40 = arith.constant 0 : i32
    %dma_start3A_41 = arith.constant 0 : i32
    %dma_start3A_42 = arith.constant 0 : i32
    %dma_start3A_43 = tpu.memref_slice %arg8[%dma_start3A_39, %dma_start3A_40, %dma_start3A_41, %dma_start3A_42] : memref<2x8x1x128xf32, #tpu.memory_space<vmem>> -> memref<1x8x1x128xf32, #tpu.memory_space<vmem>>
    %dma_start3A_44 = tpu.memref_squeeze %dma_start3A_43 : memref<1x8x1x128xf32, #tpu.memory_space<vmem>> -> memref<8x1x128xf32, #tpu.memory_space<vmem>>
    %dma_start3A_45 = arith.constant 0 : i32
    %dma_start3A_46 = arith.constant 0 : i32
    %dma_start3A_47 = tpu.memref_slice %arg2[%add3A_9, %dma_start3A_45, %dma_start3A_46] : memref<10000x32x128xf32, #tpu.memory_space<hbm>> -> memref<8x1x128xf32, #tpu.memory_space<hbm>>
    %dma_start3A_48 = arith.constant 0 : i32
    %dma_start3A_49 = arith.constant 0 : i32
    %dma_start3A_50 = arith.constant 0 : i32
    %dma_start3A_51 = tpu.memref_slice %arg8[%dma_start3A_39, %dma_start3A_48, %dma_start3A_49, %dma_start3A_50] : memref<2x8x1x128xf32, #tpu.memory_space<vmem>> -> memref<1x8x1x128xf32, #tpu.memory_space<vmem>>
    %dma_start3A_52 = tpu.memref_squeeze %dma_start3A_51 : memref<1x8x1x128xf32, #tpu.memory_space<vmem>> -> memref<8x1x128xf32, #tpu.memory_space<vmem>>
    %dma_start3A_53 = arith.constant 0 : i32
    %dma_start3A_54 = arith.constant 0 : i32
    %dma_start3A_55 = tpu.memref_slice %arg2[%add3A_9, %dma_start3A_53, %dma_start3A_54] : memref<10000x32x128xf32, #tpu.memory_space<hbm>> -> memref<8x1x128xf32, #tpu.memory_space<hbm>>
    tpu.enqueue_dma source(%dma_start3A_55 : memref<8x1x128xf32, #tpu.memory_space<hbm>>) target(%dma_start3A_52 : memref<8x1x128xf32, #tpu.memory_space<vmem>>) target_semaphore(%arg10 : memref<!tpu.dma_semaphore, #tpu.memory_space<semaphore_mem>>)
    %scan3A = arith.constant 0 : i32
    %scan3A_56 = arith.constant 0 : i32
    %scan3A_57 = arith.constant 13 : i32
    %scan3A_58 = arith.addi %scan3A_56, %scan3A_57 : i32
    %scan3A_59 = arith.constant 1 : i32
    scf.for %scan3A_113 = %scan3A_56 to %scan3A_58 step %scan3A_59  : i32 {
      %mul3A_114 = arith.constant 2 : i32
      %mul3A_115 = arith.muli %mul3A_114, %scan3A_113 : i32
      %add3A_116 = arith.constant 0 : i32
      %add3A_117 = arith.addi %mul3A_115, %add3A_116 : i32
      %add3A_118 = arith.constant 1 : i32
      %add3A_119 = arith.addi %add3A_117, %add3A_118 : i32
      %min3A_120 = arith.constant 24 : i32
      %min3A_121 = arith.minsi %add3A_119, %min3A_120 : i32
      %mul3A_122 = arith.constant 8 : i32
      %mul3A_123 = arith.muli %min3A_121, %mul3A_122 : i32
      %add3A_124 = arith.addi %add3A_4, %mul3A_123 : i32
      %dma_start3A_125 = arith.constant 1 : i32
      %dma_start3A_126 = arith.constant 0 : i32
      %dma_start3A_127 = arith.constant 0 : i32
      %dma_start3A_128 = arith.constant 0 : i32
      %dma_start3A_129 = tpu.memref_slice %arg6[%dma_start3A_125, %dma_start3A_126, %dma_start3A_127, %dma_start3A_128] : memref<2x8x32x128xf32, #tpu.memory_space<vmem>> -> memref<1x8x32x128xf32, #tpu.memory_space<vmem>>
      %dma_start3A_130 = tpu.memref_squeeze %dma_start3A_129 : memref<1x8x32x128xf32, #tpu.memory_space<vmem>> -> memref<8x32x128xf32, #tpu.memory_space<vmem>>
      %dma_start3A_131 = arith.constant 0 : i32
      %dma_start3A_132 = arith.constant 0 : i32
      %dma_start3A_133 = tpu.memref_slice %arg4[%add3A_124, %dma_start3A_131, %dma_start3A_132] : memref<10000x32x128xf32, #tpu.memory_space<hbm>> -> memref<8x32x128xf32, #tpu.memory_space<hbm>>
      %dma_start3A_134 = arith.constant 0 : i32
      %dma_start3A_135 = arith.constant 0 : i32
      %dma_start3A_136 = arith.constant 0 : i32
      %dma_start3A_137 = tpu.memref_slice %arg6[%dma_start3A_125, %dma_start3A_134, %dma_start3A_135, %dma_start3A_136] : memref<2x8x32x128xf32, #tpu.memory_space<vmem>> -> memref<1x8x32x128xf32, #tpu.memory_space<vmem>>
      %dma_start3A_138 = tpu.memref_squeeze %dma_start3A_137 : memref<1x8x32x128xf32, #tpu.memory_space<vmem>> -> memref<8x32x128xf32, #tpu.memory_space<vmem>>
      %dma_start3A_139 = arith.constant 0 : i32
      %dma_start3A_140 = arith.constant 0 : i32
      %dma_start3A_141 = tpu.memref_slice %arg4[%add3A_124, %dma_start3A_139, %dma_start3A_140] : memref<10000x32x128xf32, #tpu.memory_space<hbm>> -> memref<8x32x128xf32, #tpu.memory_space<hbm>>
      tpu.enqueue_dma source(%dma_start3A_141 : memref<8x32x128xf32, #tpu.memory_space<hbm>>) target(%dma_start3A_138 : memref<8x32x128xf32, #tpu.memory_space<vmem>>) target_semaphore(%arg11 : memref<!tpu.dma_semaphore, #tpu.memory_space<semaphore_mem>>)
      %dma_start3A_142 = arith.constant 1 : i32
      %dma_start3A_143 = arith.constant 0 : i32
      %dma_start3A_144 = arith.constant 0 : i32
      %dma_start3A_145 = tpu.memref_slice %arg7[%dma_start3A_142, %dma_start3A_143, %dma_start3A_144] : memref<2x8x32xf32, #tpu.memory_space<vmem>> -> memref<1x8x32xf32, #tpu.memory_space<vmem>>
      %dma_start3A_146 = tpu.memref_squeeze %dma_start3A_145 : memref<1x8x32xf32, #tpu.memory_space<vmem>> -> memref<8x32xf32, #tpu.memory_space<vmem>>
      %dma_start3A_147 = arith.constant 0 : i32
      %dma_start3A_148 = tpu.memref_slice %arg3[%add3A_124, %dma_start3A_147] : memref<10000x32xf32, #tpu.memory_space<hbm>> -> memref<8x32xf32, #tpu.memory_space<hbm>>
      %dma_start3A_149 = arith.constant 0 : i32
      %dma_start3A_150 = arith.constant 0 : i32
      %dma_start3A_151 = tpu.memref_slice %arg7[%dma_start3A_142, %dma_start3A_149, %dma_start3A_150] : memref<2x8x32xf32, #tpu.memory_space<vmem>> -> memref<1x8x32xf32, #tpu.memory_space<vmem>>
      %dma_start3A_152 = tpu.memref_squeeze %dma_start3A_151 : memref<1x8x32xf32, #tpu.memory_space<vmem>> -> memref<8x32xf32, #tpu.memory_space<vmem>>
      %dma_start3A_153 = arith.constant 0 : i32
      %dma_start3A_154 = tpu.memref_slice %arg3[%add3A_124, %dma_start3A_153] : memref<10000x32xf32, #tpu.memory_space<hbm>> -> memref<8x32xf32, #tpu.memory_space<hbm>>
      tpu.enqueue_dma source(%dma_start3A_154 : memref<8x32xf32, #tpu.memory_space<hbm>>) target(%dma_start3A_152 : memref<8x32xf32, #tpu.memory_space<vmem>>) target_semaphore(%arg11 : memref<!tpu.dma_semaphore, #tpu.memory_space<semaphore_mem>>)
      %dma_start3A_155 = arith.constant 1 : i32
      %dma_start3A_156 = arith.constant 0 : i32
      %dma_start3A_157 = arith.constant 0 : i32
      %dma_start3A_158 = arith.constant 0 : i32
      %dma_start3A_159 = tpu.memref_slice %arg8[%dma_start3A_155, %dma_start3A_156, %dma_start3A_157, %dma_start3A_158] : memref<2x8x1x128xf32, #tpu.memory_space<vmem>> -> memref<1x8x1x128xf32, #tpu.memory_space<vmem>>
      %dma_start3A_160 = tpu.memref_squeeze %dma_start3A_159 : memref<1x8x1x128xf32, #tpu.memory_space<vmem>> -> memref<8x1x128xf32, #tpu.memory_space<vmem>>
      %dma_start3A_161 = arith.constant 0 : i32
      %dma_start3A_162 = arith.constant 0 : i32
      %dma_start3A_163 = tpu.memref_slice %arg2[%add3A_124, %dma_start3A_161, %dma_start3A_162] : memref<10000x32x128xf32, #tpu.memory_space<hbm>> -> memref<8x1x128xf32, #tpu.memory_space<hbm>>
      %dma_start3A_164 = arith.constant 0 : i32
      %dma_start3A_165 = arith.constant 0 : i32
      %dma_start3A_166 = arith.constant 0 : i32
      %dma_start3A_167 = tpu.memref_slice %arg8[%dma_start3A_155, %dma_start3A_164, %dma_start3A_165, %dma_start3A_166] : memref<2x8x1x128xf32, #tpu.memory_space<vmem>> -> memref<1x8x1x128xf32, #tpu.memory_space<vmem>>
      %dma_start3A_168 = tpu.memref_squeeze %dma_start3A_167 : memref<1x8x1x128xf32, #tpu.memory_space<vmem>> -> memref<8x1x128xf32, #tpu.memory_space<vmem>>
      %dma_start3A_169 = arith.constant 0 : i32
      %dma_start3A_170 = arith.constant 0 : i32
      %dma_start3A_171 = tpu.memref_slice %arg2[%add3A_124, %dma_start3A_169, %dma_start3A_170] : memref<10000x32x128xf32, #tpu.memory_space<hbm>> -> memref<8x1x128xf32, #tpu.memory_space<hbm>>
      tpu.enqueue_dma source(%dma_start3A_171 : memref<8x1x128xf32, #tpu.memory_space<hbm>>) target(%dma_start3A_168 : memref<8x1x128xf32, #tpu.memory_space<vmem>>) target_semaphore(%arg11 : memref<!tpu.dma_semaphore, #tpu.memory_space<semaphore_mem>>)
      %min3A_172 = arith.constant 24 : i32
      %min3A_173 = arith.minsi %add3A_117, %min3A_172 : i32
      %mul3A_174 = arith.constant 8 : i32
      %mul3A_175 = arith.muli %min3A_173, %mul3A_174 : i32
      %add3A_176 = arith.addi %add3A_4, %mul3A_175 : i32
      %dma_wait3A_177 = arith.constant 0 : i32
      %dma_wait3A_178 = arith.constant 0 : i32
      %dma_wait3A_179 = arith.constant 0 : i32
      %dma_wait3A_180 = arith.constant 0 : i32
      %dma_wait3A_181 = tpu.memref_slice %arg6[%dma_wait3A_177, %dma_wait3A_178, %dma_wait3A_179, %dma_wait3A_180] : memref<2x8x32x128xf32, #tpu.memory_space<vmem>> -> memref<1x8x32x128xf32, #tpu.memory_space<vmem>>
      %dma_wait3A_182 = tpu.memref_squeeze %dma_wait3A_181 : memref<1x8x32x128xf32, #tpu.memory_space<vmem>> -> memref<8x32x128xf32, #tpu.memory_space<vmem>>
      %dma_wait3A_183 = arith.constant 0 : i32
      %dma_wait3A_184 = arith.constant 0 : i32
      %dma_wait3A_185 = tpu.memref_slice %arg4[%add3A_176, %dma_wait3A_183, %dma_wait3A_184] : memref<10000x32x128xf32, #tpu.memory_space<hbm>> -> memref<8x32x128xf32, #tpu.memory_space<hbm>>
      %dma_wait3A_186 = arith.constant 0 : i32
      %dma_wait3A_187 = arith.constant 0 : i32
      %dma_wait3A_188 = arith.constant 0 : i32
      %dma_wait3A_189 = tpu.memref_slice %arg6[%dma_wait3A_177, %dma_wait3A_186, %dma_wait3A_187, %dma_wait3A_188] : memref<2x8x32x128xf32, #tpu.memory_space<vmem>> -> memref<1x8x32x128xf32, #tpu.memory_space<vmem>>
      %dma_wait3A_190 = tpu.memref_squeeze %dma_wait3A_189 : memref<1x8x32x128xf32, #tpu.memory_space<vmem>> -> memref<8x32x128xf32, #tpu.memory_space<vmem>>
      %dma_wait3A_191 = arith.constant 0 : i32
      %dma_wait3A_192 = arith.constant 0 : i32
      %dma_wait3A_193 = tpu.memref_slice %arg4[%add3A_176, %dma_wait3A_191, %dma_wait3A_192] : memref<10000x32x128xf32, #tpu.memory_space<hbm>> -> memref<8x32x128xf32, #tpu.memory_space<hbm>>
      tpu.wait_dma2 semaphore(%arg10 : memref<!tpu.dma_semaphore, #tpu.memory_space<semaphore_mem>>) src(%dma_wait3A_193 : memref<8x32x128xf32, #tpu.memory_space<hbm>>) dst(%dma_wait3A_190 : memref<8x32x128xf32, #tpu.memory_space<vmem>>)
      %dma_wait3A_194 = arith.constant 0 : i32
      %dma_wait3A_195 = arith.constant 0 : i32
      %dma_wait3A_196 = arith.constant 0 : i32
      %dma_wait3A_197 = tpu.memref_slice %arg7[%dma_wait3A_194, %dma_wait3A_195, %dma_wait3A_196] : memref<2x8x32xf32, #tpu.memory_space<vmem>> -> memref<1x8x32xf32, #tpu.memory_space<vmem>>
      %dma_wait3A_198 = tpu.memref_squeeze %dma_wait3A_197 : memref<1x8x32xf32, #tpu.memory_space<vmem>> -> memref<8x32xf32, #tpu.memory_space<vmem>>
      %dma_wait3A_199 = arith.constant 0 : i32
      %dma_wait3A_200 = tpu.memref_slice %arg3[%add3A_176, %dma_wait3A_199] : memref<10000x32xf32, #tpu.memory_space<hbm>> -> memref<8x32xf32, #tpu.memory_space<hbm>>
      %dma_wait3A_201 = arith.constant 0 : i32
      %dma_wait3A_202 = arith.constant 0 : i32
      %dma_wait3A_203 = tpu.memref_slice %arg7[%dma_wait3A_194, %dma_wait3A_201, %dma_wait3A_202] : memref<2x8x32xf32, #tpu.memory_space<vmem>> -> memref<1x8x32xf32, #tpu.memory_space<vmem>>
      %dma_wait3A_204 = tpu.memref_squeeze %dma_wait3A_203 : memref<1x8x32xf32, #tpu.memory_space<vmem>> -> memref<8x32xf32, #tpu.memory_space<vmem>>
      %dma_wait3A_205 = arith.constant 0 : i32
      %dma_wait3A_206 = tpu.memref_slice %arg3[%add3A_176, %dma_wait3A_205] : memref<10000x32xf32, #tpu.memory_space<hbm>> -> memref<8x32xf32, #tpu.memory_space<hbm>>
      tpu.wait_dma2 semaphore(%arg10 : memref<!tpu.dma_semaphore, #tpu.memory_space<semaphore_mem>>) src(%dma_wait3A_206 : memref<8x32xf32, #tpu.memory_space<hbm>>) dst(%dma_wait3A_204 : memref<8x32xf32, #tpu.memory_space<vmem>>)
      %dma_wait3A_207 = arith.constant 0 : i32
      %dma_wait3A_208 = arith.constant 0 : i32
      %dma_wait3A_209 = arith.constant 0 : i32
      %dma_wait3A_210 = arith.constant 0 : i32
      %dma_wait3A_211 = tpu.memref_slice %arg8[%dma_wait3A_207, %dma_wait3A_208, %dma_wait3A_209, %dma_wait3A_210] : memref<2x8x1x128xf32, #tpu.memory_space<vmem>> -> memref<1x8x1x128xf32, #tpu.memory_space<vmem>>
      %dma_wait3A_212 = tpu.memref_squeeze %dma_wait3A_211 : memref<1x8x1x128xf32, #tpu.memory_space<vmem>> -> memref<8x1x128xf32, #tpu.memory_space<vmem>>
      %dma_wait3A_213 = arith.constant 0 : i32
      %dma_wait3A_214 = arith.constant 0 : i32
      %dma_wait3A_215 = tpu.memref_slice %arg2[%add3A_176, %dma_wait3A_213, %dma_wait3A_214] : memref<10000x32x128xf32, #tpu.memory_space<hbm>> -> memref<8x1x128xf32, #tpu.memory_space<hbm>>
      %dma_wait3A_216 = arith.constant 0 : i32
      %dma_wait3A_217 = arith.constant 0 : i32
      %dma_wait3A_218 = arith.constant 0 : i32
      %dma_wait3A_219 = tpu.memref_slice %arg8[%dma_wait3A_207, %dma_wait3A_216, %dma_wait3A_217, %dma_wait3A_218] : memref<2x8x1x128xf32, #tpu.memory_space<vmem>> -> memref<1x8x1x128xf32, #tpu.memory_space<vmem>>
      %dma_wait3A_220 = tpu.memref_squeeze %dma_wait3A_219 : memref<1x8x1x128xf32, #tpu.memory_space<vmem>> -> memref<8x1x128xf32, #tpu.memory_space<vmem>>
      %dma_wait3A_221 = arith.constant 0 : i32
      %dma_wait3A_222 = arith.constant 0 : i32
      %dma_wait3A_223 = tpu.memref_slice %arg2[%add3A_176, %dma_wait3A_221, %dma_wait3A_222] : memref<10000x32x128xf32, #tpu.memory_space<hbm>> -> memref<8x1x128xf32, #tpu.memory_space<hbm>>
      tpu.wait_dma2 semaphore(%arg10 : memref<!tpu.dma_semaphore, #tpu.memory_space<semaphore_mem>>) src(%dma_wait3A_223 : memref<8x1x128xf32, #tpu.memory_space<hbm>>) dst(%dma_wait3A_220 : memref<8x1x128xf32, #tpu.memory_space<vmem>>)
      %min3A_224 = arith.constant 24 : i32
      %min3A_225 = arith.minsi %add3A_117, %min3A_224 : i32
      %mul3A_226 = arith.constant 8 : i32
      %mul3A_227 = arith.muli %min3A_225, %mul3A_226 : i32
      %scan3A_228 = arith.constant 0 : i32
      %scan3A_229 = arith.constant 0 : i32
      %scan3A_230 = arith.constant 8 : i32
      %scan3A_231 = arith.addi %scan3A_229, %scan3A_230 : i32
      %scan3A_232 = arith.constant 1 : i32
      scf.for %scan3A_354 = %scan3A_229 to %scan3A_231 step %scan3A_232  : i32 {
        %get3A = arith.constant 0 : i32
        %get3A_355 = arith.constant 0 : i32
        %get3A_356 = arith.index_cast %get3A : i32 to index
        %get3A_357 = arith.index_cast %scan3A_354 : i32 to index
        %get3A_358 = arith.index_cast %get3A_355 : i32 to index
        %get3A_359 = arith.constant 0 : index
        %get3A_360 = tpu.vector_load %arg8[%get3A_356, %get3A_357, %get3A_358, %get3A_359] {strides = array<i32>} : memref<2x8x1x128xf32, #tpu.memory_space<vmem>>, vector<1x1x1x16xf32>,
        %get3A_361 = vector.shape_cast %get3A_360 : vector<1x1x1x16xf32> to vector<16xf32>
        %get3A_362 = arith.constant 0 : i32
        %get3A_363 = arith.constant 0 : i32
        %get3A_364 = arith.index_cast %get3A_362 : i32 to index
        %get3A_365 = arith.index_cast %scan3A_354 : i32 to index
        %get3A_366 = arith.index_cast %get3A_363 : i32 to index
        %get3A_367 = arith.constant 16 : index
        %get3A_368 = tpu.vector_load %arg8[%get3A_364, %get3A_365, %get3A_366, %get3A_367] {strides = array<i32>} : memref<2x8x1x128xf32, #tpu.memory_space<vmem>>, vector<1x1x1x16xf32>,
        %get3A_369 = vector.shape_cast %get3A_368 : vector<1x1x1x16xf32> to vector<16xf32>
        %get3A_370 = arith.constant 0 : i32
        %get3A_371 = arith.constant 0 : i32
        %get3A_372 = arith.index_cast %get3A_370 : i32 to index
        %get3A_373 = arith.index_cast %scan3A_354 : i32 to index
        %get3A_374 = arith.index_cast %get3A_371 : i32 to index
        %get3A_375 = arith.constant 32 : index
        %get3A_376 = tpu.vector_load %arg8[%get3A_372, %get3A_373, %get3A_374, %get3A_375] {strides = array<i32>} : memref<2x8x1x128xf32, #tpu.memory_space<vmem>>, vector<1x1x1x16xf32>,
        %get3A_377 = vector.shape_cast %get3A_376 : vector<1x1x1x16xf32> to vector<16xf32>
        %get3A_378 = arith.constant 0 : i32
        %get3A_379 = arith.constant 0 : i32
        %get3A_380 = arith.index_cast %get3A_378 : i32 to index
        %get3A_381 = arith.index_cast %scan3A_354 : i32 to index
        %get3A_382 = arith.index_cast %get3A_379 : i32 to index
        %get3A_383 = arith.constant 48 : index
        %get3A_384 = tpu.vector_load %arg8[%get3A_380, %get3A_381, %get3A_382, %get3A_383] {strides = array<i32>} : memref<2x8x1x128xf32, #tpu.memory_space<vmem>>, vector<1x1x1x16xf32>,
        %get3A_385 = vector.shape_cast %get3A_384 : vector<1x1x1x16xf32> to vector<16xf32>
        %get3A_386 = arith.constant 0 : i32
        %get3A_387 = arith.constant 0 : i32
        %get3A_388 = arith.index_cast %get3A_386 : i32 to index
        %get3A_389 = arith.index_cast %scan3A_354 : i32 to index
        %get3A_390 = arith.index_cast %get3A_387 : i32 to index
        %get3A_391 = arith.constant 64 : index
        %get3A_392 = tpu.vector_load %arg8[%get3A_388, %get3A_389, %get3A_390, %get3A_391] {strides = array<i32>} : memref<2x8x1x128xf32, #tpu.memory_space<vmem>>, vector<1x1x1x16xf32>,
        %get3A_393 = vector.shape_cast %get3A_392 : vector<1x1x1x16xf32> to vector<16xf32>
        %get3A_394 = arith.constant 0 : i32
        %get3A_395 = arith.constant 0 : i32
        %get3A_396 = arith.index_cast %get3A_394 : i32 to index
        %get3A_397 = arith.index_cast %scan3A_354 : i32 to index
        %get3A_398 = arith.index_cast %get3A_395 : i32 to index
        %get3A_399 = arith.constant 80 : index
        %get3A_400 = tpu.vector_load %arg8[%get3A_396, %get3A_397, %get3A_398, %get3A_399] {strides = array<i32>} : memref<2x8x1x128xf32, #tpu.memory_space<vmem>>, vector<1x1x1x16xf32>,
        %get3A_401 = vector.shape_cast %get3A_400 : vector<1x1x1x16xf32> to vector<16xf32>
        %get3A_402 = arith.constant 0 : i32
        %get3A_403 = arith.constant 0 : i32
        %get3A_404 = arith.index_cast %get3A_402 : i32 to index
        %get3A_405 = arith.index_cast %scan3A_354 : i32 to index
        %get3A_406 = arith.index_cast %get3A_403 : i32 to index
        %get3A_407 = arith.constant 96 : index
        %get3A_408 = tpu.vector_load %arg8[%get3A_404, %get3A_405, %get3A_406, %get3A_407] {strides = array<i32>} : memref<2x8x1x128xf32, #tpu.memory_space<vmem>>, vector<1x1x1x16xf32>,
        %get3A_409 = vector.shape_cast %get3A_408 : vector<1x1x1x16xf32> to vector<16xf32>
        %get3A_410 = arith.constant 0 : i32
        %get3A_411 = arith.constant 0 : i32
        %get3A_412 = arith.index_cast %get3A_410 : i32 to index
        %get3A_413 = arith.index_cast %scan3A_354 : i32 to index
        %get3A_414 = arith.index_cast %get3A_411 : i32 to index
        %get3A_415 = arith.constant 112 : index
        %get3A_416 = tpu.vector_load %arg8[%get3A_412, %get3A_413, %get3A_414, %get3A_415] {strides = array<i32>} : memref<2x8x1x128xf32, #tpu.memory_space<vmem>>, vector<1x1x1x16xf32>,
        %get3A_417 = vector.shape_cast %get3A_416 : vector<1x1x1x16xf32> to vector<16xf32>
        %scan3A_418 = arith.constant 0 : i32
        %scan3A_419 = arith.constant 2 : i32
        %scan3A_420 = arith.addi %scan3A_418, %scan3A_419 : i32
        %scan3A_421 = arith.constant 1 : i32
        %scan3A_422:8 = scf.for %scan3A_471 = %scan3A_418 to %scan3A_420 step %scan3A_421 iter_args(%scan3A_472 = %get3A_361, %scan3A_473 = %get3A_369, %scan3A_474 = %get3A_377, %scan3A_475 = %get3A_385, %scan3A_476 = %get3A_393, %scan3A_477 = %get3A_401, %scan3A_478 = %get3A_409, %scan3A_479 = %get3A_417) -> (vector<16xf32>, vector<16xf32>, vector<16xf32>, vector<16xf32>, vector<16xf32>, vector<16xf32>, vector<16xf32>, vector<16xf32>)  : i32 {
          %mul3A_480 = arith.constant 16 : i32
          %mul3A_481 = arith.muli %scan3A_471, %mul3A_480 : i32
          %get3A_482 = arith.constant 0 : i32
          %get3A_483 = arith.index_cast %get3A_482 : i32 to index
          %get3A_484 = arith.index_cast %scan3A_354 : i32 to index
          %get3A_485 = arith.index_cast %mul3A_481 : i32 to index
          %get3A_486 = tpu.vector_load %arg7[%get3A_483, %get3A_484, %get3A_485] {strides = array<i32>} : memref<2x8x32xf32, #tpu.memory_space<vmem>>, vector<1x1x16xf32>,
          %get3A_487 = vector.shape_cast %get3A_486 : vector<1x1x16xf32> to vector<16xf32>
          %slice3A = vector.extract_strided_slice %get3A_487 {offsets = [0], sizes = [1], strides = [1]} : vector<16xf32> to vector<1xf32>
          %squeeze3A = vector.extract %slice3A[0] : f32 from vector<1xf32>
          %mul3A_488 = arith.constant 16 : i32
          %mul3A_489 = arith.muli %scan3A_471, %mul3A_488 : i32
          %add3A_490 = arith.constant 0 : i32
          %add3A_491 = arith.addi %mul3A_489, %add3A_490 : i32
          %get3A_492 = arith.constant 0 : i32
          %get3A_493 = arith.index_cast %get3A_492 : i32 to index
          %get3A_494 = arith.index_cast %scan3A_354 : i32 to index
          %get3A_495 = arith.index_cast %add3A_491 : i32 to index
          %get3A_496 = arith.constant 0 : index
          %get3A_497 = tpu.vector_load %arg6[%get3A_493, %get3A_494, %get3A_495, %get3A_496] {strides = array<i32>} : memref<2x8x32x128xf32, #tpu.memory_space<vmem>>, vector<1x1x1x16xf32>,
          %get3A_498 = vector.shape_cast %get3A_497 : vector<1x1x1x16xf32> to vector<16xf32>
          %mul3A_499 = vector.broadcast %squeeze3A : f32 to vector<16xf32>
          %mul3A_500 = arith.mulf %mul3A_499, %get3A_498 : vector<16xf32>
          %add3A_501 = arith.addf %scan3A_472, %mul3A_500 : vector<16xf32>
          %get3A_502 = arith.constant 0 : i32
          %get3A_503 = arith.index_cast %get3A_502 : i32 to index
          %get3A_504 = arith.index_cast %scan3A_354 : i32 to index
          %get3A_505 = arith.index_cast %add3A_491 : i32 to index
          %get3A_506 = arith.constant 16 : index
          %get3A_507 = tpu.vector_load %arg6[%get3A_503, %get3A_504, %get3A_505, %get3A_506] {strides = array<i32>} : memref<2x8x32x128xf32, #tpu.memory_space<vmem>>, vector<1x1x1x16xf32>,
          %get3A_508 = vector.shape_cast %get3A_507 : vector<1x1x1x16xf32> to vector<16xf32>
          %mul3A_509 = vector.broadcast %squeeze3A : f32 to vector<16xf32>
          %mul3A_510 = arith.mulf %mul3A_509, %get3A_508 : vector<16xf32>
          %add3A_511 = arith.addf %scan3A_473, %mul3A_510 : vector<16xf32>
          %get3A_512 = arith.constant 0 : i32
          %get3A_513 = arith.index_cast %get3A_512 : i32 to index
          %get3A_514 = arith.index_cast %scan3A_354 : i32 to index
          %get3A_515 = arith.index_cast %add3A_491 : i32 to index
          %get3A_516 = arith.constant 32 : index
          %get3A_517 = tpu.vector_load %arg6[%get3A_513, %get3A_514, %get3A_515, %get3A_516] {strides = array<i32>} : memref<2x8x32x128xf32, #tpu.memory_space<vmem>>, vector<1x1x1x16xf32>,
          %get3A_518 = vector.shape_cast %get3A_517 : vector<1x1x1x16xf32> to vector<16xf32>
          %mul3A_519 = vector.broadcast %squeeze3A : f32 to vector<16xf32>
          %mul3A_520 = arith.mulf %mul3A_519, %get3A_518 : vector<16xf32>
          %add3A_521 = arith.addf %scan3A_474, %mul3A_520 : vector<16xf32>
          %get3A_522 = arith.constant 0 : i32
          %get3A_523 = arith.index_cast %get3A_522 : i32 to index
          %get3A_524 = arith.index_cast %scan3A_354 : i32 to index
          %get3A_525 = arith.index_cast %add3A_491 : i32 to index
          %get3A_526 = arith.constant 48 : index
          %get3A_527 = tpu.vector_load %arg6[%get3A_523, %get3A_524, %get3A_525, %get3A_526] {strides = array<i32>} : memref<2x8x32x128xf32, #tpu.memory_space<vmem>>, vector<1x1x1x16xf32>,
          %get3A_528 = vector.shape_cast %get3A_527 : vector<1x1x1x16xf32> to vector<16xf32>
          %mul3A_529 = vector.broadcast %squeeze3A : f32 to vector<16xf32>
          %mul3A_530 = arith.mulf %mul3A_529, %get3A_528 : vector<16xf32>
          %add3A_531 = arith.addf %scan3A_475, %mul3A_530 : vector<16xf32>
          %get3A_532 = arith.constant 0 : i32
          %get3A_533 = arith.index_cast %get3A_532 : i32 to index
          %get3A_534 = arith.index_cast %scan3A_354 : i32 to index
          %get3A_535 = arith.index_cast %add3A_491 : i32 to index
          %get3A_536 = arith.constant 64 : index
          %get3A_537 = tpu.vector_load %arg6[%get3A_533, %get3A_534, %get3A_535, %get3A_536] {strides = array<i32>} : memref<2x8x32x128xf32, #tpu.memory_space<vmem>>, vector<1x1x1x16xf32>,
          %get3A_538 = vector.shape_cast %get3A_537 : vector<1x1x1x16xf32> to vector<16xf32>
          %mul3A_539 = vector.broadcast %squeeze3A : f32 to vector<16xf32>
          %mul3A_540 = arith.mulf %mul3A_539, %get3A_538 : vector<16xf32>
          %add3A_541 = arith.addf %scan3A_476, %mul3A_540 : vector<16xf32>
          %get3A_542 = arith.constant 0 : i32
          %get3A_543 = arith.index_cast %get3A_542 : i32 to index
          %get3A_544 = arith.index_cast %scan3A_354 : i32 to index
          %get3A_545 = arith.index_cast %add3A_491 : i32 to index
          %get3A_546 = arith.constant 80 : index
          %get3A_547 = tpu.vector_load %arg6[%get3A_543, %get3A_544, %get3A_545, %get3A_546] {strides = array<i32>} : memref<2x8x32x128xf32, #tpu.memory_space<vmem>>, vector<1x1x1x16xf32>,
          %get3A_548 = vector.shape_cast %get3A_547 : vector<1x1x1x16xf32> to vector<16xf32>
          %mul3A_549 = vector.broadcast %squeeze3A : f32 to vector<16xf32>
          %mul3A_550 = arith.mulf %mul3A_549, %get3A_548 : vector<16xf32>
          %add3A_551 = arith.addf %scan3A_477, %mul3A_550 : vector<16xf32>
          %get3A_552 = arith.constant 0 : i32
          %get3A_553 = arith.index_cast %get3A_552 : i32 to index
          %get3A_554 = arith.index_cast %scan3A_354 : i32 to index
          %get3A_555 = arith.index_cast %add3A_491 : i32 to index
          %get3A_556 = arith.constant 96 : index
          %get3A_557 = tpu.vector_load %arg6[%get3A_553, %get3A_554, %get3A_555, %get3A_556] {strides = array<i32>} : memref<2x8x32x128xf32, #tpu.memory_space<vmem>>, vector<1x1x1x16xf32>,
          %get3A_558 = vector.shape_cast %get3A_557 : vector<1x1x1x16xf32> to vector<16xf32>
          %mul3A_559 = vector.broadcast %squeeze3A : f32 to vector<16xf32>
          %mul3A_560 = arith.mulf %mul3A_559, %get3A_558 : vector<16xf32>
          %add3A_561 = arith.addf %scan3A_478, %mul3A_560 : vector<16xf32>
          %get3A_562 = arith.constant 0 : i32
          %get3A_563 = arith.index_cast %get3A_562 : i32 to index
          %get3A_564 = arith.index_cast %scan3A_354 : i32 to index
          %get3A_565 = arith.index_cast %add3A_491 : i32 to index
          %get3A_566 = arith.constant 112 : index
          %get3A_567 = tpu.vector_load %arg6[%get3A_563, %get3A_564, %get3A_565, %get3A_566] {strides = array<i32>} : memref<2x8x32x128xf32, #tpu.memory_space<vmem>>, vector<1x1x1x16xf32>,
          %get3A_568 = vector.shape_cast %get3A_567 : vector<1x1x1x16xf32> to vector<16xf32>
          %mul3A_569 = vector.broadcast %squeeze3A : f32 to vector<16xf32>
          %mul3A_570 = arith.mulf %mul3A_569, %get3A_568 : vector<16xf32>
          %add3A_571 = arith.addf %scan3A_479, %mul3A_570 : vector<16xf32>
          %slice3A_572 = vector.extract_strided_slice %get3A_487 {offsets = [1], sizes = [1], strides = [1]} : vector<16xf32> to vector<1xf32>
          %squeeze3A_573 = vector.extract %slice3A_572[0] : f32 from vector<1xf32>
          %mul3A_574 = arith.constant 16 : i32
          %mul3A_575 = arith.muli %scan3A_471, %mul3A_574 : i32
          %add3A_576 = arith.constant 1 : i32
          %add3A_577 = arith.addi %mul3A_575, %add3A_576 : i32
          %get3A_578 = arith.constant 0 : i32
          %get3A_579 = arith.index_cast %get3A_578 : i32 to index
          %get3A_580 = arith.index_cast %scan3A_354 : i32 to index
          %get3A_581 = arith.index_cast %add3A_577 : i32 to index
          %get3A_582 = arith.constant 0 : index
          %get3A_583 = tpu.vector_load %arg6[%get3A_579, %get3A_580, %get3A_581, %get3A_582] {strides = array<i32>} : memref<2x8x32x128xf32, #tpu.memory_space<vmem>>, vector<1x1x1x16xf32>,
          %get3A_584 = vector.shape_cast %get3A_583 : vector<1x1x1x16xf32> to vector<16xf32>
          %mul3A_585 = vector.broadcast %squeeze3A_573 : f32 to vector<16xf32>
          %mul3A_586 = arith.mulf %mul3A_585, %get3A_584 : vector<16xf32>
          %add3A_587 = arith.addf %add3A_501, %mul3A_586 : vector<16xf32>
          %get3A_588 = arith.constant 0 : i32
          %get3A_589 = arith.index_cast %get3A_588 : i32 to index
          %get3A_590 = arith.index_cast %scan3A_354 : i32 to index
          %get3A_591 = arith.index_cast %add3A_577 : i32 to index
          %get3A_592 = arith.constant 16 : index
          %get3A_593 = tpu.vector_load %arg6[%get3A_589, %get3A_590, %get3A_591, %get3A_592] {strides = array<i32>} : memref<2x8x32x128xf32, #tpu.memory_space<vmem>>, vector<1x1x1x16xf32>,
          %get3A_594 = vector.shape_cast %get3A_593 : vector<1x1x1x16xf32> to vector<16xf32>
          %mul3A_595 = vector.broadcast %squeeze3A_573 : f32 to vector<16xf32>
          %mul3A_596 = arith.mulf %mul3A_595, %get3A_594 : vector<16xf32>
          %add3A_597 = arith.addf %add3A_511, %mul3A_596 : vector<16xf32>
          %get3A_598 = arith.constant 0 : i32
          %get3A_599 = arith.index_cast %get3A_598 : i32 to index
          %get3A_600 = arith.index_cast %scan3A_354 : i32 to index
          %get3A_601 = arith.index_cast %add3A_577 : i32 to index
          %get3A_602 = arith.constant 32 : index
          %get3A_603 = tpu.vector_load %arg6[%get3A_599, %get3A_600, %get3A_601, %get3A_602] {strides = array<i32>} : memref<2x8x32x128xf32, #tpu.memory_space<vmem>>, vector<1x1x1x16xf32>,
          %get3A_604 = vector.shape_cast %get3A_603 : vector<1x1x1x16xf32> to vector<16xf32>
          %mul3A_605 = vector.broadcast %squeeze3A_573 : f32 to vector<16xf32>
          %mul3A_606 = arith.mulf %mul3A_605, %get3A_604 : vector<16xf32>
          %add3A_607 = arith.addf %add3A_521, %mul3A_606 : vector<16xf32>
          %get3A_608 = arith.constant 0 : i32
          %get3A_609 = arith.index_cast %get3A_608 : i32 to index
          %get3A_610 = arith.index_cast %scan3A_354 : i32 to index
          %get3A_611 = arith.index_cast %add3A_577 : i32 to index
          %get3A_612 = arith.constant 48 : index
          %get3A_613 = tpu.vector_load %arg6[%get3A_609, %get3A_610, %get3A_611, %get3A_612] {strides = array<i32>} : memref<2x8x32x128xf32, #tpu.memory_space<vmem>>, vector<1x1x1x16xf32>,
          %get3A_614 = vector.shape_cast %get3A_613 : vector<1x1x1x16xf32> to vector<16xf32>
          %mul3A_615 = vector.broadcast %squeeze3A_573 : f32 to vector<16xf32>
          %mul3A_616 = arith.mulf %mul3A_615, %get3A_614 : vector<16xf32>
          %add3A_617 = arith.addf %add3A_531, %mul3A_616 : vector<16xf32>
          %get3A_618 = arith.constant 0 : i32
          %get3A_619 = arith.index_cast %get3A_618 : i32 to index
          %get3A_620 = arith.index_cast %scan3A_354 : i32 to index
          %get3A_621 = arith.index_cast %add3A_577 : i32 to index
          %get3A_622 = arith.constant 64 : index
          %get3A_623 = tpu.vector_load %arg6[%get3A_619, %get3A_620, %get3A_621, %get3A_622] {strides = array<i32>} : memref<2x8x32x128xf32, #tpu.memory_space<vmem>>, vector<1x1x1x16xf32>,
          %get3A_624 = vector.shape_cast %get3A_623 : vector<1x1x1x16xf32> to vector<16xf32>
          %mul3A_625 = vector.broadcast %squeeze3A_573 : f32 to vector<16xf32>
          %mul3A_626 = arith.mulf %mul3A_625, %get3A_624 : vector<16xf32>
          %add3A_627 = arith.addf %add3A_541, %mul3A_626 : vector<16xf32>
          %get3A_628 = arith.constant 0 : i32
          %get3A_629 = arith.index_cast %get3A_628 : i32 to index
          %get3A_630 = arith.index_cast %scan3A_354 : i32 to index
          %get3A_631 = arith.index_cast %add3A_577 : i32 to index
          %get3A_632 = arith.constant 80 : index
          %get3A_633 = tpu.vector_load %arg6[%get3A_629, %get3A_630, %get3A_631, %get3A_632] {strides = array<i32>} : memref<2x8x32x128xf32, #tpu.memory_space<vmem>>, vector<1x1x1x16xf32>,
          %get3A_634 = vector.shape_cast %get3A_633 : vector<1x1x1x16xf32> to vector<16xf32>
          %mul3A_635 = vector.broadcast %squeeze3A_573 : f32 to vector<16xf32>
          %mul3A_636 = arith.mulf %mul3A_635, %get3A_634 : vector<16xf32>
          %add3A_637 = arith.addf %add3A_551, %mul3A_636 : vector<16xf32>
          %get3A_638 = arith.constant 0 : i32
          %get3A_639 = arith.index_cast %get3A_638 : i32 to index
          %get3A_640 = arith.index_cast %scan3A_354 : i32 to index
          %get3A_641 = arith.index_cast %add3A_577 : i32 to index
          %get3A_642 = arith.constant 96 : index
          %get3A_643 = tpu.vector_load %arg6[%get3A_639, %get3A_640, %get3A_641, %get3A_642] {strides = array<i32>} : memref<2x8x32x128xf32, #tpu.memory_space<vmem>>, vector<1x1x1x16xf32>,
          %get3A_644 = vector.shape_cast %get3A_643 : vector<1x1x1x16xf32> to vector<16xf32>
          %mul3A_645 = vector.broadcast %squeeze3A_573 : f32 to vector<16xf32>
          %mul3A_646 = arith.mulf %mul3A_645, %get3A_644 : vector<16xf32>
          %add3A_647 = arith.addf %add3A_561, %mul3A_646 : vector<16xf32>
          %get3A_648 = arith.constant 0 : i32
          %get3A_649 = arith.index_cast %get3A_648 : i32 to index
          %get3A_650 = arith.index_cast %scan3A_354 : i32 to index
          %get3A_651 = arith.index_cast %add3A_577 : i32 to index
          %get3A_652 = arith.constant 112 : index
          %get3A_653 = tpu.vector_load %arg6[%get3A_649, %get3A_650, %get3A_651, %get3A_652] {strides = array<i32>} : memref<2x8x32x128xf32, #tpu.memory_space<vmem>>, vector<1x1x1x16xf32>,
          %get3A_654 = vector.shape_cast %get3A_653 : vector<1x1x1x16xf32> to vector<16xf32>
          %mul3A_655 = vector.broadcast %squeeze3A_573 : f32 to vector<16xf32>
          %mul3A_656 = arith.mulf %mul3A_655, %get3A_654 : vector<16xf32>
          %add3A_657 = arith.addf %add3A_571, %mul3A_656 : vector<16xf32>
          %slice3A_658 = vector.extract_strided_slice %get3A_487 {offsets = [2], sizes = [1], strides = [1]} : vector<16xf32> to vector<1xf32>
          %squeeze3A_659 = vector.extract %slice3A_658[0] : f32 from vector<1xf32>
          %mul3A_660 = arith.constant 16 : i32
          %mul3A_661 = arith.muli %scan3A_471, %mul3A_660 : i32
          %add3A_662 = arith.constant 2 : i32
          %add3A_663 = arith.addi %mul3A_661, %add3A_662 : i32
          %get3A_664 = arith.constant 0 : i32
          %get3A_665 = arith.index_cast %get3A_664 : i32 to index
          %get3A_666 = arith.index_cast %scan3A_354 : i32 to index
          %get3A_667 = arith.index_cast %add3A_663 : i32 to index
          %get3A_668 = arith.constant 0 : index
          %get3A_669 = tpu.vector_load %arg6[%get3A_665, %get3A_666, %get3A_667, %get3A_668] {strides = array<i32>} : memref<2x8x32x128xf32, #tpu.memory_space<vmem>>, vector<1x1x1x16xf32>,
          %get3A_670 = vector.shape_cast %get3A_669 : vector<1x1x1x16xf32> to vector<16xf32>
          %mul3A_671 = vector.broadcast %squeeze3A_659 : f32 to vector<16xf32>
          %mul3A_672 = arith.mulf %mul3A_671, %get3A_670 : vector<16xf32>
          %add3A_673 = arith.addf %add3A_587, %mul3A_672 : vector<16xf32>
          %get3A_674 = arith.constant 0 : i32
          %get3A_675 = arith.index_cast %get3A_674 : i32 to index
          %get3A_676 = arith.index_cast %scan3A_354 : i32 to index
          %get3A_677 = arith.index_cast %add3A_663 : i32 to index
          %get3A_678 = arith.constant 16 : index
          %get3A_679 = tpu.vector_load %arg6[%get3A_675, %get3A_676, %get3A_677, %get3A_678] {strides = array<i32>} : memref<2x8x32x128xf32, #tpu.memory_space<vmem>>, vector<1x1x1x16xf32>,
          %get3A_680 = vector.shape_cast %get3A_679 : vector<1x1x1x16xf32> to vector<16xf32>
          %mul3A_681 = vector.broadcast %squeeze3A_659 : f32 to vector<16xf32>
          %mul3A_682 = arith.mulf %mul3A_681, %get3A_680 : vector<16xf32>
          %add3A_683 = arith.addf %add3A_597, %mul3A_682 : vector<16xf32>
          %get3A_684 = arith.constant 0 : i32
          %get3A_685 = arith.index_cast %get3A_684 : i32 to index
          %get3A_686 = arith.index_cast %scan3A_354 : i32 to index
          %get3A_687 = arith.index_cast %add3A_663 : i32 to index
          %get3A_688 = arith.constant 32 : index
          %get3A_689 = tpu.vector_load %arg6[%get3A_685, %get3A_686, %get3A_687, %get3A_688] {strides = array<i32>} : memref<2x8x32x128xf32, #tpu.memory_space<vmem>>, vector<1x1x1x16xf32>,
          %get3A_690 = vector.shape_cast %get3A_689 : vector<1x1x1x16xf32> to vector<16xf32>
          %mul3A_691 = vector.broadcast %squeeze3A_659 : f32 to vector<16xf32>
          %mul3A_692 = arith.mulf %mul3A_691, %get3A_690 : vector<16xf32>
          %add3A_693 = arith.addf %add3A_607, %mul3A_692 : vector<16xf32>
          %get3A_694 = arith.constant 0 : i32
          %get3A_695 = arith.index_cast %get3A_694 : i32 to index
          %get3A_696 = arith.index_cast %scan3A_354 : i32 to index
          %get3A_697 = arith.index_cast %add3A_663 : i32 to index
          %get3A_698 = arith.constant 48 : index
          %get3A_699 = tpu.vector_load %arg6[%get3A_695, %get3A_696, %get3A_697, %get3A_698] {strides = array<i32>} : memref<2x8x32x128xf32, #tpu.memory_space<vmem>>, vector<1x1x1x16xf32>,
          %get3A_700 = vector.shape_cast %get3A_699 : vector<1x1x1x16xf32> to vector<16xf32>
          %mul3A_701 = vector.broadcast %squeeze3A_659 : f32 to vector<16xf32>
          %mul3A_702 = arith.mulf %mul3A_701, %get3A_700 : vector<16xf32>
          %add3A_703 = arith.addf %add3A_617, %mul3A_702 : vector<16xf32>
          %get3A_704 = arith.constant 0 : i32
          %get3A_705 = arith.index_cast %get3A_704 : i32 to index
          %get3A_706 = arith.index_cast %scan3A_354 : i32 to index
          %get3A_707 = arith.index_cast %add3A_663 : i32 to index
          %get3A_708 = arith.constant 64 : index
          %get3A_709 = tpu.vector_load %arg6[%get3A_705, %get3A_706, %get3A_707, %get3A_708] {strides = array<i32>} : memref<2x8x32x128xf32, #tpu.memory_space<vmem>>, vector<1x1x1x16xf32>,
          %get3A_710 = vector.shape_cast %get3A_709 : vector<1x1x1x16xf32> to vector<16xf32>
          %mul3A_711 = vector.broadcast %squeeze3A_659 : f32 to vector<16xf32>
          %mul3A_712 = arith.mulf %mul3A_711, %get3A_710 : vector<16xf32>
          %add3A_713 = arith.addf %add3A_627, %mul3A_712 : vector<16xf32>
          %get3A_714 = arith.constant 0 : i32
          %get3A_715 = arith.index_cast %get3A_714 : i32 to index
          %get3A_716 = arith.index_cast %scan3A_354 : i32 to index
          %get3A_717 = arith.index_cast %add3A_663 : i32 to index
          %get3A_718 = arith.constant 80 : index
          %get3A_719 = tpu.vector_load %arg6[%get3A_715, %get3A_716, %get3A_717, %get3A_718] {strides = array<i32>} : memref<2x8x32x128xf32, #tpu.memory_space<vmem>>, vector<1x1x1x16xf32>,
          %get3A_720 = vector.shape_cast %get3A_719 : vector<1x1x1x16xf32> to vector<16xf32>
          %mul3A_721 = vector.broadcast %squeeze3A_659 : f32 to vector<16xf32>
          %mul3A_722 = arith.mulf %mul3A_721, %get3A_720 : vector<16xf32>
          %add3A_723 = arith.addf %add3A_637, %mul3A_722 : vector<16xf32>
          %get3A_724 = arith.constant 0 : i32
          %get3A_725 = arith.index_cast %get3A_724 : i32 to index
          %get3A_726 = arith.index_cast %scan3A_354 : i32 to index
          %get3A_727 = arith.index_cast %add3A_663 : i32 to index
          %get3A_728 = arith.constant 96 : index
          %get3A_729 = tpu.vector_load %arg6[%get3A_725, %get3A_726, %get3A_727, %get3A_728] {strides = array<i32>} : memref<2x8x32x128xf32, #tpu.memory_space<vmem>>, vector<1x1x1x16xf32>,
          %get3A_730 = vector.shape_cast %get3A_729 : vector<1x1x1x16xf32> to vector<16xf32>
          %mul3A_731 = vector.broadcast %squeeze3A_659 : f32 to vector<16xf32>
          %mul3A_732 = arith.mulf %mul3A_731, %get3A_730 : vector<16xf32>
          %add3A_733 = arith.addf %add3A_647, %mul3A_732 : vector<16xf32>
          %get3A_734 = arith.constant 0 : i32
          %get3A_735 = arith.index_cast %get3A_734 : i32 to index
          %get3A_736 = arith.index_cast %scan3A_354 : i32 to index
          %get3A_737 = arith.index_cast %add3A_663 : i32 to index
          %get3A_738 = arith.constant 112 : index
          %get3A_739 = tpu.vector_load %arg6[%get3A_735, %get3A_736, %get3A_737, %get3A_738] {strides = array<i32>} : memref<2x8x32x128xf32, #tpu.memory_space<vmem>>, vector<1x1x1x16xf32>,
          %get3A_740 = vector.shape_cast %get3A_739 : vector<1x1x1x16xf32> to vector<16xf32>
          %mul3A_741 = vector.broadcast %squeeze3A_659 : f32 to vector<16xf32>
          %mul3A_742 = arith.mulf %mul3A_741, %get3A_740 : vector<16xf32>
          %add3A_743 = arith.addf %add3A_657, %mul3A_742 : vector<16xf32>
          %slice3A_744 = vector.extract_strided_slice %get3A_487 {offsets = [3], sizes = [1], strides = [1]} : vector<16xf32> to vector<1xf32>
          %squeeze3A_745 = vector.extract %slice3A_744[0] : f32 from vector<1xf32>
          %mul3A_746 = arith.constant 16 : i32
          %mul3A_747 = arith.muli %scan3A_471, %mul3A_746 : i32
          %add3A_748 = arith.constant 3 : i32
          %add3A_749 = arith.addi %mul3A_747, %add3A_748 : i32
          %get3A_750 = arith.constant 0 : i32
          %get3A_751 = arith.index_cast %get3A_750 : i32 to index
          %get3A_752 = arith.index_cast %scan3A_354 : i32 to index
          %get3A_753 = arith.index_cast %add3A_749 : i32 to index
          %get3A_754 = arith.constant 0 : index
          %get3A_755 = tpu.vector_load %arg6[%get3A_751, %get3A_752, %get3A_753, %get3A_754] {strides = array<i32>} : memref<2x8x32x128xf32, #tpu.memory_space<vmem>>, vector<1x1x1x16xf32>,
          %get3A_756 = vector.shape_cast %get3A_755 : vector<1x1x1x16xf32> to vector<16xf32>
          %mul3A_757 = vector.broadcast %squeeze3A_745 : f32 to vector<16xf32>
          %mul3A_758 = arith.mulf %mul3A_757, %get3A_756 : vector<16xf32>
          %add3A_759 = arith.addf %add3A_673, %mul3A_758 : vector<16xf32>
          %get3A_760 = arith.constant 0 : i32
          %get3A_761 = arith.index_cast %get3A_760 : i32 to index
          %get3A_762 = arith.index_cast %scan3A_354 : i32 to index
          %get3A_763 = arith.index_cast %add3A_749 : i32 to index
          %get3A_764 = arith.constant 16 : index
          %get3A_765 = tpu.vector_load %arg6[%get3A_761, %get3A_762, %get3A_763, %get3A_764] {strides = array<i32>} : memref<2x8x32x128xf32, #tpu.memory_space<vmem>>, vector<1x1x1x16xf32>,
          %get3A_766 = vector.shape_cast %get3A_765 : vector<1x1x1x16xf32> to vector<16xf32>
          %mul3A_767 = vector.broadcast %squeeze3A_745 : f32 to vector<16xf32>
          %mul3A_768 = arith.mulf %mul3A_767, %get3A_766 : vector<16xf32>
          %add3A_769 = arith.addf %add3A_683, %mul3A_768 : vector<16xf32>
          %get3A_770 = arith.constant 0 : i32
          %get3A_771 = arith.index_cast %get3A_770 : i32 to index
          %get3A_772 = arith.index_cast %scan3A_354 : i32 to index
          %get3A_773 = arith.index_cast %add3A_749 : i32 to index
          %get3A_774 = arith.constant 32 : index
          %get3A_775 = tpu.vector_load %arg6[%get3A_771, %get3A_772, %get3A_773, %get3A_774] {strides = array<i32>} : memref<2x8x32x128xf32, #tpu.memory_space<vmem>>, vector<1x1x1x16xf32>,
          %get3A_776 = vector.shape_cast %get3A_775 : vector<1x1x1x16xf32> to vector<16xf32>
          %mul3A_777 = vector.broadcast %squeeze3A_745 : f32 to vector<16xf32>
          %mul3A_778 = arith.mulf %mul3A_777, %get3A_776 : vector<16xf32>
          %add3A_779 = arith.addf %add3A_693, %mul3A_778 : vector<16xf32>
          %get3A_780 = arith.constant 0 : i32
          %get3A_781 = arith.index_cast %get3A_780 : i32 to index
          %get3A_782 = arith.index_cast %scan3A_354 : i32 to index
          %get3A_783 = arith.index_cast %add3A_749 : i32 to index
          %get3A_784 = arith.constant 48 : index
          %get3A_785 = tpu.vector_load %arg6[%get3A_781, %get3A_782, %get3A_783, %get3A_784] {strides = array<i32>} : memref<2x8x32x128xf32, #tpu.memory_space<vmem>>, vector<1x1x1x16xf32>,
          %get3A_786 = vector.shape_cast %get3A_785 : vector<1x1x1x16xf32> to vector<16xf32>
          %mul3A_787 = vector.broadcast %squeeze3A_745 : f32 to vector<16xf32>
          %mul3A_788 = arith.mulf %mul3A_787, %get3A_786 : vector<16xf32>
          %add3A_789 = arith.addf %add3A_703, %mul3A_788 : vector<16xf32>
          %get3A_790 = arith.constant 0 : i32
          %get3A_791 = arith.index_cast %get3A_790 : i32 to index
          %get3A_792 = arith.index_cast %scan3A_354 : i32 to index
          %get3A_793 = arith.index_cast %add3A_749 : i32 to index
          %get3A_794 = arith.constant 64 : index
          %get3A_795 = tpu.vector_load %arg6[%get3A_791, %get3A_792, %get3A_793, %get3A_794] {strides = array<i32>} : memref<2x8x32x128xf32, #tpu.memory_space<vmem>>, vector<1x1x1x16xf32>,
          %get3A_796 = vector.shape_cast %get3A_795 : vector<1x1x1x16xf32> to vector<16xf32>
          %mul3A_797 = vector.broadcast %squeeze3A_745 : f32 to vector<16xf32>
          %mul3A_798 = arith.mulf %mul3A_797, %get3A_796 : vector<16xf32>
          %add3A_799 = arith.addf %add3A_713, %mul3A_798 : vector<16xf32>
          %get3A_800 = arith.constant 0 : i32
          %get3A_801 = arith.index_cast %get3A_800 : i32 to index
          %get3A_802 = arith.index_cast %scan3A_354 : i32 to index
          %get3A_803 = arith.index_cast %add3A_749 : i32 to index
          %get3A_804 = arith.constant 80 : index
          %get3A_805 = tpu.vector_load %arg6[%get3A_801, %get3A_802, %get3A_803, %get3A_804] {strides = array<i32>} : memref<2x8x32x128xf32, #tpu.memory_space<vmem>>, vector<1x1x1x16xf32>,
          %get3A_806 = vector.shape_cast %get3A_805 : vector<1x1x1x16xf32> to vector<16xf32>
          %mul3A_807 = vector.broadcast %squeeze3A_745 : f32 to vector<16xf32>
          %mul3A_808 = arith.mulf %mul3A_807, %get3A_806 : vector<16xf32>
          %add3A_809 = arith.addf %add3A_723, %mul3A_808 : vector<16xf32>
          %get3A_810 = arith.constant 0 : i32
          %get3A_811 = arith.index_cast %get3A_810 : i32 to index
          %get3A_812 = arith.index_cast %scan3A_354 : i32 to index
          %get3A_813 = arith.index_cast %add3A_749 : i32 to index
          %get3A_814 = arith.constant 96 : index
          %get3A_815 = tpu.vector_load %arg6[%get3A_811, %get3A_812, %get3A_813, %get3A_814] {strides = array<i32>} : memref<2x8x32x128xf32, #tpu.memory_space<vmem>>, vector<1x1x1x16xf32>,
          %get3A_816 = vector.shape_cast %get3A_815 : vector<1x1x1x16xf32> to vector<16xf32>
          %mul3A_817 = vector.broadcast %squeeze3A_745 : f32 to vector<16xf32>
          %mul3A_818 = arith.mulf %mul3A_817, %get3A_816 : vector<16xf32>
          %add3A_819 = arith.addf %add3A_733, %mul3A_818 : vector<16xf32>
          %get3A_820 = arith.constant 0 : i32
          %get3A_821 = arith.index_cast %get3A_820 : i32 to index
          %get3A_822 = arith.index_cast %scan3A_354 : i32 to index
          %get3A_823 = arith.index_cast %add3A_749 : i32 to index
          %get3A_824 = arith.constant 112 : index
          %get3A_825 = tpu.vector_load %arg6[%get3A_821, %get3A_822, %get3A_823, %get3A_824] {strides = array<i32>} : memref<2x8x32x128xf32, #tpu.memory_space<vmem>>, vector<1x1x1x16xf32>,
          %get3A_826 = vector.shape_cast %get3A_825 : vector<1x1x1x16xf32> to vector<16xf32>
          %mul3A_827 = vector.broadcast %squeeze3A_745 : f32 to vector<16xf32>
          %mul3A_828 = arith.mulf %mul3A_827, %get3A_826 : vector<16xf32>
          %add3A_829 = arith.addf %add3A_743, %mul3A_828 : vector<16xf32>
          %slice3A_830 = vector.extract_strided_slice %get3A_487 {offsets = [4], sizes = [1], strides = [1]} : vector<16xf32> to vector<1xf32>
          %squeeze3A_831 = vector.extract %slice3A_830[0] : f32 from vector<1xf32>
          %mul3A_832 = arith.constant 16 : i32
          %mul3A_833 = arith.muli %scan3A_471, %mul3A_832 : i32
          %add3A_834 = arith.constant 4 : i32
          %add3A_835 = arith.addi %mul3A_833, %add3A_834 : i32
          %get3A_836 = arith.constant 0 : i32
          %get3A_837 = arith.index_cast %get3A_836 : i32 to index
          %get3A_838 = arith.index_cast %scan3A_354 : i32 to index
          %get3A_839 = arith.index_cast %add3A_835 : i32 to index
          %get3A_840 = arith.constant 0 : index
          %get3A_841 = tpu.vector_load %arg6[%get3A_837, %get3A_838, %get3A_839, %get3A_840] {strides = array<i32>} : memref<2x8x32x128xf32, #tpu.memory_space<vmem>>, vector<1x1x1x16xf32>,
          %get3A_842 = vector.shape_cast %get3A_841 : vector<1x1x1x16xf32> to vector<16xf32>
          %mul3A_843 = vector.broadcast %squeeze3A_831 : f32 to vector<16xf32>
          %mul3A_844 = arith.mulf %mul3A_843, %get3A_842 : vector<16xf32>
          %add3A_845 = arith.addf %add3A_759, %mul3A_844 : vector<16xf32>
          %get3A_846 = arith.constant 0 : i32
          %get3A_847 = arith.index_cast %get3A_846 : i32 to index
          %get3A_848 = arith.index_cast %scan3A_354 : i32 to index
          %get3A_849 = arith.index_cast %add3A_835 : i32 to index
          %get3A_850 = arith.constant 16 : index
          %get3A_851 = tpu.vector_load %arg6[%get3A_847, %get3A_848, %get3A_849, %get3A_850] {strides = array<i32>} : memref<2x8x32x128xf32, #tpu.memory_space<vmem>>, vector<1x1x1x16xf32>,
          %get3A_852 = vector.shape_cast %get3A_851 : vector<1x1x1x16xf32> to vector<16xf32>
          %mul3A_853 = vector.broadcast %squeeze3A_831 : f32 to vector<16xf32>
          %mul3A_854 = arith.mulf %mul3A_853, %get3A_852 : vector<16xf32>
          %add3A_855 = arith.addf %add3A_769, %mul3A_854 : vector<16xf32>
          %get3A_856 = arith.constant 0 : i32
          %get3A_857 = arith.index_cast %get3A_856 : i32 to index
          %get3A_858 = arith.index_cast %scan3A_354 : i32 to index
          %get3A_859 = arith.index_cast %add3A_835 : i32 to index
          %get3A_860 = arith.constant 32 : index
          %get3A_861 = tpu.vector_load %arg6[%get3A_857, %get3A_858, %get3A_859, %get3A_860] {strides = array<i32>} : memref<2x8x32x128xf32, #tpu.memory_space<vmem>>, vector<1x1x1x16xf32>,
          %get3A_862 = vector.shape_cast %get3A_861 : vector<1x1x1x16xf32> to vector<16xf32>
          %mul3A_863 = vector.broadcast %squeeze3A_831 : f32 to vector<16xf32>
          %mul3A_864 = arith.mulf %mul3A_863, %get3A_862 : vector<16xf32>
          %add3A_865 = arith.addf %add3A_779, %mul3A_864 : vector<16xf32>
          %get3A_866 = arith.constant 0 : i32
          %get3A_867 = arith.index_cast %get3A_866 : i32 to index
          %get3A_868 = arith.index_cast %scan3A_354 : i32 to index
          %get3A_869 = arith.index_cast %add3A_835 : i32 to index
          %get3A_870 = arith.constant 48 : index
          %get3A_871 = tpu.vector_load %arg6[%get3A_867, %get3A_868, %get3A_869, %get3A_870] {strides = array<i32>} : memref<2x8x32x128xf32, #tpu.memory_space<vmem>>, vector<1x1x1x16xf32>,
          %get3A_872 = vector.shape_cast %get3A_871 : vector<1x1x1x16xf32> to vector<16xf32>
          %mul3A_873 = vector.broadcast %squeeze3A_831 : f32 to vector<16xf32>
          %mul3A_874 = arith.mulf %mul3A_873, %get3A_872 : vector<16xf32>
          %add3A_875 = arith.addf %add3A_789, %mul3A_874 : vector<16xf32>
          %get3A_876 = arith.constant 0 : i32
          %get3A_877 = arith.index_cast %get3A_876 : i32 to index
          %get3A_878 = arith.index_cast %scan3A_354 : i32 to index
          %get3A_879 = arith.index_cast %add3A_835 : i32 to index
          %get3A_880 = arith.constant 64 : index
          %get3A_881 = tpu.vector_load %arg6[%get3A_877, %get3A_878, %get3A_879, %get3A_880] {strides = array<i32>} : memref<2x8x32x128xf32, #tpu.memory_space<vmem>>, vector<1x1x1x16xf32>,
          %get3A_882 = vector.shape_cast %get3A_881 : vector<1x1x1x16xf32> to vector<16xf32>
          %mul3A_883 = vector.broadcast %squeeze3A_831 : f32 to vector<16xf32>
          %mul3A_884 = arith.mulf %mul3A_883, %get3A_882 : vector<16xf32>
          %add3A_885 = arith.addf %add3A_799, %mul3A_884 : vector<16xf32>
          %get3A_886 = arith.constant 0 : i32
          %get3A_887 = arith.index_cast %get3A_886 : i32 to index
          %get3A_888 = arith.index_cast %scan3A_354 : i32 to index
          %get3A_889 = arith.index_cast %add3A_835 : i32 to index
          %get3A_890 = arith.constant 80 : index
          %get3A_891 = tpu.vector_load %arg6[%get3A_887, %get3A_888, %get3A_889, %get3A_890] {strides = array<i32>} : memref<2x8x32x128xf32, #tpu.memory_space<vmem>>, vector<1x1x1x16xf32>,
          %get3A_892 = vector.shape_cast %get3A_891 : vector<1x1x1x16xf32> to vector<16xf32>
          %mul3A_893 = vector.broadcast %squeeze3A_831 : f32 to vector<16xf32>
          %mul3A_894 = arith.mulf %mul3A_893, %get3A_892 : vector<16xf32>
          %add3A_895 = arith.addf %add3A_809, %mul3A_894 : vector<16xf32>
          %get3A_896 = arith.constant 0 : i32
          %get3A_897 = arith.index_cast %get3A_896 : i32 to index
          %get3A_898 = arith.index_cast %scan3A_354 : i32 to index
          %get3A_899 = arith.index_cast %add3A_835 : i32 to index
          %get3A_900 = arith.constant 96 : index
          %get3A_901 = tpu.vector_load %arg6[%get3A_897, %get3A_898, %get3A_899, %get3A_900] {strides = array<i32>} : memref<2x8x32x128xf32, #tpu.memory_space<vmem>>, vector<1x1x1x16xf32>,
          %get3A_902 = vector.shape_cast %get3A_901 : vector<1x1x1x16xf32> to vector<16xf32>
          %mul3A_903 = vector.broadcast %squeeze3A_831 : f32 to vector<16xf32>
          %mul3A_904 = arith.mulf %mul3A_903, %get3A_902 : vector<16xf32>
          %add3A_905 = arith.addf %add3A_819, %mul3A_904 : vector<16xf32>
          %get3A_906 = arith.constant 0 : i32
          %get3A_907 = arith.index_cast %get3A_906 : i32 to index
          %get3A_908 = arith.index_cast %scan3A_354 : i32 to index
          %get3A_909 = arith.index_cast %add3A_835 : i32 to index
          %get3A_910 = arith.constant 112 : index
          %get3A_911 = tpu.vector_load %arg6[%get3A_907, %get3A_908, %get3A_909, %get3A_910] {strides = array<i32>} : memref<2x8x32x128xf32, #tpu.memory_space<vmem>>, vector<1x1x1x16xf32>,
          %get3A_912 = vector.shape_cast %get3A_911 : vector<1x1x1x16xf32> to vector<16xf32>
          %mul3A_913 = vector.broadcast %squeeze3A_831 : f32 to vector<16xf32>
          %mul3A_914 = arith.mulf %mul3A_913, %get3A_912 : vector<16xf32>
          %add3A_915 = arith.addf %add3A_829, %mul3A_914 : vector<16xf32>
          %slice3A_916 = vector.extract_strided_slice %get3A_487 {offsets = [5], sizes = [1], strides = [1]} : vector<16xf32> to vector<1xf32>
          %squeeze3A_917 = vector.extract %slice3A_916[0] : f32 from vector<1xf32>
          %mul3A_918 = arith.constant 16 : i32
          %mul3A_919 = arith.muli %scan3A_471, %mul3A_918 : i32
          %add3A_920 = arith.constant 5 : i32
          %add3A_921 = arith.addi %mul3A_919, %add3A_920 : i32
          %get3A_922 = arith.constant 0 : i32
          %get3A_923 = arith.index_cast %get3A_922 : i32 to index
          %get3A_924 = arith.index_cast %scan3A_354 : i32 to index
          %get3A_925 = arith.index_cast %add3A_921 : i32 to index
          %get3A_926 = arith.constant 0 : index
          %get3A_927 = tpu.vector_load %arg6[%get3A_923, %get3A_924, %get3A_925, %get3A_926] {strides = array<i32>} : memref<2x8x32x128xf32, #tpu.memory_space<vmem>>, vector<1x1x1x16xf32>,
          %get3A_928 = vector.shape_cast %get3A_927 : vector<1x1x1x16xf32> to vector<16xf32>
          %mul3A_929 = vector.broadcast %squeeze3A_917 : f32 to vector<16xf32>
          %mul3A_930 = arith.mulf %mul3A_929, %get3A_928 : vector<16xf32>
          %add3A_931 = arith.addf %add3A_845, %mul3A_930 : vector<16xf32>
          %get3A_932 = arith.constant 0 : i32
          %get3A_933 = arith.index_cast %get3A_932 : i32 to index
          %get3A_934 = arith.index_cast %scan3A_354 : i32 to index
          %get3A_935 = arith.index_cast %add3A_921 : i32 to index
          %get3A_936 = arith.constant 16 : index
          %get3A_937 = tpu.vector_load %arg6[%get3A_933, %get3A_934, %get3A_935, %get3A_936] {strides = array<i32>} : memref<2x8x32x128xf32, #tpu.memory_space<vmem>>, vector<1x1x1x16xf32>,
          %get3A_938 = vector.shape_cast %get3A_937 : vector<1x1x1x16xf32> to vector<16xf32>
          %mul3A_939 = vector.broadcast %squeeze3A_917 : f32 to vector<16xf32>
          %mul3A_940 = arith.mulf %mul3A_939, %get3A_938 : vector<16xf32>
          %add3A_941 = arith.addf %add3A_855, %mul3A_940 : vector<16xf32>
          %get3A_942 = arith.constant 0 : i32
          %get3A_943 = arith.index_cast %get3A_942 : i32 to index
          %get3A_944 = arith.index_cast %scan3A_354 : i32 to index
          %get3A_945 = arith.index_cast %add3A_921 : i32 to index
          %get3A_946 = arith.constant 32 : index
          %get3A_947 = tpu.vector_load %arg6[%get3A_943, %get3A_944, %get3A_945, %get3A_946] {strides = array<i32>} : memref<2x8x32x128xf32, #tpu.memory_space<vmem>>, vector<1x1x1x16xf32>,
          %get3A_948 = vector.shape_cast %get3A_947 : vector<1x1x1x16xf32> to vector<16xf32>
          %mul3A_949 = vector.broadcast %squeeze3A_917 : f32 to vector<16xf32>
          %mul3A_950 = arith.mulf %mul3A_949, %get3A_948 : vector<16xf32>
          %add3A_951 = arith.addf %add3A_865, %mul3A_950 : vector<16xf32>
          %get3A_952 = arith.constant 0 : i32
          %get3A_953 = arith.index_cast %get3A_952 : i32 to index
          %get3A_954 = arith.index_cast %scan3A_354 : i32 to index
          %get3A_955 = arith.index_cast %add3A_921 : i32 to index
          %get3A_956 = arith.constant 48 : index
          %get3A_957 = tpu.vector_load %arg6[%get3A_953, %get3A_954, %get3A_955, %get3A_956] {strides = array<i32>} : memref<2x8x32x128xf32, #tpu.memory_space<vmem>>, vector<1x1x1x16xf32>,
          %get3A_958 = vector.shape_cast %get3A_957 : vector<1x1x1x16xf32> to vector<16xf32>
          %mul3A_959 = vector.broadcast %squeeze3A_917 : f32 to vector<16xf32>
          %mul3A_960 = arith.mulf %mul3A_959, %get3A_958 : vector<16xf32>
          %add3A_961 = arith.addf %add3A_875, %mul3A_960 : vector<16xf32>
          %get3A_962 = arith.constant 0 : i32
          %get3A_963 = arith.index_cast %get3A_962 : i32 to index
          %get3A_964 = arith.index_cast %scan3A_354 : i32 to index
          %get3A_965 = arith.index_cast %add3A_921 : i32 to index
          %get3A_966 = arith.constant 64 : index
          %get3A_967 = tpu.vector_load %arg6[%get3A_963, %get3A_964, %get3A_965, %get3A_966] {strides = array<i32>} : memref<2x8x32x128xf32, #tpu.memory_space<vmem>>, vector<1x1x1x16xf32>,
          %get3A_968 = vector.shape_cast %get3A_967 : vector<1x1x1x16xf32> to vector<16xf32>
          %mul3A_969 = vector.broadcast %squeeze3A_917 : f32 to vector<16xf32>
          %mul3A_970 = arith.mulf %mul3A_969, %get3A_968 : vector<16xf32>
          %add3A_971 = arith.addf %add3A_885, %mul3A_970 : vector<16xf32>
          %get3A_972 = arith.constant 0 : i32
          %get3A_973 = arith.index_cast %get3A_972 : i32 to index
          %get3A_974 = arith.index_cast %scan3A_354 : i32 to index
          %get3A_975 = arith.index_cast %add3A_921 : i32 to index
          %get3A_976 = arith.constant 80 : index
          %get3A_977 = tpu.vector_load %arg6[%get3A_973, %get3A_974, %get3A_975, %get3A_976] {strides = array<i32>} : memref<2x8x32x128xf32, #tpu.memory_space<vmem>>, vector<1x1x1x16xf32>,
          %get3A_978 = vector.shape_cast %get3A_977 : vector<1x1x1x16xf32> to vector<16xf32>
          %mul3A_979 = vector.broadcast %squeeze3A_917 : f32 to vector<16xf32>
          %mul3A_980 = arith.mulf %mul3A_979, %get3A_978 : vector<16xf32>
          %add3A_981 = arith.addf %add3A_895, %mul3A_980 : vector<16xf32>
          %get3A_982 = arith.constant 0 : i32
          %get3A_983 = arith.index_cast %get3A_982 : i32 to index
          %get3A_984 = arith.index_cast %scan3A_354 : i32 to index
          %get3A_985 = arith.index_cast %add3A_921 : i32 to index
          %get3A_986 = arith.constant 96 : index
          %get3A_987 = tpu.vector_load %arg6[%get3A_983, %get3A_984, %get3A_985, %get3A_986] {strides = array<i32>} : memref<2x8x32x128xf32, #tpu.memory_space<vmem>>, vector<1x1x1x16xf32>,
          %get3A_988 = vector.shape_cast %get3A_987 : vector<1x1x1x16xf32> to vector<16xf32>
          %mul3A_989 = vector.broadcast %squeeze3A_917 : f32 to vector<16xf32>
          %mul3A_990 = arith.mulf %mul3A_989, %get3A_988 : vector<16xf32>
          %add3A_991 = arith.addf %add3A_905, %mul3A_990 : vector<16xf32>
          %get3A_992 = arith.constant 0 : i32
          %get3A_993 = arith.index_cast %get3A_992 : i32 to index
          %get3A_994 = arith.index_cast %scan3A_354 : i32 to index
          %get3A_995 = arith.index_cast %add3A_921 : i32 to index
          %get3A_996 = arith.constant 112 : index
          %get3A_997 = tpu.vector_load %arg6[%get3A_993, %get3A_994, %get3A_995, %get3A_996] {strides = array<i32>} : memref<2x8x32x128xf32, #tpu.memory_space<vmem>>, vector<1x1x1x16xf32>,
          %get3A_998 = vector.shape_cast %get3A_997 : vector<1x1x1x16xf32> to vector<16xf32>
          %mul3A_999 = vector.broadcast %squeeze3A_917 : f32 to vector<16xf32>
          %mul3A_1000 = arith.mulf %mul3A_999, %get3A_998 : vector<16xf32>
          %add3A_1001 = arith.addf %add3A_915, %mul3A_1000 : vector<16xf32>
          %slice3A_1002 = vector.extract_strided_slice %get3A_487 {offsets = [6], sizes = [1], strides = [1]} : vector<16xf32> to vector<1xf32>
          %squeeze3A_1003 = vector.extract %slice3A_1002[0] : f32 from vector<1xf32>
          %mul3A_1004 = arith.constant 16 : i32
          %mul3A_1005 = arith.muli %scan3A_471, %mul3A_1004 : i32
          %add3A_1006 = arith.constant 6 : i32
          %add3A_1007 = arith.addi %mul3A_1005, %add3A_1006 : i32
          %get3A_1008 = arith.constant 0 : i32
          %get3A_1009 = arith.index_cast %get3A_1008 : i32 to index
          %get3A_1010 = arith.index_cast %scan3A_354 : i32 to index
          %get3A_1011 = arith.index_cast %add3A_1007 : i32 to index
          %get3A_1012 = arith.constant 0 : index
          %get3A_1013 = tpu.vector_load %arg6[%get3A_1009, %get3A_1010, %get3A_1011, %get3A_1012] {strides = array<i32>} : memref<2x8x32x128xf32, #tpu.memory_space<vmem>>, vector<1x1x1x16xf32>,
          %get3A_1014 = vector.shape_cast %get3A_1013 : vector<1x1x1x16xf32> to vector<16xf32>
          %mul3A_1015 = vector.broadcast %squeeze3A_1003 : f32 to vector<16xf32>
          %mul3A_1016 = arith.mulf %mul3A_1015, %get3A_1014 : vector<16xf32>
          %add3A_1017 = arith.addf %add3A_931, %mul3A_1016 : vector<16xf32>
          %get3A_1018 = arith.constant 0 : i32
          %get3A_1019 = arith.index_cast %get3A_1018 : i32 to index
          %get3A_1020 = arith.index_cast %scan3A_354 : i32 to index
          %get3A_1021 = arith.index_cast %add3A_1007 : i32 to index
          %get3A_1022 = arith.constant 16 : index
          %get3A_1023 = tpu.vector_load %arg6[%get3A_1019, %get3A_1020, %get3A_1021, %get3A_1022] {strides = array<i32>} : memref<2x8x32x128xf32, #tpu.memory_space<vmem>>, vector<1x1x1x16xf32>,
          %get3A_1024 = vector.shape_cast %get3A_1023 : vector<1x1x1x16xf32> to vector<16xf32>
          %mul3A_1025 = vector.broadcast %squeeze3A_1003 : f32 to vector<16xf32>
          %mul3A_1026 = arith.mulf %mul3A_1025, %get3A_1024 : vector<16xf32>
          %add3A_1027 = arith.addf %add3A_941, %mul3A_1026 : vector<16xf32>
          %get3A_1028 = arith.constant 0 : i32
          %get3A_1029 = arith.index_cast %get3A_1028 : i32 to index
          %get3A_1030 = arith.index_cast %scan3A_354 : i32 to index
          %get3A_1031 = arith.index_cast %add3A_1007 : i32 to index
          %get3A_1032 = arith.constant 32 : index
          %get3A_1033 = tpu.vector_load %arg6[%get3A_1029, %get3A_1030, %get3A_1031, %get3A_1032] {strides = array<i32>} : memref<2x8x32x128xf32, #tpu.memory_space<vmem>>, vector<1x1x1x16xf32>,
          %get3A_1034 = vector.shape_cast %get3A_1033 : vector<1x1x1x16xf32> to vector<16xf32>
          %mul3A_1035 = vector.broadcast %squeeze3A_1003 : f32 to vector<16xf32>
          %mul3A_1036 = arith.mulf %mul3A_1035, %get3A_1034 : vector<16xf32>
          %add3A_1037 = arith.addf %add3A_951, %mul3A_1036 : vector<16xf32>
          %get3A_1038 = arith.constant 0 : i32
          %get3A_1039 = arith.index_cast %get3A_1038 : i32 to index
          %get3A_1040 = arith.index_cast %scan3A_354 : i32 to index
          %get3A_1041 = arith.index_cast %add3A_1007 : i32 to index
          %get3A_1042 = arith.constant 48 : index
          %get3A_1043 = tpu.vector_load %arg6[%get3A_1039, %get3A_1040, %get3A_1041, %get3A_1042] {strides = array<i32>} : memref<2x8x32x128xf32, #tpu.memory_space<vmem>>, vector<1x1x1x16xf32>,
          %get3A_1044 = vector.shape_cast %get3A_1043 : vector<1x1x1x16xf32> to vector<16xf32>
          %mul3A_1045 = vector.broadcast %squeeze3A_1003 : f32 to vector<16xf32>
          %mul3A_1046 = arith.mulf %mul3A_1045, %get3A_1044 : vector<16xf32>
          %add3A_1047 = arith.addf %add3A_961, %mul3A_1046 : vector<16xf32>
          %get3A_1048 = arith.constant 0 : i32
          %get3A_1049 = arith.index_cast %get3A_1048 : i32 to index
          %get3A_1050 = arith.index_cast %scan3A_354 : i32 to index
          %get3A_1051 = arith.index_cast %add3A_1007 : i32 to index
          %get3A_1052 = arith.constant 64 : index
          %get3A_1053 = tpu.vector_load %arg6[%get3A_1049, %get3A_1050, %get3A_1051, %get3A_1052] {strides = array<i32>} : memref<2x8x32x128xf32, #tpu.memory_space<vmem>>, vector<1x1x1x16xf32>,
          %get3A_1054 = vector.shape_cast %get3A_1053 : vector<1x1x1x16xf32> to vector<16xf32>
          %mul3A_1055 = vector.broadcast %squeeze3A_1003 : f32 to vector<16xf32>
          %mul3A_1056 = arith.mulf %mul3A_1055, %get3A_1054 : vector<16xf32>
          %add3A_1057 = arith.addf %add3A_971, %mul3A_1056 : vector<16xf32>
          %get3A_1058 = arith.constant 0 : i32
          %get3A_1059 = arith.index_cast %get3A_1058 : i32 to index
          %get3A_1060 = arith.index_cast %scan3A_354 : i32 to index
          %get3A_1061 = arith.index_cast %add3A_1007 : i32 to index
          %get3A_1062 = arith.constant 80 : index
          %get3A_1063 = tpu.vector_load %arg6[%get3A_1059, %get3A_1060, %get3A_1061, %get3A_1062] {strides = array<i32>} : memref<2x8x32x128xf32, #tpu.memory_space<vmem>>, vector<1x1x1x16xf32>,
          %get3A_1064 = vector.shape_cast %get3A_1063 : vector<1x1x1x16xf32> to vector<16xf32>
          %mul3A_1065 = vector.broadcast %squeeze3A_1003 : f32 to vector<16xf32>
          %mul3A_1066 = arith.mulf %mul3A_1065, %get3A_1064 : vector<16xf32>
          %add3A_1067 = arith.addf %add3A_981, %mul3A_1066 : vector<16xf32>
          %get3A_1068 = arith.constant 0 : i32
          %get3A_1069 = arith.index_cast %get3A_1068 : i32 to index
          %get3A_1070 = arith.index_cast %scan3A_354 : i32 to index
          %get3A_1071 = arith.index_cast %add3A_1007 : i32 to index
          %get3A_1072 = arith.constant 96 : index
          %get3A_1073 = tpu.vector_load %arg6[%get3A_1069, %get3A_1070, %get3A_1071, %get3A_1072] {strides = array<i32>} : memref<2x8x32x128xf32, #tpu.memory_space<vmem>>, vector<1x1x1x16xf32>,
          %get3A_1074 = vector.shape_cast %get3A_1073 : vector<1x1x1x16xf32> to vector<16xf32>
          %mul3A_1075 = vector.broadcast %squeeze3A_1003 : f32 to vector<16xf32>
          %mul3A_1076 = arith.mulf %mul3A_1075, %get3A_1074 : vector<16xf32>
          %add3A_1077 = arith.addf %add3A_991, %mul3A_1076 : vector<16xf32>
          %get3A_1078 = arith.constant 0 : i32
          %get3A_1079 = arith.index_cast %get3A_1078 : i32 to index
          %get3A_1080 = arith.index_cast %scan3A_354 : i32 to index
          %get3A_1081 = arith.index_cast %add3A_1007 : i32 to index
          %get3A_1082 = arith.constant 112 : index
          %get3A_1083 = tpu.vector_load %arg6[%get3A_1079, %get3A_1080, %get3A_1081, %get3A_1082] {strides = array<i32>} : memref<2x8x32x128xf32, #tpu.memory_space<vmem>>, vector<1x1x1x16xf32>,
          %get3A_1084 = vector.shape_cast %get3A_1083 : vector<1x1x1x16xf32> to vector<16xf32>
          %mul3A_1085 = vector.broadcast %squeeze3A_1003 : f32 to vector<16xf32>
          %mul3A_1086 = arith.mulf %mul3A_1085, %get3A_1084 : vector<16xf32>
          %add3A_1087 = arith.addf %add3A_1001, %mul3A_1086 : vector<16xf32>
          %slice3A_1088 = vector.extract_strided_slice %get3A_487 {offsets = [7], sizes = [1], strides = [1]} : vector<16xf32> to vector<1xf32>
          %squeeze3A_1089 = vector.extract %slice3A_1088[0] : f32 from vector<1xf32>
          %mul3A_1090 = arith.constant 16 : i32
          %mul3A_1091 = arith.muli %scan3A_471, %mul3A_1090 : i32
          %add3A_1092 = arith.constant 7 : i32
          %add3A_1093 = arith.addi %mul3A_1091, %add3A_1092 : i32
          %get3A_1094 = arith.constant 0 : i32
          %get3A_1095 = arith.index_cast %get3A_1094 : i32 to index
          %get3A_1096 = arith.index_cast %scan3A_354 : i32 to index
          %get3A_1097 = arith.index_cast %add3A_1093 : i32 to index
          %get3A_1098 = arith.constant 0 : index
          %get3A_1099 = tpu.vector_load %arg6[%get3A_1095, %get3A_1096, %get3A_1097, %get3A_1098] {strides = array<i32>} : memref<2x8x32x128xf32, #tpu.memory_space<vmem>>, vector<1x1x1x16xf32>,
          %get3A_1100 = vector.shape_cast %get3A_1099 : vector<1x1x1x16xf32> to vector<16xf32>
          %mul3A_1101 = vector.broadcast %squeeze3A_1089 : f32 to vector<16xf32>
          %mul3A_1102 = arith.mulf %mul3A_1101, %get3A_1100 : vector<16xf32>
          %add3A_1103 = arith.addf %add3A_1017, %mul3A_1102 : vector<16xf32>
          %get3A_1104 = arith.constant 0 : i32
          %get3A_1105 = arith.index_cast %get3A_1104 : i32 to index
          %get3A_1106 = arith.index_cast %scan3A_354 : i32 to index
          %get3A_1107 = arith.index_cast %add3A_1093 : i32 to index
          %get3A_1108 = arith.constant 16 : index
          %get3A_1109 = tpu.vector_load %arg6[%get3A_1105, %get3A_1106, %get3A_1107, %get3A_1108] {strides = array<i32>} : memref<2x8x32x128xf32, #tpu.memory_space<vmem>>, vector<1x1x1x16xf32>,
          %get3A_1110 = vector.shape_cast %get3A_1109 : vector<1x1x1x16xf32> to vector<16xf32>
          %mul3A_1111 = vector.broadcast %squeeze3A_1089 : f32 to vector<16xf32>
          %mul3A_1112 = arith.mulf %mul3A_1111, %get3A_1110 : vector<16xf32>
          %add3A_1113 = arith.addf %add3A_1027, %mul3A_1112 : vector<16xf32>
          %get3A_1114 = arith.constant 0 : i32
          %get3A_1115 = arith.index_cast %get3A_1114 : i32 to index
          %get3A_1116 = arith.index_cast %scan3A_354 : i32 to index
          %get3A_1117 = arith.index_cast %add3A_1093 : i32 to index
          %get3A_1118 = arith.constant 32 : index
          %get3A_1119 = tpu.vector_load %arg6[%get3A_1115, %get3A_1116, %get3A_1117, %get3A_1118] {strides = array<i32>} : memref<2x8x32x128xf32, #tpu.memory_space<vmem>>, vector<1x1x1x16xf32>,
          %get3A_1120 = vector.shape_cast %get3A_1119 : vector<1x1x1x16xf32> to vector<16xf32>
          %mul3A_1121 = vector.broadcast %squeeze3A_1089 : f32 to vector<16xf32>
          %mul3A_1122 = arith.mulf %mul3A_1121, %get3A_1120 : vector<16xf32>
          %add3A_1123 = arith.addf %add3A_1037, %mul3A_1122 : vector<16xf32>
          %get3A_1124 = arith.constant 0 : i32
          %get3A_1125 = arith.index_cast %get3A_1124 : i32 to index
          %get3A_1126 = arith.index_cast %scan3A_354 : i32 to index
          %get3A_1127 = arith.index_cast %add3A_1093 : i32 to index
          %get3A_1128 = arith.constant 48 : index
          %get3A_1129 = tpu.vector_load %arg6[%get3A_1125, %get3A_1126, %get3A_1127, %get3A_1128] {strides = array<i32>} : memref<2x8x32x128xf32, #tpu.memory_space<vmem>>, vector<1x1x1x16xf32>,
          %get3A_1130 = vector.shape_cast %get3A_1129 : vector<1x1x1x16xf32> to vector<16xf32>
          %mul3A_1131 = vector.broadcast %squeeze3A_1089 : f32 to vector<16xf32>
          %mul3A_1132 = arith.mulf %mul3A_1131, %get3A_1130 : vector<16xf32>
          %add3A_1133 = arith.addf %add3A_1047, %mul3A_1132 : vector<16xf32>
          %get3A_1134 = arith.constant 0 : i32
          %get3A_1135 = arith.index_cast %get3A_1134 : i32 to index
          %get3A_1136 = arith.index_cast %scan3A_354 : i32 to index
          %get3A_1137 = arith.index_cast %add3A_1093 : i32 to index
          %get3A_1138 = arith.constant 64 : index
          %get3A_1139 = tpu.vector_load %arg6[%get3A_1135, %get3A_1136, %get3A_1137, %get3A_1138] {strides = array<i32>} : memref<2x8x32x128xf32, #tpu.memory_space<vmem>>, vector<1x1x1x16xf32>,
          %get3A_1140 = vector.shape_cast %get3A_1139 : vector<1x1x1x16xf32> to vector<16xf32>
          %mul3A_1141 = vector.broadcast %squeeze3A_1089 : f32 to vector<16xf32>
          %mul3A_1142 = arith.mulf %mul3A_1141, %get3A_1140 : vector<16xf32>
          %add3A_1143 = arith.addf %add3A_1057, %mul3A_1142 : vector<16xf32>
          %get3A_1144 = arith.constant 0 : i32
          %get3A_1145 = arith.index_cast %get3A_1144 : i32 to index
          %get3A_1146 = arith.index_cast %scan3A_354 : i32 to index
          %get3A_1147 = arith.index_cast %add3A_1093 : i32 to index
          %get3A_1148 = arith.constant 80 : index
          %get3A_1149 = tpu.vector_load %arg6[%get3A_1145, %get3A_1146, %get3A_1147, %get3A_1148] {strides = array<i32>} : memref<2x8x32x128xf32, #tpu.memory_space<vmem>>, vector<1x1x1x16xf32>,
          %get3A_1150 = vector.shape_cast %get3A_1149 : vector<1x1x1x16xf32> to vector<16xf32>
          %mul3A_1151 = vector.broadcast %squeeze3A_1089 : f32 to vector<16xf32>
          %mul3A_1152 = arith.mulf %mul3A_1151, %get3A_1150 : vector<16xf32>
          %add3A_1153 = arith.addf %add3A_1067, %mul3A_1152 : vector<16xf32>
          %get3A_1154 = arith.constant 0 : i32
          %get3A_1155 = arith.index_cast %get3A_1154 : i32 to index
          %get3A_1156 = arith.index_cast %scan3A_354 : i32 to index
          %get3A_1157 = arith.index_cast %add3A_1093 : i32 to index
          %get3A_1158 = arith.constant 96 : index
          %get3A_1159 = tpu.vector_load %arg6[%get3A_1155, %get3A_1156, %get3A_1157, %get3A_1158] {strides = array<i32>} : memref<2x8x32x128xf32, #tpu.memory_space<vmem>>, vector<1x1x1x16xf32>,
          %get3A_1160 = vector.shape_cast %get3A_1159 : vector<1x1x1x16xf32> to vector<16xf32>
          %mul3A_1161 = vector.broadcast %squeeze3A_1089 : f32 to vector<16xf32>
          %mul3A_1162 = arith.mulf %mul3A_1161, %get3A_1160 : vector<16xf32>
          %add3A_1163 = arith.addf %add3A_1077, %mul3A_1162 : vector<16xf32>
          %get3A_1164 = arith.constant 0 : i32
          %get3A_1165 = arith.index_cast %get3A_1164 : i32 to index
          %get3A_1166 = arith.index_cast %scan3A_354 : i32 to index
          %get3A_1167 = arith.index_cast %add3A_1093 : i32 to index
          %get3A_1168 = arith.constant 112 : index
          %get3A_1169 = tpu.vector_load %arg6[%get3A_1165, %get3A_1166, %get3A_1167, %get3A_1168] {strides = array<i32>} : memref<2x8x32x128xf32, #tpu.memory_space<vmem>>, vector<1x1x1x16xf32>,
          %get3A_1170 = vector.shape_cast %get3A_1169 : vector<1x1x1x16xf32> to vector<16xf32>
          %mul3A_1171 = vector.broadcast %squeeze3A_1089 : f32 to vector<16xf32>
          %mul3A_1172 = arith.mulf %mul3A_1171, %get3A_1170 : vector<16xf32>
          %add3A_1173 = arith.addf %add3A_1087, %mul3A_1172 : vector<16xf32>
          %slice3A_1174 = vector.extract_strided_slice %get3A_487 {offsets = [8], sizes = [1], strides = [1]} : vector<16xf32> to vector<1xf32>
          %squeeze3A_1175 = vector.extract %slice3A_1174[0] : f32 from vector<1xf32>
          %mul3A_1176 = arith.constant 16 : i32
          %mul3A_1177 = arith.muli %scan3A_471, %mul3A_1176 : i32
          %add3A_1178 = arith.constant 8 : i32
          %add3A_1179 = arith.addi %mul3A_1177, %add3A_1178 : i32
          %get3A_1180 = arith.constant 0 : i32
          %get3A_1181 = arith.index_cast %get3A_1180 : i32 to index
          %get3A_1182 = arith.index_cast %scan3A_354 : i32 to index
          %get3A_1183 = arith.index_cast %add3A_1179 : i32 to index
          %get3A_1184 = arith.constant 0 : index
          %get3A_1185 = tpu.vector_load %arg6[%get3A_1181, %get3A_1182, %get3A_1183, %get3A_1184] {strides = array<i32>} : memref<2x8x32x128xf32, #tpu.memory_space<vmem>>, vector<1x1x1x16xf32>,
          %get3A_1186 = vector.shape_cast %get3A_1185 : vector<1x1x1x16xf32> to vector<16xf32>
          %mul3A_1187 = vector.broadcast %squeeze3A_1175 : f32 to vector<16xf32>
          %mul3A_1188 = arith.mulf %mul3A_1187, %get3A_1186 : vector<16xf32>
          %add3A_1189 = arith.addf %add3A_1103, %mul3A_1188 : vector<16xf32>
          %get3A_1190 = arith.constant 0 : i32
          %get3A_1191 = arith.index_cast %get3A_1190 : i32 to index
          %get3A_1192 = arith.index_cast %scan3A_354 : i32 to index
          %get3A_1193 = arith.index_cast %add3A_1179 : i32 to index
          %get3A_1194 = arith.constant 16 : index
          %get3A_1195 = tpu.vector_load %arg6[%get3A_1191, %get3A_1192, %get3A_1193, %get3A_1194] {strides = array<i32>} : memref<2x8x32x128xf32, #tpu.memory_space<vmem>>, vector<1x1x1x16xf32>,
          %get3A_1196 = vector.shape_cast %get3A_1195 : vector<1x1x1x16xf32> to vector<16xf32>
          %mul3A_1197 = vector.broadcast %squeeze3A_1175 : f32 to vector<16xf32>
          %mul3A_1198 = arith.mulf %mul3A_1197, %get3A_1196 : vector<16xf32>
          %add3A_1199 = arith.addf %add3A_1113, %mul3A_1198 : vector<16xf32>
          %get3A_1200 = arith.constant 0 : i32
          %get3A_1201 = arith.index_cast %get3A_1200 : i32 to index
          %get3A_1202 = arith.index_cast %scan3A_354 : i32 to index
          %get3A_1203 = arith.index_cast %add3A_1179 : i32 to index
          %get3A_1204 = arith.constant 32 : index
          %get3A_1205 = tpu.vector_load %arg6[%get3A_1201, %get3A_1202, %get3A_1203, %get3A_1204] {strides = array<i32>} : memref<2x8x32x128xf32, #tpu.memory_space<vmem>>, vector<1x1x1x16xf32>,
          %get3A_1206 = vector.shape_cast %get3A_1205 : vector<1x1x1x16xf32> to vector<16xf32>
          %mul3A_1207 = vector.broadcast %squeeze3A_1175 : f32 to vector<16xf32>
          %mul3A_1208 = arith.mulf %mul3A_1207, %get3A_1206 : vector<16xf32>
          %add3A_1209 = arith.addf %add3A_1123, %mul3A_1208 : vector<16xf32>
          %get3A_1210 = arith.constant 0 : i32
          %get3A_1211 = arith.index_cast %get3A_1210 : i32 to index
          %get3A_1212 = arith.index_cast %scan3A_354 : i32 to index
          %get3A_1213 = arith.index_cast %add3A_1179 : i32 to index
          %get3A_1214 = arith.constant 48 : index
          %get3A_1215 = tpu.vector_load %arg6[%get3A_1211, %get3A_1212, %get3A_1213, %get3A_1214] {strides = array<i32>} : memref<2x8x32x128xf32, #tpu.memory_space<vmem>>, vector<1x1x1x16xf32>,
          %get3A_1216 = vector.shape_cast %get3A_1215 : vector<1x1x1x16xf32> to vector<16xf32>
          %mul3A_1217 = vector.broadcast %squeeze3A_1175 : f32 to vector<16xf32>
          %mul3A_1218 = arith.mulf %mul3A_1217, %get3A_1216 : vector<16xf32>
          %add3A_1219 = arith.addf %add3A_1133, %mul3A_1218 : vector<16xf32>
          %get3A_1220 = arith.constant 0 : i32
          %get3A_1221 = arith.index_cast %get3A_1220 : i32 to index
          %get3A_1222 = arith.index_cast %scan3A_354 : i32 to index
          %get3A_1223 = arith.index_cast %add3A_1179 : i32 to index
          %get3A_1224 = arith.constant 64 : index
          %get3A_1225 = tpu.vector_load %arg6[%get3A_1221, %get3A_1222, %get3A_1223, %get3A_1224] {strides = array<i32>} : memref<2x8x32x128xf32, #tpu.memory_space<vmem>>, vector<1x1x1x16xf32>,
          %get3A_1226 = vector.shape_cast %get3A_1225 : vector<1x1x1x16xf32> to vector<16xf32>
          %mul3A_1227 = vector.broadcast %squeeze3A_1175 : f32 to vector<16xf32>
          %mul3A_1228 = arith.mulf %mul3A_1227, %get3A_1226 : vector<16xf32>
          %add3A_1229 = arith.addf %add3A_1143, %mul3A_1228 : vector<16xf32>
          %get3A_1230 = arith.constant 0 : i32
          %get3A_1231 = arith.index_cast %get3A_1230 : i32 to index
          %get3A_1232 = arith.index_cast %scan3A_354 : i32 to index
          %get3A_1233 = arith.index_cast %add3A_1179 : i32 to index
          %get3A_1234 = arith.constant 80 : index
          %get3A_1235 = tpu.vector_load %arg6[%get3A_1231, %get3A_1232, %get3A_1233, %get3A_1234] {strides = array<i32>} : memref<2x8x32x128xf32, #tpu.memory_space<vmem>>, vector<1x1x1x16xf32>,
          %get3A_1236 = vector.shape_cast %get3A_1235 : vector<1x1x1x16xf32> to vector<16xf32>
          %mul3A_1237 = vector.broadcast %squeeze3A_1175 : f32 to vector<16xf32>
          %mul3A_1238 = arith.mulf %mul3A_1237, %get3A_1236 : vector<16xf32>
          %add3A_1239 = arith.addf %add3A_1153, %mul3A_1238 : vector<16xf32>
          %get3A_1240 = arith.constant 0 : i32
          %get3A_1241 = arith.index_cast %get3A_1240 : i32 to index
          %get3A_1242 = arith.index_cast %scan3A_354 : i32 to index
          %get3A_1243 = arith.index_cast %add3A_1179 : i32 to index
          %get3A_1244 = arith.constant 96 : index
          %get3A_1245 = tpu.vector_load %arg6[%get3A_1241, %get3A_1242, %get3A_1243, %get3A_1244] {strides = array<i32>} : memref<2x8x32x128xf32, #tpu.memory_space<vmem>>, vector<1x1x1x16xf32>,
          %get3A_1246 = vector.shape_cast %get3A_1245 : vector<1x1x1x16xf32> to vector<16xf32>
          %mul3A_1247 = vector.broadcast %squeeze3A_1175 : f32 to vector<16xf32>
          %mul3A_1248 = arith.mulf %mul3A_1247, %get3A_1246 : vector<16xf32>
          %add3A_1249 = arith.addf %add3A_1163, %mul3A_1248 : vector<16xf32>
          %get3A_1250 = arith.constant 0 : i32
          %get3A_1251 = arith.index_cast %get3A_1250 : i32 to index
          %get3A_1252 = arith.index_cast %scan3A_354 : i32 to index
          %get3A_1253 = arith.index_cast %add3A_1179 : i32 to index
          %get3A_1254 = arith.constant 112 : index
          %get3A_1255 = tpu.vector_load %arg6[%get3A_1251, %get3A_1252, %get3A_1253, %get3A_1254] {strides = array<i32>} : memref<2x8x32x128xf32, #tpu.memory_space<vmem>>, vector<1x1x1x16xf32>,
          %get3A_1256 = vector.shape_cast %get3A_1255 : vector<1x1x1x16xf32> to vector<16xf32>
          %mul3A_1257 = vector.broadcast %squeeze3A_1175 : f32 to vector<16xf32>
          %mul3A_1258 = arith.mulf %mul3A_1257, %get3A_1256 : vector<16xf32>
          %add3A_1259 = arith.addf %add3A_1173, %mul3A_1258 : vector<16xf32>
          %slice3A_1260 = vector.extract_strided_slice %get3A_487 {offsets = [9], sizes = [1], strides = [1]} : vector<16xf32> to vector<1xf32>
          %squeeze3A_1261 = vector.extract %slice3A_1260[0] : f32 from vector<1xf32>
          %mul3A_1262 = arith.constant 16 : i32
          %mul3A_1263 = arith.muli %scan3A_471, %mul3A_1262 : i32
          %add3A_1264 = arith.constant 9 : i32
          %add3A_1265 = arith.addi %mul3A_1263, %add3A_1264 : i32
          %get3A_1266 = arith.constant 0 : i32
          %get3A_1267 = arith.index_cast %get3A_1266 : i32 to index
          %get3A_1268 = arith.index_cast %scan3A_354 : i32 to index
          %get3A_1269 = arith.index_cast %add3A_1265 : i32 to index
          %get3A_1270 = arith.constant 0 : index
          %get3A_1271 = tpu.vector_load %arg6[%get3A_1267, %get3A_1268, %get3A_1269, %get3A_1270] {strides = array<i32>} : memref<2x8x32x128xf32, #tpu.memory_space<vmem>>, vector<1x1x1x16xf32>,
          %get3A_1272 = vector.shape_cast %get3A_1271 : vector<1x1x1x16xf32> to vector<16xf32>
          %mul3A_1273 = vector.broadcast %squeeze3A_1261 : f32 to vector<16xf32>
          %mul3A_1274 = arith.mulf %mul3A_1273, %get3A_1272 : vector<16xf32>
          %add3A_1275 = arith.addf %add3A_1189, %mul3A_1274 : vector<16xf32>
          %get3A_1276 = arith.constant 0 : i32
          %get3A_1277 = arith.index_cast %get3A_1276 : i32 to index
          %get3A_1278 = arith.index_cast %scan3A_354 : i32 to index
          %get3A_1279 = arith.index_cast %add3A_1265 : i32 to index
          %get3A_1280 = arith.constant 16 : index
          %get3A_1281 = tpu.vector_load %arg6[%get3A_1277, %get3A_1278, %get3A_1279, %get3A_1280] {strides = array<i32>} : memref<2x8x32x128xf32, #tpu.memory_space<vmem>>, vector<1x1x1x16xf32>,
          %get3A_1282 = vector.shape_cast %get3A_1281 : vector<1x1x1x16xf32> to vector<16xf32>
          %mul3A_1283 = vector.broadcast %squeeze3A_1261 : f32 to vector<16xf32>
          %mul3A_1284 = arith.mulf %mul3A_1283, %get3A_1282 : vector<16xf32>
          %add3A_1285 = arith.addf %add3A_1199, %mul3A_1284 : vector<16xf32>
          %get3A_1286 = arith.constant 0 : i32
          %get3A_1287 = arith.index_cast %get3A_1286 : i32 to index
          %get3A_1288 = arith.index_cast %scan3A_354 : i32 to index
          %get3A_1289 = arith.index_cast %add3A_1265 : i32 to index
          %get3A_1290 = arith.constant 32 : index
          %get3A_1291 = tpu.vector_load %arg6[%get3A_1287, %get3A_1288, %get3A_1289, %get3A_1290] {strides = array<i32>} : memref<2x8x32x128xf32, #tpu.memory_space<vmem>>, vector<1x1x1x16xf32>,
          %get3A_1292 = vector.shape_cast %get3A_1291 : vector<1x1x1x16xf32> to vector<16xf32>
          %mul3A_1293 = vector.broadcast %squeeze3A_1261 : f32 to vector<16xf32>
          %mul3A_1294 = arith.mulf %mul3A_1293, %get3A_1292 : vector<16xf32>
          %add3A_1295 = arith.addf %add3A_1209, %mul3A_1294 : vector<16xf32>
          %get3A_1296 = arith.constant 0 : i32
          %get3A_1297 = arith.index_cast %get3A_1296 : i32 to index
          %get3A_1298 = arith.index_cast %scan3A_354 : i32 to index
          %get3A_1299 = arith.index_cast %add3A_1265 : i32 to index
          %get3A_1300 = arith.constant 48 : index
          %get3A_1301 = tpu.vector_load %arg6[%get3A_1297, %get3A_1298, %get3A_1299, %get3A_1300] {strides = array<i32>} : memref<2x8x32x128xf32, #tpu.memory_space<vmem>>, vector<1x1x1x16xf32>,
          %get3A_1302 = vector.shape_cast %get3A_1301 : vector<1x1x1x16xf32> to vector<16xf32>
          %mul3A_1303 = vector.broadcast %squeeze3A_1261 : f32 to vector<16xf32>
          %mul3A_1304 = arith.mulf %mul3A_1303, %get3A_1302 : vector<16xf32>
          %add3A_1305 = arith.addf %add3A_1219, %mul3A_1304 : vector<16xf32>
          %get3A_1306 = arith.constant 0 : i32
          %get3A_1307 = arith.index_cast %get3A_1306 : i32 to index
          %get3A_1308 = arith.index_cast %scan3A_354 : i32 to index
          %get3A_1309 = arith.index_cast %add3A_1265 : i32 to index
          %get3A_1310 = arith.constant 64 : index
          %get3A_1311 = tpu.vector_load %arg6[%get3A_1307, %get3A_1308, %get3A_1309, %get3A_1310] {strides = array<i32>} : memref<2x8x32x128xf32, #tpu.memory_space<vmem>>, vector<1x1x1x16xf32>,
          %get3A_1312 = vector.shape_cast %get3A_1311 : vector<1x1x1x16xf32> to vector<16xf32>
          %mul3A_1313 = vector.broadcast %squeeze3A_1261 : f32 to vector<16xf32>
          %mul3A_1314 = arith.mulf %mul3A_1313, %get3A_1312 : vector<16xf32>
          %add3A_1315 = arith.addf %add3A_1229, %mul3A_1314 : vector<16xf32>
          %get3A_1316 = arith.constant 0 : i32
          %get3A_1317 = arith.index_cast %get3A_1316 : i32 to index
          %get3A_1318 = arith.index_cast %scan3A_354 : i32 to index
          %get3A_1319 = arith.index_cast %add3A_1265 : i32 to index
          %get3A_1320 = arith.constant 80 : index
          %get3A_1321 = tpu.vector_load %arg6[%get3A_1317, %get3A_1318, %get3A_1319, %get3A_1320] {strides = array<i32>} : memref<2x8x32x128xf32, #tpu.memory_space<vmem>>, vector<1x1x1x16xf32>,
          %get3A_1322 = vector.shape_cast %get3A_1321 : vector<1x1x1x16xf32> to vector<16xf32>
          %mul3A_1323 = vector.broadcast %squeeze3A_1261 : f32 to vector<16xf32>
          %mul3A_1324 = arith.mulf %mul3A_1323, %get3A_1322 : vector<16xf32>
          %add3A_1325 = arith.addf %add3A_1239, %mul3A_1324 : vector<16xf32>
          %get3A_1326 = arith.constant 0 : i32
          %get3A_1327 = arith.index_cast %get3A_1326 : i32 to index
          %get3A_1328 = arith.index_cast %scan3A_354 : i32 to index
          %get3A_1329 = arith.index_cast %add3A_1265 : i32 to index
          %get3A_1330 = arith.constant 96 : index
          %get3A_1331 = tpu.vector_load %arg6[%get3A_1327, %get3A_1328, %get3A_1329, %get3A_1330] {strides = array<i32>} : memref<2x8x32x128xf32, #tpu.memory_space<vmem>>, vector<1x1x1x16xf32>,
          %get3A_1332 = vector.shape_cast %get3A_1331 : vector<1x1x1x16xf32> to vector<16xf32>
          %mul3A_1333 = vector.broadcast %squeeze3A_1261 : f32 to vector<16xf32>
          %mul3A_1334 = arith.mulf %mul3A_1333, %get3A_1332 : vector<16xf32>
          %add3A_1335 = arith.addf %add3A_1249, %mul3A_1334 : vector<16xf32>
          %get3A_1336 = arith.constant 0 : i32
          %get3A_1337 = arith.index_cast %get3A_1336 : i32 to index
          %get3A_1338 = arith.index_cast %scan3A_354 : i32 to index
          %get3A_1339 = arith.index_cast %add3A_1265 : i32 to index
          %get3A_1340 = arith.constant 112 : index
          %get3A_1341 = tpu.vector_load %arg6[%get3A_1337, %get3A_1338, %get3A_1339, %get3A_1340] {strides = array<i32>} : memref<2x8x32x128xf32, #tpu.memory_space<vmem>>, vector<1x1x1x16xf32>,
          %get3A_1342 = vector.shape_cast %get3A_1341 : vector<1x1x1x16xf32> to vector<16xf32>
          %mul3A_1343 = vector.broadcast %squeeze3A_1261 : f32 to vector<16xf32>
          %mul3A_1344 = arith.mulf %mul3A_1343, %get3A_1342 : vector<16xf32>
          %add3A_1345 = arith.addf %add3A_1259, %mul3A_1344 : vector<16xf32>
          %slice3A_1346 = vector.extract_strided_slice %get3A_487 {offsets = [10], sizes = [1], strides = [1]} : vector<16xf32> to vector<1xf32>
          %squeeze3A_1347 = vector.extract %slice3A_1346[0] : f32 from vector<1xf32>
          %mul3A_1348 = arith.constant 16 : i32
          %mul3A_1349 = arith.muli %scan3A_471, %mul3A_1348 : i32
          %add3A_1350 = arith.constant 10 : i32
          %add3A_1351 = arith.addi %mul3A_1349, %add3A_1350 : i32
          %get3A_1352 = arith.constant 0 : i32
          %get3A_1353 = arith.index_cast %get3A_1352 : i32 to index
          %get3A_1354 = arith.index_cast %scan3A_354 : i32 to index
          %get3A_1355 = arith.index_cast %add3A_1351 : i32 to index
          %get3A_1356 = arith.constant 0 : index
          %get3A_1357 = tpu.vector_load %arg6[%get3A_1353, %get3A_1354, %get3A_1355, %get3A_1356] {strides = array<i32>} : memref<2x8x32x128xf32, #tpu.memory_space<vmem>>, vector<1x1x1x16xf32>,
          %get3A_1358 = vector.shape_cast %get3A_1357 : vector<1x1x1x16xf32> to vector<16xf32>
          %mul3A_1359 = vector.broadcast %squeeze3A_1347 : f32 to vector<16xf32>
          %mul3A_1360 = arith.mulf %mul3A_1359, %get3A_1358 : vector<16xf32>
          %add3A_1361 = arith.addf %add3A_1275, %mul3A_1360 : vector<16xf32>
          %get3A_1362 = arith.constant 0 : i32
          %get3A_1363 = arith.index_cast %get3A_1362 : i32 to index
          %get3A_1364 = arith.index_cast %scan3A_354 : i32 to index
          %get3A_1365 = arith.index_cast %add3A_1351 : i32 to index
          %get3A_1366 = arith.constant 16 : index
          %get3A_1367 = tpu.vector_load %arg6[%get3A_1363, %get3A_1364, %get3A_1365, %get3A_1366] {strides = array<i32>} : memref<2x8x32x128xf32, #tpu.memory_space<vmem>>, vector<1x1x1x16xf32>,
          %get3A_1368 = vector.shape_cast %get3A_1367 : vector<1x1x1x16xf32> to vector<16xf32>
          %mul3A_1369 = vector.broadcast %squeeze3A_1347 : f32 to vector<16xf32>
          %mul3A_1370 = arith.mulf %mul3A_1369, %get3A_1368 : vector<16xf32>
          %add3A_1371 = arith.addf %add3A_1285, %mul3A_1370 : vector<16xf32>
          %get3A_1372 = arith.constant 0 : i32
          %get3A_1373 = arith.index_cast %get3A_1372 : i32 to index
          %get3A_1374 = arith.index_cast %scan3A_354 : i32 to index
          %get3A_1375 = arith.index_cast %add3A_1351 : i32 to index
          %get3A_1376 = arith.constant 32 : index
          %get3A_1377 = tpu.vector_load %arg6[%get3A_1373, %get3A_1374, %get3A_1375, %get3A_1376] {strides = array<i32>} : memref<2x8x32x128xf32, #tpu.memory_space<vmem>>, vector<1x1x1x16xf32>,
          %get3A_1378 = vector.shape_cast %get3A_1377 : vector<1x1x1x16xf32> to vector<16xf32>
          %mul3A_1379 = vector.broadcast %squeeze3A_1347 : f32 to vector<16xf32>
          %mul3A_1380 = arith.mulf %mul3A_1379, %get3A_1378 : vector<16xf32>
          %add3A_1381 = arith.addf %add3A_1295, %mul3A_1380 : vector<16xf32>
          %get3A_1382 = arith.constant 0 : i32
          %get3A_1383 = arith.index_cast %get3A_1382 : i32 to index
          %get3A_1384 = arith.index_cast %scan3A_354 : i32 to index
          %get3A_1385 = arith.index_cast %add3A_1351 : i32 to index
          %get3A_1386 = arith.constant 48 : index
          %get3A_1387 = tpu.vector_load %arg6[%get3A_1383, %get3A_1384, %get3A_1385, %get3A_1386] {strides = array<i32>} : memref<2x8x32x128xf32, #tpu.memory_space<vmem>>, vector<1x1x1x16xf32>,
          %get3A_1388 = vector.shape_cast %get3A_1387 : vector<1x1x1x16xf32> to vector<16xf32>
          %mul3A_1389 = vector.broadcast %squeeze3A_1347 : f32 to vector<16xf32>
          %mul3A_1390 = arith.mulf %mul3A_1389, %get3A_1388 : vector<16xf32>
          %add3A_1391 = arith.addf %add3A_1305, %mul3A_1390 : vector<16xf32>
          %get3A_1392 = arith.constant 0 : i32
          %get3A_1393 = arith.index_cast %get3A_1392 : i32 to index
          %get3A_1394 = arith.index_cast %scan3A_354 : i32 to index
          %get3A_1395 = arith.index_cast %add3A_1351 : i32 to index
          %get3A_1396 = arith.constant 64 : index
          %get3A_1397 = tpu.vector_load %arg6[%get3A_1393, %get3A_1394, %get3A_1395, %get3A_1396] {strides = array<i32>} : memref<2x8x32x128xf32, #tpu.memory_space<vmem>>, vector<1x1x1x16xf32>,
          %get3A_1398 = vector.shape_cast %get3A_1397 : vector<1x1x1x16xf32> to vector<16xf32>
          %mul3A_1399 = vector.broadcast %squeeze3A_1347 : f32 to vector<16xf32>
          %mul3A_1400 = arith.mulf %mul3A_1399, %get3A_1398 : vector<16xf32>
          %add3A_1401 = arith.addf %add3A_1315, %mul3A_1400 : vector<16xf32>
          %get3A_1402 = arith.constant 0 : i32
          %get3A_1403 = arith.index_cast %get3A_1402 : i32 to index
          %get3A_1404 = arith.index_cast %scan3A_354 : i32 to index
          %get3A_1405 = arith.index_cast %add3A_1351 : i32 to index
          %get3A_1406 = arith.constant 80 : index
          %get3A_1407 = tpu.vector_load %arg6[%get3A_1403, %get3A_1404, %get3A_1405, %get3A_1406] {strides = array<i32>} : memref<2x8x32x128xf32, #tpu.memory_space<vmem>>, vector<1x1x1x16xf32>,
          %get3A_1408 = vector.shape_cast %get3A_1407 : vector<1x1x1x16xf32> to vector<16xf32>
          %mul3A_1409 = vector.broadcast %squeeze3A_1347 : f32 to vector<16xf32>
          %mul3A_1410 = arith.mulf %mul3A_1409, %get3A_1408 : vector<16xf32>
          %add3A_1411 = arith.addf %add3A_1325, %mul3A_1410 : vector<16xf32>
          %get3A_1412 = arith.constant 0 : i32
          %get3A_1413 = arith.index_cast %get3A_1412 : i32 to index
          %get3A_1414 = arith.index_cast %scan3A_354 : i32 to index
          %get3A_1415 = arith.index_cast %add3A_1351 : i32 to index
          %get3A_1416 = arith.constant 96 : index
          %get3A_1417 = tpu.vector_load %arg6[%get3A_1413, %get3A_1414, %get3A_1415, %get3A_1416] {strides = array<i32>} : memref<2x8x32x128xf32, #tpu.memory_space<vmem>>, vector<1x1x1x16xf32>,
          %get3A_1418 = vector.shape_cast %get3A_1417 : vector<1x1x1x16xf32> to vector<16xf32>
          %mul3A_1419 = vector.broadcast %squeeze3A_1347 : f32 to vector<16xf32>
          %mul3A_1420 = arith.mulf %mul3A_1419, %get3A_1418 : vector<16xf32>
          %add3A_1421 = arith.addf %add3A_1335, %mul3A_1420 : vector<16xf32>
          %get3A_1422 = arith.constant 0 : i32
          %get3A_1423 = arith.index_cast %get3A_1422 : i32 to index
          %get3A_1424 = arith.index_cast %scan3A_354 : i32 to index
          %get3A_1425 = arith.index_cast %add3A_1351 : i32 to index
          %get3A_1426 = arith.constant 112 : index
          %get3A_1427 = tpu.vector_load %arg6[%get3A_1423, %get3A_1424, %get3A_1425, %get3A_1426] {strides = array<i32>} : memref<2x8x32x128xf32, #tpu.memory_space<vmem>>, vector<1x1x1x16xf32>,
          %get3A_1428 = vector.shape_cast %get3A_1427 : vector<1x1x1x16xf32> to vector<16xf32>
          %mul3A_1429 = vector.broadcast %squeeze3A_1347 : f32 to vector<16xf32>
          %mul3A_1430 = arith.mulf %mul3A_1429, %get3A_1428 : vector<16xf32>
          %add3A_1431 = arith.addf %add3A_1345, %mul3A_1430 : vector<16xf32>
          %slice3A_1432 = vector.extract_strided_slice %get3A_487 {offsets = [11], sizes = [1], strides = [1]} : vector<16xf32> to vector<1xf32>
          %squeeze3A_1433 = vector.extract %slice3A_1432[0] : f32 from vector<1xf32>
          %mul3A_1434 = arith.constant 16 : i32
          %mul3A_1435 = arith.muli %scan3A_471, %mul3A_1434 : i32
          %add3A_1436 = arith.constant 11 : i32
          %add3A_1437 = arith.addi %mul3A_1435, %add3A_1436 : i32
          %get3A_1438 = arith.constant 0 : i32
          %get3A_1439 = arith.index_cast %get3A_1438 : i32 to index
          %get3A_1440 = arith.index_cast %scan3A_354 : i32 to index
          %get3A_1441 = arith.index_cast %add3A_1437 : i32 to index
          %get3A_1442 = arith.constant 0 : index
          %get3A_1443 = tpu.vector_load %arg6[%get3A_1439, %get3A_1440, %get3A_1441, %get3A_1442] {strides = array<i32>} : memref<2x8x32x128xf32, #tpu.memory_space<vmem>>, vector<1x1x1x16xf32>,
          %get3A_1444 = vector.shape_cast %get3A_1443 : vector<1x1x1x16xf32> to vector<16xf32>
          %mul3A_1445 = vector.broadcast %squeeze3A_1433 : f32 to vector<16xf32>
          %mul3A_1446 = arith.mulf %mul3A_1445, %get3A_1444 : vector<16xf32>
          %add3A_1447 = arith.addf %add3A_1361, %mul3A_1446 : vector<16xf32>
          %get3A_1448 = arith.constant 0 : i32
          %get3A_1449 = arith.index_cast %get3A_1448 : i32 to index
          %get3A_1450 = arith.index_cast %scan3A_354 : i32 to index
          %get3A_1451 = arith.index_cast %add3A_1437 : i32 to index
          %get3A_1452 = arith.constant 16 : index
          %get3A_1453 = tpu.vector_load %arg6[%get3A_1449, %get3A_1450, %get3A_1451, %get3A_1452] {strides = array<i32>} : memref<2x8x32x128xf32, #tpu.memory_space<vmem>>, vector<1x1x1x16xf32>,
          %get3A_1454 = vector.shape_cast %get3A_1453 : vector<1x1x1x16xf32> to vector<16xf32>
          %mul3A_1455 = vector.broadcast %squeeze3A_1433 : f32 to vector<16xf32>
          %mul3A_1456 = arith.mulf %mul3A_1455, %get3A_1454 : vector<16xf32>
          %add3A_1457 = arith.addf %add3A_1371, %mul3A_1456 : vector<16xf32>
          %get3A_1458 = arith.constant 0 : i32
          %get3A_1459 = arith.index_cast %get3A_1458 : i32 to index
          %get3A_1460 = arith.index_cast %scan3A_354 : i32 to index
          %get3A_1461 = arith.index_cast %add3A_1437 : i32 to index
          %get3A_1462 = arith.constant 32 : index
          %get3A_1463 = tpu.vector_load %arg6[%get3A_1459, %get3A_1460, %get3A_1461, %get3A_1462] {strides = array<i32>} : memref<2x8x32x128xf32, #tpu.memory_space<vmem>>, vector<1x1x1x16xf32>,
          %get3A_1464 = vector.shape_cast %get3A_1463 : vector<1x1x1x16xf32> to vector<16xf32>
          %mul3A_1465 = vector.broadcast %squeeze3A_1433 : f32 to vector<16xf32>
          %mul3A_1466 = arith.mulf %mul3A_1465, %get3A_1464 : vector<16xf32>
          %add3A_1467 = arith.addf %add3A_1381, %mul3A_1466 : vector<16xf32>
          %get3A_1468 = arith.constant 0 : i32
          %get3A_1469 = arith.index_cast %get3A_1468 : i32 to index
          %get3A_1470 = arith.index_cast %scan3A_354 : i32 to index
          %get3A_1471 = arith.index_cast %add3A_1437 : i32 to index
          %get3A_1472 = arith.constant 48 : index
          %get3A_1473 = tpu.vector_load %arg6[%get3A_1469, %get3A_1470, %get3A_1471, %get3A_1472] {strides = array<i32>} : memref<2x8x32x128xf32, #tpu.memory_space<vmem>>, vector<1x1x1x16xf32>,
          %get3A_1474 = vector.shape_cast %get3A_1473 : vector<1x1x1x16xf32> to vector<16xf32>
          %mul3A_1475 = vector.broadcast %squeeze3A_1433 : f32 to vector<16xf32>
          %mul3A_1476 = arith.mulf %mul3A_1475, %get3A_1474 : vector<16xf32>
          %add3A_1477 = arith.addf %add3A_1391, %mul3A_1476 : vector<16xf32>
          %get3A_1478 = arith.constant 0 : i32
          %get3A_1479 = arith.index_cast %get3A_1478 : i32 to index
          %get3A_1480 = arith.index_cast %scan3A_354 : i32 to index
          %get3A_1481 = arith.index_cast %add3A_1437 : i32 to index
          %get3A_1482 = arith.constant 64 : index
          %get3A_1483 = tpu.vector_load %arg6[%get3A_1479, %get3A_1480, %get3A_1481, %get3A_1482] {strides = array<i32>} : memref<2x8x32x128xf32, #tpu.memory_space<vmem>>, vector<1x1x1x16xf32>,
          %get3A_1484 = vector.shape_cast %get3A_1483 : vector<1x1x1x16xf32> to vector<16xf32>
          %mul3A_1485 = vector.broadcast %squeeze3A_1433 : f32 to vector<16xf32>
          %mul3A_1486 = arith.mulf %mul3A_1485, %get3A_1484 : vector<16xf32>
          %add3A_1487 = arith.addf %add3A_1401, %mul3A_1486 : vector<16xf32>
          %get3A_1488 = arith.constant 0 : i32
          %get3A_1489 = arith.index_cast %get3A_1488 : i32 to index
          %get3A_1490 = arith.index_cast %scan3A_354 : i32 to index
          %get3A_1491 = arith.index_cast %add3A_1437 : i32 to index
          %get3A_1492 = arith.constant 80 : index
          %get3A_1493 = tpu.vector_load %arg6[%get3A_1489, %get3A_1490, %get3A_1491, %get3A_1492] {strides = array<i32>} : memref<2x8x32x128xf32, #tpu.memory_space<vmem>>, vector<1x1x1x16xf32>,
          %get3A_1494 = vector.shape_cast %get3A_1493 : vector<1x1x1x16xf32> to vector<16xf32>
          %mul3A_1495 = vector.broadcast %squeeze3A_1433 : f32 to vector<16xf32>
          %mul3A_1496 = arith.mulf %mul3A_1495, %get3A_1494 : vector<16xf32>
          %add3A_1497 = arith.addf %add3A_1411, %mul3A_1496 : vector<16xf32>
          %get3A_1498 = arith.constant 0 : i32
          %get3A_1499 = arith.index_cast %get3A_1498 : i32 to index
          %get3A_1500 = arith.index_cast %scan3A_354 : i32 to index
          %get3A_1501 = arith.index_cast %add3A_1437 : i32 to index
          %get3A_1502 = arith.constant 96 : index
          %get3A_1503 = tpu.vector_load %arg6[%get3A_1499, %get3A_1500, %get3A_1501, %get3A_1502] {strides = array<i32>} : memref<2x8x32x128xf32, #tpu.memory_space<vmem>>, vector<1x1x1x16xf32>,
          %get3A_1504 = vector.shape_cast %get3A_1503 : vector<1x1x1x16xf32> to vector<16xf32>
          %mul3A_1505 = vector.broadcast %squeeze3A_1433 : f32 to vector<16xf32>
          %mul3A_1506 = arith.mulf %mul3A_1505, %get3A_1504 : vector<16xf32>
          %add3A_1507 = arith.addf %add3A_1421, %mul3A_1506 : vector<16xf32>
          %get3A_1508 = arith.constant 0 : i32
          %get3A_1509 = arith.index_cast %get3A_1508 : i32 to index
          %get3A_1510 = arith.index_cast %scan3A_354 : i32 to index
          %get3A_1511 = arith.index_cast %add3A_1437 : i32 to index
          %get3A_1512 = arith.constant 112 : index
          %get3A_1513 = tpu.vector_load %arg6[%get3A_1509, %get3A_1510, %get3A_1511, %get3A_1512] {strides = array<i32>} : memref<2x8x32x128xf32, #tpu.memory_space<vmem>>, vector<1x1x1x16xf32>,
          %get3A_1514 = vector.shape_cast %get3A_1513 : vector<1x1x1x16xf32> to vector<16xf32>
          %mul3A_1515 = vector.broadcast %squeeze3A_1433 : f32 to vector<16xf32>
          %mul3A_1516 = arith.mulf %mul3A_1515, %get3A_1514 : vector<16xf32>
          %add3A_1517 = arith.addf %add3A_1431, %mul3A_1516 : vector<16xf32>
          %slice3A_1518 = vector.extract_strided_slice %get3A_487 {offsets = [12], sizes = [1], strides = [1]} : vector<16xf32> to vector<1xf32>
          %squeeze3A_1519 = vector.extract %slice3A_1518[0] : f32 from vector<1xf32>
          %mul3A_1520 = arith.constant 16 : i32
          %mul3A_1521 = arith.muli %scan3A_471, %mul3A_1520 : i32
          %add3A_1522 = arith.constant 12 : i32
          %add3A_1523 = arith.addi %mul3A_1521, %add3A_1522 : i32
          %get3A_1524 = arith.constant 0 : i32
          %get3A_1525 = arith.index_cast %get3A_1524 : i32 to index
          %get3A_1526 = arith.index_cast %scan3A_354 : i32 to index
          %get3A_1527 = arith.index_cast %add3A_1523 : i32 to index
          %get3A_1528 = arith.constant 0 : index
          %get3A_1529 = tpu.vector_load %arg6[%get3A_1525, %get3A_1526, %get3A_1527, %get3A_1528] {strides = array<i32>} : memref<2x8x32x128xf32, #tpu.memory_space<vmem>>, vector<1x1x1x16xf32>,
          %get3A_1530 = vector.shape_cast %get3A_1529 : vector<1x1x1x16xf32> to vector<16xf32>
          %mul3A_1531 = vector.broadcast %squeeze3A_1519 : f32 to vector<16xf32>
          %mul3A_1532 = arith.mulf %mul3A_1531, %get3A_1530 : vector<16xf32>
          %add3A_1533 = arith.addf %add3A_1447, %mul3A_1532 : vector<16xf32>
          %get3A_1534 = arith.constant 0 : i32
          %get3A_1535 = arith.index_cast %get3A_1534 : i32 to index
          %get3A_1536 = arith.index_cast %scan3A_354 : i32 to index
          %get3A_1537 = arith.index_cast %add3A_1523 : i32 to index
          %get3A_1538 = arith.constant 16 : index
          %get3A_1539 = tpu.vector_load %arg6[%get3A_1535, %get3A_1536, %get3A_1537, %get3A_1538] {strides = array<i32>} : memref<2x8x32x128xf32, #tpu.memory_space<vmem>>, vector<1x1x1x16xf32>,
          %get3A_1540 = vector.shape_cast %get3A_1539 : vector<1x1x1x16xf32> to vector<16xf32>
          %mul3A_1541 = vector.broadcast %squeeze3A_1519 : f32 to vector<16xf32>
          %mul3A_1542 = arith.mulf %mul3A_1541, %get3A_1540 : vector<16xf32>
          %add3A_1543 = arith.addf %add3A_1457, %mul3A_1542 : vector<16xf32>
          %get3A_1544 = arith.constant 0 : i32
          %get3A_1545 = arith.index_cast %get3A_1544 : i32 to index
          %get3A_1546 = arith.index_cast %scan3A_354 : i32 to index
          %get3A_1547 = arith.index_cast %add3A_1523 : i32 to index
          %get3A_1548 = arith.constant 32 : index
          %get3A_1549 = tpu.vector_load %arg6[%get3A_1545, %get3A_1546, %get3A_1547, %get3A_1548] {strides = array<i32>} : memref<2x8x32x128xf32, #tpu.memory_space<vmem>>, vector<1x1x1x16xf32>,
          %get3A_1550 = vector.shape_cast %get3A_1549 : vector<1x1x1x16xf32> to vector<16xf32>
          %mul3A_1551 = vector.broadcast %squeeze3A_1519 : f32 to vector<16xf32>
          %mul3A_1552 = arith.mulf %mul3A_1551, %get3A_1550 : vector<16xf32>
          %add3A_1553 = arith.addf %add3A_1467, %mul3A_1552 : vector<16xf32>
          %get3A_1554 = arith.constant 0 : i32
          %get3A_1555 = arith.index_cast %get3A_1554 : i32 to index
          %get3A_1556 = arith.index_cast %scan3A_354 : i32 to index
          %get3A_1557 = arith.index_cast %add3A_1523 : i32 to index
          %get3A_1558 = arith.constant 48 : index
          %get3A_1559 = tpu.vector_load %arg6[%get3A_1555, %get3A_1556, %get3A_1557, %get3A_1558] {strides = array<i32>} : memref<2x8x32x128xf32, #tpu.memory_space<vmem>>, vector<1x1x1x16xf32>,
          %get3A_1560 = vector.shape_cast %get3A_1559 : vector<1x1x1x16xf32> to vector<16xf32>
          %mul3A_1561 = vector.broadcast %squeeze3A_1519 : f32 to vector<16xf32>
          %mul3A_1562 = arith.mulf %mul3A_1561, %get3A_1560 : vector<16xf32>
          %add3A_1563 = arith.addf %add3A_1477, %mul3A_1562 : vector<16xf32>
          %get3A_1564 = arith.constant 0 : i32
          %get3A_1565 = arith.index_cast %get3A_1564 : i32 to index
          %get3A_1566 = arith.index_cast %scan3A_354 : i32 to index
          %get3A_1567 = arith.index_cast %add3A_1523 : i32 to index
          %get3A_1568 = arith.constant 64 : index
          %get3A_1569 = tpu.vector_load %arg6[%get3A_1565, %get3A_1566, %get3A_1567, %get3A_1568] {strides = array<i32>} : memref<2x8x32x128xf32, #tpu.memory_space<vmem>>, vector<1x1x1x16xf32>,
          %get3A_1570 = vector.shape_cast %get3A_1569 : vector<1x1x1x16xf32> to vector<16xf32>
          %mul3A_1571 = vector.broadcast %squeeze3A_1519 : f32 to vector<16xf32>
          %mul3A_1572 = arith.mulf %mul3A_1571, %get3A_1570 : vector<16xf32>
          %add3A_1573 = arith.addf %add3A_1487, %mul3A_1572 : vector<16xf32>
          %get3A_1574 = arith.constant 0 : i32
          %get3A_1575 = arith.index_cast %get3A_1574 : i32 to index
          %get3A_1576 = arith.index_cast %scan3A_354 : i32 to index
          %get3A_1577 = arith.index_cast %add3A_1523 : i32 to index
          %get3A_1578 = arith.constant 80 : index
          %get3A_1579 = tpu.vector_load %arg6[%get3A_1575, %get3A_1576, %get3A_1577, %get3A_1578] {strides = array<i32>} : memref<2x8x32x128xf32, #tpu.memory_space<vmem>>, vector<1x1x1x16xf32>,
          %get3A_1580 = vector.shape_cast %get3A_1579 : vector<1x1x1x16xf32> to vector<16xf32>
          %mul3A_1581 = vector.broadcast %squeeze3A_1519 : f32 to vector<16xf32>
          %mul3A_1582 = arith.mulf %mul3A_1581, %get3A_1580 : vector<16xf32>
          %add3A_1583 = arith.addf %add3A_1497, %mul3A_1582 : vector<16xf32>
          %get3A_1584 = arith.constant 0 : i32
          %get3A_1585 = arith.index_cast %get3A_1584 : i32 to index
          %get3A_1586 = arith.index_cast %scan3A_354 : i32 to index
          %get3A_1587 = arith.index_cast %add3A_1523 : i32 to index
          %get3A_1588 = arith.constant 96 : index
          %get3A_1589 = tpu.vector_load %arg6[%get3A_1585, %get3A_1586, %get3A_1587, %get3A_1588] {strides = array<i32>} : memref<2x8x32x128xf32, #tpu.memory_space<vmem>>, vector<1x1x1x16xf32>,
          %get3A_1590 = vector.shape_cast %get3A_1589 : vector<1x1x1x16xf32> to vector<16xf32>
          %mul3A_1591 = vector.broadcast %squeeze3A_1519 : f32 to vector<16xf32>
          %mul3A_1592 = arith.mulf %mul3A_1591, %get3A_1590 : vector<16xf32>
          %add3A_1593 = arith.addf %add3A_1507, %mul3A_1592 : vector<16xf32>
          %get3A_1594 = arith.constant 0 : i32
          %get3A_1595 = arith.index_cast %get3A_1594 : i32 to index
          %get3A_1596 = arith.index_cast %scan3A_354 : i32 to index
          %get3A_1597 = arith.index_cast %add3A_1523 : i32 to index
          %get3A_1598 = arith.constant 112 : index
          %get3A_1599 = tpu.vector_load %arg6[%get3A_1595, %get3A_1596, %get3A_1597, %get3A_1598] {strides = array<i32>} : memref<2x8x32x128xf32, #tpu.memory_space<vmem>>, vector<1x1x1x16xf32>,
          %get3A_1600 = vector.shape_cast %get3A_1599 : vector<1x1x1x16xf32> to vector<16xf32>
          %mul3A_1601 = vector.broadcast %squeeze3A_1519 : f32 to vector<16xf32>
          %mul3A_1602 = arith.mulf %mul3A_1601, %get3A_1600 : vector<16xf32>
          %add3A_1603 = arith.addf %add3A_1517, %mul3A_1602 : vector<16xf32>
          %slice3A_1604 = vector.extract_strided_slice %get3A_487 {offsets = [13], sizes = [1], strides = [1]} : vector<16xf32> to vector<1xf32>
          %squeeze3A_1605 = vector.extract %slice3A_1604[0] : f32 from vector<1xf32>
          %mul3A_1606 = arith.constant 16 : i32
          %mul3A_1607 = arith.muli %scan3A_471, %mul3A_1606 : i32
          %add3A_1608 = arith.constant 13 : i32
          %add3A_1609 = arith.addi %mul3A_1607, %add3A_1608 : i32
          %get3A_1610 = arith.constant 0 : i32
          %get3A_1611 = arith.index_cast %get3A_1610 : i32 to index
          %get3A_1612 = arith.index_cast %scan3A_354 : i32 to index
          %get3A_1613 = arith.index_cast %add3A_1609 : i32 to index
          %get3A_1614 = arith.constant 0 : index
          %get3A_1615 = tpu.vector_load %arg6[%get3A_1611, %get3A_1612, %get3A_1613, %get3A_1614] {strides = array<i32>} : memref<2x8x32x128xf32, #tpu.memory_space<vmem>>, vector<1x1x1x16xf32>,
          %get3A_1616 = vector.shape_cast %get3A_1615 : vector<1x1x1x16xf32> to vector<16xf32>
          %mul3A_1617 = vector.broadcast %squeeze3A_1605 : f32 to vector<16xf32>
          %mul3A_1618 = arith.mulf %mul3A_1617, %get3A_1616 : vector<16xf32>
          %add3A_1619 = arith.addf %add3A_1533, %mul3A_1618 : vector<16xf32>
          %get3A_1620 = arith.constant 0 : i32
          %get3A_1621 = arith.index_cast %get3A_1620 : i32 to index
          %get3A_1622 = arith.index_cast %scan3A_354 : i32 to index
          %get3A_1623 = arith.index_cast %add3A_1609 : i32 to index
          %get3A_1624 = arith.constant 16 : index
          %get3A_1625 = tpu.vector_load %arg6[%get3A_1621, %get3A_1622, %get3A_1623, %get3A_1624] {strides = array<i32>} : memref<2x8x32x128xf32, #tpu.memory_space<vmem>>, vector<1x1x1x16xf32>,
          %get3A_1626 = vector.shape_cast %get3A_1625 : vector<1x1x1x16xf32> to vector<16xf32>
          %mul3A_1627 = vector.broadcast %squeeze3A_1605 : f32 to vector<16xf32>
          %mul3A_1628 = arith.mulf %mul3A_1627, %get3A_1626 : vector<16xf32>
          %add3A_1629 = arith.addf %add3A_1543, %mul3A_1628 : vector<16xf32>
          %get3A_1630 = arith.constant 0 : i32
          %get3A_1631 = arith.index_cast %get3A_1630 : i32 to index
          %get3A_1632 = arith.index_cast %scan3A_354 : i32 to index
          %get3A_1633 = arith.index_cast %add3A_1609 : i32 to index
          %get3A_1634 = arith.constant 32 : index
          %get3A_1635 = tpu.vector_load %arg6[%get3A_1631, %get3A_1632, %get3A_1633, %get3A_1634] {strides = array<i32>} : memref<2x8x32x128xf32, #tpu.memory_space<vmem>>, vector<1x1x1x16xf32>,
          %get3A_1636 = vector.shape_cast %get3A_1635 : vector<1x1x1x16xf32> to vector<16xf32>
          %mul3A_1637 = vector.broadcast %squeeze3A_1605 : f32 to vector<16xf32>
          %mul3A_1638 = arith.mulf %mul3A_1637, %get3A_1636 : vector<16xf32>
          %add3A_1639 = arith.addf %add3A_1553, %mul3A_1638 : vector<16xf32>
          %get3A_1640 = arith.constant 0 : i32
          %get3A_1641 = arith.index_cast %get3A_1640 : i32 to index
          %get3A_1642 = arith.index_cast %scan3A_354 : i32 to index
          %get3A_1643 = arith.index_cast %add3A_1609 : i32 to index
          %get3A_1644 = arith.constant 48 : index
          %get3A_1645 = tpu.vector_load %arg6[%get3A_1641, %get3A_1642, %get3A_1643, %get3A_1644] {strides = array<i32>} : memref<2x8x32x128xf32, #tpu.memory_space<vmem>>, vector<1x1x1x16xf32>,
          %get3A_1646 = vector.shape_cast %get3A_1645 : vector<1x1x1x16xf32> to vector<16xf32>
          %mul3A_1647 = vector.broadcast %squeeze3A_1605 : f32 to vector<16xf32>
          %mul3A_1648 = arith.mulf %mul3A_1647, %get3A_1646 : vector<16xf32>
          %add3A_1649 = arith.addf %add3A_1563, %mul3A_1648 : vector<16xf32>
          %get3A_1650 = arith.constant 0 : i32
          %get3A_1651 = arith.index_cast %get3A_1650 : i32 to index
          %get3A_1652 = arith.index_cast %scan3A_354 : i32 to index
          %get3A_1653 = arith.index_cast %add3A_1609 : i32 to index
          %get3A_1654 = arith.constant 64 : index
          %get3A_1655 = tpu.vector_load %arg6[%get3A_1651, %get3A_1652, %get3A_1653, %get3A_1654] {strides = array<i32>} : memref<2x8x32x128xf32, #tpu.memory_space<vmem>>, vector<1x1x1x16xf32>,
          %get3A_1656 = vector.shape_cast %get3A_1655 : vector<1x1x1x16xf32> to vector<16xf32>
          %mul3A_1657 = vector.broadcast %squeeze3A_1605 : f32 to vector<16xf32>
          %mul3A_1658 = arith.mulf %mul3A_1657, %get3A_1656 : vector<16xf32>
          %add3A_1659 = arith.addf %add3A_1573, %mul3A_1658 : vector<16xf32>
          %get3A_1660 = arith.constant 0 : i32
          %get3A_1661 = arith.index_cast %get3A_1660 : i32 to index
          %get3A_1662 = arith.index_cast %scan3A_354 : i32 to index
          %get3A_1663 = arith.index_cast %add3A_1609 : i32 to index
          %get3A_1664 = arith.constant 80 : index
          %get3A_1665 = tpu.vector_load %arg6[%get3A_1661, %get3A_1662, %get3A_1663, %get3A_1664] {strides = array<i32>} : memref<2x8x32x128xf32, #tpu.memory_space<vmem>>, vector<1x1x1x16xf32>,
          %get3A_1666 = vector.shape_cast %get3A_1665 : vector<1x1x1x16xf32> to vector<16xf32>
          %mul3A_1667 = vector.broadcast %squeeze3A_1605 : f32 to vector<16xf32>
          %mul3A_1668 = arith.mulf %mul3A_1667, %get3A_1666 : vector<16xf32>
          %add3A_1669 = arith.addf %add3A_1583, %mul3A_1668 : vector<16xf32>
          %get3A_1670 = arith.constant 0 : i32
          %get3A_1671 = arith.index_cast %get3A_1670 : i32 to index
          %get3A_1672 = arith.index_cast %scan3A_354 : i32 to index
          %get3A_1673 = arith.index_cast %add3A_1609 : i32 to index
          %get3A_1674 = arith.constant 96 : index
          %get3A_1675 = tpu.vector_load %arg6[%get3A_1671, %get3A_1672, %get3A_1673, %get3A_1674] {strides = array<i32>} : memref<2x8x32x128xf32, #tpu.memory_space<vmem>>, vector<1x1x1x16xf32>,
          %get3A_1676 = vector.shape_cast %get3A_1675 : vector<1x1x1x16xf32> to vector<16xf32>
          %mul3A_1677 = vector.broadcast %squeeze3A_1605 : f32 to vector<16xf32>
          %mul3A_1678 = arith.mulf %mul3A_1677, %get3A_1676 : vector<16xf32>
          %add3A_1679 = arith.addf %add3A_1593, %mul3A_1678 : vector<16xf32>
          %get3A_1680 = arith.constant 0 : i32
          %get3A_1681 = arith.index_cast %get3A_1680 : i32 to index
          %get3A_1682 = arith.index_cast %scan3A_354 : i32 to index
          %get3A_1683 = arith.index_cast %add3A_1609 : i32 to index
          %get3A_1684 = arith.constant 112 : index
          %get3A_1685 = tpu.vector_load %arg6[%get3A_1681, %get3A_1682, %get3A_1683, %get3A_1684] {strides = array<i32>} : memref<2x8x32x128xf32, #tpu.memory_space<vmem>>, vector<1x1x1x16xf32>,
          %get3A_1686 = vector.shape_cast %get3A_1685 : vector<1x1x1x16xf32> to vector<16xf32>
          %mul3A_1687 = vector.broadcast %squeeze3A_1605 : f32 to vector<16xf32>
          %mul3A_1688 = arith.mulf %mul3A_1687, %get3A_1686 : vector<16xf32>
          %add3A_1689 = arith.addf %add3A_1603, %mul3A_1688 : vector<16xf32>
          %slice3A_1690 = vector.extract_strided_slice %get3A_487 {offsets = [14], sizes = [1], strides = [1]} : vector<16xf32> to vector<1xf32>
          %squeeze3A_1691 = vector.extract %slice3A_1690[0] : f32 from vector<1xf32>
          %mul3A_1692 = arith.constant 16 : i32
          %mul3A_1693 = arith.muli %scan3A_471, %mul3A_1692 : i32
          %add3A_1694 = arith.constant 14 : i32
          %add3A_1695 = arith.addi %mul3A_1693, %add3A_1694 : i32
          %get3A_1696 = arith.constant 0 : i32
          %get3A_1697 = arith.index_cast %get3A_1696 : i32 to index
          %get3A_1698 = arith.index_cast %scan3A_354 : i32 to index
          %get3A_1699 = arith.index_cast %add3A_1695 : i32 to index
          %get3A_1700 = arith.constant 0 : index
          %get3A_1701 = tpu.vector_load %arg6[%get3A_1697, %get3A_1698, %get3A_1699, %get3A_1700] {strides = array<i32>} : memref<2x8x32x128xf32, #tpu.memory_space<vmem>>, vector<1x1x1x16xf32>,
          %get3A_1702 = vector.shape_cast %get3A_1701 : vector<1x1x1x16xf32> to vector<16xf32>
          %mul3A_1703 = vector.broadcast %squeeze3A_1691 : f32 to vector<16xf32>
          %mul3A_1704 = arith.mulf %mul3A_1703, %get3A_1702 : vector<16xf32>
          %add3A_1705 = arith.addf %add3A_1619, %mul3A_1704 : vector<16xf32>
          %get3A_1706 = arith.constant 0 : i32
          %get3A_1707 = arith.index_cast %get3A_1706 : i32 to index
          %get3A_1708 = arith.index_cast %scan3A_354 : i32 to index
          %get3A_1709 = arith.index_cast %add3A_1695 : i32 to index
          %get3A_1710 = arith.constant 16 : index
          %get3A_1711 = tpu.vector_load %arg6[%get3A_1707, %get3A_1708, %get3A_1709, %get3A_1710] {strides = array<i32>} : memref<2x8x32x128xf32, #tpu.memory_space<vmem>>, vector<1x1x1x16xf32>,
          %get3A_1712 = vector.shape_cast %get3A_1711 : vector<1x1x1x16xf32> to vector<16xf32>
          %mul3A_1713 = vector.broadcast %squeeze3A_1691 : f32 to vector<16xf32>
          %mul3A_1714 = arith.mulf %mul3A_1713, %get3A_1712 : vector<16xf32>
          %add3A_1715 = arith.addf %add3A_1629, %mul3A_1714 : vector<16xf32>
          %get3A_1716 = arith.constant 0 : i32
          %get3A_1717 = arith.index_cast %get3A_1716 : i32 to index
          %get3A_1718 = arith.index_cast %scan3A_354 : i32 to index
          %get3A_1719 = arith.index_cast %add3A_1695 : i32 to index
          %get3A_1720 = arith.constant 32 : index
          %get3A_1721 = tpu.vector_load %arg6[%get3A_1717, %get3A_1718, %get3A_1719, %get3A_1720] {strides = array<i32>} : memref<2x8x32x128xf32, #tpu.memory_space<vmem>>, vector<1x1x1x16xf32>,
          %get3A_1722 = vector.shape_cast %get3A_1721 : vector<1x1x1x16xf32> to vector<16xf32>
          %mul3A_1723 = vector.broadcast %squeeze3A_1691 : f32 to vector<16xf32>
          %mul3A_1724 = arith.mulf %mul3A_1723, %get3A_1722 : vector<16xf32>
          %add3A_1725 = arith.addf %add3A_1639, %mul3A_1724 : vector<16xf32>
          %get3A_1726 = arith.constant 0 : i32
          %get3A_1727 = arith.index_cast %get3A_1726 : i32 to index
          %get3A_1728 = arith.index_cast %scan3A_354 : i32 to index
          %get3A_1729 = arith.index_cast %add3A_1695 : i32 to index
          %get3A_1730 = arith.constant 48 : index
          %get3A_1731 = tpu.vector_load %arg6[%get3A_1727, %get3A_1728, %get3A_1729, %get3A_1730] {strides = array<i32>} : memref<2x8x32x128xf32, #tpu.memory_space<vmem>>, vector<1x1x1x16xf32>,
          %get3A_1732 = vector.shape_cast %get3A_1731 : vector<1x1x1x16xf32> to vector<16xf32>
          %mul3A_1733 = vector.broadcast %squeeze3A_1691 : f32 to vector<16xf32>
          %mul3A_1734 = arith.mulf %mul3A_1733, %get3A_1732 : vector<16xf32>
          %add3A_1735 = arith.addf %add3A_1649, %mul3A_1734 : vector<16xf32>
          %get3A_1736 = arith.constant 0 : i32
          %get3A_1737 = arith.index_cast %get3A_1736 : i32 to index
          %get3A_1738 = arith.index_cast %scan3A_354 : i32 to index
          %get3A_1739 = arith.index_cast %add3A_1695 : i32 to index
          %get3A_1740 = arith.constant 64 : index
          %get3A_1741 = tpu.vector_load %arg6[%get3A_1737, %get3A_1738, %get3A_1739, %get3A_1740] {strides = array<i32>} : memref<2x8x32x128xf32, #tpu.memory_space<vmem>>, vector<1x1x1x16xf32>,
          %get3A_1742 = vector.shape_cast %get3A_1741 : vector<1x1x1x16xf32> to vector<16xf32>
          %mul3A_1743 = vector.broadcast %squeeze3A_1691 : f32 to vector<16xf32>
          %mul3A_1744 = arith.mulf %mul3A_1743, %get3A_1742 : vector<16xf32>
          %add3A_1745 = arith.addf %add3A_1659, %mul3A_1744 : vector<16xf32>
          %get3A_1746 = arith.constant 0 : i32
          %get3A_1747 = arith.index_cast %get3A_1746 : i32 to index
          %get3A_1748 = arith.index_cast %scan3A_354 : i32 to index
          %get3A_1749 = arith.index_cast %add3A_1695 : i32 to index
          %get3A_1750 = arith.constant 80 : index
          %get3A_1751 = tpu.vector_load %arg6[%get3A_1747, %get3A_1748, %get3A_1749, %get3A_1750] {strides = array<i32>} : memref<2x8x32x128xf32, #tpu.memory_space<vmem>>, vector<1x1x1x16xf32>,
          %get3A_1752 = vector.shape_cast %get3A_1751 : vector<1x1x1x16xf32> to vector<16xf32>
          %mul3A_1753 = vector.broadcast %squeeze3A_1691 : f32 to vector<16xf32>
          %mul3A_1754 = arith.mulf %mul3A_1753, %get3A_1752 : vector<16xf32>
          %add3A_1755 = arith.addf %add3A_1669, %mul3A_1754 : vector<16xf32>
          %get3A_1756 = arith.constant 0 : i32
          %get3A_1757 = arith.index_cast %get3A_1756 : i32 to index
          %get3A_1758 = arith.index_cast %scan3A_354 : i32 to index
          %get3A_1759 = arith.index_cast %add3A_1695 : i32 to index
          %get3A_1760 = arith.constant 96 : index
          %get3A_1761 = tpu.vector_load %arg6[%get3A_1757, %get3A_1758, %get3A_1759, %get3A_1760] {strides = array<i32>} : memref<2x8x32x128xf32, #tpu.memory_space<vmem>>, vector<1x1x1x16xf32>,
          %get3A_1762 = vector.shape_cast %get3A_1761 : vector<1x1x1x16xf32> to vector<16xf32>
          %mul3A_1763 = vector.broadcast %squeeze3A_1691 : f32 to vector<16xf32>
          %mul3A_1764 = arith.mulf %mul3A_1763, %get3A_1762 : vector<16xf32>
          %add3A_1765 = arith.addf %add3A_1679, %mul3A_1764 : vector<16xf32>
          %get3A_1766 = arith.constant 0 : i32
          %get3A_1767 = arith.index_cast %get3A_1766 : i32 to index
          %get3A_1768 = arith.index_cast %scan3A_354 : i32 to index
          %get3A_1769 = arith.index_cast %add3A_1695 : i32 to index
          %get3A_1770 = arith.constant 112 : index
          %get3A_1771 = tpu.vector_load %arg6[%get3A_1767, %get3A_1768, %get3A_1769, %get3A_1770] {strides = array<i32>} : memref<2x8x32x128xf32, #tpu.memory_space<vmem>>, vector<1x1x1x16xf32>,
          %get3A_1772 = vector.shape_cast %get3A_1771 : vector<1x1x1x16xf32> to vector<16xf32>
          %mul3A_1773 = vector.broadcast %squeeze3A_1691 : f32 to vector<16xf32>
          %mul3A_1774 = arith.mulf %mul3A_1773, %get3A_1772 : vector<16xf32>
          %add3A_1775 = arith.addf %add3A_1689, %mul3A_1774 : vector<16xf32>
          %slice3A_1776 = vector.extract_strided_slice %get3A_487 {offsets = [15], sizes = [1], strides = [1]} : vector<16xf32> to vector<1xf32>
          %squeeze3A_1777 = vector.extract %slice3A_1776[0] : f32 from vector<1xf32>
          %mul3A_1778 = arith.constant 16 : i32
          %mul3A_1779 = arith.muli %scan3A_471, %mul3A_1778 : i32
          %add3A_1780 = arith.constant 15 : i32
          %add3A_1781 = arith.addi %mul3A_1779, %add3A_1780 : i32
          %get3A_1782 = arith.constant 0 : i32
          %get3A_1783 = arith.index_cast %get3A_1782 : i32 to index
          %get3A_1784 = arith.index_cast %scan3A_354 : i32 to index
          %get3A_1785 = arith.index_cast %add3A_1781 : i32 to index
          %get3A_1786 = arith.constant 0 : index
          %get3A_1787 = tpu.vector_load %arg6[%get3A_1783, %get3A_1784, %get3A_1785, %get3A_1786] {strides = array<i32>} : memref<2x8x32x128xf32, #tpu.memory_space<vmem>>, vector<1x1x1x16xf32>,
          %get3A_1788 = vector.shape_cast %get3A_1787 : vector<1x1x1x16xf32> to vector<16xf32>
          %mul3A_1789 = vector.broadcast %squeeze3A_1777 : f32 to vector<16xf32>
          %mul3A_1790 = arith.mulf %mul3A_1789, %get3A_1788 : vector<16xf32>
          %add3A_1791 = arith.addf %add3A_1705, %mul3A_1790 : vector<16xf32>
          %get3A_1792 = arith.constant 0 : i32
          %get3A_1793 = arith.index_cast %get3A_1792 : i32 to index
          %get3A_1794 = arith.index_cast %scan3A_354 : i32 to index
          %get3A_1795 = arith.index_cast %add3A_1781 : i32 to index
          %get3A_1796 = arith.constant 16 : index
          %get3A_1797 = tpu.vector_load %arg6[%get3A_1793, %get3A_1794, %get3A_1795, %get3A_1796] {strides = array<i32>} : memref<2x8x32x128xf32, #tpu.memory_space<vmem>>, vector<1x1x1x16xf32>,
          %get3A_1798 = vector.shape_cast %get3A_1797 : vector<1x1x1x16xf32> to vector<16xf32>
          %mul3A_1799 = vector.broadcast %squeeze3A_1777 : f32 to vector<16xf32>
          %mul3A_1800 = arith.mulf %mul3A_1799, %get3A_1798 : vector<16xf32>
          %add3A_1801 = arith.addf %add3A_1715, %mul3A_1800 : vector<16xf32>
          %get3A_1802 = arith.constant 0 : i32
          %get3A_1803 = arith.index_cast %get3A_1802 : i32 to index
          %get3A_1804 = arith.index_cast %scan3A_354 : i32 to index
          %get3A_1805 = arith.index_cast %add3A_1781 : i32 to index
          %get3A_1806 = arith.constant 32 : index
          %get3A_1807 = tpu.vector_load %arg6[%get3A_1803, %get3A_1804, %get3A_1805, %get3A_1806] {strides = array<i32>} : memref<2x8x32x128xf32, #tpu.memory_space<vmem>>, vector<1x1x1x16xf32>,
          %get3A_1808 = vector.shape_cast %get3A_1807 : vector<1x1x1x16xf32> to vector<16xf32>
          %mul3A_1809 = vector.broadcast %squeeze3A_1777 : f32 to vector<16xf32>
          %mul3A_1810 = arith.mulf %mul3A_1809, %get3A_1808 : vector<16xf32>
          %add3A_1811 = arith.addf %add3A_1725, %mul3A_1810 : vector<16xf32>
          %get3A_1812 = arith.constant 0 : i32
          %get3A_1813 = arith.index_cast %get3A_1812 : i32 to index
          %get3A_1814 = arith.index_cast %scan3A_354 : i32 to index
          %get3A_1815 = arith.index_cast %add3A_1781 : i32 to index
          %get3A_1816 = arith.constant 48 : index
          %get3A_1817 = tpu.vector_load %arg6[%get3A_1813, %get3A_1814, %get3A_1815, %get3A_1816] {strides = array<i32>} : memref<2x8x32x128xf32, #tpu.memory_space<vmem>>, vector<1x1x1x16xf32>,
          %get3A_1818 = vector.shape_cast %get3A_1817 : vector<1x1x1x16xf32> to vector<16xf32>
          %mul3A_1819 = vector.broadcast %squeeze3A_1777 : f32 to vector<16xf32>
          %mul3A_1820 = arith.mulf %mul3A_1819, %get3A_1818 : vector<16xf32>
          %add3A_1821 = arith.addf %add3A_1735, %mul3A_1820 : vector<16xf32>
          %get3A_1822 = arith.constant 0 : i32
          %get3A_1823 = arith.index_cast %get3A_1822 : i32 to index
          %get3A_1824 = arith.index_cast %scan3A_354 : i32 to index
          %get3A_1825 = arith.index_cast %add3A_1781 : i32 to index
          %get3A_1826 = arith.constant 64 : index
          %get3A_1827 = tpu.vector_load %arg6[%get3A_1823, %get3A_1824, %get3A_1825, %get3A_1826] {strides = array<i32>} : memref<2x8x32x128xf32, #tpu.memory_space<vmem>>, vector<1x1x1x16xf32>,
          %get3A_1828 = vector.shape_cast %get3A_1827 : vector<1x1x1x16xf32> to vector<16xf32>
          %mul3A_1829 = vector.broadcast %squeeze3A_1777 : f32 to vector<16xf32>
          %mul3A_1830 = arith.mulf %mul3A_1829, %get3A_1828 : vector<16xf32>
          %add3A_1831 = arith.addf %add3A_1745, %mul3A_1830 : vector<16xf32>
          %get3A_1832 = arith.constant 0 : i32
          %get3A_1833 = arith.index_cast %get3A_1832 : i32 to index
          %get3A_1834 = arith.index_cast %scan3A_354 : i32 to index
          %get3A_1835 = arith.index_cast %add3A_1781 : i32 to index
          %get3A_1836 = arith.constant 80 : index
          %get3A_1837 = tpu.vector_load %arg6[%get3A_1833, %get3A_1834, %get3A_1835, %get3A_1836] {strides = array<i32>} : memref<2x8x32x128xf32, #tpu.memory_space<vmem>>, vector<1x1x1x16xf32>,
          %get3A_1838 = vector.shape_cast %get3A_1837 : vector<1x1x1x16xf32> to vector<16xf32>
          %mul3A_1839 = vector.broadcast %squeeze3A_1777 : f32 to vector<16xf32>
          %mul3A_1840 = arith.mulf %mul3A_1839, %get3A_1838 : vector<16xf32>
          %add3A_1841 = arith.addf %add3A_1755, %mul3A_1840 : vector<16xf32>
          %get3A_1842 = arith.constant 0 : i32
          %get3A_1843 = arith.index_cast %get3A_1842 : i32 to index
          %get3A_1844 = arith.index_cast %scan3A_354 : i32 to index
          %get3A_1845 = arith.index_cast %add3A_1781 : i32 to index
          %get3A_1846 = arith.constant 96 : index
          %get3A_1847 = tpu.vector_load %arg6[%get3A_1843, %get3A_1844, %get3A_1845, %get3A_1846] {strides = array<i32>} : memref<2x8x32x128xf32, #tpu.memory_space<vmem>>, vector<1x1x1x16xf32>,
          %get3A_1848 = vector.shape_cast %get3A_1847 : vector<1x1x1x16xf32> to vector<16xf32>
          %mul3A_1849 = vector.broadcast %squeeze3A_1777 : f32 to vector<16xf32>
          %mul3A_1850 = arith.mulf %mul3A_1849, %get3A_1848 : vector<16xf32>
          %add3A_1851 = arith.addf %add3A_1765, %mul3A_1850 : vector<16xf32>
          %get3A_1852 = arith.constant 0 : i32
          %get3A_1853 = arith.index_cast %get3A_1852 : i32 to index
          %get3A_1854 = arith.index_cast %scan3A_354 : i32 to index
          %get3A_1855 = arith.index_cast %add3A_1781 : i32 to index
          %get3A_1856 = arith.constant 112 : index
          %get3A_1857 = tpu.vector_load %arg6[%get3A_1853, %get3A_1854, %get3A_1855, %get3A_1856] {strides = array<i32>} : memref<2x8x32x128xf32, #tpu.memory_space<vmem>>, vector<1x1x1x16xf32>,
          %get3A_1858 = vector.shape_cast %get3A_1857 : vector<1x1x1x16xf32> to vector<16xf32>
          %mul3A_1859 = vector.broadcast %squeeze3A_1777 : f32 to vector<16xf32>
          %mul3A_1860 = arith.mulf %mul3A_1859, %get3A_1858 : vector<16xf32>
          %add3A_1861 = arith.addf %add3A_1775, %mul3A_1860 : vector<16xf32>
          scf.yield %add3A_1791, %add3A_1801, %add3A_1811, %add3A_1821, %add3A_1831, %add3A_1841, %add3A_1851, %add3A_1861 : vector<16xf32>, vector<16xf32>, vector<16xf32>, vector<16xf32>, vector<16xf32>, vector<16xf32>, vector<16xf32>, vector<16xf32>
        }
        %scan3A_423 = arith.constant 2 : i32
        %add3A_424 = arith.addi %mul3A_227, %scan3A_354 : i32
        %swap3A = arith.index_cast %add3A_424 : i32 to index
        %swap3A_425 = arith.constant 0 : index
        %swap3A_426 = tpu.vector_load %arg9[%swap3A, %swap3A_425] {strides = array<i32>} : memref<200x128xf32, #tpu.memory_space<vmem>>, vector<1x16xf32>,
        %swap3A_427 = vector.shape_cast %swap3A_426 : vector<1x16xf32> to vector<16xf32>
        %swap3A_428 = vector.shape_cast %scan3A_422#0 : vector<16xf32> to vector<1x16xf32>
        tpu.vector_store %arg9[%swap3A, %swap3A_425], %swap3A_428 {strides = array<i32>} : memref<200x128xf32, #tpu.memory_space<vmem>>, vector<1x16xf32>,
        %add3A_429 = arith.addi %mul3A_227, %scan3A_354 : i32
        %swap3A_430 = arith.index_cast %add3A_429 : i32 to index
        %swap3A_431 = arith.constant 16 : index
        %swap3A_432 = tpu.vector_load %arg9[%swap3A_430, %swap3A_431] {strides = array<i32>} : memref<200x128xf32, #tpu.memory_space<vmem>>, vector<1x16xf32>,
        %swap3A_433 = vector.shape_cast %swap3A_432 : vector<1x16xf32> to vector<16xf32>
        %swap3A_434 = vector.shape_cast %scan3A_422#1 : vector<16xf32> to vector<1x16xf32>
        tpu.vector_store %arg9[%swap3A_430, %swap3A_431], %swap3A_434 {strides = array<i32>} : memref<200x128xf32, #tpu.memory_space<vmem>>, vector<1x16xf32>,
        %add3A_435 = arith.addi %mul3A_227, %scan3A_354 : i32
        %swap3A_436 = arith.index_cast %add3A_435 : i32 to index
        %swap3A_437 = arith.constant 32 : index
        %swap3A_438 = tpu.vector_load %arg9[%swap3A_436, %swap3A_437] {strides = array<i32>} : memref<200x128xf32, #tpu.memory_space<vmem>>, vector<1x16xf32>,
        %swap3A_439 = vector.shape_cast %swap3A_438 : vector<1x16xf32> to vector<16xf32>
        %swap3A_440 = vector.shape_cast %scan3A_422#2 : vector<16xf32> to vector<1x16xf32>
        tpu.vector_store %arg9[%swap3A_436, %swap3A_437], %swap3A_440 {strides = array<i32>} : memref<200x128xf32, #tpu.memory_space<vmem>>, vector<1x16xf32>,
        %add3A_441 = arith.addi %mul3A_227, %scan3A_354 : i32
        %swap3A_442 = arith.index_cast %add3A_441 : i32 to index
        %swap3A_443 = arith.constant 48 : index
        %swap3A_444 = tpu.vector_load %arg9[%swap3A_442, %swap3A_443] {strides = array<i32>} : memref<200x128xf32, #tpu.memory_space<vmem>>, vector<1x16xf32>,
        %swap3A_445 = vector.shape_cast %swap3A_444 : vector<1x16xf32> to vector<16xf32>
        %swap3A_446 = vector.shape_cast %scan3A_422#3 : vector<16xf32> to vector<1x16xf32>
        tpu.vector_store %arg9[%swap3A_442, %swap3A_443], %swap3A_446 {strides = array<i32>} : memref<200x128xf32, #tpu.memory_space<vmem>>, vector<1x16xf32>,
        %add3A_447 = arith.addi %mul3A_227, %scan3A_354 : i32
        %swap3A_448 = arith.index_cast %add3A_447 : i32 to index
        %swap3A_449 = arith.constant 64 : index
        %swap3A_450 = tpu.vector_load %arg9[%swap3A_448, %swap3A_449] {strides = array<i32>} : memref<200x128xf32, #tpu.memory_space<vmem>>, vector<1x16xf32>,
        %swap3A_451 = vector.shape_cast %swap3A_450 : vector<1x16xf32> to vector<16xf32>
        %swap3A_452 = vector.shape_cast %scan3A_422#4 : vector<16xf32> to vector<1x16xf32>
        tpu.vector_store %arg9[%swap3A_448, %swap3A_449], %swap3A_452 {strides = array<i32>} : memref<200x128xf32, #tpu.memory_space<vmem>>, vector<1x16xf32>,
        %add3A_453 = arith.addi %mul3A_227, %scan3A_354 : i32
        %swap3A_454 = arith.index_cast %add3A_453 : i32 to index
        %swap3A_455 = arith.constant 80 : index
        %swap3A_456 = tpu.vector_load %arg9[%swap3A_454, %swap3A_455] {strides = array<i32>} : memref<200x128xf32, #tpu.memory_space<vmem>>, vector<1x16xf32>,
        %swap3A_457 = vector.shape_cast %swap3A_456 : vector<1x16xf32> to vector<16xf32>
        %swap3A_458 = vector.shape_cast %scan3A_422#5 : vector<16xf32> to vector<1x16xf32>
        tpu.vector_store %arg9[%swap3A_454, %swap3A_455], %swap3A_458 {strides = array<i32>} : memref<200x128xf32, #tpu.memory_space<vmem>>, vector<1x16xf32>,
        %add3A_459 = arith.addi %mul3A_227, %scan3A_354 : i32
        %swap3A_460 = arith.index_cast %add3A_459 : i32 to index
        %swap3A_461 = arith.constant 96 : index
        %swap3A_462 = tpu.vector_load %arg9[%swap3A_460, %swap3A_461] {strides = array<i32>} : memref<200x128xf32, #tpu.memory_space<vmem>>, vector<1x16xf32>,
        %swap3A_463 = vector.shape_cast %swap3A_462 : vector<1x16xf32> to vector<16xf32>
        %swap3A_464 = vector.shape_cast %scan3A_422#6 : vector<16xf32> to vector<1x16xf32>
        tpu.vector_store %arg9[%swap3A_460, %swap3A_461], %swap3A_464 {strides = array<i32>} : memref<200x128xf32, #tpu.memory_space<vmem>>, vector<1x16xf32>,
        %add3A_465 = arith.addi %mul3A_227, %scan3A_354 : i32
        %swap3A_466 = arith.index_cast %add3A_465 : i32 to index
        %swap3A_467 = arith.constant 112 : index
        %swap3A_468 = tpu.vector_load %arg9[%swap3A_466, %swap3A_467] {strides = array<i32>} : memref<200x128xf32, #tpu.memory_space<vmem>>, vector<1x16xf32>,
        %swap3A_469 = vector.shape_cast %swap3A_468 : vector<1x16xf32> to vector<16xf32>
        %swap3A_470 = vector.shape_cast %scan3A_422#7 : vector<16xf32> to vector<1x16xf32>
        tpu.vector_store %arg9[%swap3A_466, %swap3A_467], %swap3A_470 {strides = array<i32>} : memref<200x128xf32, #tpu.memory_space<vmem>>, vector<1x16xf32>,
      }
      %scan3A_233 = arith.constant 8 : i32
      %mul3A_234 = arith.constant 2 : i32
      %mul3A_235 = arith.muli %mul3A_234, %scan3A_113 : i32
      %add3A_236 = arith.constant 1 : i32
      %add3A_237 = arith.addi %mul3A_235, %add3A_236 : i32
      %add3A_238 = arith.constant 1 : i32
      %add3A_239 = arith.addi %add3A_237, %add3A_238 : i32
      %min3A_240 = arith.constant 24 : i32
      %min3A_241 = arith.minsi %add3A_239, %min3A_240 : i32
      %mul3A_242 = arith.constant 8 : i32
      %mul3A_243 = arith.muli %min3A_241, %mul3A_242 : i32
      %add3A_244 = arith.addi %add3A_4, %mul3A_243 : i32
      %dma_start3A_245 = arith.constant 0 : i32
      %dma_start3A_246 = arith.constant 0 : i32
      %dma_start3A_247 = arith.constant 0 : i32
      %dma_start3A_248 = arith.constant 0 : i32
      %dma_start3A_249 = tpu.memref_slice %arg6[%dma_start3A_245, %dma_start3A_246, %dma_start3A_247, %dma_start3A_248] : memref<2x8x32x128xf32, #tpu.memory_space<vmem>> -> memref<1x8x32x128xf32, #tpu.memory_space<vmem>>
      %dma_start3A_250 = tpu.memref_squeeze %dma_start3A_249 : memref<1x8x32x128xf32, #tpu.memory_space<vmem>> -> memref<8x32x128xf32, #tpu.memory_space<vmem>>
      %dma_start3A_251 = arith.constant 0 : i32
      %dma_start3A_252 = arith.constant 0 : i32
      %dma_start3A_253 = tpu.memref_slice %arg4[%add3A_244, %dma_start3A_251, %dma_start3A_252] : memref<10000x32x128xf32, #tpu.memory_space<hbm>> -> memref<8x32x128xf32, #tpu.memory_space<hbm>>
      %dma_start3A_254 = arith.constant 0 : i32
      %dma_start3A_255 = arith.constant 0 : i32
      %dma_start3A_256 = arith.constant 0 : i32
      %dma_start3A_257 = tpu.memref_slice %arg6[%dma_start3A_245, %dma_start3A_254, %dma_start3A_255, %dma_start3A_256] : memref<2x8x32x128xf32, #tpu.memory_space<vmem>> -> memref<1x8x32x128xf32, #tpu.memory_space<vmem>>
      %dma_start3A_258 = tpu.memref_squeeze %dma_start3A_257 : memref<1x8x32x128xf32, #tpu.memory_space<vmem>> -> memref<8x32x128xf32, #tpu.memory_space<vmem>>
      %dma_start3A_259 = arith.constant 0 : i32
      %dma_start3A_260 = arith.constant 0 : i32
      %dma_start3A_261 = tpu.memref_slice %arg4[%add3A_244, %dma_start3A_259, %dma_start3A_260] : memref<10000x32x128xf32, #tpu.memory_space<hbm>> -> memref<8x32x128xf32, #tpu.memory_space<hbm>>
      tpu.enqueue_dma source(%dma_start3A_261 : memref<8x32x128xf32, #tpu.memory_space<hbm>>) target(%dma_start3A_258 : memref<8x32x128xf32, #tpu.memory_space<vmem>>) target_semaphore(%arg10 : memref<!tpu.dma_semaphore, #tpu.memory_space<semaphore_mem>>)
      %dma_start3A_262 = arith.constant 0 : i32
      %dma_start3A_263 = arith.constant 0 : i32
      %dma_start3A_264 = arith.constant 0 : i32
      %dma_start3A_265 = tpu.memref_slice %arg7[%dma_start3A_262, %dma_start3A_263, %dma_start3A_264] : memref<2x8x32xf32, #tpu.memory_space<vmem>> -> memref<1x8x32xf32, #tpu.memory_space<vmem>>
      %dma_start3A_266 = tpu.memref_squeeze %dma_start3A_265 : memref<1x8x32xf32, #tpu.memory_space<vmem>> -> memref<8x32xf32, #tpu.memory_space<vmem>>
      %dma_start3A_267 = arith.constant 0 : i32
      %dma_start3A_268 = tpu.memref_slice %arg3[%add3A_244, %dma_start3A_267] : memref<10000x32xf32, #tpu.memory_space<hbm>> -> memref<8x32xf32, #tpu.memory_space<hbm>>
      %dma_start3A_269 = arith.constant 0 : i32
      %dma_start3A_270 = arith.constant 0 : i32
      %dma_start3A_271 = tpu.memref_slice %arg7[%dma_start3A_262, %dma_start3A_269, %dma_start3A_270] : memref<2x8x32xf32, #tpu.memory_space<vmem>> -> memref<1x8x32xf32, #tpu.memory_space<vmem>>
      %dma_start3A_272 = tpu.memref_squeeze %dma_start3A_271 : memref<1x8x32xf32, #tpu.memory_space<vmem>> -> memref<8x32xf32, #tpu.memory_space<vmem>>
      %dma_start3A_273 = arith.constant 0 : i32
      %dma_start3A_274 = tpu.memref_slice %arg3[%add3A_244, %dma_start3A_273] : memref<10000x32xf32, #tpu.memory_space<hbm>> -> memref<8x32xf32, #tpu.memory_space<hbm>>
      tpu.enqueue_dma source(%dma_start3A_274 : memref<8x32xf32, #tpu.memory_space<hbm>>) target(%dma_start3A_272 : memref<8x32xf32, #tpu.memory_space<vmem>>) target_semaphore(%arg10 : memref<!tpu.dma_semaphore, #tpu.memory_space<semaphore_mem>>)
      %dma_start3A_275 = arith.constant 0 : i32
      %dma_start3A_276 = arith.constant 0 : i32
      %dma_start3A_277 = arith.constant 0 : i32
      %dma_start3A_278 = arith.constant 0 : i32
      %dma_start3A_279 = tpu.memref_slice %arg8[%dma_start3A_275, %dma_start3A_276, %dma_start3A_277, %dma_start3A_278] : memref<2x8x1x128xf32, #tpu.memory_space<vmem>> -> memref<1x8x1x128xf32, #tpu.memory_space<vmem>>
      %dma_start3A_280 = tpu.memref_squeeze %dma_start3A_279 : memref<1x8x1x128xf32, #tpu.memory_space<vmem>> -> memref<8x1x128xf32, #tpu.memory_space<vmem>>
      %dma_start3A_281 = arith.constant 0 : i32
      %dma_start3A_282 = arith.constant 0 : i32
      %dma_start3A_283 = tpu.memref_slice %arg2[%add3A_244, %dma_start3A_281, %dma_start3A_282] : memref<10000x32x128xf32, #tpu.memory_space<hbm>> -> memref<8x1x128xf32, #tpu.memory_space<hbm>>
      %dma_start3A_284 = arith.constant 0 : i32
      %dma_start3A_285 = arith.constant 0 : i32
      %dma_start3A_286 = arith.constant 0 : i32
      %dma_start3A_287 = tpu.memref_slice %arg8[%dma_start3A_275, %dma_start3A_284, %dma_start3A_285, %dma_start3A_286] : memref<2x8x1x128xf32, #tpu.memory_space<vmem>> -> memref<1x8x1x128xf32, #tpu.memory_space<vmem>>
      %dma_start3A_288 = tpu.memref_squeeze %dma_start3A_287 : memref<1x8x1x128xf32, #tpu.memory_space<vmem>> -> memref<8x1x128xf32, #tpu.memory_space<vmem>>
      %dma_start3A_289 = arith.constant 0 : i32
      %dma_start3A_290 = arith.constant 0 : i32
      %dma_start3A_291 = tpu.memref_slice %arg2[%add3A_244, %dma_start3A_289, %dma_start3A_290] : memref<10000x32x128xf32, #tpu.memory_space<hbm>> -> memref<8x1x128xf32, #tpu.memory_space<hbm>>
      tpu.enqueue_dma source(%dma_start3A_291 : memref<8x1x128xf32, #tpu.memory_space<hbm>>) target(%dma_start3A_288 : memref<8x1x128xf32, #tpu.memory_space<vmem>>) target_semaphore(%arg10 : memref<!tpu.dma_semaphore, #tpu.memory_space<semaphore_mem>>)
      %min3A_292 = arith.constant 24 : i32
      %min3A_293 = arith.minsi %add3A_237, %min3A_292 : i32
      %mul3A_294 = arith.constant 8 : i32
      %mul3A_295 = arith.muli %min3A_293, %mul3A_294 : i32
      %add3A_296 = arith.addi %add3A_4, %mul3A_295 : i32
      %dma_wait3A_297 = arith.constant 1 : i32
      %dma_wait3A_298 = arith.constant 0 : i32
      %dma_wait3A_299 = arith.constant 0 : i32
      %dma_wait3A_300 = arith.constant 0 : i32
      %dma_wait3A_301 = tpu.memref_slice %arg6[%dma_wait3A_297, %dma_wait3A_298, %dma_wait3A_299, %dma_wait3A_300] : memref<2x8x32x128xf32, #tpu.memory_space<vmem>> -> memref<1x8x32x128xf32, #tpu.memory_space<vmem>>
      %dma_wait3A_302 = tpu.memref_squeeze %dma_wait3A_301 : memref<1x8x32x128xf32, #tpu.memory_space<vmem>> -> memref<8x32x128xf32, #tpu.memory_space<vmem>>
      %dma_wait3A_303 = arith.constant 0 : i32
      %dma_wait3A_304 = arith.constant 0 : i32
      %dma_wait3A_305 = tpu.memref_slice %arg4[%add3A_296, %dma_wait3A_303, %dma_wait3A_304] : memref<10000x32x128xf32, #tpu.memory_space<hbm>> -> memref<8x32x128xf32, #tpu.memory_space<hbm>>
      %dma_wait3A_306 = arith.constant 0 : i32
      %dma_wait3A_307 = arith.constant 0 : i32
      %dma_wait3A_308 = arith.constant 0 : i32
      %dma_wait3A_309 = tpu.memref_slice %arg6[%dma_wait3A_297, %dma_wait3A_306, %dma_wait3A_307, %dma_wait3A_308] : memref<2x8x32x128xf32, #tpu.memory_space<vmem>> -> memref<1x8x32x128xf32, #tpu.memory_space<vmem>>
      %dma_wait3A_310 = tpu.memref_squeeze %dma_wait3A_309 : memref<1x8x32x128xf32, #tpu.memory_space<vmem>> -> memref<8x32x128xf32, #tpu.memory_space<vmem>>
      %dma_wait3A_311 = arith.constant 0 : i32
      %dma_wait3A_312 = arith.constant 0 : i32
      %dma_wait3A_313 = tpu.memref_slice %arg4[%add3A_296, %dma_wait3A_311, %dma_wait3A_312] : memref<10000x32x128xf32, #tpu.memory_space<hbm>> -> memref<8x32x128xf32, #tpu.memory_space<hbm>>
      tpu.wait_dma2 semaphore(%arg11 : memref<!tpu.dma_semaphore, #tpu.memory_space<semaphore_mem>>) src(%dma_wait3A_313 : memref<8x32x128xf32, #tpu.memory_space<hbm>>) dst(%dma_wait3A_310 : memref<8x32x128xf32, #tpu.memory_space<vmem>>)
      %dma_wait3A_314 = arith.constant 1 : i32
      %dma_wait3A_315 = arith.constant 0 : i32
      %dma_wait3A_316 = arith.constant 0 : i32
      %dma_wait3A_317 = tpu.memref_slice %arg7[%dma_wait3A_314, %dma_wait3A_315, %dma_wait3A_316] : memref<2x8x32xf32, #tpu.memory_space<vmem>> -> memref<1x8x32xf32, #tpu.memory_space<vmem>>
      %dma_wait3A_318 = tpu.memref_squeeze %dma_wait3A_317 : memref<1x8x32xf32, #tpu.memory_space<vmem>> -> memref<8x32xf32, #tpu.memory_space<vmem>>
      %dma_wait3A_319 = arith.constant 0 : i32
      %dma_wait3A_320 = tpu.memref_slice %arg3[%add3A_296, %dma_wait3A_319] : memref<10000x32xf32, #tpu.memory_space<hbm>> -> memref<8x32xf32, #tpu.memory_space<hbm>>
      %dma_wait3A_321 = arith.constant 0 : i32
      %dma_wait3A_322 = arith.constant 0 : i32
      %dma_wait3A_323 = tpu.memref_slice %arg7[%dma_wait3A_314, %dma_wait3A_321, %dma_wait3A_322] : memref<2x8x32xf32, #tpu.memory_space<vmem>> -> memref<1x8x32xf32, #tpu.memory_space<vmem>>
      %dma_wait3A_324 = tpu.memref_squeeze %dma_wait3A_323 : memref<1x8x32xf32, #tpu.memory_space<vmem>> -> memref<8x32xf32, #tpu.memory_space<vmem>>
      %dma_wait3A_325 = arith.constant 0 : i32
      %dma_wait3A_326 = tpu.memref_slice %arg3[%add3A_296, %dma_wait3A_325] : memref<10000x32xf32, #tpu.memory_space<hbm>> -> memref<8x32xf32, #tpu.memory_space<hbm>>
      tpu.wait_dma2 semaphore(%arg11 : memref<!tpu.dma_semaphore, #tpu.memory_space<semaphore_mem>>) src(%dma_wait3A_326 : memref<8x32xf32, #tpu.memory_space<hbm>>) dst(%dma_wait3A_324 : memref<8x32xf32, #tpu.memory_space<vmem>>)
      %dma_wait3A_327 = arith.constant 1 : i32
      %dma_wait3A_328 = arith.constant 0 : i32
      %dma_wait3A_329 = arith.constant 0 : i32
      %dma_wait3A_330 = arith.constant 0 : i32
      %dma_wait3A_331 = tpu.memref_slice %arg8[%dma_wait3A_327, %dma_wait3A_328, %dma_wait3A_329, %dma_wait3A_330] : memref<2x8x1x128xf32, #tpu.memory_space<vmem>> -> memref<1x8x1x128xf32, #tpu.memory_space<vmem>>
      %dma_wait3A_332 = tpu.memref_squeeze %dma_wait3A_331 : memref<1x8x1x128xf32, #tpu.memory_space<vmem>> -> memref<8x1x128xf32, #tpu.memory_space<vmem>>
      %dma_wait3A_333 = arith.constant 0 : i32
      %dma_wait3A_334 = arith.constant 0 : i32
      %dma_wait3A_335 = tpu.memref_slice %arg2[%add3A_296, %dma_wait3A_333, %dma_wait3A_334] : memref<10000x32x128xf32, #tpu.memory_space<hbm>> -> memref<8x1x128xf32, #tpu.memory_space<hbm>>
      %dma_wait3A_336 = arith.constant 0 : i32
      %dma_wait3A_337 = arith.constant 0 : i32
      %dma_wait3A_338 = arith.constant 0 : i32
      %dma_wait3A_339 = tpu.memref_slice %arg8[%dma_wait3A_327, %dma_wait3A_336, %dma_wait3A_337, %dma_wait3A_338] : memref<2x8x1x128xf32, #tpu.memory_space<vmem>> -> memref<1x8x1x128xf32, #tpu.memory_space<vmem>>
      %dma_wait3A_340 = tpu.memref_squeeze %dma_wait3A_339 : memref<1x8x1x128xf32, #tpu.memory_space<vmem>> -> memref<8x1x128xf32, #tpu.memory_space<vmem>>
      %dma_wait3A_341 = arith.constant 0 : i32
      %dma_wait3A_342 = arith.constant 0 : i32
      %dma_wait3A_343 = tpu.memref_slice %arg2[%add3A_296, %dma_wait3A_341, %dma_wait3A_342] : memref<10000x32x128xf32, #tpu.memory_space<hbm>> -> memref<8x1x128xf32, #tpu.memory_space<hbm>>
      tpu.wait_dma2 semaphore(%arg11 : memref<!tpu.dma_semaphore, #tpu.memory_space<semaphore_mem>>) src(%dma_wait3A_343 : memref<8x1x128xf32, #tpu.memory_space<hbm>>) dst(%dma_wait3A_340 : memref<8x1x128xf32, #tpu.memory_space<vmem>>)
      %min3A_344 = arith.constant 24 : i32
      %min3A_345 = arith.minsi %add3A_237, %min3A_344 : i32
      %mul3A_346 = arith.constant 8 : i32
      %mul3A_347 = arith.muli %min3A_345, %mul3A_346 : i32
      %scan3A_348 = arith.constant 0 : i32
      %scan3A_349 = arith.constant 0 : i32
      %scan3A_350 = arith.constant 8 : i32
      %scan3A_351 = arith.addi %scan3A_349, %scan3A_350 : i32
      %scan3A_352 = arith.constant 1 : i32
      scf.for %scan3A_354 = %scan3A_349 to %scan3A_351 step %scan3A_352  : i32 {
        %get3A = arith.constant 1 : i32
        %get3A_355 = arith.constant 0 : i32
        %get3A_356 = arith.index_cast %get3A : i32 to index
        %get3A_357 = arith.index_cast %scan3A_354 : i32 to index
        %get3A_358 = arith.index_cast %get3A_355 : i32 to index
        %get3A_359 = arith.constant 0 : index
        %get3A_360 = tpu.vector_load %arg8[%get3A_356, %get3A_357, %get3A_358, %get3A_359] {strides = array<i32>} : memref<2x8x1x128xf32, #tpu.memory_space<vmem>>, vector<1x1x1x16xf32>,
        %get3A_361 = vector.shape_cast %get3A_360 : vector<1x1x1x16xf32> to vector<16xf32>
        %get3A_362 = arith.constant 1 : i32
        %get3A_363 = arith.constant 0 : i32
        %get3A_364 = arith.index_cast %get3A_362 : i32 to index
        %get3A_365 = arith.index_cast %scan3A_354 : i32 to index
        %get3A_366 = arith.index_cast %get3A_363 : i32 to index
        %get3A_367 = arith.constant 16 : index
        %get3A_368 = tpu.vector_load %arg8[%get3A_364, %get3A_365, %get3A_366, %get3A_367] {strides = array<i32>} : memref<2x8x1x128xf32, #tpu.memory_space<vmem>>, vector<1x1x1x16xf32>,
        %get3A_369 = vector.shape_cast %get3A_368 : vector<1x1x1x16xf32> to vector<16xf32>
        %get3A_370 = arith.constant 1 : i32
        %get3A_371 = arith.constant 0 : i32
        %get3A_372 = arith.index_cast %get3A_370 : i32 to index
        %get3A_373 = arith.index_cast %scan3A_354 : i32 to index
        %get3A_374 = arith.index_cast %get3A_371 : i32 to index
        %get3A_375 = arith.constant 32 : index
        %get3A_376 = tpu.vector_load %arg8[%get3A_372, %get3A_373, %get3A_374, %get3A_375] {strides = array<i32>} : memref<2x8x1x128xf32, #tpu.memory_space<vmem>>, vector<1x1x1x16xf32>,
        %get3A_377 = vector.shape_cast %get3A_376 : vector<1x1x1x16xf32> to vector<16xf32>
        %get3A_378 = arith.constant 1 : i32
        %get3A_379 = arith.constant 0 : i32
        %get3A_380 = arith.index_cast %get3A_378 : i32 to index
        %get3A_381 = arith.index_cast %scan3A_354 : i32 to index
        %get3A_382 = arith.index_cast %get3A_379 : i32 to index
        %get3A_383 = arith.constant 48 : index
        %get3A_384 = tpu.vector_load %arg8[%get3A_380, %get3A_381, %get3A_382, %get3A_383] {strides = array<i32>} : memref<2x8x1x128xf32, #tpu.memory_space<vmem>>, vector<1x1x1x16xf32>,
        %get3A_385 = vector.shape_cast %get3A_384 : vector<1x1x1x16xf32> to vector<16xf32>
        %get3A_386 = arith.constant 1 : i32
        %get3A_387 = arith.constant 0 : i32
        %get3A_388 = arith.index_cast %get3A_386 : i32 to index
        %get3A_389 = arith.index_cast %scan3A_354 : i32 to index
        %get3A_390 = arith.index_cast %get3A_387 : i32 to index
        %get3A_391 = arith.constant 64 : index
        %get3A_392 = tpu.vector_load %arg8[%get3A_388, %get3A_389, %get3A_390, %get3A_391] {strides = array<i32>} : memref<2x8x1x128xf32, #tpu.memory_space<vmem>>, vector<1x1x1x16xf32>,
        %get3A_393 = vector.shape_cast %get3A_392 : vector<1x1x1x16xf32> to vector<16xf32>
        %get3A_394 = arith.constant 1 : i32
        %get3A_395 = arith.constant 0 : i32
        %get3A_396 = arith.index_cast %get3A_394 : i32 to index
        %get3A_397 = arith.index_cast %scan3A_354 : i32 to index
        %get3A_398 = arith.index_cast %get3A_395 : i32 to index
        %get3A_399 = arith.constant 80 : index
        %get3A_400 = tpu.vector_load %arg8[%get3A_396, %get3A_397, %get3A_398, %get3A_399] {strides = array<i32>} : memref<2x8x1x128xf32, #tpu.memory_space<vmem>>, vector<1x1x1x16xf32>,
        %get3A_401 = vector.shape_cast %get3A_400 : vector<1x1x1x16xf32> to vector<16xf32>
        %get3A_402 = arith.constant 1 : i32
        %get3A_403 = arith.constant 0 : i32
        %get3A_404 = arith.index_cast %get3A_402 : i32 to index
        %get3A_405 = arith.index_cast %scan3A_354 : i32 to index
        %get3A_406 = arith.index_cast %get3A_403 : i32 to index
        %get3A_407 = arith.constant 96 : index
        %get3A_408 = tpu.vector_load %arg8[%get3A_404, %get3A_405, %get3A_406, %get3A_407] {strides = array<i32>} : memref<2x8x1x128xf32, #tpu.memory_space<vmem>>, vector<1x1x1x16xf32>,
        %get3A_409 = vector.shape_cast %get3A_408 : vector<1x1x1x16xf32> to vector<16xf32>
        %get3A_410 = arith.constant 1 : i32
        %get3A_411 = arith.constant 0 : i32
        %get3A_412 = arith.index_cast %get3A_410 : i32 to index
        %get3A_413 = arith.index_cast %scan3A_354 : i32 to index
        %get3A_414 = arith.index_cast %get3A_411 : i32 to index
        %get3A_415 = arith.constant 112 : index
        %get3A_416 = tpu.vector_load %arg8[%get3A_412, %get3A_413, %get3A_414, %get3A_415] {strides = array<i32>} : memref<2x8x1x128xf32, #tpu.memory_space<vmem>>, vector<1x1x1x16xf32>,
        %get3A_417 = vector.shape_cast %get3A_416 : vector<1x1x1x16xf32> to vector<16xf32>
        %scan3A_418 = arith.constant 0 : i32
        %scan3A_419 = arith.constant 2 : i32
        %scan3A_420 = arith.addi %scan3A_418, %scan3A_419 : i32
        %scan3A_421 = arith.constant 1 : i32
        %scan3A_422:8 = scf.for %scan3A_471 = %scan3A_418 to %scan3A_420 step %scan3A_421 iter_args(%scan3A_472 = %get3A_361, %scan3A_473 = %get3A_369, %scan3A_474 = %get3A_377, %scan3A_475 = %get3A_385, %scan3A_476 = %get3A_393, %scan3A_477 = %get3A_401, %scan3A_478 = %get3A_409, %scan3A_479 = %get3A_417) -> (vector<16xf32>, vector<16xf32>, vector<16xf32>, vector<16xf32>, vector<16xf32>, vector<16xf32>, vector<16xf32>, vector<16xf32>)  : i32 {
          %mul3A_480 = arith.constant 16 : i32
          %mul3A_481 = arith.muli %scan3A_471, %mul3A_480 : i32
          %get3A_482 = arith.constant 1 : i32
          %get3A_483 = arith.index_cast %get3A_482 : i32 to index
          %get3A_484 = arith.index_cast %scan3A_354 : i32 to index
          %get3A_485 = arith.index_cast %mul3A_481 : i32 to index
          %get3A_486 = tpu.vector_load %arg7[%get3A_483, %get3A_484, %get3A_485] {strides = array<i32>} : memref<2x8x32xf32, #tpu.memory_space<vmem>>, vector<1x1x16xf32>,
          %get3A_487 = vector.shape_cast %get3A_486 : vector<1x1x16xf32> to vector<16xf32>
          %slice3A = vector.extract_strided_slice %get3A_487 {offsets = [0], sizes = [1], strides = [1]} : vector<16xf32> to vector<1xf32>
          %squeeze3A = vector.extract %slice3A[0] : f32 from vector<1xf32>
          %mul3A_488 = arith.constant 16 : i32
          %mul3A_489 = arith.muli %scan3A_471, %mul3A_488 : i32
          %add3A_490 = arith.constant 0 : i32
          %add3A_491 = arith.addi %mul3A_489, %add3A_490 : i32
          %get3A_492 = arith.constant 1 : i32
          %get3A_493 = arith.index_cast %get3A_492 : i32 to index
          %get3A_494 = arith.index_cast %scan3A_354 : i32 to index
          %get3A_495 = arith.index_cast %add3A_491 : i32 to index
          %get3A_496 = arith.constant 0 : index
          %get3A_497 = tpu.vector_load %arg6[%get3A_493, %get3A_494, %get3A_495, %get3A_496] {strides = array<i32>} : memref<2x8x32x128xf32, #tpu.memory_space<vmem>>, vector<1x1x1x16xf32>,
          %get3A_498 = vector.shape_cast %get3A_497 : vector<1x1x1x16xf32> to vector<16xf32>
          %mul3A_499 = vector.broadcast %squeeze3A : f32 to vector<16xf32>
          %mul3A_500 = arith.mulf %mul3A_499, %get3A_498 : vector<16xf32>
          %add3A_501 = arith.addf %scan3A_472, %mul3A_500 : vector<16xf32>
          %get3A_502 = arith.constant 1 : i32
          %get3A_503 = arith.index_cast %get3A_502 : i32 to index
          %get3A_504 = arith.index_cast %scan3A_354 : i32 to index
          %get3A_505 = arith.index_cast %add3A_491 : i32 to index
          %get3A_506 = arith.constant 16 : index
          %get3A_507 = tpu.vector_load %arg6[%get3A_503, %get3A_504, %get3A_505, %get3A_506] {strides = array<i32>} : memref<2x8x32x128xf32, #tpu.memory_space<vmem>>, vector<1x1x1x16xf32>,
          %get3A_508 = vector.shape_cast %get3A_507 : vector<1x1x1x16xf32> to vector<16xf32>
          %mul3A_509 = vector.broadcast %squeeze3A : f32 to vector<16xf32>
          %mul3A_510 = arith.mulf %mul3A_509, %get3A_508 : vector<16xf32>
          %add3A_511 = arith.addf %scan3A_473, %mul3A_510 : vector<16xf32>
          %get3A_512 = arith.constant 1 : i32
          %get3A_513 = arith.index_cast %get3A_512 : i32 to index
          %get3A_514 = arith.index_cast %scan3A_354 : i32 to index
          %get3A_515 = arith.index_cast %add3A_491 : i32 to index
          %get3A_516 = arith.constant 32 : index
          %get3A_517 = tpu.vector_load %arg6[%get3A_513, %get3A_514, %get3A_515, %get3A_516] {strides = array<i32>} : memref<2x8x32x128xf32, #tpu.memory_space<vmem>>, vector<1x1x1x16xf32>,
          %get3A_518 = vector.shape_cast %get3A_517 : vector<1x1x1x16xf32> to vector<16xf32>
          %mul3A_519 = vector.broadcast %squeeze3A : f32 to vector<16xf32>
          %mul3A_520 = arith.mulf %mul3A_519, %get3A_518 : vector<16xf32>
          %add3A_521 = arith.addf %scan3A_474, %mul3A_520 : vector<16xf32>
          %get3A_522 = arith.constant 1 : i32
          %get3A_523 = arith.index_cast %get3A_522 : i32 to index
          %get3A_524 = arith.index_cast %scan3A_354 : i32 to index
          %get3A_525 = arith.index_cast %add3A_491 : i32 to index
          %get3A_526 = arith.constant 48 : index
          %get3A_527 = tpu.vector_load %arg6[%get3A_523, %get3A_524, %get3A_525, %get3A_526] {strides = array<i32>} : memref<2x8x32x128xf32, #tpu.memory_space<vmem>>, vector<1x1x1x16xf32>,
          %get3A_528 = vector.shape_cast %get3A_527 : vector<1x1x1x16xf32> to vector<16xf32>
          %mul3A_529 = vector.broadcast %squeeze3A : f32 to vector<16xf32>
          %mul3A_530 = arith.mulf %mul3A_529, %get3A_528 : vector<16xf32>
          %add3A_531 = arith.addf %scan3A_475, %mul3A_530 : vector<16xf32>
          %get3A_532 = arith.constant 1 : i32
          %get3A_533 = arith.index_cast %get3A_532 : i32 to index
          %get3A_534 = arith.index_cast %scan3A_354 : i32 to index
          %get3A_535 = arith.index_cast %add3A_491 : i32 to index
          %get3A_536 = arith.constant 64 : index
          %get3A_537 = tpu.vector_load %arg6[%get3A_533, %get3A_534, %get3A_535, %get3A_536] {strides = array<i32>} : memref<2x8x32x128xf32, #tpu.memory_space<vmem>>, vector<1x1x1x16xf32>,
          %get3A_538 = vector.shape_cast %get3A_537 : vector<1x1x1x16xf32> to vector<16xf32>
          %mul3A_539 = vector.broadcast %squeeze3A : f32 to vector<16xf32>
          %mul3A_540 = arith.mulf %mul3A_539, %get3A_538 : vector<16xf32>
          %add3A_541 = arith.addf %scan3A_476, %mul3A_540 : vector<16xf32>
          %get3A_542 = arith.constant 1 : i32
          %get3A_543 = arith.index_cast %get3A_542 : i32 to index
          %get3A_544 = arith.index_cast %scan3A_354 : i32 to index
          %get3A_545 = arith.index_cast %add3A_491 : i32 to index
          %get3A_546 = arith.constant 80 : index
          %get3A_547 = tpu.vector_load %arg6[%get3A_543, %get3A_544, %get3A_545, %get3A_546] {strides = array<i32>} : memref<2x8x32x128xf32, #tpu.memory_space<vmem>>, vector<1x1x1x16xf32>,
          %get3A_548 = vector.shape_cast %get3A_547 : vector<1x1x1x16xf32> to vector<16xf32>
          %mul3A_549 = vector.broadcast %squeeze3A : f32 to vector<16xf32>
          %mul3A_550 = arith.mulf %mul3A_549, %get3A_548 : vector<16xf32>
          %add3A_551 = arith.addf %scan3A_477, %mul3A_550 : vector<16xf32>
          %get3A_552 = arith.constant 1 : i32
          %get3A_553 = arith.index_cast %get3A_552 : i32 to index
          %get3A_554 = arith.index_cast %scan3A_354 : i32 to index
          %get3A_555 = arith.index_cast %add3A_491 : i32 to index
          %get3A_556 = arith.constant 96 : index
          %get3A_557 = tpu.vector_load %arg6[%get3A_553, %get3A_554, %get3A_555, %get3A_556] {strides = array<i32>} : memref<2x8x32x128xf32, #tpu.memory_space<vmem>>, vector<1x1x1x16xf32>,
          %get3A_558 = vector.shape_cast %get3A_557 : vector<1x1x1x16xf32> to vector<16xf32>
          %mul3A_559 = vector.broadcast %squeeze3A : f32 to vector<16xf32>
          %mul3A_560 = arith.mulf %mul3A_559, %get3A_558 : vector<16xf32>
          %add3A_561 = arith.addf %scan3A_478, %mul3A_560 : vector<16xf32>
          %get3A_562 = arith.constant 1 : i32
          %get3A_563 = arith.index_cast %get3A_562 : i32 to index
          %get3A_564 = arith.index_cast %scan3A_354 : i32 to index
          %get3A_565 = arith.index_cast %add3A_491 : i32 to index
          %get3A_566 = arith.constant 112 : index
          %get3A_567 = tpu.vector_load %arg6[%get3A_563, %get3A_564, %get3A_565, %get3A_566] {strides = array<i32>} : memref<2x8x32x128xf32, #tpu.memory_space<vmem>>, vector<1x1x1x16xf32>,
          %get3A_568 = vector.shape_cast %get3A_567 : vector<1x1x1x16xf32> to vector<16xf32>
          %mul3A_569 = vector.broadcast %squeeze3A : f32 to vector<16xf32>
          %mul3A_570 = arith.mulf %mul3A_569, %get3A_568 : vector<16xf32>
          %add3A_571 = arith.addf %scan3A_479, %mul3A_570 : vector<16xf32>
          %slice3A_572 = vector.extract_strided_slice %get3A_487 {offsets = [1], sizes = [1], strides = [1]} : vector<16xf32> to vector<1xf32>
          %squeeze3A_573 = vector.extract %slice3A_572[0] : f32 from vector<1xf32>
          %mul3A_574 = arith.constant 16 : i32
          %mul3A_575 = arith.muli %scan3A_471, %mul3A_574 : i32
          %add3A_576 = arith.constant 1 : i32
          %add3A_577 = arith.addi %mul3A_575, %add3A_576 : i32
          %get3A_578 = arith.constant 1 : i32
          %get3A_579 = arith.index_cast %get3A_578 : i32 to index
          %get3A_580 = arith.index_cast %scan3A_354 : i32 to index
          %get3A_581 = arith.index_cast %add3A_577 : i32 to index
          %get3A_582 = arith.constant 0 : index
          %get3A_583 = tpu.vector_load %arg6[%get3A_579, %get3A_580, %get3A_581, %get3A_582] {strides = array<i32>} : memref<2x8x32x128xf32, #tpu.memory_space<vmem>>, vector<1x1x1x16xf32>,
          %get3A_584 = vector.shape_cast %get3A_583 : vector<1x1x1x16xf32> to vector<16xf32>
          %mul3A_585 = vector.broadcast %squeeze3A_573 : f32 to vector<16xf32>
          %mul3A_586 = arith.mulf %mul3A_585, %get3A_584 : vector<16xf32>
          %add3A_587 = arith.addf %add3A_501, %mul3A_586 : vector<16xf32>
          %get3A_588 = arith.constant 1 : i32
          %get3A_589 = arith.index_cast %get3A_588 : i32 to index
          %get3A_590 = arith.index_cast %scan3A_354 : i32 to index
          %get3A_591 = arith.index_cast %add3A_577 : i32 to index
          %get3A_592 = arith.constant 16 : index
          %get3A_593 = tpu.vector_load %arg6[%get3A_589, %get3A_590, %get3A_591, %get3A_592] {strides = array<i32>} : memref<2x8x32x128xf32, #tpu.memory_space<vmem>>, vector<1x1x1x16xf32>,
          %get3A_594 = vector.shape_cast %get3A_593 : vector<1x1x1x16xf32> to vector<16xf32>
          %mul3A_595 = vector.broadcast %squeeze3A_573 : f32 to vector<16xf32>
          %mul3A_596 = arith.mulf %mul3A_595, %get3A_594 : vector<16xf32>
          %add3A_597 = arith.addf %add3A_511, %mul3A_596 : vector<16xf32>
          %get3A_598 = arith.constant 1 : i32
          %get3A_599 = arith.index_cast %get3A_598 : i32 to index
          %get3A_600 = arith.index_cast %scan3A_354 : i32 to index
          %get3A_601 = arith.index_cast %add3A_577 : i32 to index
          %get3A_602 = arith.constant 32 : index
          %get3A_603 = tpu.vector_load %arg6[%get3A_599, %get3A_600, %get3A_601, %get3A_602] {strides = array<i32>} : memref<2x8x32x128xf32, #tpu.memory_space<vmem>>, vector<1x1x1x16xf32>,
          %get3A_604 = vector.shape_cast %get3A_603 : vector<1x1x1x16xf32> to vector<16xf32>
          %mul3A_605 = vector.broadcast %squeeze3A_573 : f32 to vector<16xf32>
          %mul3A_606 = arith.mulf %mul3A_605, %get3A_604 : vector<16xf32>
          %add3A_607 = arith.addf %add3A_521, %mul3A_606 : vector<16xf32>
          %get3A_608 = arith.constant 1 : i32
          %get3A_609 = arith.index_cast %get3A_608 : i32 to index
          %get3A_610 = arith.index_cast %scan3A_354 : i32 to index
          %get3A_611 = arith.index_cast %add3A_577 : i32 to index
          %get3A_612 = arith.constant 48 : index
          %get3A_613 = tpu.vector_load %arg6[%get3A_609, %get3A_610, %get3A_611, %get3A_612] {strides = array<i32>} : memref<2x8x32x128xf32, #tpu.memory_space<vmem>>, vector<1x1x1x16xf32>,
          %get3A_614 = vector.shape_cast %get3A_613 : vector<1x1x1x16xf32> to vector<16xf32>
          %mul3A_615 = vector.broadcast %squeeze3A_573 : f32 to vector<16xf32>
          %mul3A_616 = arith.mulf %mul3A_615, %get3A_614 : vector<16xf32>
          %add3A_617 = arith.addf %add3A_531, %mul3A_616 : vector<16xf32>
          %get3A_618 = arith.constant 1 : i32
          %get3A_619 = arith.index_cast %get3A_618 : i32 to index
          %get3A_620 = arith.index_cast %scan3A_354 : i32 to index
          %get3A_621 = arith.index_cast %add3A_577 : i32 to index
          %get3A_622 = arith.constant 64 : index
          %get3A_623 = tpu.vector_load %arg6[%get3A_619, %get3A_620, %get3A_621, %get3A_622] {strides = array<i32>} : memref<2x8x32x128xf32, #tpu.memory_space<vmem>>, vector<1x1x1x16xf32>,
          %get3A_624 = vector.shape_cast %get3A_623 : vector<1x1x1x16xf32> to vector<16xf32>
          %mul3A_625 = vector.broadcast %squeeze3A_573 : f32 to vector<16xf32>
          %mul3A_626 = arith.mulf %mul3A_625, %get3A_624 : vector<16xf32>
          %add3A_627 = arith.addf %add3A_541, %mul3A_626 : vector<16xf32>
          %get3A_628 = arith.constant 1 : i32
          %get3A_629 = arith.index_cast %get3A_628 : i32 to index
          %get3A_630 = arith.index_cast %scan3A_354 : i32 to index
          %get3A_631 = arith.index_cast %add3A_577 : i32 to index
          %get3A_632 = arith.constant 80 : index
          %get3A_633 = tpu.vector_load %arg6[%get3A_629, %get3A_630, %get3A_631, %get3A_632] {strides = array<i32>} : memref<2x8x32x128xf32, #tpu.memory_space<vmem>>, vector<1x1x1x16xf32>,
          %get3A_634 = vector.shape_cast %get3A_633 : vector<1x1x1x16xf32> to vector<16xf32>
          %mul3A_635 = vector.broadcast %squeeze3A_573 : f32 to vector<16xf32>
          %mul3A_636 = arith.mulf %mul3A_635, %get3A_634 : vector<16xf32>
          %add3A_637 = arith.addf %add3A_551, %mul3A_636 : vector<16xf32>
          %get3A_638 = arith.constant 1 : i32
          %get3A_639 = arith.index_cast %get3A_638 : i32 to index
          %get3A_640 = arith.index_cast %scan3A_354 : i32 to index
          %get3A_641 = arith.index_cast %add3A_577 : i32 to index
          %get3A_642 = arith.constant 96 : index
          %get3A_643 = tpu.vector_load %arg6[%get3A_639, %get3A_640, %get3A_641, %get3A_642] {strides = array<i32>} : memref<2x8x32x128xf32, #tpu.memory_space<vmem>>, vector<1x1x1x16xf32>,
          %get3A_644 = vector.shape_cast %get3A_643 : vector<1x1x1x16xf32> to vector<16xf32>
          %mul3A_645 = vector.broadcast %squeeze3A_573 : f32 to vector<16xf32>
          %mul3A_646 = arith.mulf %mul3A_645, %get3A_644 : vector<16xf32>
          %add3A_647 = arith.addf %add3A_561, %mul3A_646 : vector<16xf32>
          %get3A_648 = arith.constant 1 : i32
          %get3A_649 = arith.index_cast %get3A_648 : i32 to index
          %get3A_650 = arith.index_cast %scan3A_354 : i32 to index
          %get3A_651 = arith.index_cast %add3A_577 : i32 to index
          %get3A_652 = arith.constant 112 : index
          %get3A_653 = tpu.vector_load %arg6[%get3A_649, %get3A_650, %get3A_651, %get3A_652] {strides = array<i32>} : memref<2x8x32x128xf32, #tpu.memory_space<vmem>>, vector<1x1x1x16xf32>,
          %get3A_654 = vector.shape_cast %get3A_653 : vector<1x1x1x16xf32> to vector<16xf32>
          %mul3A_655 = vector.broadcast %squeeze3A_573 : f32 to vector<16xf32>
          %mul3A_656 = arith.mulf %mul3A_655, %get3A_654 : vector<16xf32>
          %add3A_657 = arith.addf %add3A_571, %mul3A_656 : vector<16xf32>
          %slice3A_658 = vector.extract_strided_slice %get3A_487 {offsets = [2], sizes = [1], strides = [1]} : vector<16xf32> to vector<1xf32>
          %squeeze3A_659 = vector.extract %slice3A_658[0] : f32 from vector<1xf32>
          %mul3A_660 = arith.constant 16 : i32
          %mul3A_661 = arith.muli %scan3A_471, %mul3A_660 : i32
          %add3A_662 = arith.constant 2 : i32
          %add3A_663 = arith.addi %mul3A_661, %add3A_662 : i32
          %get3A_664 = arith.constant 1 : i32
          %get3A_665 = arith.index_cast %get3A_664 : i32 to index
          %get3A_666 = arith.index_cast %scan3A_354 : i32 to index
          %get3A_667 = arith.index_cast %add3A_663 : i32 to index
          %get3A_668 = arith.constant 0 : index
          %get3A_669 = tpu.vector_load %arg6[%get3A_665, %get3A_666, %get3A_667, %get3A_668] {strides = array<i32>} : memref<2x8x32x128xf32, #tpu.memory_space<vmem>>, vector<1x1x1x16xf32>,
          %get3A_670 = vector.shape_cast %get3A_669 : vector<1x1x1x16xf32> to vector<16xf32>
          %mul3A_671 = vector.broadcast %squeeze3A_659 : f32 to vector<16xf32>
          %mul3A_672 = arith.mulf %mul3A_671, %get3A_670 : vector<16xf32>
          %add3A_673 = arith.addf %add3A_587, %mul3A_672 : vector<16xf32>
          %get3A_674 = arith.constant 1 : i32
          %get3A_675 = arith.index_cast %get3A_674 : i32 to index
          %get3A_676 = arith.index_cast %scan3A_354 : i32 to index
          %get3A_677 = arith.index_cast %add3A_663 : i32 to index
          %get3A_678 = arith.constant 16 : index
          %get3A_679 = tpu.vector_load %arg6[%get3A_675, %get3A_676, %get3A_677, %get3A_678] {strides = array<i32>} : memref<2x8x32x128xf32, #tpu.memory_space<vmem>>, vector<1x1x1x16xf32>,
          %get3A_680 = vector.shape_cast %get3A_679 : vector<1x1x1x16xf32> to vector<16xf32>
          %mul3A_681 = vector.broadcast %squeeze3A_659 : f32 to vector<16xf32>
          %mul3A_682 = arith.mulf %mul3A_681, %get3A_680 : vector<16xf32>
          %add3A_683 = arith.addf %add3A_597, %mul3A_682 : vector<16xf32>
          %get3A_684 = arith.constant 1 : i32
          %get3A_685 = arith.index_cast %get3A_684 : i32 to index
          %get3A_686 = arith.index_cast %scan3A_354 : i32 to index
          %get3A_687 = arith.index_cast %add3A_663 : i32 to index
          %get3A_688 = arith.constant 32 : index
          %get3A_689 = tpu.vector_load %arg6[%get3A_685, %get3A_686, %get3A_687, %get3A_688] {strides = array<i32>} : memref<2x8x32x128xf32, #tpu.memory_space<vmem>>, vector<1x1x1x16xf32>,
          %get3A_690 = vector.shape_cast %get3A_689 : vector<1x1x1x16xf32> to vector<16xf32>
          %mul3A_691 = vector.broadcast %squeeze3A_659 : f32 to vector<16xf32>
          %mul3A_692 = arith.mulf %mul3A_691, %get3A_690 : vector<16xf32>
          %add3A_693 = arith.addf %add3A_607, %mul3A_692 : vector<16xf32>
          %get3A_694 = arith.constant 1 : i32
          %get3A_695 = arith.index_cast %get3A_694 : i32 to index
          %get3A_696 = arith.index_cast %scan3A_354 : i32 to index
          %get3A_697 = arith.index_cast %add3A_663 : i32 to index
          %get3A_698 = arith.constant 48 : index
          %get3A_699 = tpu.vector_load %arg6[%get3A_695, %get3A_696, %get3A_697, %get3A_698] {strides = array<i32>} : memref<2x8x32x128xf32, #tpu.memory_space<vmem>>, vector<1x1x1x16xf32>,
          %get3A_700 = vector.shape_cast %get3A_699 : vector<1x1x1x16xf32> to vector<16xf32>
          %mul3A_701 = vector.broadcast %squeeze3A_659 : f32 to vector<16xf32>
          %mul3A_702 = arith.mulf %mul3A_701, %get3A_700 : vector<16xf32>
          %add3A_703 = arith.addf %add3A_617, %mul3A_702 : vector<16xf32>
          %get3A_704 = arith.constant 1 : i32
          %get3A_705 = arith.index_cast %get3A_704 : i32 to index
          %get3A_706 = arith.index_cast %scan3A_354 : i32 to index
          %get3A_707 = arith.index_cast %add3A_663 : i32 to index
          %get3A_708 = arith.constant 64 : index
          %get3A_709 = tpu.vector_load %arg6[%get3A_705, %get3A_706, %get3A_707, %get3A_708] {strides = array<i32>} : memref<2x8x32x128xf32, #tpu.memory_space<vmem>>, vector<1x1x1x16xf32>,
          %get3A_710 = vector.shape_cast %get3A_709 : vector<1x1x1x16xf32> to vector<16xf32>
          %mul3A_711 = vector.broadcast %squeeze3A_659 : f32 to vector<16xf32>
          %mul3A_712 = arith.mulf %mul3A_711, %get3A_710 : vector<16xf32>
          %add3A_713 = arith.addf %add3A_627, %mul3A_712 : vector<16xf32>
          %get3A_714 = arith.constant 1 : i32
          %get3A_715 = arith.index_cast %get3A_714 : i32 to index
          %get3A_716 = arith.index_cast %scan3A_354 : i32 to index
          %get3A_717 = arith.index_cast %add3A_663 : i32 to index
          %get3A_718 = arith.constant 80 : index
          %get3A_719 = tpu.vector_load %arg6[%get3A_715, %get3A_716, %get3A_717, %get3A_718] {strides = array<i32>} : memref<2x8x32x128xf32, #tpu.memory_space<vmem>>, vector<1x1x1x16xf32>,
          %get3A_720 = vector.shape_cast %get3A_719 : vector<1x1x1x16xf32> to vector<16xf32>
          %mul3A_721 = vector.broadcast %squeeze3A_659 : f32 to vector<16xf32>
          %mul3A_722 = arith.mulf %mul3A_721, %get3A_720 : vector<16xf32>
          %add3A_723 = arith.addf %add3A_637, %mul3A_722 : vector<16xf32>
          %get3A_724 = arith.constant 1 : i32
          %get3A_725 = arith.index_cast %get3A_724 : i32 to index
          %get3A_726 = arith.index_cast %scan3A_354 : i32 to index
          %get3A_727 = arith.index_cast %add3A_663 : i32 to index
          %get3A_728 = arith.constant 96 : index
          %get3A_729 = tpu.vector_load %arg6[%get3A_725, %get3A_726, %get3A_727, %get3A_728] {strides = array<i32>} : memref<2x8x32x128xf32, #tpu.memory_space<vmem>>, vector<1x1x1x16xf32>,
          %get3A_730 = vector.shape_cast %get3A_729 : vector<1x1x1x16xf32> to vector<16xf32>
          %mul3A_731 = vector.broadcast %squeeze3A_659 : f32 to vector<16xf32>
          %mul3A_732 = arith.mulf %mul3A_731, %get3A_730 : vector<16xf32>
          %add3A_733 = arith.addf %add3A_647, %mul3A_732 : vector<16xf32>
          %get3A_734 = arith.constant 1 : i32
          %get3A_735 = arith.index_cast %get3A_734 : i32 to index
          %get3A_736 = arith.index_cast %scan3A_354 : i32 to index
          %get3A_737 = arith.index_cast %add3A_663 : i32 to index
          %get3A_738 = arith.constant 112 : index
          %get3A_739 = tpu.vector_load %arg6[%get3A_735, %get3A_736, %get3A_737, %get3A_738] {strides = array<i32>} : memref<2x8x32x128xf32, #tpu.memory_space<vmem>>, vector<1x1x1x16xf32>,
          %get3A_740 = vector.shape_cast %get3A_739 : vector<1x1x1x16xf32> to vector<16xf32>
          %mul3A_741 = vector.broadcast %squeeze3A_659 : f32 to vector<16xf32>
          %mul3A_742 = arith.mulf %mul3A_741, %get3A_740 : vector<16xf32>
          %add3A_743 = arith.addf %add3A_657, %mul3A_742 : vector<16xf32>
          %slice3A_744 = vector.extract_strided_slice %get3A_487 {offsets = [3], sizes = [1], strides = [1]} : vector<16xf32> to vector<1xf32>
          %squeeze3A_745 = vector.extract %slice3A_744[0] : f32 from vector<1xf32>
          %mul3A_746 = arith.constant 16 : i32
          %mul3A_747 = arith.muli %scan3A_471, %mul3A_746 : i32
          %add3A_748 = arith.constant 3 : i32
          %add3A_749 = arith.addi %mul3A_747, %add3A_748 : i32
          %get3A_750 = arith.constant 1 : i32
          %get3A_751 = arith.index_cast %get3A_750 : i32 to index
          %get3A_752 = arith.index_cast %scan3A_354 : i32 to index
          %get3A_753 = arith.index_cast %add3A_749 : i32 to index
          %get3A_754 = arith.constant 0 : index
          %get3A_755 = tpu.vector_load %arg6[%get3A_751, %get3A_752, %get3A_753, %get3A_754] {strides = array<i32>} : memref<2x8x32x128xf32, #tpu.memory_space<vmem>>, vector<1x1x1x16xf32>,
          %get3A_756 = vector.shape_cast %get3A_755 : vector<1x1x1x16xf32> to vector<16xf32>
          %mul3A_757 = vector.broadcast %squeeze3A_745 : f32 to vector<16xf32>
          %mul3A_758 = arith.mulf %mul3A_757, %get3A_756 : vector<16xf32>
          %add3A_759 = arith.addf %add3A_673, %mul3A_758 : vector<16xf32>
          %get3A_760 = arith.constant 1 : i32
          %get3A_761 = arith.index_cast %get3A_760 : i32 to index
          %get3A_762 = arith.index_cast %scan3A_354 : i32 to index
          %get3A_763 = arith.index_cast %add3A_749 : i32 to index
          %get3A_764 = arith.constant 16 : index
          %get3A_765 = tpu.vector_load %arg6[%get3A_761, %get3A_762, %get3A_763, %get3A_764] {strides = array<i32>} : memref<2x8x32x128xf32, #tpu.memory_space<vmem>>, vector<1x1x1x16xf32>,
          %get3A_766 = vector.shape_cast %get3A_765 : vector<1x1x1x16xf32> to vector<16xf32>
          %mul3A_767 = vector.broadcast %squeeze3A_745 : f32 to vector<16xf32>
          %mul3A_768 = arith.mulf %mul3A_767, %get3A_766 : vector<16xf32>
          %add3A_769 = arith.addf %add3A_683, %mul3A_768 : vector<16xf32>
          %get3A_770 = arith.constant 1 : i32
          %get3A_771 = arith.index_cast %get3A_770 : i32 to index
          %get3A_772 = arith.index_cast %scan3A_354 : i32 to index
          %get3A_773 = arith.index_cast %add3A_749 : i32 to index
          %get3A_774 = arith.constant 32 : index
          %get3A_775 = tpu.vector_load %arg6[%get3A_771, %get3A_772, %get3A_773, %get3A_774] {strides = array<i32>} : memref<2x8x32x128xf32, #tpu.memory_space<vmem>>, vector<1x1x1x16xf32>,
          %get3A_776 = vector.shape_cast %get3A_775 : vector<1x1x1x16xf32> to vector<16xf32>
          %mul3A_777 = vector.broadcast %squeeze3A_745 : f32 to vector<16xf32>
          %mul3A_778 = arith.mulf %mul3A_777, %get3A_776 : vector<16xf32>
          %add3A_779 = arith.addf %add3A_693, %mul3A_778 : vector<16xf32>
          %get3A_780 = arith.constant 1 : i32
          %get3A_781 = arith.index_cast %get3A_780 : i32 to index
          %get3A_782 = arith.index_cast %scan3A_354 : i32 to index
          %get3A_783 = arith.index_cast %add3A_749 : i32 to index
          %get3A_784 = arith.constant 48 : index
          %get3A_785 = tpu.vector_load %arg6[%get3A_781, %get3A_782, %get3A_783, %get3A_784] {strides = array<i32>} : memref<2x8x32x128xf32, #tpu.memory_space<vmem>>, vector<1x1x1x16xf32>,
          %get3A_786 = vector.shape_cast %get3A_785 : vector<1x1x1x16xf32> to vector<16xf32>
          %mul3A_787 = vector.broadcast %squeeze3A_745 : f32 to vector<16xf32>
          %mul3A_788 = arith.mulf %mul3A_787, %get3A_786 : vector<16xf32>
          %add3A_789 = arith.addf %add3A_703, %mul3A_788 : vector<16xf32>
          %get3A_790 = arith.constant 1 : i32
          %get3A_791 = arith.index_cast %get3A_790 : i32 to index
          %get3A_792 = arith.index_cast %scan3A_354 : i32 to index
          %get3A_793 = arith.index_cast %add3A_749 : i32 to index
          %get3A_794 = arith.constant 64 : index
          %get3A_795 = tpu.vector_load %arg6[%get3A_791, %get3A_792, %get3A_793, %get3A_794] {strides = array<i32>} : memref<2x8x32x128xf32, #tpu.memory_space<vmem>>, vector<1x1x1x16xf32>,
          %get3A_796 = vector.shape_cast %get3A_795 : vector<1x1x1x16xf32> to vector<16xf32>
          %mul3A_797 = vector.broadcast %squeeze3A_745 : f32 to vector<16xf32>
          %mul3A_798 = arith.mulf %mul3A_797, %get3A_796 : vector<16xf32>
          %add3A_799 = arith.addf %add3A_713, %mul3A_798 : vector<16xf32>
          %get3A_800 = arith.constant 1 : i32
          %get3A_801 = arith.index_cast %get3A_800 : i32 to index
          %get3A_802 = arith.index_cast %scan3A_354 : i32 to index
          %get3A_803 = arith.index_cast %add3A_749 : i32 to index
          %get3A_804 = arith.constant 80 : index
          %get3A_805 = tpu.vector_load %arg6[%get3A_801, %get3A_802, %get3A_803, %get3A_804] {strides = array<i32>} : memref<2x8x32x128xf32, #tpu.memory_space<vmem>>, vector<1x1x1x16xf32>,
          %get3A_806 = vector.shape_cast %get3A_805 : vector<1x1x1x16xf32> to vector<16xf32>
          %mul3A_807 = vector.broadcast %squeeze3A_745 : f32 to vector<16xf32>
          %mul3A_808 = arith.mulf %mul3A_807, %get3A_806 : vector<16xf32>
          %add3A_809 = arith.addf %add3A_723, %mul3A_808 : vector<16xf32>
          %get3A_810 = arith.constant 1 : i32
          %get3A_811 = arith.index_cast %get3A_810 : i32 to index
          %get3A_812 = arith.index_cast %scan3A_354 : i32 to index
          %get3A_813 = arith.index_cast %add3A_749 : i32 to index
          %get3A_814 = arith.constant 96 : index
          %get3A_815 = tpu.vector_load %arg6[%get3A_811, %get3A_812, %get3A_813, %get3A_814] {strides = array<i32>} : memref<2x8x32x128xf32, #tpu.memory_space<vmem>>, vector<1x1x1x16xf32>,
          %get3A_816 = vector.shape_cast %get3A_815 : vector<1x1x1x16xf32> to vector<16xf32>
          %mul3A_817 = vector.broadcast %squeeze3A_745 : f32 to vector<16xf32>
          %mul3A_818 = arith.mulf %mul3A_817, %get3A_816 : vector<16xf32>
          %add3A_819 = arith.addf %add3A_733, %mul3A_818 : vector<16xf32>
          %get3A_820 = arith.constant 1 : i32
          %get3A_821 = arith.index_cast %get3A_820 : i32 to index
          %get3A_822 = arith.index_cast %scan3A_354 : i32 to index
          %get3A_823 = arith.index_cast %add3A_749 : i32 to index
          %get3A_824 = arith.constant 112 : index
          %get3A_825 = tpu.vector_load %arg6[%get3A_821, %get3A_822, %get3A_823, %get3A_824] {strides = array<i32>} : memref<2x8x32x128xf32, #tpu.memory_space<vmem>>, vector<1x1x1x16xf32>,
          %get3A_826 = vector.shape_cast %get3A_825 : vector<1x1x1x16xf32> to vector<16xf32>
          %mul3A_827 = vector.broadcast %squeeze3A_745 : f32 to vector<16xf32>
          %mul3A_828 = arith.mulf %mul3A_827, %get3A_826 : vector<16xf32>
          %add3A_829 = arith.addf %add3A_743, %mul3A_828 : vector<16xf32>
          %slice3A_830 = vector.extract_strided_slice %get3A_487 {offsets = [4], sizes = [1], strides = [1]} : vector<16xf32> to vector<1xf32>
          %squeeze3A_831 = vector.extract %slice3A_830[0] : f32 from vector<1xf32>
          %mul3A_832 = arith.constant 16 : i32
          %mul3A_833 = arith.muli %scan3A_471, %mul3A_832 : i32
          %add3A_834 = arith.constant 4 : i32
          %add3A_835 = arith.addi %mul3A_833, %add3A_834 : i32
          %get3A_836 = arith.constant 1 : i32
          %get3A_837 = arith.index_cast %get3A_836 : i32 to index
          %get3A_838 = arith.index_cast %scan3A_354 : i32 to index
          %get3A_839 = arith.index_cast %add3A_835 : i32 to index
          %get3A_840 = arith.constant 0 : index
          %get3A_841 = tpu.vector_load %arg6[%get3A_837, %get3A_838, %get3A_839, %get3A_840] {strides = array<i32>} : memref<2x8x32x128xf32, #tpu.memory_space<vmem>>, vector<1x1x1x16xf32>,
          %get3A_842 = vector.shape_cast %get3A_841 : vector<1x1x1x16xf32> to vector<16xf32>
          %mul3A_843 = vector.broadcast %squeeze3A_831 : f32 to vector<16xf32>
          %mul3A_844 = arith.mulf %mul3A_843, %get3A_842 : vector<16xf32>
          %add3A_845 = arith.addf %add3A_759, %mul3A_844 : vector<16xf32>
          %get3A_846 = arith.constant 1 : i32
          %get3A_847 = arith.index_cast %get3A_846 : i32 to index
          %get3A_848 = arith.index_cast %scan3A_354 : i32 to index
          %get3A_849 = arith.index_cast %add3A_835 : i32 to index
          %get3A_850 = arith.constant 16 : index
          %get3A_851 = tpu.vector_load %arg6[%get3A_847, %get3A_848, %get3A_849, %get3A_850] {strides = array<i32>} : memref<2x8x32x128xf32, #tpu.memory_space<vmem>>, vector<1x1x1x16xf32>,
          %get3A_852 = vector.shape_cast %get3A_851 : vector<1x1x1x16xf32> to vector<16xf32>
          %mul3A_853 = vector.broadcast %squeeze3A_831 : f32 to vector<16xf32>
          %mul3A_854 = arith.mulf %mul3A_853, %get3A_852 : vector<16xf32>
          %add3A_855 = arith.addf %add3A_769, %mul3A_854 : vector<16xf32>
          %get3A_856 = arith.constant 1 : i32
          %get3A_857 = arith.index_cast %get3A_856 : i32 to index
          %get3A_858 = arith.index_cast %scan3A_354 : i32 to index
          %get3A_859 = arith.index_cast %add3A_835 : i32 to index
          %get3A_860 = arith.constant 32 : index
          %get3A_861 = tpu.vector_load %arg6[%get3A_857, %get3A_858, %get3A_859, %get3A_860] {strides = array<i32>} : memref<2x8x32x128xf32, #tpu.memory_space<vmem>>, vector<1x1x1x16xf32>,
          %get3A_862 = vector.shape_cast %get3A_861 : vector<1x1x1x16xf32> to vector<16xf32>
          %mul3A_863 = vector.broadcast %squeeze3A_831 : f32 to vector<16xf32>
          %mul3A_864 = arith.mulf %mul3A_863, %get3A_862 : vector<16xf32>
          %add3A_865 = arith.addf %add3A_779, %mul3A_864 : vector<16xf32>
          %get3A_866 = arith.constant 1 : i32
          %get3A_867 = arith.index_cast %get3A_866 : i32 to index
          %get3A_868 = arith.index_cast %scan3A_354 : i32 to index
          %get3A_869 = arith.index_cast %add3A_835 : i32 to index
          %get3A_870 = arith.constant 48 : index
          %get3A_871 = tpu.vector_load %arg6[%get3A_867, %get3A_868, %get3A_869, %get3A_870] {strides = array<i32>} : memref<2x8x32x128xf32, #tpu.memory_space<vmem>>, vector<1x1x1x16xf32>,
          %get3A_872 = vector.shape_cast %get3A_871 : vector<1x1x1x16xf32> to vector<16xf32>
          %mul3A_873 = vector.broadcast %squeeze3A_831 : f32 to vector<16xf32>
          %mul3A_874 = arith.mulf %mul3A_873, %get3A_872 : vector<16xf32>
          %add3A_875 = arith.addf %add3A_789, %mul3A_874 : vector<16xf32>
          %get3A_876 = arith.constant 1 : i32
          %get3A_877 = arith.index_cast %get3A_876 : i32 to index
          %get3A_878 = arith.index_cast %scan3A_354 : i32 to index
          %get3A_879 = arith.index_cast %add3A_835 : i32 to index
          %get3A_880 = arith.constant 64 : index
          %get3A_881 = tpu.vector_load %arg6[%get3A_877, %get3A_878, %get3A_879, %get3A_880] {strides = array<i32>} : memref<2x8x32x128xf32, #tpu.memory_space<vmem>>, vector<1x1x1x16xf32>,
          %get3A_882 = vector.shape_cast %get3A_881 : vector<1x1x1x16xf32> to vector<16xf32>
          %mul3A_883 = vector.broadcast %squeeze3A_831 : f32 to vector<16xf32>
          %mul3A_884 = arith.mulf %mul3A_883, %get3A_882 : vector<16xf32>
          %add3A_885 = arith.addf %add3A_799, %mul3A_884 : vector<16xf32>
          %get3A_886 = arith.constant 1 : i32
          %get3A_887 = arith.index_cast %get3A_886 : i32 to index
          %get3A_888 = arith.index_cast %scan3A_354 : i32 to index
          %get3A_889 = arith.index_cast %add3A_835 : i32 to index
          %get3A_890 = arith.constant 80 : index
          %get3A_891 = tpu.vector_load %arg6[%get3A_887, %get3A_888, %get3A_889, %get3A_890] {strides = array<i32>} : memref<2x8x32x128xf32, #tpu.memory_space<vmem>>, vector<1x1x1x16xf32>,
          %get3A_892 = vector.shape_cast %get3A_891 : vector<1x1x1x16xf32> to vector<16xf32>
          %mul3A_893 = vector.broadcast %squeeze3A_831 : f32 to vector<16xf32>
          %mul3A_894 = arith.mulf %mul3A_893, %get3A_892 : vector<16xf32>
          %add3A_895 = arith.addf %add3A_809, %mul3A_894 : vector<16xf32>
          %get3A_896 = arith.constant 1 : i32
          %get3A_897 = arith.index_cast %get3A_896 : i32 to index
          %get3A_898 = arith.index_cast %scan3A_354 : i32 to index
          %get3A_899 = arith.index_cast %add3A_835 : i32 to index
          %get3A_900 = arith.constant 96 : index
          %get3A_901 = tpu.vector_load %arg6[%get3A_897, %get3A_898, %get3A_899, %get3A_900] {strides = array<i32>} : memref<2x8x32x128xf32, #tpu.memory_space<vmem>>, vector<1x1x1x16xf32>,
          %get3A_902 = vector.shape_cast %get3A_901 : vector<1x1x1x16xf32> to vector<16xf32>
          %mul3A_903 = vector.broadcast %squeeze3A_831 : f32 to vector<16xf32>
          %mul3A_904 = arith.mulf %mul3A_903, %get3A_902 : vector<16xf32>
          %add3A_905 = arith.addf %add3A_819, %mul3A_904 : vector<16xf32>
          %get3A_906 = arith.constant 1 : i32
          %get3A_907 = arith.index_cast %get3A_906 : i32 to index
          %get3A_908 = arith.index_cast %scan3A_354 : i32 to index
          %get3A_909 = arith.index_cast %add3A_835 : i32 to index
          %get3A_910 = arith.constant 112 : index
          %get3A_911 = tpu.vector_load %arg6[%get3A_907, %get3A_908, %get3A_909, %get3A_910] {strides = array<i32>} : memref<2x8x32x128xf32, #tpu.memory_space<vmem>>, vector<1x1x1x16xf32>,
          %get3A_912 = vector.shape_cast %get3A_911 : vector<1x1x1x16xf32> to vector<16xf32>
          %mul3A_913 = vector.broadcast %squeeze3A_831 : f32 to vector<16xf32>
          %mul3A_914 = arith.mulf %mul3A_913, %get3A_912 : vector<16xf32>
          %add3A_915 = arith.addf %add3A_829, %mul3A_914 : vector<16xf32>
          %slice3A_916 = vector.extract_strided_slice %get3A_487 {offsets = [5], sizes = [1], strides = [1]} : vector<16xf32> to vector<1xf32>
          %squeeze3A_917 = vector.extract %slice3A_916[0] : f32 from vector<1xf32>
          %mul3A_918 = arith.constant 16 : i32
          %mul3A_919 = arith.muli %scan3A_471, %mul3A_918 : i32
          %add3A_920 = arith.constant 5 : i32
          %add3A_921 = arith.addi %mul3A_919, %add3A_920 : i32
          %get3A_922 = arith.constant 1 : i32
          %get3A_923 = arith.index_cast %get3A_922 : i32 to index
          %get3A_924 = arith.index_cast %scan3A_354 : i32 to index
          %get3A_925 = arith.index_cast %add3A_921 : i32 to index
          %get3A_926 = arith.constant 0 : index
          %get3A_927 = tpu.vector_load %arg6[%get3A_923, %get3A_924, %get3A_925, %get3A_926] {strides = array<i32>} : memref<2x8x32x128xf32, #tpu.memory_space<vmem>>, vector<1x1x1x16xf32>,
          %get3A_928 = vector.shape_cast %get3A_927 : vector<1x1x1x16xf32> to vector<16xf32>
          %mul3A_929 = vector.broadcast %squeeze3A_917 : f32 to vector<16xf32>
          %mul3A_930 = arith.mulf %mul3A_929, %get3A_928 : vector<16xf32>
          %add3A_931 = arith.addf %add3A_845, %mul3A_930 : vector<16xf32>
          %get3A_932 = arith.constant 1 : i32
          %get3A_933 = arith.index_cast %get3A_932 : i32 to index
          %get3A_934 = arith.index_cast %scan3A_354 : i32 to index
          %get3A_935 = arith.index_cast %add3A_921 : i32 to index
          %get3A_936 = arith.constant 16 : index
          %get3A_937 = tpu.vector_load %arg6[%get3A_933, %get3A_934, %get3A_935, %get3A_936] {strides = array<i32>} : memref<2x8x32x128xf32, #tpu.memory_space<vmem>>, vector<1x1x1x16xf32>,
          %get3A_938 = vector.shape_cast %get3A_937 : vector<1x1x1x16xf32> to vector<16xf32>
          %mul3A_939 = vector.broadcast %squeeze3A_917 : f32 to vector<16xf32>
          %mul3A_940 = arith.mulf %mul3A_939, %get3A_938 : vector<16xf32>
          %add3A_941 = arith.addf %add3A_855, %mul3A_940 : vector<16xf32>
          %get3A_942 = arith.constant 1 : i32
          %get3A_943 = arith.index_cast %get3A_942 : i32 to index
          %get3A_944 = arith.index_cast %scan3A_354 : i32 to index
          %get3A_945 = arith.index_cast %add3A_921 : i32 to index
          %get3A_946 = arith.constant 32 : index
          %get3A_947 = tpu.vector_load %arg6[%get3A_943, %get3A_944, %get3A_945, %get3A_946] {strides = array<i32>} : memref<2x8x32x128xf32, #tpu.memory_space<vmem>>, vector<1x1x1x16xf32>,
          %get3A_948 = vector.shape_cast %get3A_947 : vector<1x1x1x16xf32> to vector<16xf32>
          %mul3A_949 = vector.broadcast %squeeze3A_917 : f32 to vector<16xf32>
          %mul3A_950 = arith.mulf %mul3A_949, %get3A_948 : vector<16xf32>
          %add3A_951 = arith.addf %add3A_865, %mul3A_950 : vector<16xf32>
          %get3A_952 = arith.constant 1 : i32
          %get3A_953 = arith.index_cast %get3A_952 : i32 to index
          %get3A_954 = arith.index_cast %scan3A_354 : i32 to index
          %get3A_955 = arith.index_cast %add3A_921 : i32 to index
          %get3A_956 = arith.constant 48 : index
          %get3A_957 = tpu.vector_load %arg6[%get3A_953, %get3A_954, %get3A_955, %get3A_956] {strides = array<i32>} : memref<2x8x32x128xf32, #tpu.memory_space<vmem>>, vector<1x1x1x16xf32>,
          %get3A_958 = vector.shape_cast %get3A_957 : vector<1x1x1x16xf32> to vector<16xf32>
          %mul3A_959 = vector.broadcast %squeeze3A_917 : f32 to vector<16xf32>
          %mul3A_960 = arith.mulf %mul3A_959, %get3A_958 : vector<16xf32>
          %add3A_961 = arith.addf %add3A_875, %mul3A_960 : vector<16xf32>
          %get3A_962 = arith.constant 1 : i32
          %get3A_963 = arith.index_cast %get3A_962 : i32 to index
          %get3A_964 = arith.index_cast %scan3A_354 : i32 to index
          %get3A_965 = arith.index_cast %add3A_921 : i32 to index
          %get3A_966 = arith.constant 64 : index
          %get3A_967 = tpu.vector_load %arg6[%get3A_963, %get3A_964, %get3A_965, %get3A_966] {strides = array<i32>} : memref<2x8x32x128xf32, #tpu.memory_space<vmem>>, vector<1x1x1x16xf32>,
          %get3A_968 = vector.shape_cast %get3A_967 : vector<1x1x1x16xf32> to vector<16xf32>
          %mul3A_969 = vector.broadcast %squeeze3A_917 : f32 to vector<16xf32>
          %mul3A_970 = arith.mulf %mul3A_969, %get3A_968 : vector<16xf32>
          %add3A_971 = arith.addf %add3A_885, %mul3A_970 : vector<16xf32>
          %get3A_972 = arith.constant 1 : i32
          %get3A_973 = arith.index_cast %get3A_972 : i32 to index
          %get3A_974 = arith.index_cast %scan3A_354 : i32 to index
          %get3A_975 = arith.index_cast %add3A_921 : i32 to index
          %get3A_976 = arith.constant 80 : index
          %get3A_977 = tpu.vector_load %arg6[%get3A_973, %get3A_974, %get3A_975, %get3A_976] {strides = array<i32>} : memref<2x8x32x128xf32, #tpu.memory_space<vmem>>, vector<1x1x1x16xf32>,
          %get3A_978 = vector.shape_cast %get3A_977 : vector<1x1x1x16xf32> to vector<16xf32>
          %mul3A_979 = vector.broadcast %squeeze3A_917 : f32 to vector<16xf32>
          %mul3A_980 = arith.mulf %mul3A_979, %get3A_978 : vector<16xf32>
          %add3A_981 = arith.addf %add3A_895, %mul3A_980 : vector<16xf32>
          %get3A_982 = arith.constant 1 : i32
          %get3A_983 = arith.index_cast %get3A_982 : i32 to index
          %get3A_984 = arith.index_cast %scan3A_354 : i32 to index
          %get3A_985 = arith.index_cast %add3A_921 : i32 to index
          %get3A_986 = arith.constant 96 : index
          %get3A_987 = tpu.vector_load %arg6[%get3A_983, %get3A_984, %get3A_985, %get3A_986] {strides = array<i32>} : memref<2x8x32x128xf32, #tpu.memory_space<vmem>>, vector<1x1x1x16xf32>,
          %get3A_988 = vector.shape_cast %get3A_987 : vector<1x1x1x16xf32> to vector<16xf32>
          %mul3A_989 = vector.broadcast %squeeze3A_917 : f32 to vector<16xf32>
          %mul3A_990 = arith.mulf %mul3A_989, %get3A_988 : vector<16xf32>
          %add3A_991 = arith.addf %add3A_905, %mul3A_990 : vector<16xf32>
          %get3A_992 = arith.constant 1 : i32
          %get3A_993 = arith.index_cast %get3A_992 : i32 to index
          %get3A_994 = arith.index_cast %scan3A_354 : i32 to index
          %get3A_995 = arith.index_cast %add3A_921 : i32 to index
          %get3A_996 = arith.constant 112 : index
          %get3A_997 = tpu.vector_load %arg6[%get3A_993, %get3A_994, %get3A_995, %get3A_996] {strides = array<i32>} : memref<2x8x32x128xf32, #tpu.memory_space<vmem>>, vector<1x1x1x16xf32>,
          %get3A_998 = vector.shape_cast %get3A_997 : vector<1x1x1x16xf32> to vector<16xf32>
          %mul3A_999 = vector.broadcast %squeeze3A_917 : f32 to vector<16xf32>
          %mul3A_1000 = arith.mulf %mul3A_999, %get3A_998 : vector<16xf32>
          %add3A_1001 = arith.addf %add3A_915, %mul3A_1000 : vector<16xf32>
          %slice3A_1002 = vector.extract_strided_slice %get3A_487 {offsets = [6], sizes = [1], strides = [1]} : vector<16xf32> to vector<1xf32>
          %squeeze3A_1003 = vector.extract %slice3A_1002[0] : f32 from vector<1xf32>
          %mul3A_1004 = arith.constant 16 : i32
          %mul3A_1005 = arith.muli %scan3A_471, %mul3A_1004 : i32
          %add3A_1006 = arith.constant 6 : i32
          %add3A_1007 = arith.addi %mul3A_1005, %add3A_1006 : i32
          %get3A_1008 = arith.constant 1 : i32
          %get3A_1009 = arith.index_cast %get3A_1008 : i32 to index
          %get3A_1010 = arith.index_cast %scan3A_354 : i32 to index
          %get3A_1011 = arith.index_cast %add3A_1007 : i32 to index
          %get3A_1012 = arith.constant 0 : index
          %get3A_1013 = tpu.vector_load %arg6[%get3A_1009, %get3A_1010, %get3A_1011, %get3A_1012] {strides = array<i32>} : memref<2x8x32x128xf32, #tpu.memory_space<vmem>>, vector<1x1x1x16xf32>,
          %get3A_1014 = vector.shape_cast %get3A_1013 : vector<1x1x1x16xf32> to vector<16xf32>
          %mul3A_1015 = vector.broadcast %squeeze3A_1003 : f32 to vector<16xf32>
          %mul3A_1016 = arith.mulf %mul3A_1015, %get3A_1014 : vector<16xf32>
          %add3A_1017 = arith.addf %add3A_931, %mul3A_1016 : vector<16xf32>
          %get3A_1018 = arith.constant 1 : i32
          %get3A_1019 = arith.index_cast %get3A_1018 : i32 to index
          %get3A_1020 = arith.index_cast %scan3A_354 : i32 to index
          %get3A_1021 = arith.index_cast %add3A_1007 : i32 to index
          %get3A_1022 = arith.constant 16 : index
          %get3A_1023 = tpu.vector_load %arg6[%get3A_1019, %get3A_1020, %get3A_1021, %get3A_1022] {strides = array<i32>} : memref<2x8x32x128xf32, #tpu.memory_space<vmem>>, vector<1x1x1x16xf32>,
          %get3A_1024 = vector.shape_cast %get3A_1023 : vector<1x1x1x16xf32> to vector<16xf32>
          %mul3A_1025 = vector.broadcast %squeeze3A_1003 : f32 to vector<16xf32>
          %mul3A_1026 = arith.mulf %mul3A_1025, %get3A_1024 : vector<16xf32>
          %add3A_1027 = arith.addf %add3A_941, %mul3A_1026 : vector<16xf32>
          %get3A_1028 = arith.constant 1 : i32
          %get3A_1029 = arith.index_cast %get3A_1028 : i32 to index
          %get3A_1030 = arith.index_cast %scan3A_354 : i32 to index
          %get3A_1031 = arith.index_cast %add3A_1007 : i32 to index
          %get3A_1032 = arith.constant 32 : index
          %get3A_1033 = tpu.vector_load %arg6[%get3A_1029, %get3A_1030, %get3A_1031, %get3A_1032] {strides = array<i32>} : memref<2x8x32x128xf32, #tpu.memory_space<vmem>>, vector<1x1x1x16xf32>,
          %get3A_1034 = vector.shape_cast %get3A_1033 : vector<1x1x1x16xf32> to vector<16xf32>
          %mul3A_1035 = vector.broadcast %squeeze3A_1003 : f32 to vector<16xf32>
          %mul3A_1036 = arith.mulf %mul3A_1035, %get3A_1034 : vector<16xf32>
          %add3A_1037 = arith.addf %add3A_951, %mul3A_1036 : vector<16xf32>
          %get3A_1038 = arith.constant 1 : i32
          %get3A_1039 = arith.index_cast %get3A_1038 : i32 to index
          %get3A_1040 = arith.index_cast %scan3A_354 : i32 to index
          %get3A_1041 = arith.index_cast %add3A_1007 : i32 to index
          %get3A_1042 = arith.constant 48 : index
          %get3A_1043 = tpu.vector_load %arg6[%get3A_1039, %get3A_1040, %get3A_1041, %get3A_1042] {strides = array<i32>} : memref<2x8x32x128xf32, #tpu.memory_space<vmem>>, vector<1x1x1x16xf32>,
          %get3A_1044 = vector.shape_cast %get3A_1043 : vector<1x1x1x16xf32> to vector<16xf32>
          %mul3A_1045 = vector.broadcast %squeeze3A_1003 : f32 to vector<16xf32>
          %mul3A_1046 = arith.mulf %mul3A_1045, %get3A_1044 : vector<16xf32>
          %add3A_1047 = arith.addf %add3A_961, %mul3A_1046 : vector<16xf32>
          %get3A_1048 = arith.constant 1 : i32
          %get3A_1049 = arith.index_cast %get3A_1048 : i32 to index
          %get3A_1050 = arith.index_cast %scan3A_354 : i32 to index
          %get3A_1051 = arith.index_cast %add3A_1007 : i32 to index
          %get3A_1052 = arith.constant 64 : index
          %get3A_1053 = tpu.vector_load %arg6[%get3A_1049, %get3A_1050, %get3A_1051, %get3A_1052] {strides = array<i32>} : memref<2x8x32x128xf32, #tpu.memory_space<vmem>>, vector<1x1x1x16xf32>,
          %get3A_1054 = vector.shape_cast %get3A_1053 : vector<1x1x1x16xf32> to vector<16xf32>
          %mul3A_1055 = vector.broadcast %squeeze3A_1003 : f32 to vector<16xf32>
          %mul3A_1056 = arith.mulf %mul3A_1055, %get3A_1054 : vector<16xf32>
          %add3A_1057 = arith.addf %add3A_971, %mul3A_1056 : vector<16xf32>
          %get3A_1058 = arith.constant 1 : i32
          %get3A_1059 = arith.index_cast %get3A_1058 : i32 to index
          %get3A_1060 = arith.index_cast %scan3A_354 : i32 to index
          %get3A_1061 = arith.index_cast %add3A_1007 : i32 to index
          %get3A_1062 = arith.constant 80 : index
          %get3A_1063 = tpu.vector_load %arg6[%get3A_1059, %get3A_1060, %get3A_1061, %get3A_1062] {strides = array<i32>} : memref<2x8x32x128xf32, #tpu.memory_space<vmem>>, vector<1x1x1x16xf32>,
          %get3A_1064 = vector.shape_cast %get3A_1063 : vector<1x1x1x16xf32> to vector<16xf32>
          %mul3A_1065 = vector.broadcast %squeeze3A_1003 : f32 to vector<16xf32>
          %mul3A_1066 = arith.mulf %mul3A_1065, %get3A_1064 : vector<16xf32>
          %add3A_1067 = arith.addf %add3A_981, %mul3A_1066 : vector<16xf32>
          %get3A_1068 = arith.constant 1 : i32
          %get3A_1069 = arith.index_cast %get3A_1068 : i32 to index
          %get3A_1070 = arith.index_cast %scan3A_354 : i32 to index
          %get3A_1071 = arith.index_cast %add3A_1007 : i32 to index
          %get3A_1072 = arith.constant 96 : index
          %get3A_1073 = tpu.vector_load %arg6[%get3A_1069, %get3A_1070, %get3A_1071, %get3A_1072] {strides = array<i32>} : memref<2x8x32x128xf32, #tpu.memory_space<vmem>>, vector<1x1x1x16xf32>,
          %get3A_1074 = vector.shape_cast %get3A_1073 : vector<1x1x1x16xf32> to vector<16xf32>
          %mul3A_1075 = vector.broadcast %squeeze3A_1003 : f32 to vector<16xf32>
          %mul3A_1076 = arith.mulf %mul3A_1075, %get3A_1074 : vector<16xf32>
          %add3A_1077 = arith.addf %add3A_991, %mul3A_1076 : vector<16xf32>
          %get3A_1078 = arith.constant 1 : i32
          %get3A_1079 = arith.index_cast %get3A_1078 : i32 to index
          %get3A_1080 = arith.index_cast %scan3A_354 : i32 to index
          %get3A_1081 = arith.index_cast %add3A_1007 : i32 to index
          %get3A_1082 = arith.constant 112 : index
          %get3A_1083 = tpu.vector_load %arg6[%get3A_1079, %get3A_1080, %get3A_1081, %get3A_1082] {strides = array<i32>} : memref<2x8x32x128xf32, #tpu.memory_space<vmem>>, vector<1x1x1x16xf32>,
          %get3A_1084 = vector.shape_cast %get3A_1083 : vector<1x1x1x16xf32> to vector<16xf32>
          %mul3A_1085 = vector.broadcast %squeeze3A_1003 : f32 to vector<16xf32>
          %mul3A_1086 = arith.mulf %mul3A_1085, %get3A_1084 : vector<16xf32>
          %add3A_1087 = arith.addf %add3A_1001, %mul3A_1086 : vector<16xf32>
          %slice3A_1088 = vector.extract_strided_slice %get3A_487 {offsets = [7], sizes = [1], strides = [1]} : vector<16xf32> to vector<1xf32>
          %squeeze3A_1089 = vector.extract %slice3A_1088[0] : f32 from vector<1xf32>
          %mul3A_1090 = arith.constant 16 : i32
          %mul3A_1091 = arith.muli %scan3A_471, %mul3A_1090 : i32
          %add3A_1092 = arith.constant 7 : i32
          %add3A_1093 = arith.addi %mul3A_1091, %add3A_1092 : i32
          %get3A_1094 = arith.constant 1 : i32
          %get3A_1095 = arith.index_cast %get3A_1094 : i32 to index
          %get3A_1096 = arith.index_cast %scan3A_354 : i32 to index
          %get3A_1097 = arith.index_cast %add3A_1093 : i32 to index
          %get3A_1098 = arith.constant 0 : index
          %get3A_1099 = tpu.vector_load %arg6[%get3A_1095, %get3A_1096, %get3A_1097, %get3A_1098] {strides = array<i32>} : memref<2x8x32x128xf32, #tpu.memory_space<vmem>>, vector<1x1x1x16xf32>,
          %get3A_1100 = vector.shape_cast %get3A_1099 : vector<1x1x1x16xf32> to vector<16xf32>
          %mul3A_1101 = vector.broadcast %squeeze3A_1089 : f32 to vector<16xf32>
          %mul3A_1102 = arith.mulf %mul3A_1101, %get3A_1100 : vector<16xf32>
          %add3A_1103 = arith.addf %add3A_1017, %mul3A_1102 : vector<16xf32>
          %get3A_1104 = arith.constant 1 : i32
          %get3A_1105 = arith.index_cast %get3A_1104 : i32 to index
          %get3A_1106 = arith.index_cast %scan3A_354 : i32 to index
          %get3A_1107 = arith.index_cast %add3A_1093 : i32 to index
          %get3A_1108 = arith.constant 16 : index
          %get3A_1109 = tpu.vector_load %arg6[%get3A_1105, %get3A_1106, %get3A_1107, %get3A_1108] {strides = array<i32>} : memref<2x8x32x128xf32, #tpu.memory_space<vmem>>, vector<1x1x1x16xf32>,
          %get3A_1110 = vector.shape_cast %get3A_1109 : vector<1x1x1x16xf32> to vector<16xf32>
          %mul3A_1111 = vector.broadcast %squeeze3A_1089 : f32 to vector<16xf32>
          %mul3A_1112 = arith.mulf %mul3A_1111, %get3A_1110 : vector<16xf32>
          %add3A_1113 = arith.addf %add3A_1027, %mul3A_1112 : vector<16xf32>
          %get3A_1114 = arith.constant 1 : i32
          %get3A_1115 = arith.index_cast %get3A_1114 : i32 to index
          %get3A_1116 = arith.index_cast %scan3A_354 : i32 to index
          %get3A_1117 = arith.index_cast %add3A_1093 : i32 to index
          %get3A_1118 = arith.constant 32 : index
          %get3A_1119 = tpu.vector_load %arg6[%get3A_1115, %get3A_1116, %get3A_1117, %get3A_1118] {strides = array<i32>} : memref<2x8x32x128xf32, #tpu.memory_space<vmem>>, vector<1x1x1x16xf32>,
          %get3A_1120 = vector.shape_cast %get3A_1119 : vector<1x1x1x16xf32> to vector<16xf32>
          %mul3A_1121 = vector.broadcast %squeeze3A_1089 : f32 to vector<16xf32>
          %mul3A_1122 = arith.mulf %mul3A_1121, %get3A_1120 : vector<16xf32>
          %add3A_1123 = arith.addf %add3A_1037, %mul3A_1122 : vector<16xf32>
          %get3A_1124 = arith.constant 1 : i32
          %get3A_1125 = arith.index_cast %get3A_1124 : i32 to index
          %get3A_1126 = arith.index_cast %scan3A_354 : i32 to index
          %get3A_1127 = arith.index_cast %add3A_1093 : i32 to index
          %get3A_1128 = arith.constant 48 : index
          %get3A_1129 = tpu.vector_load %arg6[%get3A_1125, %get3A_1126, %get3A_1127, %get3A_1128] {strides = array<i32>} : memref<2x8x32x128xf32, #tpu.memory_space<vmem>>, vector<1x1x1x16xf32>,
          %get3A_1130 = vector.shape_cast %get3A_1129 : vector<1x1x1x16xf32> to vector<16xf32>
          %mul3A_1131 = vector.broadcast %squeeze3A_1089 : f32 to vector<16xf32>
          %mul3A_1132 = arith.mulf %mul3A_1131, %get3A_1130 : vector<16xf32>
          %add3A_1133 = arith.addf %add3A_1047, %mul3A_1132 : vector<16xf32>
          %get3A_1134 = arith.constant 1 : i32
          %get3A_1135 = arith.index_cast %get3A_1134 : i32 to index
          %get3A_1136 = arith.index_cast %scan3A_354 : i32 to index
          %get3A_1137 = arith.index_cast %add3A_1093 : i32 to index
          %get3A_1138 = arith.constant 64 : index
          %get3A_1139 = tpu.vector_load %arg6[%get3A_1135, %get3A_1136, %get3A_1137, %get3A_1138] {strides = array<i32>} : memref<2x8x32x128xf32, #tpu.memory_space<vmem>>, vector<1x1x1x16xf32>,
          %get3A_1140 = vector.shape_cast %get3A_1139 : vector<1x1x1x16xf32> to vector<16xf32>
          %mul3A_1141 = vector.broadcast %squeeze3A_1089 : f32 to vector<16xf32>
          %mul3A_1142 = arith.mulf %mul3A_1141, %get3A_1140 : vector<16xf32>
          %add3A_1143 = arith.addf %add3A_1057, %mul3A_1142 : vector<16xf32>
          %get3A_1144 = arith.constant 1 : i32
          %get3A_1145 = arith.index_cast %get3A_1144 : i32 to index
          %get3A_1146 = arith.index_cast %scan3A_354 : i32 to index
          %get3A_1147 = arith.index_cast %add3A_1093 : i32 to index
          %get3A_1148 = arith.constant 80 : index
          %get3A_1149 = tpu.vector_load %arg6[%get3A_1145, %get3A_1146, %get3A_1147, %get3A_1148] {strides = array<i32>} : memref<2x8x32x128xf32, #tpu.memory_space<vmem>>, vector<1x1x1x16xf32>,
          %get3A_1150 = vector.shape_cast %get3A_1149 : vector<1x1x1x16xf32> to vector<16xf32>
          %mul3A_1151 = vector.broadcast %squeeze3A_1089 : f32 to vector<16xf32>
          %mul3A_1152 = arith.mulf %mul3A_1151, %get3A_1150 : vector<16xf32>
          %add3A_1153 = arith.addf %add3A_1067, %mul3A_1152 : vector<16xf32>
          %get3A_1154 = arith.constant 1 : i32
          %get3A_1155 = arith.index_cast %get3A_1154 : i32 to index
          %get3A_1156 = arith.index_cast %scan3A_354 : i32 to index
          %get3A_1157 = arith.index_cast %add3A_1093 : i32 to index
          %get3A_1158 = arith.constant 96 : index
          %get3A_1159 = tpu.vector_load %arg6[%get3A_1155, %get3A_1156, %get3A_1157, %get3A_1158] {strides = array<i32>} : memref<2x8x32x128xf32, #tpu.memory_space<vmem>>, vector<1x1x1x16xf32>,
          %get3A_1160 = vector.shape_cast %get3A_1159 : vector<1x1x1x16xf32> to vector<16xf32>
          %mul3A_1161 = vector.broadcast %squeeze3A_1089 : f32 to vector<16xf32>
          %mul3A_1162 = arith.mulf %mul3A_1161, %get3A_1160 : vector<16xf32>
          %add3A_1163 = arith.addf %add3A_1077, %mul3A_1162 : vector<16xf32>
          %get3A_1164 = arith.constant 1 : i32
          %get3A_1165 = arith.index_cast %get3A_1164 : i32 to index
          %get3A_1166 = arith.index_cast %scan3A_354 : i32 to index
          %get3A_1167 = arith.index_cast %add3A_1093 : i32 to index
          %get3A_1168 = arith.constant 112 : index
          %get3A_1169 = tpu.vector_load %arg6[%get3A_1165, %get3A_1166, %get3A_1167, %get3A_1168] {strides = array<i32>} : memref<2x8x32x128xf32, #tpu.memory_space<vmem>>, vector<1x1x1x16xf32>,
          %get3A_1170 = vector.shape_cast %get3A_1169 : vector<1x1x1x16xf32> to vector<16xf32>
          %mul3A_1171 = vector.broadcast %squeeze3A_1089 : f32 to vector<16xf32>
          %mul3A_1172 = arith.mulf %mul3A_1171, %get3A_1170 : vector<16xf32>
          %add3A_1173 = arith.addf %add3A_1087, %mul3A_1172 : vector<16xf32>
          %slice3A_1174 = vector.extract_strided_slice %get3A_487 {offsets = [8], sizes = [1], strides = [1]} : vector<16xf32> to vector<1xf32>
          %squeeze3A_1175 = vector.extract %slice3A_1174[0] : f32 from vector<1xf32>
          %mul3A_1176 = arith.constant 16 : i32
          %mul3A_1177 = arith.muli %scan3A_471, %mul3A_1176 : i32
          %add3A_1178 = arith.constant 8 : i32
          %add3A_1179 = arith.addi %mul3A_1177, %add3A_1178 : i32
          %get3A_1180 = arith.constant 1 : i32
          %get3A_1181 = arith.index_cast %get3A_1180 : i32 to index
          %get3A_1182 = arith.index_cast %scan3A_354 : i32 to index
          %get3A_1183 = arith.index_cast %add3A_1179 : i32 to index
          %get3A_1184 = arith.constant 0 : index
          %get3A_1185 = tpu.vector_load %arg6[%get3A_1181, %get3A_1182, %get3A_1183, %get3A_1184] {strides = array<i32>} : memref<2x8x32x128xf32, #tpu.memory_space<vmem>>, vector<1x1x1x16xf32>,
          %get3A_1186 = vector.shape_cast %get3A_1185 : vector<1x1x1x16xf32> to vector<16xf32>
          %mul3A_1187 = vector.broadcast %squeeze3A_1175 : f32 to vector<16xf32>
          %mul3A_1188 = arith.mulf %mul3A_1187, %get3A_1186 : vector<16xf32>
          %add3A_1189 = arith.addf %add3A_1103, %mul3A_1188 : vector<16xf32>
          %get3A_1190 = arith.constant 1 : i32
          %get3A_1191 = arith.index_cast %get3A_1190 : i32 to index
          %get3A_1192 = arith.index_cast %scan3A_354 : i32 to index
          %get3A_1193 = arith.index_cast %add3A_1179 : i32 to index
          %get3A_1194 = arith.constant 16 : index
          %get3A_1195 = tpu.vector_load %arg6[%get3A_1191, %get3A_1192, %get3A_1193, %get3A_1194] {strides = array<i32>} : memref<2x8x32x128xf32, #tpu.memory_space<vmem>>, vector<1x1x1x16xf32>,
          %get3A_1196 = vector.shape_cast %get3A_1195 : vector<1x1x1x16xf32> to vector<16xf32>
          %mul3A_1197 = vector.broadcast %squeeze3A_1175 : f32 to vector<16xf32>
          %mul3A_1198 = arith.mulf %mul3A_1197, %get3A_1196 : vector<16xf32>
          %add3A_1199 = arith.addf %add3A_1113, %mul3A_1198 : vector<16xf32>
          %get3A_1200 = arith.constant 1 : i32
          %get3A_1201 = arith.index_cast %get3A_1200 : i32 to index
          %get3A_1202 = arith.index_cast %scan3A_354 : i32 to index
          %get3A_1203 = arith.index_cast %add3A_1179 : i32 to index
          %get3A_1204 = arith.constant 32 : index
          %get3A_1205 = tpu.vector_load %arg6[%get3A_1201, %get3A_1202, %get3A_1203, %get3A_1204] {strides = array<i32>} : memref<2x8x32x128xf32, #tpu.memory_space<vmem>>, vector<1x1x1x16xf32>,
          %get3A_1206 = vector.shape_cast %get3A_1205 : vector<1x1x1x16xf32> to vector<16xf32>
          %mul3A_1207 = vector.broadcast %squeeze3A_1175 : f32 to vector<16xf32>
          %mul3A_1208 = arith.mulf %mul3A_1207, %get3A_1206 : vector<16xf32>
          %add3A_1209 = arith.addf %add3A_1123, %mul3A_1208 : vector<16xf32>
          %get3A_1210 = arith.constant 1 : i32
          %get3A_1211 = arith.index_cast %get3A_1210 : i32 to index
          %get3A_1212 = arith.index_cast %scan3A_354 : i32 to index
          %get3A_1213 = arith.index_cast %add3A_1179 : i32 to index
          %get3A_1214 = arith.constant 48 : index
          %get3A_1215 = tpu.vector_load %arg6[%get3A_1211, %get3A_1212, %get3A_1213, %get3A_1214] {strides = array<i32>} : memref<2x8x32x128xf32, #tpu.memory_space<vmem>>, vector<1x1x1x16xf32>,
          %get3A_1216 = vector.shape_cast %get3A_1215 : vector<1x1x1x16xf32> to vector<16xf32>
          %mul3A_1217 = vector.broadcast %squeeze3A_1175 : f32 to vector<16xf32>
          %mul3A_1218 = arith.mulf %mul3A_1217, %get3A_1216 : vector<16xf32>
          %add3A_1219 = arith.addf %add3A_1133, %mul3A_1218 : vector<16xf32>
          %get3A_1220 = arith.constant 1 : i32
          %get3A_1221 = arith.index_cast %get3A_1220 : i32 to index
          %get3A_1222 = arith.index_cast %scan3A_354 : i32 to index
          %get3A_1223 = arith.index_cast %add3A_1179 : i32 to index
          %get3A_1224 = arith.constant 64 : index
          %get3A_1225 = tpu.vector_load %arg6[%get3A_1221, %get3A_1222, %get3A_1223, %get3A_1224] {strides = array<i32>} : memref<2x8x32x128xf32, #tpu.memory_space<vmem>>, vector<1x1x1x16xf32>,
          %get3A_1226 = vector.shape_cast %get3A_1225 : vector<1x1x1x16xf32> to vector<16xf32>
          %mul3A_1227 = vector.broadcast %squeeze3A_1175 : f32 to vector<16xf32>
          %mul3A_1228 = arith.mulf %mul3A_1227, %get3A_1226 : vector<16xf32>
          %add3A_1229 = arith.addf %add3A_1143, %mul3A_1228 : vector<16xf32>
          %get3A_1230 = arith.constant 1 : i32
          %get3A_1231 = arith.index_cast %get3A_1230 : i32 to index
          %get3A_1232 = arith.index_cast %scan3A_354 : i32 to index
          %get3A_1233 = arith.index_cast %add3A_1179 : i32 to index
          %get3A_1234 = arith.constant 80 : index
          %get3A_1235 = tpu.vector_load %arg6[%get3A_1231, %get3A_1232, %get3A_1233, %get3A_1234] {strides = array<i32>} : memref<2x8x32x128xf32, #tpu.memory_space<vmem>>, vector<1x1x1x16xf32>,
          %get3A_1236 = vector.shape_cast %get3A_1235 : vector<1x1x1x16xf32> to vector<16xf32>
          %mul3A_1237 = vector.broadcast %squeeze3A_1175 : f32 to vector<16xf32>
          %mul3A_1238 = arith.mulf %mul3A_1237, %get3A_1236 : vector<16xf32>
          %add3A_1239 = arith.addf %add3A_1153, %mul3A_1238 : vector<16xf32>
          %get3A_1240 = arith.constant 1 : i32
          %get3A_1241 = arith.index_cast %get3A_1240 : i32 to index
          %get3A_1242 = arith.index_cast %scan3A_354 : i32 to index
          %get3A_1243 = arith.index_cast %add3A_1179 : i32 to index
          %get3A_1244 = arith.constant 96 : index
          %get3A_1245 = tpu.vector_load %arg6[%get3A_1241, %get3A_1242, %get3A_1243, %get3A_1244] {strides = array<i32>} : memref<2x8x32x128xf32, #tpu.memory_space<vmem>>, vector<1x1x1x16xf32>,
          %get3A_1246 = vector.shape_cast %get3A_1245 : vector<1x1x1x16xf32> to vector<16xf32>
          %mul3A_1247 = vector.broadcast %squeeze3A_1175 : f32 to vector<16xf32>
          %mul3A_1248 = arith.mulf %mul3A_1247, %get3A_1246 : vector<16xf32>
          %add3A_1249 = arith.addf %add3A_1163, %mul3A_1248 : vector<16xf32>
          %get3A_1250 = arith.constant 1 : i32
          %get3A_1251 = arith.index_cast %get3A_1250 : i32 to index
          %get3A_1252 = arith.index_cast %scan3A_354 : i32 to index
          %get3A_1253 = arith.index_cast %add3A_1179 : i32 to index
          %get3A_1254 = arith.constant 112 : index
          %get3A_1255 = tpu.vector_load %arg6[%get3A_1251, %get3A_1252, %get3A_1253, %get3A_1254] {strides = array<i32>} : memref<2x8x32x128xf32, #tpu.memory_space<vmem>>, vector<1x1x1x16xf32>,
          %get3A_1256 = vector.shape_cast %get3A_1255 : vector<1x1x1x16xf32> to vector<16xf32>
          %mul3A_1257 = vector.broadcast %squeeze3A_1175 : f32 to vector<16xf32>
          %mul3A_1258 = arith.mulf %mul3A_1257, %get3A_1256 : vector<16xf32>
          %add3A_1259 = arith.addf %add3A_1173, %mul3A_1258 : vector<16xf32>
          %slice3A_1260 = vector.extract_strided_slice %get3A_487 {offsets = [9], sizes = [1], strides = [1]} : vector<16xf32> to vector<1xf32>
          %squeeze3A_1261 = vector.extract %slice3A_1260[0] : f32 from vector<1xf32>
          %mul3A_1262 = arith.constant 16 : i32
          %mul3A_1263 = arith.muli %scan3A_471, %mul3A_1262 : i32
          %add3A_1264 = arith.constant 9 : i32
          %add3A_1265 = arith.addi %mul3A_1263, %add3A_1264 : i32
          %get3A_1266 = arith.constant 1 : i32
          %get3A_1267 = arith.index_cast %get3A_1266 : i32 to index
          %get3A_1268 = arith.index_cast %scan3A_354 : i32 to index
          %get3A_1269 = arith.index_cast %add3A_1265 : i32 to index
          %get3A_1270 = arith.constant 0 : index
          %get3A_1271 = tpu.vector_load %arg6[%get3A_1267, %get3A_1268, %get3A_1269, %get3A_1270] {strides = array<i32>} : memref<2x8x32x128xf32, #tpu.memory_space<vmem>>, vector<1x1x1x16xf32>,
          %get3A_1272 = vector.shape_cast %get3A_1271 : vector<1x1x1x16xf32> to vector<16xf32>
          %mul3A_1273 = vector.broadcast %squeeze3A_1261 : f32 to vector<16xf32>
          %mul3A_1274 = arith.mulf %mul3A_1273, %get3A_1272 : vector<16xf32>
          %add3A_1275 = arith.addf %add3A_1189, %mul3A_1274 : vector<16xf32>
          %get3A_1276 = arith.constant 1 : i32
          %get3A_1277 = arith.index_cast %get3A_1276 : i32 to index
          %get3A_1278 = arith.index_cast %scan3A_354 : i32 to index
          %get3A_1279 = arith.index_cast %add3A_1265 : i32 to index
          %get3A_1280 = arith.constant 16 : index
          %get3A_1281 = tpu.vector_load %arg6[%get3A_1277, %get3A_1278, %get3A_1279, %get3A_1280] {strides = array<i32>} : memref<2x8x32x128xf32, #tpu.memory_space<vmem>>, vector<1x1x1x16xf32>,
          %get3A_1282 = vector.shape_cast %get3A_1281 : vector<1x1x1x16xf32> to vector<16xf32>
          %mul3A_1283 = vector.broadcast %squeeze3A_1261 : f32 to vector<16xf32>
          %mul3A_1284 = arith.mulf %mul3A_1283, %get3A_1282 : vector<16xf32>
          %add3A_1285 = arith.addf %add3A_1199, %mul3A_1284 : vector<16xf32>
          %get3A_1286 = arith.constant 1 : i32
          %get3A_1287 = arith.index_cast %get3A_1286 : i32 to index
          %get3A_1288 = arith.index_cast %scan3A_354 : i32 to index
          %get3A_1289 = arith.index_cast %add3A_1265 : i32 to index
          %get3A_1290 = arith.constant 32 : index
          %get3A_1291 = tpu.vector_load %arg6[%get3A_1287, %get3A_1288, %get3A_1289, %get3A_1290] {strides = array<i32>} : memref<2x8x32x128xf32, #tpu.memory_space<vmem>>, vector<1x1x1x16xf32>,
          %get3A_1292 = vector.shape_cast %get3A_1291 : vector<1x1x1x16xf32> to vector<16xf32>
          %mul3A_1293 = vector.broadcast %squeeze3A_1261 : f32 to vector<16xf32>
          %mul3A_1294 = arith.mulf %mul3A_1293, %get3A_1292 : vector<16xf32>
          %add3A_1295 = arith.addf %add3A_1209, %mul3A_1294 : vector<16xf32>
          %get3A_1296 = arith.constant 1 : i32
          %get3A_1297 = arith.index_cast %get3A_1296 : i32 to index
          %get3A_1298 = arith.index_cast %scan3A_354 : i32 to index
          %get3A_1299 = arith.index_cast %add3A_1265 : i32 to index
          %get3A_1300 = arith.constant 48 : index
          %get3A_1301 = tpu.vector_load %arg6[%get3A_1297, %get3A_1298, %get3A_1299, %get3A_1300] {strides = array<i32>} : memref<2x8x32x128xf32, #tpu.memory_space<vmem>>, vector<1x1x1x16xf32>,
          %get3A_1302 = vector.shape_cast %get3A_1301 : vector<1x1x1x16xf32> to vector<16xf32>
          %mul3A_1303 = vector.broadcast %squeeze3A_1261 : f32 to vector<16xf32>
          %mul3A_1304 = arith.mulf %mul3A_1303, %get3A_1302 : vector<16xf32>
          %add3A_1305 = arith.addf %add3A_1219, %mul3A_1304 : vector<16xf32>
          %get3A_1306 = arith.constant 1 : i32
          %get3A_1307 = arith.index_cast %get3A_1306 : i32 to index
          %get3A_1308 = arith.index_cast %scan3A_354 : i32 to index
          %get3A_1309 = arith.index_cast %add3A_1265 : i32 to index
          %get3A_1310 = arith.constant 64 : index
          %get3A_1311 = tpu.vector_load %arg6[%get3A_1307, %get3A_1308, %get3A_1309, %get3A_1310] {strides = array<i32>} : memref<2x8x32x128xf32, #tpu.memory_space<vmem>>, vector<1x1x1x16xf32>,
          %get3A_1312 = vector.shape_cast %get3A_1311 : vector<1x1x1x16xf32> to vector<16xf32>
          %mul3A_1313 = vector.broadcast %squeeze3A_1261 : f32 to vector<16xf32>
          %mul3A_1314 = arith.mulf %mul3A_1313, %get3A_1312 : vector<16xf32>
          %add3A_1315 = arith.addf %add3A_1229, %mul3A_1314 : vector<16xf32>
          %get3A_1316 = arith.constant 1 : i32
          %get3A_1317 = arith.index_cast %get3A_1316 : i32 to index
          %get3A_1318 = arith.index_cast %scan3A_354 : i32 to index
          %get3A_1319 = arith.index_cast %add3A_1265 : i32 to index
          %get3A_1320 = arith.constant 80 : index
          %get3A_1321 = tpu.vector_load %arg6[%get3A_1317, %get3A_1318, %get3A_1319, %get3A_1320] {strides = array<i32>} : memref<2x8x32x128xf32, #tpu.memory_space<vmem>>, vector<1x1x1x16xf32>,
          %get3A_1322 = vector.shape_cast %get3A_1321 : vector<1x1x1x16xf32> to vector<16xf32>
          %mul3A_1323 = vector.broadcast %squeeze3A_1261 : f32 to vector<16xf32>
          %mul3A_1324 = arith.mulf %mul3A_1323, %get3A_1322 : vector<16xf32>
          %add3A_1325 = arith.addf %add3A_1239, %mul3A_1324 : vector<16xf32>
          %get3A_1326 = arith.constant 1 : i32
          %get3A_1327 = arith.index_cast %get3A_1326 : i32 to index
          %get3A_1328 = arith.index_cast %scan3A_354 : i32 to index
          %get3A_1329 = arith.index_cast %add3A_1265 : i32 to index
          %get3A_1330 = arith.constant 96 : index
          %get3A_1331 = tpu.vector_load %arg6[%get3A_1327, %get3A_1328, %get3A_1329, %get3A_1330] {strides = array<i32>} : memref<2x8x32x128xf32, #tpu.memory_space<vmem>>, vector<1x1x1x16xf32>,
          %get3A_1332 = vector.shape_cast %get3A_1331 : vector<1x1x1x16xf32> to vector<16xf32>
          %mul3A_1333 = vector.broadcast %squeeze3A_1261 : f32 to vector<16xf32>
          %mul3A_1334 = arith.mulf %mul3A_1333, %get3A_1332 : vector<16xf32>
          %add3A_1335 = arith.addf %add3A_1249, %mul3A_1334 : vector<16xf32>
          %get3A_1336 = arith.constant 1 : i32
          %get3A_1337 = arith.index_cast %get3A_1336 : i32 to index
          %get3A_1338 = arith.index_cast %scan3A_354 : i32 to index
          %get3A_1339 = arith.index_cast %add3A_1265 : i32 to index
          %get3A_1340 = arith.constant 112 : index
          %get3A_1341 = tpu.vector_load %arg6[%get3A_1337, %get3A_1338, %get3A_1339, %get3A_1340] {strides = array<i32>} : memref<2x8x32x128xf32, #tpu.memory_space<vmem>>, vector<1x1x1x16xf32>,
          %get3A_1342 = vector.shape_cast %get3A_1341 : vector<1x1x1x16xf32> to vector<16xf32>
          %mul3A_1343 = vector.broadcast %squeeze3A_1261 : f32 to vector<16xf32>
          %mul3A_1344 = arith.mulf %mul3A_1343, %get3A_1342 : vector<16xf32>
          %add3A_1345 = arith.addf %add3A_1259, %mul3A_1344 : vector<16xf32>
          %slice3A_1346 = vector.extract_strided_slice %get3A_487 {offsets = [10], sizes = [1], strides = [1]} : vector<16xf32> to vector<1xf32>
          %squeeze3A_1347 = vector.extract %slice3A_1346[0] : f32 from vector<1xf32>
          %mul3A_1348 = arith.constant 16 : i32
          %mul3A_1349 = arith.muli %scan3A_471, %mul3A_1348 : i32
          %add3A_1350 = arith.constant 10 : i32
          %add3A_1351 = arith.addi %mul3A_1349, %add3A_1350 : i32
          %get3A_1352 = arith.constant 1 : i32
          %get3A_1353 = arith.index_cast %get3A_1352 : i32 to index
          %get3A_1354 = arith.index_cast %scan3A_354 : i32 to index
          %get3A_1355 = arith.index_cast %add3A_1351 : i32 to index
          %get3A_1356 = arith.constant 0 : index
          %get3A_1357 = tpu.vector_load %arg6[%get3A_1353, %get3A_1354, %get3A_1355, %get3A_1356] {strides = array<i32>} : memref<2x8x32x128xf32, #tpu.memory_space<vmem>>, vector<1x1x1x16xf32>,
          %get3A_1358 = vector.shape_cast %get3A_1357 : vector<1x1x1x16xf32> to vector<16xf32>
          %mul3A_1359 = vector.broadcast %squeeze3A_1347 : f32 to vector<16xf32>
          %mul3A_1360 = arith.mulf %mul3A_1359, %get3A_1358 : vector<16xf32>
          %add3A_1361 = arith.addf %add3A_1275, %mul3A_1360 : vector<16xf32>
          %get3A_1362 = arith.constant 1 : i32
          %get3A_1363 = arith.index_cast %get3A_1362 : i32 to index
          %get3A_1364 = arith.index_cast %scan3A_354 : i32 to index
          %get3A_1365 = arith.index_cast %add3A_1351 : i32 to index
          %get3A_1366 = arith.constant 16 : index
          %get3A_1367 = tpu.vector_load %arg6[%get3A_1363, %get3A_1364, %get3A_1365, %get3A_1366] {strides = array<i32>} : memref<2x8x32x128xf32, #tpu.memory_space<vmem>>, vector<1x1x1x16xf32>,
          %get3A_1368 = vector.shape_cast %get3A_1367 : vector<1x1x1x16xf32> to vector<16xf32>
          %mul3A_1369 = vector.broadcast %squeeze3A_1347 : f32 to vector<16xf32>
          %mul3A_1370 = arith.mulf %mul3A_1369, %get3A_1368 : vector<16xf32>
          %add3A_1371 = arith.addf %add3A_1285, %mul3A_1370 : vector<16xf32>
          %get3A_1372 = arith.constant 1 : i32
          %get3A_1373 = arith.index_cast %get3A_1372 : i32 to index
          %get3A_1374 = arith.index_cast %scan3A_354 : i32 to index
          %get3A_1375 = arith.index_cast %add3A_1351 : i32 to index
          %get3A_1376 = arith.constant 32 : index
          %get3A_1377 = tpu.vector_load %arg6[%get3A_1373, %get3A_1374, %get3A_1375, %get3A_1376] {strides = array<i32>} : memref<2x8x32x128xf32, #tpu.memory_space<vmem>>, vector<1x1x1x16xf32>,
          %get3A_1378 = vector.shape_cast %get3A_1377 : vector<1x1x1x16xf32> to vector<16xf32>
          %mul3A_1379 = vector.broadcast %squeeze3A_1347 : f32 to vector<16xf32>
          %mul3A_1380 = arith.mulf %mul3A_1379, %get3A_1378 : vector<16xf32>
          %add3A_1381 = arith.addf %add3A_1295, %mul3A_1380 : vector<16xf32>
          %get3A_1382 = arith.constant 1 : i32
          %get3A_1383 = arith.index_cast %get3A_1382 : i32 to index
          %get3A_1384 = arith.index_cast %scan3A_354 : i32 to index
          %get3A_1385 = arith.index_cast %add3A_1351 : i32 to index
          %get3A_1386 = arith.constant 48 : index
          %get3A_1387 = tpu.vector_load %arg6[%get3A_1383, %get3A_1384, %get3A_1385, %get3A_1386] {strides = array<i32>} : memref<2x8x32x128xf32, #tpu.memory_space<vmem>>, vector<1x1x1x16xf32>,
          %get3A_1388 = vector.shape_cast %get3A_1387 : vector<1x1x1x16xf32> to vector<16xf32>
          %mul3A_1389 = vector.broadcast %squeeze3A_1347 : f32 to vector<16xf32>
          %mul3A_1390 = arith.mulf %mul3A_1389, %get3A_1388 : vector<16xf32>
          %add3A_1391 = arith.addf %add3A_1305, %mul3A_1390 : vector<16xf32>
          %get3A_1392 = arith.constant 1 : i32
          %get3A_1393 = arith.index_cast %get3A_1392 : i32 to index
          %get3A_1394 = arith.index_cast %scan3A_354 : i32 to index
          %get3A_1395 = arith.index_cast %add3A_1351 : i32 to index
          %get3A_1396 = arith.constant 64 : index
          %get3A_1397 = tpu.vector_load %arg6[%get3A_1393, %get3A_1394, %get3A_1395, %get3A_1396] {strides = array<i32>} : memref<2x8x32x128xf32, #tpu.memory_space<vmem>>, vector<1x1x1x16xf32>,
          %get3A_1398 = vector.shape_cast %get3A_1397 : vector<1x1x1x16xf32> to vector<16xf32>
          %mul3A_1399 = vector.broadcast %squeeze3A_1347 : f32 to vector<16xf32>
          %mul3A_1400 = arith.mulf %mul3A_1399, %get3A_1398 : vector<16xf32>
          %add3A_1401 = arith.addf %add3A_1315, %mul3A_1400 : vector<16xf32>
          %get3A_1402 = arith.constant 1 : i32
          %get3A_1403 = arith.index_cast %get3A_1402 : i32 to index
          %get3A_1404 = arith.index_cast %scan3A_354 : i32 to index
          %get3A_1405 = arith.index_cast %add3A_1351 : i32 to index
          %get3A_1406 = arith.constant 80 : index
          %get3A_1407 = tpu.vector_load %arg6[%get3A_1403, %get3A_1404, %get3A_1405, %get3A_1406] {strides = array<i32>} : memref<2x8x32x128xf32, #tpu.memory_space<vmem>>, vector<1x1x1x16xf32>,
          %get3A_1408 = vector.shape_cast %get3A_1407 : vector<1x1x1x16xf32> to vector<16xf32>
          %mul3A_1409 = vector.broadcast %squeeze3A_1347 : f32 to vector<16xf32>
          %mul3A_1410 = arith.mulf %mul3A_1409, %get3A_1408 : vector<16xf32>
          %add3A_1411 = arith.addf %add3A_1325, %mul3A_1410 : vector<16xf32>
          %get3A_1412 = arith.constant 1 : i32
          %get3A_1413 = arith.index_cast %get3A_1412 : i32 to index
          %get3A_1414 = arith.index_cast %scan3A_354 : i32 to index
          %get3A_1415 = arith.index_cast %add3A_1351 : i32 to index
          %get3A_1416 = arith.constant 96 : index
          %get3A_1417 = tpu.vector_load %arg6[%get3A_1413, %get3A_1414, %get3A_1415, %get3A_1416] {strides = array<i32>} : memref<2x8x32x128xf32, #tpu.memory_space<vmem>>, vector<1x1x1x16xf32>,
          %get3A_1418 = vector.shape_cast %get3A_1417 : vector<1x1x1x16xf32> to vector<16xf32>
          %mul3A_1419 = vector.broadcast %squeeze3A_1347 : f32 to vector<16xf32>
          %mul3A_1420 = arith.mulf %mul3A_1419, %get3A_1418 : vector<16xf32>
          %add3A_1421 = arith.addf %add3A_1335, %mul3A_1420 : vector<16xf32>
          %get3A_1422 = arith.constant 1 : i32
          %get3A_1423 = arith.index_cast %get3A_1422 : i32 to index
          %get3A_1424 = arith.index_cast %scan3A_354 : i32 to index
          %get3A_1425 = arith.index_cast %add3A_1351 : i32 to index
          %get3A_1426 = arith.constant 112 : index
          %get3A_1427 = tpu.vector_load %arg6[%get3A_1423, %get3A_1424, %get3A_1425, %get3A_1426] {strides = array<i32>} : memref<2x8x32x128xf32, #tpu.memory_space<vmem>>, vector<1x1x1x16xf32>,
          %get3A_1428 = vector.shape_cast %get3A_1427 : vector<1x1x1x16xf32> to vector<16xf32>
          %mul3A_1429 = vector.broadcast %squeeze3A_1347 : f32 to vector<16xf32>
          %mul3A_1430 = arith.mulf %mul3A_1429, %get3A_1428 : vector<16xf32>
          %add3A_1431 = arith.addf %add3A_1345, %mul3A_1430 : vector<16xf32>
          %slice3A_1432 = vector.extract_strided_slice %get3A_487 {offsets = [11], sizes = [1], strides = [1]} : vector<16xf32> to vector<1xf32>
          %squeeze3A_1433 = vector.extract %slice3A_1432[0] : f32 from vector<1xf32>
          %mul3A_1434 = arith.constant 16 : i32
          %mul3A_1435 = arith.muli %scan3A_471, %mul3A_1434 : i32
          %add3A_1436 = arith.constant 11 : i32
          %add3A_1437 = arith.addi %mul3A_1435, %add3A_1436 : i32
          %get3A_1438 = arith.constant 1 : i32
          %get3A_1439 = arith.index_cast %get3A_1438 : i32 to index
          %get3A_1440 = arith.index_cast %scan3A_354 : i32 to index
          %get3A_1441 = arith.index_cast %add3A_1437 : i32 to index
          %get3A_1442 = arith.constant 0 : index
          %get3A_1443 = tpu.vector_load %arg6[%get3A_1439, %get3A_1440, %get3A_1441, %get3A_1442] {strides = array<i32>} : memref<2x8x32x128xf32, #tpu.memory_space<vmem>>, vector<1x1x1x16xf32>,
          %get3A_1444 = vector.shape_cast %get3A_1443 : vector<1x1x1x16xf32> to vector<16xf32>
          %mul3A_1445 = vector.broadcast %squeeze3A_1433 : f32 to vector<16xf32>
          %mul3A_1446 = arith.mulf %mul3A_1445, %get3A_1444 : vector<16xf32>
          %add3A_1447 = arith.addf %add3A_1361, %mul3A_1446 : vector<16xf32>
          %get3A_1448 = arith.constant 1 : i32
          %get3A_1449 = arith.index_cast %get3A_1448 : i32 to index
          %get3A_1450 = arith.index_cast %scan3A_354 : i32 to index
          %get3A_1451 = arith.index_cast %add3A_1437 : i32 to index
          %get3A_1452 = arith.constant 16 : index
          %get3A_1453 = tpu.vector_load %arg6[%get3A_1449, %get3A_1450, %get3A_1451, %get3A_1452] {strides = array<i32>} : memref<2x8x32x128xf32, #tpu.memory_space<vmem>>, vector<1x1x1x16xf32>,
          %get3A_1454 = vector.shape_cast %get3A_1453 : vector<1x1x1x16xf32> to vector<16xf32>
          %mul3A_1455 = vector.broadcast %squeeze3A_1433 : f32 to vector<16xf32>
          %mul3A_1456 = arith.mulf %mul3A_1455, %get3A_1454 : vector<16xf32>
          %add3A_1457 = arith.addf %add3A_1371, %mul3A_1456 : vector<16xf32>
          %get3A_1458 = arith.constant 1 : i32
          %get3A_1459 = arith.index_cast %get3A_1458 : i32 to index
          %get3A_1460 = arith.index_cast %scan3A_354 : i32 to index
          %get3A_1461 = arith.index_cast %add3A_1437 : i32 to index
          %get3A_1462 = arith.constant 32 : index
          %get3A_1463 = tpu.vector_load %arg6[%get3A_1459, %get3A_1460, %get3A_1461, %get3A_1462] {strides = array<i32>} : memref<2x8x32x128xf32, #tpu.memory_space<vmem>>, vector<1x1x1x16xf32>,
          %get3A_1464 = vector.shape_cast %get3A_1463 : vector<1x1x1x16xf32> to vector<16xf32>
          %mul3A_1465 = vector.broadcast %squeeze3A_1433 : f32 to vector<16xf32>
          %mul3A_1466 = arith.mulf %mul3A_1465, %get3A_1464 : vector<16xf32>
          %add3A_1467 = arith.addf %add3A_1381, %mul3A_1466 : vector<16xf32>
          %get3A_1468 = arith.constant 1 : i32
          %get3A_1469 = arith.index_cast %get3A_1468 : i32 to index
          %get3A_1470 = arith.index_cast %scan3A_354 : i32 to index
          %get3A_1471 = arith.index_cast %add3A_1437 : i32 to index
          %get3A_1472 = arith.constant 48 : index
          %get3A_1473 = tpu.vector_load %arg6[%get3A_1469, %get3A_1470, %get3A_1471, %get3A_1472] {strides = array<i32>} : memref<2x8x32x128xf32, #tpu.memory_space<vmem>>, vector<1x1x1x16xf32>,
          %get3A_1474 = vector.shape_cast %get3A_1473 : vector<1x1x1x16xf32> to vector<16xf32>
          %mul3A_1475 = vector.broadcast %squeeze3A_1433 : f32 to vector<16xf32>
          %mul3A_1476 = arith.mulf %mul3A_1475, %get3A_1474 : vector<16xf32>
          %add3A_1477 = arith.addf %add3A_1391, %mul3A_1476 : vector<16xf32>
          %get3A_1478 = arith.constant 1 : i32
          %get3A_1479 = arith.index_cast %get3A_1478 : i32 to index
          %get3A_1480 = arith.index_cast %scan3A_354 : i32 to index
          %get3A_1481 = arith.index_cast %add3A_1437 : i32 to index
          %get3A_1482 = arith.constant 64 : index
          %get3A_1483 = tpu.vector_load %arg6[%get3A_1479, %get3A_1480, %get3A_1481, %get3A_1482] {strides = array<i32>} : memref<2x8x32x128xf32, #tpu.memory_space<vmem>>, vector<1x1x1x16xf32>,
          %get3A_1484 = vector.shape_cast %get3A_1483 : vector<1x1x1x16xf32> to vector<16xf32>
          %mul3A_1485 = vector.broadcast %squeeze3A_1433 : f32 to vector<16xf32>
          %mul3A_1486 = arith.mulf %mul3A_1485, %get3A_1484 : vector<16xf32>
          %add3A_1487 = arith.addf %add3A_1401, %mul3A_1486 : vector<16xf32>
          %get3A_1488 = arith.constant 1 : i32
          %get3A_1489 = arith.index_cast %get3A_1488 : i32 to index
          %get3A_1490 = arith.index_cast %scan3A_354 : i32 to index
          %get3A_1491 = arith.index_cast %add3A_1437 : i32 to index
          %get3A_1492 = arith.constant 80 : index
          %get3A_1493 = tpu.vector_load %arg6[%get3A_1489, %get3A_1490, %get3A_1491, %get3A_1492] {strides = array<i32>} : memref<2x8x32x128xf32, #tpu.memory_space<vmem>>, vector<1x1x1x16xf32>,
          %get3A_1494 = vector.shape_cast %get3A_1493 : vector<1x1x1x16xf32> to vector<16xf32>
          %mul3A_1495 = vector.broadcast %squeeze3A_1433 : f32 to vector<16xf32>
          %mul3A_1496 = arith.mulf %mul3A_1495, %get3A_1494 : vector<16xf32>
          %add3A_1497 = arith.addf %add3A_1411, %mul3A_1496 : vector<16xf32>
          %get3A_1498 = arith.constant 1 : i32
          %get3A_1499 = arith.index_cast %get3A_1498 : i32 to index
          %get3A_1500 = arith.index_cast %scan3A_354 : i32 to index
          %get3A_1501 = arith.index_cast %add3A_1437 : i32 to index
          %get3A_1502 = arith.constant 96 : index
          %get3A_1503 = tpu.vector_load %arg6[%get3A_1499, %get3A_1500, %get3A_1501, %get3A_1502] {strides = array<i32>} : memref<2x8x32x128xf32, #tpu.memory_space<vmem>>, vector<1x1x1x16xf32>,
          %get3A_1504 = vector.shape_cast %get3A_1503 : vector<1x1x1x16xf32> to vector<16xf32>
          %mul3A_1505 = vector.broadcast %squeeze3A_1433 : f32 to vector<16xf32>
          %mul3A_1506 = arith.mulf %mul3A_1505, %get3A_1504 : vector<16xf32>
          %add3A_1507 = arith.addf %add3A_1421, %mul3A_1506 : vector<16xf32>
          %get3A_1508 = arith.constant 1 : i32
          %get3A_1509 = arith.index_cast %get3A_1508 : i32 to index
          %get3A_1510 = arith.index_cast %scan3A_354 : i32 to index
          %get3A_1511 = arith.index_cast %add3A_1437 : i32 to index
          %get3A_1512 = arith.constant 112 : index
          %get3A_1513 = tpu.vector_load %arg6[%get3A_1509, %get3A_1510, %get3A_1511, %get3A_1512] {strides = array<i32>} : memref<2x8x32x128xf32, #tpu.memory_space<vmem>>, vector<1x1x1x16xf32>,
          %get3A_1514 = vector.shape_cast %get3A_1513 : vector<1x1x1x16xf32> to vector<16xf32>
          %mul3A_1515 = vector.broadcast %squeeze3A_1433 : f32 to vector<16xf32>
          %mul3A_1516 = arith.mulf %mul3A_1515, %get3A_1514 : vector<16xf32>
          %add3A_1517 = arith.addf %add3A_1431, %mul3A_1516 : vector<16xf32>
          %slice3A_1518 = vector.extract_strided_slice %get3A_487 {offsets = [12], sizes = [1], strides = [1]} : vector<16xf32> to vector<1xf32>
          %squeeze3A_1519 = vector.extract %slice3A_1518[0] : f32 from vector<1xf32>
          %mul3A_1520 = arith.constant 16 : i32
          %mul3A_1521 = arith.muli %scan3A_471, %mul3A_1520 : i32
          %add3A_1522 = arith.constant 12 : i32
          %add3A_1523 = arith.addi %mul3A_1521, %add3A_1522 : i32
          %get3A_1524 = arith.constant 1 : i32
          %get3A_1525 = arith.index_cast %get3A_1524 : i32 to index
          %get3A_1526 = arith.index_cast %scan3A_354 : i32 to index
          %get3A_1527 = arith.index_cast %add3A_1523 : i32 to index
          %get3A_1528 = arith.constant 0 : index
          %get3A_1529 = tpu.vector_load %arg6[%get3A_1525, %get3A_1526, %get3A_1527, %get3A_1528] {strides = array<i32>} : memref<2x8x32x128xf32, #tpu.memory_space<vmem>>, vector<1x1x1x16xf32>,
          %get3A_1530 = vector.shape_cast %get3A_1529 : vector<1x1x1x16xf32> to vector<16xf32>
          %mul3A_1531 = vector.broadcast %squeeze3A_1519 : f32 to vector<16xf32>
          %mul3A_1532 = arith.mulf %mul3A_1531, %get3A_1530 : vector<16xf32>
          %add3A_1533 = arith.addf %add3A_1447, %mul3A_1532 : vector<16xf32>
          %get3A_1534 = arith.constant 1 : i32
          %get3A_1535 = arith.index_cast %get3A_1534 : i32 to index
          %get3A_1536 = arith.index_cast %scan3A_354 : i32 to index
          %get3A_1537 = arith.index_cast %add3A_1523 : i32 to index
          %get3A_1538 = arith.constant 16 : index
          %get3A_1539 = tpu.vector_load %arg6[%get3A_1535, %get3A_1536, %get3A_1537, %get3A_1538] {strides = array<i32>} : memref<2x8x32x128xf32, #tpu.memory_space<vmem>>, vector<1x1x1x16xf32>,
          %get3A_1540 = vector.shape_cast %get3A_1539 : vector<1x1x1x16xf32> to vector<16xf32>
          %mul3A_1541 = vector.broadcast %squeeze3A_1519 : f32 to vector<16xf32>
          %mul3A_1542 = arith.mulf %mul3A_1541, %get3A_1540 : vector<16xf32>
          %add3A_1543 = arith.addf %add3A_1457, %mul3A_1542 : vector<16xf32>
          %get3A_1544 = arith.constant 1 : i32
          %get3A_1545 = arith.index_cast %get3A_1544 : i32 to index
          %get3A_1546 = arith.index_cast %scan3A_354 : i32 to index
          %get3A_1547 = arith.index_cast %add3A_1523 : i32 to index
          %get3A_1548 = arith.constant 32 : index
          %get3A_1549 = tpu.vector_load %arg6[%get3A_1545, %get3A_1546, %get3A_1547, %get3A_1548] {strides = array<i32>} : memref<2x8x32x128xf32, #tpu.memory_space<vmem>>, vector<1x1x1x16xf32>,
          %get3A_1550 = vector.shape_cast %get3A_1549 : vector<1x1x1x16xf32> to vector<16xf32>
          %mul3A_1551 = vector.broadcast %squeeze3A_1519 : f32 to vector<16xf32>
          %mul3A_1552 = arith.mulf %mul3A_1551, %get3A_1550 : vector<16xf32>
          %add3A_1553 = arith.addf %add3A_1467, %mul3A_1552 : vector<16xf32>
          %get3A_1554 = arith.constant 1 : i32
          %get3A_1555 = arith.index_cast %get3A_1554 : i32 to index
          %get3A_1556 = arith.index_cast %scan3A_354 : i32 to index
          %get3A_1557 = arith.index_cast %add3A_1523 : i32 to index
          %get3A_1558 = arith.constant 48 : index
          %get3A_1559 = tpu.vector_load %arg6[%get3A_1555, %get3A_1556, %get3A_1557, %get3A_1558] {strides = array<i32>} : memref<2x8x32x128xf32, #tpu.memory_space<vmem>>, vector<1x1x1x16xf32>,
          %get3A_1560 = vector.shape_cast %get3A_1559 : vector<1x1x1x16xf32> to vector<16xf32>
          %mul3A_1561 = vector.broadcast %squeeze3A_1519 : f32 to vector<16xf32>
          %mul3A_1562 = arith.mulf %mul3A_1561, %get3A_1560 : vector<16xf32>
          %add3A_1563 = arith.addf %add3A_1477, %mul3A_1562 : vector<16xf32>
          %get3A_1564 = arith.constant 1 : i32
          %get3A_1565 = arith.index_cast %get3A_1564 : i32 to index
          %get3A_1566 = arith.index_cast %scan3A_354 : i32 to index
          %get3A_1567 = arith.index_cast %add3A_1523 : i32 to index
          %get3A_1568 = arith.constant 64 : index
          %get3A_1569 = tpu.vector_load %arg6[%get3A_1565, %get3A_1566, %get3A_1567, %get3A_1568] {strides = array<i32>} : memref<2x8x32x128xf32, #tpu.memory_space<vmem>>, vector<1x1x1x16xf32>,
          %get3A_1570 = vector.shape_cast %get3A_1569 : vector<1x1x1x16xf32> to vector<16xf32>
          %mul3A_1571 = vector.broadcast %squeeze3A_1519 : f32 to vector<16xf32>
          %mul3A_1572 = arith.mulf %mul3A_1571, %get3A_1570 : vector<16xf32>
          %add3A_1573 = arith.addf %add3A_1487, %mul3A_1572 : vector<16xf32>
          %get3A_1574 = arith.constant 1 : i32
          %get3A_1575 = arith.index_cast %get3A_1574 : i32 to index
          %get3A_1576 = arith.index_cast %scan3A_354 : i32 to index
          %get3A_1577 = arith.index_cast %add3A_1523 : i32 to index
          %get3A_1578 = arith.constant 80 : index
          %get3A_1579 = tpu.vector_load %arg6[%get3A_1575, %get3A_1576, %get3A_1577, %get3A_1578] {strides = array<i32>} : memref<2x8x32x128xf32, #tpu.memory_space<vmem>>, vector<1x1x1x16xf32>,
          %get3A_1580 = vector.shape_cast %get3A_1579 : vector<1x1x1x16xf32> to vector<16xf32>
          %mul3A_1581 = vector.broadcast %squeeze3A_1519 : f32 to vector<16xf32>
          %mul3A_1582 = arith.mulf %mul3A_1581, %get3A_1580 : vector<16xf32>
          %add3A_1583 = arith.addf %add3A_1497, %mul3A_1582 : vector<16xf32>
          %get3A_1584 = arith.constant 1 : i32
          %get3A_1585 = arith.index_cast %get3A_1584 : i32 to index
          %get3A_1586 = arith.index_cast %scan3A_354 : i32 to index
          %get3A_1587 = arith.index_cast %add3A_1523 : i32 to index
          %get3A_1588 = arith.constant 96 : index
          %get3A_1589 = tpu.vector_load %arg6[%get3A_1585, %get3A_1586, %get3A_1587, %get3A_1588] {strides = array<i32>} : memref<2x8x32x128xf32, #tpu.memory_space<vmem>>, vector<1x1x1x16xf32>,
          %get3A_1590 = vector.shape_cast %get3A_1589 : vector<1x1x1x16xf32> to vector<16xf32>
          %mul3A_1591 = vector.broadcast %squeeze3A_1519 : f32 to vector<16xf32>
          %mul3A_1592 = arith.mulf %mul3A_1591, %get3A_1590 : vector<16xf32>
          %add3A_1593 = arith.addf %add3A_1507, %mul3A_1592 : vector<16xf32>
          %get3A_1594 = arith.constant 1 : i32
          %get3A_1595 = arith.index_cast %get3A_1594 : i32 to index
          %get3A_1596 = arith.index_cast %scan3A_354 : i32 to index
          %get3A_1597 = arith.index_cast %add3A_1523 : i32 to index
          %get3A_1598 = arith.constant 112 : index
          %get3A_1599 = tpu.vector_load %arg6[%get3A_1595, %get3A_1596, %get3A_1597, %get3A_1598] {strides = array<i32>} : memref<2x8x32x128xf32, #tpu.memory_space<vmem>>, vector<1x1x1x16xf32>,
          %get3A_1600 = vector.shape_cast %get3A_1599 : vector<1x1x1x16xf32> to vector<16xf32>
          %mul3A_1601 = vector.broadcast %squeeze3A_1519 : f32 to vector<16xf32>
          %mul3A_1602 = arith.mulf %mul3A_1601, %get3A_1600 : vector<16xf32>
          %add3A_1603 = arith.addf %add3A_1517, %mul3A_1602 : vector<16xf32>
          %slice3A_1604 = vector.extract_strided_slice %get3A_487 {offsets = [13], sizes = [1], strides = [1]} : vector<16xf32> to vector<1xf32>
          %squeeze3A_1605 = vector.extract %slice3A_1604[0] : f32 from vector<1xf32>
          %mul3A_1606 = arith.constant 16 : i32
          %mul3A_1607 = arith.muli %scan3A_471, %mul3A_1606 : i32
          %add3A_1608 = arith.constant 13 : i32
          %add3A_1609 = arith.addi %mul3A_1607, %add3A_1608 : i32
          %get3A_1610 = arith.constant 1 : i32
          %get3A_1611 = arith.index_cast %get3A_1610 : i32 to index
          %get3A_1612 = arith.index_cast %scan3A_354 : i32 to index
          %get3A_1613 = arith.index_cast %add3A_1609 : i32 to index
          %get3A_1614 = arith.constant 0 : index
          %get3A_1615 = tpu.vector_load %arg6[%get3A_1611, %get3A_1612, %get3A_1613, %get3A_1614] {strides = array<i32>} : memref<2x8x32x128xf32, #tpu.memory_space<vmem>>, vector<1x1x1x16xf32>,
          %get3A_1616 = vector.shape_cast %get3A_1615 : vector<1x1x1x16xf32> to vector<16xf32>
          %mul3A_1617 = vector.broadcast %squeeze3A_1605 : f32 to vector<16xf32>
          %mul3A_1618 = arith.mulf %mul3A_1617, %get3A_1616 : vector<16xf32>
          %add3A_1619 = arith.addf %add3A_1533, %mul3A_1618 : vector<16xf32>
          %get3A_1620 = arith.constant 1 : i32
          %get3A_1621 = arith.index_cast %get3A_1620 : i32 to index
          %get3A_1622 = arith.index_cast %scan3A_354 : i32 to index
          %get3A_1623 = arith.index_cast %add3A_1609 : i32 to index
          %get3A_1624 = arith.constant 16 : index
          %get3A_1625 = tpu.vector_load %arg6[%get3A_1621, %get3A_1622, %get3A_1623, %get3A_1624] {strides = array<i32>} : memref<2x8x32x128xf32, #tpu.memory_space<vmem>>, vector<1x1x1x16xf32>,
          %get3A_1626 = vector.shape_cast %get3A_1625 : vector<1x1x1x16xf32> to vector<16xf32>
          %mul3A_1627 = vector.broadcast %squeeze3A_1605 : f32 to vector<16xf32>
          %mul3A_1628 = arith.mulf %mul3A_1627, %get3A_1626 : vector<16xf32>
          %add3A_1629 = arith.addf %add3A_1543, %mul3A_1628 : vector<16xf32>
          %get3A_1630 = arith.constant 1 : i32
          %get3A_1631 = arith.index_cast %get3A_1630 : i32 to index
          %get3A_1632 = arith.index_cast %scan3A_354 : i32 to index
          %get3A_1633 = arith.index_cast %add3A_1609 : i32 to index
          %get3A_1634 = arith.constant 32 : index
          %get3A_1635 = tpu.vector_load %arg6[%get3A_1631, %get3A_1632, %get3A_1633, %get3A_1634] {strides = array<i32>} : memref<2x8x32x128xf32, #tpu.memory_space<vmem>>, vector<1x1x1x16xf32>,
          %get3A_1636 = vector.shape_cast %get3A_1635 : vector<1x1x1x16xf32> to vector<16xf32>
          %mul3A_1637 = vector.broadcast %squeeze3A_1605 : f32 to vector<16xf32>
          %mul3A_1638 = arith.mulf %mul3A_1637, %get3A_1636 : vector<16xf32>
          %add3A_1639 = arith.addf %add3A_1553, %mul3A_1638 : vector<16xf32>
          %get3A_1640 = arith.constant 1 : i32
          %get3A_1641 = arith.index_cast %get3A_1640 : i32 to index
          %get3A_1642 = arith.index_cast %scan3A_354 : i32 to index
          %get3A_1643 = arith.index_cast %add3A_1609 : i32 to index
          %get3A_1644 = arith.constant 48 : index
          %get3A_1645 = tpu.vector_load %arg6[%get3A_1641, %get3A_1642, %get3A_1643, %get3A_1644] {strides = array<i32>} : memref<2x8x32x128xf32, #tpu.memory_space<vmem>>, vector<1x1x1x16xf32>,
          %get3A_1646 = vector.shape_cast %get3A_1645 : vector<1x1x1x16xf32> to vector<16xf32>
          %mul3A_1647 = vector.broadcast %squeeze3A_1605 : f32 to vector<16xf32>
          %mul3A_1648 = arith.mulf %mul3A_1647, %get3A_1646 : vector<16xf32>
          %add3A_1649 = arith.addf %add3A_1563, %mul3A_1648 : vector<16xf32>
          %get3A_1650 = arith.constant 1 : i32
          %get3A_1651 = arith.index_cast %get3A_1650 : i32 to index
          %get3A_1652 = arith.index_cast %scan3A_354 : i32 to index
          %get3A_1653 = arith.index_cast %add3A_1609 : i32 to index
          %get3A_1654 = arith.constant 64 : index
          %get3A_1655 = tpu.vector_load %arg6[%get3A_1651, %get3A_1652, %get3A_1653, %get3A_1654] {strides = array<i32>} : memref<2x8x32x128xf32, #tpu.memory_space<vmem>>, vector<1x1x1x16xf32>,
          %get3A_1656 = vector.shape_cast %get3A_1655 : vector<1x1x1x16xf32> to vector<16xf32>
          %mul3A_1657 = vector.broadcast %squeeze3A_1605 : f32 to vector<16xf32>
          %mul3A_1658 = arith.mulf %mul3A_1657, %get3A_1656 : vector<16xf32>
          %add3A_1659 = arith.addf %add3A_1573, %mul3A_1658 : vector<16xf32>
          %get3A_1660 = arith.constant 1 : i32
          %get3A_1661 = arith.index_cast %get3A_1660 : i32 to index
          %get3A_1662 = arith.index_cast %scan3A_354 : i32 to index
          %get3A_1663 = arith.index_cast %add3A_1609 : i32 to index
          %get3A_1664 = arith.constant 80 : index
          %get3A_1665 = tpu.vector_load %arg6[%get3A_1661, %get3A_1662, %get3A_1663, %get3A_1664] {strides = array<i32>} : memref<2x8x32x128xf32, #tpu.memory_space<vmem>>, vector<1x1x1x16xf32>,
          %get3A_1666 = vector.shape_cast %get3A_1665 : vector<1x1x1x16xf32> to vector<16xf32>
          %mul3A_1667 = vector.broadcast %squeeze3A_1605 : f32 to vector<16xf32>
          %mul3A_1668 = arith.mulf %mul3A_1667, %get3A_1666 : vector<16xf32>
          %add3A_1669 = arith.addf %add3A_1583, %mul3A_1668 : vector<16xf32>
          %get3A_1670 = arith.constant 1 : i32
          %get3A_1671 = arith.index_cast %get3A_1670 : i32 to index
          %get3A_1672 = arith.index_cast %scan3A_354 : i32 to index
          %get3A_1673 = arith.index_cast %add3A_1609 : i32 to index
          %get3A_1674 = arith.constant 96 : index
          %get3A_1675 = tpu.vector_load %arg6[%get3A_1671, %get3A_1672, %get3A_1673, %get3A_1674] {strides = array<i32>} : memref<2x8x32x128xf32, #tpu.memory_space<vmem>>, vector<1x1x1x16xf32>,
          %get3A_1676 = vector.shape_cast %get3A_1675 : vector<1x1x1x16xf32> to vector<16xf32>
          %mul3A_1677 = vector.broadcast %squeeze3A_1605 : f32 to vector<16xf32>
          %mul3A_1678 = arith.mulf %mul3A_1677, %get3A_1676 : vector<16xf32>
          %add3A_1679 = arith.addf %add3A_1593, %mul3A_1678 : vector<16xf32>
          %get3A_1680 = arith.constant 1 : i32
          %get3A_1681 = arith.index_cast %get3A_1680 : i32 to index
          %get3A_1682 = arith.index_cast %scan3A_354 : i32 to index
          %get3A_1683 = arith.index_cast %add3A_1609 : i32 to index
          %get3A_1684 = arith.constant 112 : index
          %get3A_1685 = tpu.vector_load %arg6[%get3A_1681, %get3A_1682, %get3A_1683, %get3A_1684] {strides = array<i32>} : memref<2x8x32x128xf32, #tpu.memory_space<vmem>>, vector<1x1x1x16xf32>,
          %get3A_1686 = vector.shape_cast %get3A_1685 : vector<1x1x1x16xf32> to vector<16xf32>
          %mul3A_1687 = vector.broadcast %squeeze3A_1605 : f32 to vector<16xf32>
          %mul3A_1688 = arith.mulf %mul3A_1687, %get3A_1686 : vector<16xf32>
          %add3A_1689 = arith.addf %add3A_1603, %mul3A_1688 : vector<16xf32>
          %slice3A_1690 = vector.extract_strided_slice %get3A_487 {offsets = [14], sizes = [1], strides = [1]} : vector<16xf32> to vector<1xf32>
          %squeeze3A_1691 = vector.extract %slice3A_1690[0] : f32 from vector<1xf32>
          %mul3A_1692 = arith.constant 16 : i32
          %mul3A_1693 = arith.muli %scan3A_471, %mul3A_1692 : i32
          %add3A_1694 = arith.constant 14 : i32
          %add3A_1695 = arith.addi %mul3A_1693, %add3A_1694 : i32
          %get3A_1696 = arith.constant 1 : i32
          %get3A_1697 = arith.index_cast %get3A_1696 : i32 to index
          %get3A_1698 = arith.index_cast %scan3A_354 : i32 to index
          %get3A_1699 = arith.index_cast %add3A_1695 : i32 to index
          %get3A_1700 = arith.constant 0 : index
          %get3A_1701 = tpu.vector_load %arg6[%get3A_1697, %get3A_1698, %get3A_1699, %get3A_1700] {strides = array<i32>} : memref<2x8x32x128xf32, #tpu.memory_space<vmem>>, vector<1x1x1x16xf32>,
          %get3A_1702 = vector.shape_cast %get3A_1701 : vector<1x1x1x16xf32> to vector<16xf32>
          %mul3A_1703 = vector.broadcast %squeeze3A_1691 : f32 to vector<16xf32>
          %mul3A_1704 = arith.mulf %mul3A_1703, %get3A_1702 : vector<16xf32>
          %add3A_1705 = arith.addf %add3A_1619, %mul3A_1704 : vector<16xf32>
          %get3A_1706 = arith.constant 1 : i32
          %get3A_1707 = arith.index_cast %get3A_1706 : i32 to index
          %get3A_1708 = arith.index_cast %scan3A_354 : i32 to index
          %get3A_1709 = arith.index_cast %add3A_1695 : i32 to index
          %get3A_1710 = arith.constant 16 : index
          %get3A_1711 = tpu.vector_load %arg6[%get3A_1707, %get3A_1708, %get3A_1709, %get3A_1710] {strides = array<i32>} : memref<2x8x32x128xf32, #tpu.memory_space<vmem>>, vector<1x1x1x16xf32>,
          %get3A_1712 = vector.shape_cast %get3A_1711 : vector<1x1x1x16xf32> to vector<16xf32>
          %mul3A_1713 = vector.broadcast %squeeze3A_1691 : f32 to vector<16xf32>
          %mul3A_1714 = arith.mulf %mul3A_1713, %get3A_1712 : vector<16xf32>
          %add3A_1715 = arith.addf %add3A_1629, %mul3A_1714 : vector<16xf32>
          %get3A_1716 = arith.constant 1 : i32
          %get3A_1717 = arith.index_cast %get3A_1716 : i32 to index
          %get3A_1718 = arith.index_cast %scan3A_354 : i32 to index
          %get3A_1719 = arith.index_cast %add3A_1695 : i32 to index
          %get3A_1720 = arith.constant 32 : index
          %get3A_1721 = tpu.vector_load %arg6[%get3A_1717, %get3A_1718, %get3A_1719, %get3A_1720] {strides = array<i32>} : memref<2x8x32x128xf32, #tpu.memory_space<vmem>>, vector<1x1x1x16xf32>,
          %get3A_1722 = vector.shape_cast %get3A_1721 : vector<1x1x1x16xf32> to vector<16xf32>
          %mul3A_1723 = vector.broadcast %squeeze3A_1691 : f32 to vector<16xf32>
          %mul3A_1724 = arith.mulf %mul3A_1723, %get3A_1722 : vector<16xf32>
          %add3A_1725 = arith.addf %add3A_1639, %mul3A_1724 : vector<16xf32>
          %get3A_1726 = arith.constant 1 : i32
          %get3A_1727 = arith.index_cast %get3A_1726 : i32 to index
          %get3A_1728 = arith.index_cast %scan3A_354 : i32 to index
          %get3A_1729 = arith.index_cast %add3A_1695 : i32 to index
          %get3A_1730 = arith.constant 48 : index
          %get3A_1731 = tpu.vector_load %arg6[%get3A_1727, %get3A_1728, %get3A_1729, %get3A_1730] {strides = array<i32>} : memref<2x8x32x128xf32, #tpu.memory_space<vmem>>, vector<1x1x1x16xf32>,
          %get3A_1732 = vector.shape_cast %get3A_1731 : vector<1x1x1x16xf32> to vector<16xf32>
          %mul3A_1733 = vector.broadcast %squeeze3A_1691 : f32 to vector<16xf32>
          %mul3A_1734 = arith.mulf %mul3A_1733, %get3A_1732 : vector<16xf32>
          %add3A_1735 = arith.addf %add3A_1649, %mul3A_1734 : vector<16xf32>
          %get3A_1736 = arith.constant 1 : i32
          %get3A_1737 = arith.index_cast %get3A_1736 : i32 to index
          %get3A_1738 = arith.index_cast %scan3A_354 : i32 to index
          %get3A_1739 = arith.index_cast %add3A_1695 : i32 to index
          %get3A_1740 = arith.constant 64 : index
          %get3A_1741 = tpu.vector_load %arg6[%get3A_1737, %get3A_1738, %get3A_1739, %get3A_1740] {strides = array<i32>} : memref<2x8x32x128xf32, #tpu.memory_space<vmem>>, vector<1x1x1x16xf32>,
          %get3A_1742 = vector.shape_cast %get3A_1741 : vector<1x1x1x16xf32> to vector<16xf32>
          %mul3A_1743 = vector.broadcast %squeeze3A_1691 : f32 to vector<16xf32>
          %mul3A_1744 = arith.mulf %mul3A_1743, %get3A_1742 : vector<16xf32>
          %add3A_1745 = arith.addf %add3A_1659, %mul3A_1744 : vector<16xf32>
          %get3A_1746 = arith.constant 1 : i32
          %get3A_1747 = arith.index_cast %get3A_1746 : i32 to index
          %get3A_1748 = arith.index_cast %scan3A_354 : i32 to index
          %get3A_1749 = arith.index_cast %add3A_1695 : i32 to index
          %get3A_1750 = arith.constant 80 : index
          %get3A_1751 = tpu.vector_load %arg6[%get3A_1747, %get3A_1748, %get3A_1749, %get3A_1750] {strides = array<i32>} : memref<2x8x32x128xf32, #tpu.memory_space<vmem>>, vector<1x1x1x16xf32>,
          %get3A_1752 = vector.shape_cast %get3A_1751 : vector<1x1x1x16xf32> to vector<16xf32>
          %mul3A_1753 = vector.broadcast %squeeze3A_1691 : f32 to vector<16xf32>
          %mul3A_1754 = arith.mulf %mul3A_1753, %get3A_1752 : vector<16xf32>
          %add3A_1755 = arith.addf %add3A_1669, %mul3A_1754 : vector<16xf32>
          %get3A_1756 = arith.constant 1 : i32
          %get3A_1757 = arith.index_cast %get3A_1756 : i32 to index
          %get3A_1758 = arith.index_cast %scan3A_354 : i32 to index
          %get3A_1759 = arith.index_cast %add3A_1695 : i32 to index
          %get3A_1760 = arith.constant 96 : index
          %get3A_1761 = tpu.vector_load %arg6[%get3A_1757, %get3A_1758, %get3A_1759, %get3A_1760] {strides = array<i32>} : memref<2x8x32x128xf32, #tpu.memory_space<vmem>>, vector<1x1x1x16xf32>,
          %get3A_1762 = vector.shape_cast %get3A_1761 : vector<1x1x1x16xf32> to vector<16xf32>
          %mul3A_1763 = vector.broadcast %squeeze3A_1691 : f32 to vector<16xf32>
          %mul3A_1764 = arith.mulf %mul3A_1763, %get3A_1762 : vector<16xf32>
          %add3A_1765 = arith.addf %add3A_1679, %mul3A_1764 : vector<16xf32>
          %get3A_1766 = arith.constant 1 : i32
          %get3A_1767 = arith.index_cast %get3A_1766 : i32 to index
          %get3A_1768 = arith.index_cast %scan3A_354 : i32 to index
          %get3A_1769 = arith.index_cast %add3A_1695 : i32 to index
          %get3A_1770 = arith.constant 112 : index
          %get3A_1771 = tpu.vector_load %arg6[%get3A_1767, %get3A_1768, %get3A_1769, %get3A_1770] {strides = array<i32>} : memref<2x8x32x128xf32, #tpu.memory_space<vmem>>, vector<1x1x1x16xf32>,
          %get3A_1772 = vector.shape_cast %get3A_1771 : vector<1x1x1x16xf32> to vector<16xf32>
          %mul3A_1773 = vector.broadcast %squeeze3A_1691 : f32 to vector<16xf32>
          %mul3A_1774 = arith.mulf %mul3A_1773, %get3A_1772 : vector<16xf32>
          %add3A_1775 = arith.addf %add3A_1689, %mul3A_1774 : vector<16xf32>
          %slice3A_1776 = vector.extract_strided_slice %get3A_487 {offsets = [15], sizes = [1], strides = [1]} : vector<16xf32> to vector<1xf32>
          %squeeze3A_1777 = vector.extract %slice3A_1776[0] : f32 from vector<1xf32>
          %mul3A_1778 = arith.constant 16 : i32
          %mul3A_1779 = arith.muli %scan3A_471, %mul3A_1778 : i32
          %add3A_1780 = arith.constant 15 : i32
          %add3A_1781 = arith.addi %mul3A_1779, %add3A_1780 : i32
          %get3A_1782 = arith.constant 1 : i32
          %get3A_1783 = arith.index_cast %get3A_1782 : i32 to index
          %get3A_1784 = arith.index_cast %scan3A_354 : i32 to index
          %get3A_1785 = arith.index_cast %add3A_1781 : i32 to index
          %get3A_1786 = arith.constant 0 : index
          %get3A_1787 = tpu.vector_load %arg6[%get3A_1783, %get3A_1784, %get3A_1785, %get3A_1786] {strides = array<i32>} : memref<2x8x32x128xf32, #tpu.memory_space<vmem>>, vector<1x1x1x16xf32>,
          %get3A_1788 = vector.shape_cast %get3A_1787 : vector<1x1x1x16xf32> to vector<16xf32>
          %mul3A_1789 = vector.broadcast %squeeze3A_1777 : f32 to vector<16xf32>
          %mul3A_1790 = arith.mulf %mul3A_1789, %get3A_1788 : vector<16xf32>
          %add3A_1791 = arith.addf %add3A_1705, %mul3A_1790 : vector<16xf32>
          %get3A_1792 = arith.constant 1 : i32
          %get3A_1793 = arith.index_cast %get3A_1792 : i32 to index
          %get3A_1794 = arith.index_cast %scan3A_354 : i32 to index
          %get3A_1795 = arith.index_cast %add3A_1781 : i32 to index
          %get3A_1796 = arith.constant 16 : index
          %get3A_1797 = tpu.vector_load %arg6[%get3A_1793, %get3A_1794, %get3A_1795, %get3A_1796] {strides = array<i32>} : memref<2x8x32x128xf32, #tpu.memory_space<vmem>>, vector<1x1x1x16xf32>,
          %get3A_1798 = vector.shape_cast %get3A_1797 : vector<1x1x1x16xf32> to vector<16xf32>
          %mul3A_1799 = vector.broadcast %squeeze3A_1777 : f32 to vector<16xf32>
          %mul3A_1800 = arith.mulf %mul3A_1799, %get3A_1798 : vector<16xf32>
          %add3A_1801 = arith.addf %add3A_1715, %mul3A_1800 : vector<16xf32>
          %get3A_1802 = arith.constant 1 : i32
          %get3A_1803 = arith.index_cast %get3A_1802 : i32 to index
          %get3A_1804 = arith.index_cast %scan3A_354 : i32 to index
          %get3A_1805 = arith.index_cast %add3A_1781 : i32 to index
          %get3A_1806 = arith.constant 32 : index
          %get3A_1807 = tpu.vector_load %arg6[%get3A_1803, %get3A_1804, %get3A_1805, %get3A_1806] {strides = array<i32>} : memref<2x8x32x128xf32, #tpu.memory_space<vmem>>, vector<1x1x1x16xf32>,
          %get3A_1808 = vector.shape_cast %get3A_1807 : vector<1x1x1x16xf32> to vector<16xf32>
          %mul3A_1809 = vector.broadcast %squeeze3A_1777 : f32 to vector<16xf32>
          %mul3A_1810 = arith.mulf %mul3A_1809, %get3A_1808 : vector<16xf32>
          %add3A_1811 = arith.addf %add3A_1725, %mul3A_1810 : vector<16xf32>
          %get3A_1812 = arith.constant 1 : i32
          %get3A_1813 = arith.index_cast %get3A_1812 : i32 to index
          %get3A_1814 = arith.index_cast %scan3A_354 : i32 to index
          %get3A_1815 = arith.index_cast %add3A_1781 : i32 to index
          %get3A_1816 = arith.constant 48 : index
          %get3A_1817 = tpu.vector_load %arg6[%get3A_1813, %get3A_1814, %get3A_1815, %get3A_1816] {strides = array<i32>} : memref<2x8x32x128xf32, #tpu.memory_space<vmem>>, vector<1x1x1x16xf32>,
          %get3A_1818 = vector.shape_cast %get3A_1817 : vector<1x1x1x16xf32> to vector<16xf32>
          %mul3A_1819 = vector.broadcast %squeeze3A_1777 : f32 to vector<16xf32>
          %mul3A_1820 = arith.mulf %mul3A_1819, %get3A_1818 : vector<16xf32>
          %add3A_1821 = arith.addf %add3A_1735, %mul3A_1820 : vector<16xf32>
          %get3A_1822 = arith.constant 1 : i32
          %get3A_1823 = arith.index_cast %get3A_1822 : i32 to index
          %get3A_1824 = arith.index_cast %scan3A_354 : i32 to index
          %get3A_1825 = arith.index_cast %add3A_1781 : i32 to index
          %get3A_1826 = arith.constant 64 : index
          %get3A_1827 = tpu.vector_load %arg6[%get3A_1823, %get3A_1824, %get3A_1825, %get3A_1826] {strides = array<i32>} : memref<2x8x32x128xf32, #tpu.memory_space<vmem>>, vector<1x1x1x16xf32>,
          %get3A_1828 = vector.shape_cast %get3A_1827 : vector<1x1x1x16xf32> to vector<16xf32>
          %mul3A_1829 = vector.broadcast %squeeze3A_1777 : f32 to vector<16xf32>
          %mul3A_1830 = arith.mulf %mul3A_1829, %get3A_1828 : vector<16xf32>
          %add3A_1831 = arith.addf %add3A_1745, %mul3A_1830 : vector<16xf32>
          %get3A_1832 = arith.constant 1 : i32
          %get3A_1833 = arith.index_cast %get3A_1832 : i32 to index
          %get3A_1834 = arith.index_cast %scan3A_354 : i32 to index
          %get3A_1835 = arith.index_cast %add3A_1781 : i32 to index
          %get3A_1836 = arith.constant 80 : index
          %get3A_1837 = tpu.vector_load %arg6[%get3A_1833, %get3A_1834, %get3A_1835, %get3A_1836] {strides = array<i32>} : memref<2x8x32x128xf32, #tpu.memory_space<vmem>>, vector<1x1x1x16xf32>,
          %get3A_1838 = vector.shape_cast %get3A_1837 : vector<1x1x1x16xf32> to vector<16xf32>
          %mul3A_1839 = vector.broadcast %squeeze3A_1777 : f32 to vector<16xf32>
          %mul3A_1840 = arith.mulf %mul3A_1839, %get3A_1838 : vector<16xf32>
          %add3A_1841 = arith.addf %add3A_1755, %mul3A_1840 : vector<16xf32>
          %get3A_1842 = arith.constant 1 : i32
          %get3A_1843 = arith.index_cast %get3A_1842 : i32 to index
          %get3A_1844 = arith.index_cast %scan3A_354 : i32 to index
          %get3A_1845 = arith.index_cast %add3A_1781 : i32 to index
          %get3A_1846 = arith.constant 96 : index
          %get3A_1847 = tpu.vector_load %arg6[%get3A_1843, %get3A_1844, %get3A_1845, %get3A_1846] {strides = array<i32>} : memref<2x8x32x128xf32, #tpu.memory_space<vmem>>, vector<1x1x1x16xf32>,
          %get3A_1848 = vector.shape_cast %get3A_1847 : vector<1x1x1x16xf32> to vector<16xf32>
          %mul3A_1849 = vector.broadcast %squeeze3A_1777 : f32 to vector<16xf32>
          %mul3A_1850 = arith.mulf %mul3A_1849, %get3A_1848 : vector<16xf32>
          %add3A_1851 = arith.addf %add3A_1765, %mul3A_1850 : vector<16xf32>
          %get3A_1852 = arith.constant 1 : i32
          %get3A_1853 = arith.index_cast %get3A_1852 : i32 to index
          %get3A_1854 = arith.index_cast %scan3A_354 : i32 to index
          %get3A_1855 = arith.index_cast %add3A_1781 : i32 to index
          %get3A_1856 = arith.constant 112 : index
          %get3A_1857 = tpu.vector_load %arg6[%get3A_1853, %get3A_1854, %get3A_1855, %get3A_1856] {strides = array<i32>} : memref<2x8x32x128xf32, #tpu.memory_space<vmem>>, vector<1x1x1x16xf32>,
          %get3A_1858 = vector.shape_cast %get3A_1857 : vector<1x1x1x16xf32> to vector<16xf32>
          %mul3A_1859 = vector.broadcast %squeeze3A_1777 : f32 to vector<16xf32>
          %mul3A_1860 = arith.mulf %mul3A_1859, %get3A_1858 : vector<16xf32>
          %add3A_1861 = arith.addf %add3A_1775, %mul3A_1860 : vector<16xf32>
          scf.yield %add3A_1791, %add3A_1801, %add3A_1811, %add3A_1821, %add3A_1831, %add3A_1841, %add3A_1851, %add3A_1861 : vector<16xf32>, vector<16xf32>, vector<16xf32>, vector<16xf32>, vector<16xf32>, vector<16xf32>, vector<16xf32>, vector<16xf32>
        }
        %scan3A_423 = arith.constant 2 : i32
        %add3A_424 = arith.addi %mul3A_347, %scan3A_354 : i32
        %swap3A = arith.index_cast %add3A_424 : i32 to index
        %swap3A_425 = arith.constant 0 : index
        %swap3A_426 = tpu.vector_load %arg9[%swap3A, %swap3A_425] {strides = array<i32>} : memref<200x128xf32, #tpu.memory_space<vmem>>, vector<1x16xf32>,
        %swap3A_427 = vector.shape_cast %swap3A_426 : vector<1x16xf32> to vector<16xf32>
        %swap3A_428 = vector.shape_cast %scan3A_422#0 : vector<16xf32> to vector<1x16xf32>
        tpu.vector_store %arg9[%swap3A, %swap3A_425], %swap3A_428 {strides = array<i32>} : memref<200x128xf32, #tpu.memory_space<vmem>>, vector<1x16xf32>,
        %add3A_429 = arith.addi %mul3A_347, %scan3A_354 : i32
        %swap3A_430 = arith.index_cast %add3A_429 : i32 to index
        %swap3A_431 = arith.constant 16 : index
        %swap3A_432 = tpu.vector_load %arg9[%swap3A_430, %swap3A_431] {strides = array<i32>} : memref<200x128xf32, #tpu.memory_space<vmem>>, vector<1x16xf32>,
        %swap3A_433 = vector.shape_cast %swap3A_432 : vector<1x16xf32> to vector<16xf32>
        %swap3A_434 = vector.shape_cast %scan3A_422#1 : vector<16xf32> to vector<1x16xf32>
        tpu.vector_store %arg9[%swap3A_430, %swap3A_431], %swap3A_434 {strides = array<i32>} : memref<200x128xf32, #tpu.memory_space<vmem>>, vector<1x16xf32>,
        %add3A_435 = arith.addi %mul3A_347, %scan3A_354 : i32
        %swap3A_436 = arith.index_cast %add3A_435 : i32 to index
        %swap3A_437 = arith.constant 32 : index
        %swap3A_438 = tpu.vector_load %arg9[%swap3A_436, %swap3A_437] {strides = array<i32>} : memref<200x128xf32, #tpu.memory_space<vmem>>, vector<1x16xf32>,
        %swap3A_439 = vector.shape_cast %swap3A_438 : vector<1x16xf32> to vector<16xf32>
        %swap3A_440 = vector.shape_cast %scan3A_422#2 : vector<16xf32> to vector<1x16xf32>
        tpu.vector_store %arg9[%swap3A_436, %swap3A_437], %swap3A_440 {strides = array<i32>} : memref<200x128xf32, #tpu.memory_space<vmem>>, vector<1x16xf32>,
        %add3A_441 = arith.addi %mul3A_347, %scan3A_354 : i32
        %swap3A_442 = arith.index_cast %add3A_441 : i32 to index
        %swap3A_443 = arith.constant 48 : index
        %swap3A_444 = tpu.vector_load %arg9[%swap3A_442, %swap3A_443] {strides = array<i32>} : memref<200x128xf32, #tpu.memory_space<vmem>>, vector<1x16xf32>,
        %swap3A_445 = vector.shape_cast %swap3A_444 : vector<1x16xf32> to vector<16xf32>
        %swap3A_446 = vector.shape_cast %scan3A_422#3 : vector<16xf32> to vector<1x16xf32>
        tpu.vector_store %arg9[%swap3A_442, %swap3A_443], %swap3A_446 {strides = array<i32>} : memref<200x128xf32, #tpu.memory_space<vmem>>, vector<1x16xf32>,
        %add3A_447 = arith.addi %mul3A_347, %scan3A_354 : i32
        %swap3A_448 = arith.index_cast %add3A_447 : i32 to index
        %swap3A_449 = arith.constant 64 : index
        %swap3A_450 = tpu.vector_load %arg9[%swap3A_448, %swap3A_449] {strides = array<i32>} : memref<200x128xf32, #tpu.memory_space<vmem>>, vector<1x16xf32>,
        %swap3A_451 = vector.shape_cast %swap3A_450 : vector<1x16xf32> to vector<16xf32>
        %swap3A_452 = vector.shape_cast %scan3A_422#4 : vector<16xf32> to vector<1x16xf32>
        tpu.vector_store %arg9[%swap3A_448, %swap3A_449], %swap3A_452 {strides = array<i32>} : memref<200x128xf32, #tpu.memory_space<vmem>>, vector<1x16xf32>,
        %add3A_453 = arith.addi %mul3A_347, %scan3A_354 : i32
        %swap3A_454 = arith.index_cast %add3A_453 : i32 to index
        %swap3A_455 = arith.constant 80 : index
        %swap3A_456 = tpu.vector_load %arg9[%swap3A_454, %swap3A_455] {strides = array<i32>} : memref<200x128xf32, #tpu.memory_space<vmem>>, vector<1x16xf32>,
        %swap3A_457 = vector.shape_cast %swap3A_456 : vector<1x16xf32> to vector<16xf32>
        %swap3A_458 = vector.shape_cast %scan3A_422#5 : vector<16xf32> to vector<1x16xf32>
        tpu.vector_store %arg9[%swap3A_454, %swap3A_455], %swap3A_458 {strides = array<i32>} : memref<200x128xf32, #tpu.memory_space<vmem>>, vector<1x16xf32>,
        %add3A_459 = arith.addi %mul3A_347, %scan3A_354 : i32
        %swap3A_460 = arith.index_cast %add3A_459 : i32 to index
        %swap3A_461 = arith.constant 96 : index
        %swap3A_462 = tpu.vector_load %arg9[%swap3A_460, %swap3A_461] {strides = array<i32>} : memref<200x128xf32, #tpu.memory_space<vmem>>, vector<1x16xf32>,
        %swap3A_463 = vector.shape_cast %swap3A_462 : vector<1x16xf32> to vector<16xf32>
        %swap3A_464 = vector.shape_cast %scan3A_422#6 : vector<16xf32> to vector<1x16xf32>
        tpu.vector_store %arg9[%swap3A_460, %swap3A_461], %swap3A_464 {strides = array<i32>} : memref<200x128xf32, #tpu.memory_space<vmem>>, vector<1x16xf32>,
        %add3A_465 = arith.addi %mul3A_347, %scan3A_354 : i32
        %swap3A_466 = arith.index_cast %add3A_465 : i32 to index
        %swap3A_467 = arith.constant 112 : index
        %swap3A_468 = tpu.vector_load %arg9[%swap3A_466, %swap3A_467] {strides = array<i32>} : memref<200x128xf32, #tpu.memory_space<vmem>>, vector<1x16xf32>,
        %swap3A_469 = vector.shape_cast %swap3A_468 : vector<1x16xf32> to vector<16xf32>
        %swap3A_470 = vector.shape_cast %scan3A_422#7 : vector<16xf32> to vector<1x16xf32>
        tpu.vector_store %arg9[%swap3A_466, %swap3A_467], %swap3A_470 {strides = array<i32>} : memref<200x128xf32, #tpu.memory_space<vmem>>, vector<1x16xf32>,
      }
      %scan3A_353 = arith.constant 8 : i32
    }
    %scan3A_60 = arith.constant 13 : i32
    %min3A_61 = arith.constant 26 : i32
    %min3A_62 = arith.constant 24 : i32
    %min3A_63 = arith.minsi %min3A_61, %min3A_62 : i32
    %mul3A_64 = arith.constant 8 : i32
    %mul3A_65 = arith.muli %min3A_63, %mul3A_64 : i32
    %add3A_66 = arith.addi %add3A_4, %mul3A_65 : i32
    %dma_wait3A = arith.constant 0 : i32
    %dma_wait3A_67 = arith.constant 0 : i32
    %dma_wait3A_68 = arith.constant 0 : i32
    %dma_wait3A_69 = arith.constant 0 : i32
    %dma_wait3A_70 = tpu.memref_slice %arg6[%dma_wait3A, %dma_wait3A_67, %dma_wait3A_68, %dma_wait3A_69] : memref<2x8x32x128xf32, #tpu.memory_space<vmem>> -> memref<1x8x32x128xf32, #tpu.memory_space<vmem>>
    %dma_wait3A_71 = tpu.memref_squeeze %dma_wait3A_70 : memref<1x8x32x128xf32, #tpu.memory_space<vmem>> -> memref<8x32x128xf32, #tpu.memory_space<vmem>>
    %dma_wait3A_72 = arith.constant 0 : i32
    %dma_wait3A_73 = arith.constant 0 : i32
    %dma_wait3A_74 = tpu.memref_slice %arg4[%add3A_66, %dma_wait3A_72, %dma_wait3A_73] : memref<10000x32x128xf32, #tpu.memory_space<hbm>> -> memref<8x32x128xf32, #tpu.memory_space<hbm>>
    %dma_wait3A_75 = arith.constant 0 : i32
    %dma_wait3A_76 = arith.constant 0 : i32
    %dma_wait3A_77 = arith.constant 0 : i32
    %dma_wait3A_78 = tpu.memref_slice %arg6[%dma_wait3A, %dma_wait3A_75, %dma_wait3A_76, %dma_wait3A_77] : memref<2x8x32x128xf32, #tpu.memory_space<vmem>> -> memref<1x8x32x128xf32, #tpu.memory_space<vmem>>
    %dma_wait3A_79 = tpu.memref_squeeze %dma_wait3A_78 : memref<1x8x32x128xf32, #tpu.memory_space<vmem>> -> memref<8x32x128xf32, #tpu.memory_space<vmem>>
    %dma_wait3A_80 = arith.constant 0 : i32
    %dma_wait3A_81 = arith.constant 0 : i32
    %dma_wait3A_82 = tpu.memref_slice %arg4[%add3A_66, %dma_wait3A_80, %dma_wait3A_81] : memref<10000x32x128xf32, #tpu.memory_space<hbm>> -> memref<8x32x128xf32, #tpu.memory_space<hbm>>
    tpu.wait_dma2 semaphore(%arg10 : memref<!tpu.dma_semaphore, #tpu.memory_space<semaphore_mem>>) src(%dma_wait3A_82 : memref<8x32x128xf32, #tpu.memory_space<hbm>>) dst(%dma_wait3A_79 : memref<8x32x128xf32, #tpu.memory_space<vmem>>)
    %dma_wait3A_83 = arith.constant 0 : i32
    %dma_wait3A_84 = arith.constant 0 : i32
    %dma_wait3A_85 = arith.constant 0 : i32
    %dma_wait3A_86 = tpu.memref_slice %arg7[%dma_wait3A_83, %dma_wait3A_84, %dma_wait3A_85] : memref<2x8x32xf32, #tpu.memory_space<vmem>> -> memref<1x8x32xf32, #tpu.memory_space<vmem>>
    %dma_wait3A_87 = tpu.memref_squeeze %dma_wait3A_86 : memref<1x8x32xf32, #tpu.memory_space<vmem>> -> memref<8x32xf32, #tpu.memory_space<vmem>>
    %dma_wait3A_88 = arith.constant 0 : i32
    %dma_wait3A_89 = tpu.memref_slice %arg3[%add3A_66, %dma_wait3A_88] : memref<10000x32xf32, #tpu.memory_space<hbm>> -> memref<8x32xf32, #tpu.memory_space<hbm>>
    %dma_wait3A_90 = arith.constant 0 : i32
    %dma_wait3A_91 = arith.constant 0 : i32
    %dma_wait3A_92 = tpu.memref_slice %arg7[%dma_wait3A_83, %dma_wait3A_90, %dma_wait3A_91] : memref<2x8x32xf32, #tpu.memory_space<vmem>> -> memref<1x8x32xf32, #tpu.memory_space<vmem>>
    %dma_wait3A_93 = tpu.memref_squeeze %dma_wait3A_92 : memref<1x8x32xf32, #tpu.memory_space<vmem>> -> memref<8x32xf32, #tpu.memory_space<vmem>>
    %dma_wait3A_94 = arith.constant 0 : i32
    %dma_wait3A_95 = tpu.memref_slice %arg3[%add3A_66, %dma_wait3A_94] : memref<10000x32xf32, #tpu.memory_space<hbm>> -> memref<8x32xf32, #tpu.memory_space<hbm>>
    tpu.wait_dma2 semaphore(%arg10 : memref<!tpu.dma_semaphore, #tpu.memory_space<semaphore_mem>>) src(%dma_wait3A_95 : memref<8x32xf32, #tpu.memory_space<hbm>>) dst(%dma_wait3A_93 : memref<8x32xf32, #tpu.memory_space<vmem>>)
    %dma_wait3A_96 = arith.constant 0 : i32
    %dma_wait3A_97 = arith.constant 0 : i32
    %dma_wait3A_98 = arith.constant 0 : i32
    %dma_wait3A_99 = arith.constant 0 : i32
    %dma_wait3A_100 = tpu.memref_slice %arg8[%dma_wait3A_96, %dma_wait3A_97, %dma_wait3A_98, %dma_wait3A_99] : memref<2x8x1x128xf32, #tpu.memory_space<vmem>> -> memref<1x8x1x128xf32, #tpu.memory_space<vmem>>
    %dma_wait3A_101 = tpu.memref_squeeze %dma_wait3A_100 : memref<1x8x1x128xf32, #tpu.memory_space<vmem>> -> memref<8x1x128xf32, #tpu.memory_space<vmem>>
    %dma_wait3A_102 = arith.constant 0 : i32
    %dma_wait3A_103 = arith.constant 0 : i32
    %dma_wait3A_104 = tpu.memref_slice %arg2[%add3A_66, %dma_wait3A_102, %dma_wait3A_103] : memref<10000x32x128xf32, #tpu.memory_space<hbm>> -> memref<8x1x128xf32, #tpu.memory_space<hbm>>
    %dma_wait3A_105 = arith.constant 0 : i32
    %dma_wait3A_106 = arith.constant 0 : i32
    %dma_wait3A_107 = arith.constant 0 : i32
    %dma_wait3A_108 = tpu.memref_slice %arg8[%dma_wait3A_96, %dma_wait3A_105, %dma_wait3A_106, %dma_wait3A_107] : memref<2x8x1x128xf32, #tpu.memory_space<vmem>> -> memref<1x8x1x128xf32, #tpu.memory_space<vmem>>
    %dma_wait3A_109 = tpu.memref_squeeze %dma_wait3A_108 : memref<1x8x1x128xf32, #tpu.memory_space<vmem>> -> memref<8x1x128xf32, #tpu.memory_space<vmem>>
    %dma_wait3A_110 = arith.constant 0 : i32
    %dma_wait3A_111 = arith.constant 0 : i32
    %dma_wait3A_112 = tpu.memref_slice %arg2[%add3A_66, %dma_wait3A_110, %dma_wait3A_111] : memref<10000x32x128xf32, #tpu.memory_space<hbm>> -> memref<8x1x128xf32, #tpu.memory_space<hbm>>
    tpu.wait_dma2 semaphore(%arg10 : memref<!tpu.dma_semaphore, #tpu.memory_space<semaphore_mem>>) src(%dma_wait3A_112 : memref<8x1x128xf32, #tpu.memory_space<hbm>>) dst(%dma_wait3A_109 : memref<8x1x128xf32, #tpu.memory_space<vmem>>)
    "tpu.region"() ({
      %run_scoped3A = tpu.sem_alloc : memref<!tpu.dma_semaphore, #tpu.memory_space<semaphore_mem>>
      %dma_start3A_113 = arith.constant 0 : i32
      %dma_start3A_114 = tpu.memref_slice %arg5[%mul3A_2, %dma_start3A_113] : memref<6400x128xf32, #tpu.memory_space<hbm>> -> memref<200x128xf32, #tpu.memory_space<hbm>>
      %dma_start3A_115 = arith.constant 0 : i32
      %dma_start3A_116 = tpu.memref_slice %arg5[%mul3A_2, %dma_start3A_115] : memref<6400x128xf32, #tpu.memory_space<hbm>> -> memref<200x128xf32, #tpu.memory_space<hbm>>
      tpu.enqueue_dma source(%arg9 : memref<200x128xf32, #tpu.memory_space<vmem>>) target(%dma_start3A_116 : memref<200x128xf32, #tpu.memory_space<hbm>>) target_semaphore(%run_scoped3A : memref<!tpu.dma_semaphore, #tpu.memory_space<semaphore_mem>>)
      %dma_wait3A_117 = arith.constant 0 : i32
      %dma_wait3A_118 = tpu.memref_slice %arg5[%mul3A_2, %dma_wait3A_117] : memref<6400x128xf32, #tpu.memory_space<hbm>> -> memref<200x128xf32, #tpu.memory_space<hbm>>
      %dma_wait3A_119 = arith.constant 0 : i32
      %dma_wait3A_120 = tpu.memref_slice %arg5[%mul3A_2, %dma_wait3A_119] : memref<6400x128xf32, #tpu.memory_space<hbm>> -> memref<200x128xf32, #tpu.memory_space<hbm>>
      tpu.wait_dma2 semaphore(%run_scoped3A : memref<!tpu.dma_semaphore, #tpu.memory_space<semaphore_mem>>) src(%arg9 : memref<200x128xf32, #tpu.memory_space<vmem>>) dst(%dma_wait3A_120 : memref<200x128xf32, #tpu.memory_space<hbm>>)
      tpu.yield
    }) : () -> ()
    return
  }
}

module attributes {stable_mosaic.version = 14 : i64} {
  func.func @_tc_body(%arg0: i32, %arg1: memref<400x128xf32, #tpu.memory_space<vmem>>, %arg2: memref<400x32xf32, #tpu.memory_space<vmem>>, %arg3: memref<400x32x128xf32, #tpu.memory_space<vmem>>, %arg4: memref<400x128xf32, #tpu.memory_space<vmem>>) attributes {dimension_semantics = [#tpu.dimension_semantics<parallel>], iteration_bounds = array<i64: 9>, scalar_prefetch = 0 : i64, scratch_operands = 0 : i64, tpu.core_type = #tpu.core_type<tc>, window_params = [{transform_indices = @transform_0, window_bounds = array<i64: 400, 128>}, {transform_indices = @transform_1, window_bounds = array<i64: 400, 32>}, {transform_indices = @transform_2, window_bounds = array<i64: 400, 32, 128>}, {transform_indices = @transform_3, window_bounds = array<i64: 400, 128>}]} {
    %get3A = arith.constant 0 : index
    %get3A_0 = arith.constant 0 : index
    %get3A_1 = vector.load %arg2[%get3A, %get3A_0] : memref<400x32xf32, #tpu.memory_space<vmem>>, vector<400x32xf32>
    %get3A_2 = arith.constant 0 : index
    %get3A_3 = arith.constant 0 : index
    %get3A_4 = arith.constant 0 : index
    %get3A_5 = vector.load %arg3[%get3A_2, %get3A_3, %get3A_4] : memref<400x32x128xf32, #tpu.memory_space<vmem>>, vector<400x32x128xf32>
    %broadcast_in_dim3A = vector.shape_cast %get3A_1 : vector<400x32xf32> to vector<400x32x1xf32>
    %mul3A = vector.broadcast %broadcast_in_dim3A : vector<400x32x1xf32> to vector<400x32x128xf32>
    %mul3A_6 = arith.mulf %get3A_5, %mul3A : vector<400x32x128xf32>
    %slice3A = vector.extract_strided_slice %mul3A_6 {offsets = [0, 0, 0], sizes = [400, 16, 128], strides = [1, 1, 1]} : vector<400x32x128xf32> to vector<400x16x128xf32>
    %slice3A_7 = vector.extract_strided_slice %mul3A_6 {offsets = [0, 16, 0], sizes = [400, 16, 128], strides = [1, 1, 1]} : vector<400x32x128xf32> to vector<400x16x128xf32>
    %add3A = arith.addf %slice3A, %slice3A_7 : vector<400x16x128xf32>
    %slice3A_8 = vector.extract_strided_slice %add3A {offsets = [0, 0, 0], sizes = [400, 8, 128], strides = [1, 1, 1]} : vector<400x16x128xf32> to vector<400x8x128xf32>
    %slice3A_9 = vector.extract_strided_slice %add3A {offsets = [0, 8, 0], sizes = [400, 8, 128], strides = [1, 1, 1]} : vector<400x16x128xf32> to vector<400x8x128xf32>
    %add3A_10 = arith.addf %slice3A_8, %slice3A_9 : vector<400x8x128xf32>
    %reduce_sum3A = arith.constant dense<0.000000e+00> : vector<400x128xf32>
    %reduce_sum3A_11 = vector.multi_reduction <add>, %add3A_10, %reduce_sum3A [1] : vector<400x8x128xf32> to vector<400x128xf32>
    %get3A_12 = arith.constant 0 : index
    %get3A_13 = arith.constant 0 : index
    %get3A_14 = vector.load %arg1[%get3A_12, %get3A_13] : memref<400x128xf32, #tpu.memory_space<vmem>>, vector<400x128xf32>
    %add3A_15 = arith.addf %get3A_14, %reduce_sum3A_11 : vector<400x128xf32>
    %swap3A = arith.constant 0 : index
    %swap3A_16 = arith.constant 0 : index
    %swap3A_17 = vector.load %arg4[%swap3A, %swap3A_16] : memref<400x128xf32, #tpu.memory_space<vmem>>, vector<400x128xf32>
    tpu.vector_store %arg4[%swap3A, %swap3A_16], %add3A_15 {strides = array<i32>} : memref<400x128xf32, #tpu.memory_space<vmem>>, vector<400x128xf32>,
    return
  }
  func.func @transform_0(%arg0: i32) -> (i32, i32) {
    %c0_i32 = arith.constant 0 : i32
    %c0_i32_0 = arith.constant 0 : i32
    return %arg0, %c0_i32 : i32, i32
  }
  func.func @transform_1(%arg0: i32) -> (i32, i32) {
    %c0_i32 = arith.constant 0 : i32
    %c0_i32_0 = arith.constant 0 : i32
    return %arg0, %c0_i32 : i32, i32
  }
  func.func @transform_2(%arg0: i32) -> (i32, i32, i32) {
    %c0_i32 = arith.constant 0 : i32
    %c0_i32_0 = arith.constant 0 : i32
    %c0_i32_1 = arith.constant 0 : i32
    return %arg0, %c0_i32, %c0_i32_0 : i32, i32, i32
  }
  func.func @transform_3(%arg0: i32) -> (i32, i32) {
    %c0_i32 = arith.constant 0 : i32
    %c0_i32_0 = arith.constant 0 : i32
    return %arg0, %c0_i32 : i32, i32
  }
}

</mosaic_0001>

<sc_bundles>
// kernel: kernel.4.cloned.1.call-start
scs
__scs_entry_jumppad:
0x0: {  	(pc) =	sbr.rel $0x88, $3  }
0x1: {  	(tag) =	ssettag $0x0;
	lr =	simm.s32 $0x1  }
0x2: {  	[smem:$0x3F9E] =	sst lr;
	_ =	strace $0xD0000000  }
0x3: {  	_ = 	snop  }
0x4: {  	_ = 	snop  }
0x5: {  	_ = 	snop  }
0x6: {  	_ = 	snop  }
0x7: {  	_ = 	snop  }
__scs_overlays_trampoline_lowered:
0x8: {  	[smem:$0x3FAD] =	sst s0  }
0x9: {  	[smem:$0x3FAE] =	sst s1  }
0xa: {  	[smem:$0x3FAF] =	sst s2  }
0xb: {  	[smem:$0x3FB0] =	sst s3  }
0xc: {  	[smem:$0x3FB1] =	sst s4  }
0xd: {  	[smem:$0x3FB2] =	sst s5  }
0xe: {  	[smem:$0x3FB3] =	sst s6  }
0xf: {  	[smem:$0x3FB4] =	sst s7  }
0x10: {  	[smem:$0x3FB5] =	sst s8  }
0x11: {  	[smem:$0x3FB6] =	sst s9;
	s0 =	simm.s32 @!p0 $0x0  }
0x12: {  	s1 =	sld [smem:$0x3F9C];
	s0 =	simm.s32 @p0 $0x1  }
0x13: {  	[smem:$0x3FB7] =	sst s0;
	s0 =	simm.s32 @!p1 $0x0  }
0x14: {  	s2 =	sld [smem:$0x3F9B];
	s0 =	simm.s32 @p1 $0x1  }
0x15: {  	[smem:$0x3FB8] =	sst s0;
	s0 =	simm.s32 @!p2 $0x0  }
0x16: {  	s3 =	sld [smem:$0x3FDB];
	s0 =	simm.s32 @p2 $0x1  }
0x17: {  	s4 =	simm.s32 $0x1BF5;
	[smem:$0x3FBA] =	sst s0  }
0x18: {  	s0 =	sld [smem:$0x3F9D];
	_ =	swait.ge [sflag:s4], $0x0  }
0x19: {  	s7 =	sld [smem:$0x3F9E]  }
0x1a: {  	s8 =	sadd.s32 $0xFFFFE003, lr  }
0x1b: {  	s9 =	sadd.s32 $0xFFFFFEF7, lr;
	s5 =	simm.s32 $0xFFFFFFFF;
	p2 =	slt.u32 s8, $0xFFFFF086  }
0x1c: {  	p1 =	slt.u32 s9, $0xF7A;
	s5 =	simm.s32 @!p2 $0x0  }
0x1d: {  	s5 =	simm.s32 @p1 $0x1;
	p0 =	seq.s32 s7, s2  }
0x1e: {  	s7 =	smul.u32 @!p0 $0xF7A, s2;
	p2 =	seq.s32 @!p0 s5, $0x0  }
0x1f: {  	s9 =	smul.u32 $0xF7A, s1;
	s8 =	simm.s32 @!p0 $0x1BF5;
	p2 =	por !p2, p0  }
0x20: {  	[sflag:s8] =	ssyncset.s32 @!p0 $0xFFFFF086;
	s6 =	sadd.s32 @!p0 s3, s7;
	s7 =	simm.s32 @!p0 $0x108  }
0x21: {  	s3 =	sadd.s32 s3, s9;
	s6 =	sadd.s32 @!p0 $0x88, s6;
	s7 =	simm.s32 @p2 $0x1082  }
0x22: {  	[simem:s7], [sflag:s8] =	dma.local @!p0 [hbm:s6], $0xF7A  }
0x23: {  	s9 =	sor.u32 $0xD0000000, s2;
	s6 =	simm.s32 $0x108;
	_ =	swait.ge @!p0 [sflag:s8], $0x0  }
0x24: {  	s3 =	sadd.s32 $0x88, s3;
	s6 =	simm.s32 @!p1 $0x1082;
	[sflag:s4] =	ssyncset.s32 $0xFFFFF086  }
0x25: {  	[simem:s6], [sflag:s4] =	dma.local [hbm:s3], $0xF7A  }
0x26: {  	[smem:$0x3F9E] =	sst s1;
	(tag) =	ssettag s2;
	_ =	strace s9  }
0x27: {  	s1 =	sld [smem:$0x3FAE]  }
0x28: {  	s2 =	sld [smem:$0x3FAF]  }
0x29: {  	s4 =	sld [smem:$0x3FB1]  }
0x2a: {  	p0 =	seq.s32 s5, $0x0;
	s5 =	sld [smem:$0x3FB2]  }
0x2b: {  	s6 =	sld [smem:$0x3FB3]  }
0x2c: {  	s7 =	sld [smem:$0x3FB4]  }
0x2d: {  	s3 =	simm.s32 $0x108;
	s8 =	sld [smem:$0x3FB5]  }
0x2e: {  	s3 =	simm.s32 @!p0 $0x1082;
	s9 =	sld [smem:$0x3FB6]  }
0x2f: {  	lr =	sadd.s32 s0, s3;
	s0 =	sld [smem:$0x3FAD]  }
0x30: {  	s3 =	sld [smem:$0x3FB0]  }
0x31: {  	[smem:$0x3FB9] =	sst s10  }
0x32: {  	s10 =	sld [smem:$0x3FB7];
	_ =	sdelay $0x3  }
0x33: {  	p0 =	seq.s32 s10, $0x1;
	s10 =	sld [smem:$0x3FB9];
	_ =	sdelay $0x3  }
0x34: {  	[smem:$0x3FB9] =	sst s10  }
0x35: {  	s10 =	sld [smem:$0x3FB8];
	_ =	sdelay $0x3  }
0x36: {  	p1 =	seq.s32 s10, $0x1;
	s10 =	sld [smem:$0x3FB9];
	_ =	sdelay $0x3  }
0x37: {  	[smem:$0x3FB9] =	sst s10  }
0x38: {  	s10 =	sld [smem:$0x3FBA]  }
0x39: {  	_ = 	snop;
	(pc) =	sbr.ind lr, $3  }
0x3a: {  	_ = 	snop  }
0x3b: {  	_ = 	snop  }
0x3c: {  	p2 =	seq.s32 s10, $0x1;
	s10 =	sld [smem:$0x3FB9]  }
0x3d: {  	_ =	shalt  }
0x3e: {  	_ =	shalt  }
0x3f: {  	_ =	shalt  }
0x40: {  	_ =	shalt  }
0x41: {  	_ =	shalt  }
0x42: {  	_ =	shalt  }
0x43: {  	_ =	shalt  }
0x44: {  	_ =	shalt  }
0x45: {  	_ =	shalt  }
0x46: {  	_ =	shalt  }
0x47: {  	_ =	shalt  }
0x48: {  	_ =	shalt  }
0x49: {  	_ =	shalt  }
0x4a: {  	_ =	shalt  }
0x4b: {  	_ =	shalt  }
0x4c: {  	_ =	shalt  }
0x4d: {  	_ =	shalt  }
0x4e: {  	_ =	shalt  }
0x4f: {  	_ =	shalt  }
0x50: {  	_ =	shalt  }
0x51: {  	_ =	shalt  }
0x52: {  	_ =	shalt  }
0x53: {  	_ =	shalt  }
0x54: {  	_ =	shalt  }
0x55: {  	_ =	shalt  }
0x56: {  	_ =	shalt  }
0x57: {  	_ =	shalt  }
0x58: {  	_ =	shalt  }
0x59: {  	_ =	shalt  }
0x5a: {  	_ =	shalt  }
0x5b: {  	_ =	shalt  }
0x5c: {  	_ =	shalt  }
0x5d: {  	_ =	shalt  }
0x5e: {  	_ =	shalt  }
0x5f: {  	_ =	shalt  }
0x60: {  	_ =	shalt  }
0x61: {  	_ =	shalt  }
0x62: {  	_ =	shalt  }
0x63: {  	_ =	shalt  }
0x64: {  	_ =	shalt  }
0x65: {  	_ =	shalt  }
0x66: {  	_ =	shalt  }
0x67: {  	_ =	shalt  }
0x68: {  	_ =	shalt  }
0x69: {  	_ =	shalt  }
0x6a: {  	_ =	shalt  }
0x6b: {  	_ =	shalt  }
0x6c: {  	_ =	shalt  }
0x6d: {  	_ =	shalt  }
0x6e: {  	_ =	shalt  }
0x6f: {  	_ =	shalt  }
0x70: {  	_ =	shalt  }
0x71: {  	_ =	shalt  }
0x72: {  	_ =	shalt  }
0x73: {  	_ =	shalt  }
0x74: {  	_ =	shalt  }
0x75: {  	_ =	shalt  }
0x76: {  	_ =	shalt  }
0x77: {  	_ =	shalt  }
0x78: {  	_ =	shalt  }
0x79: {  	_ =	shalt  }
0x7a: {  	_ =	shalt  }
0x7b: {  	_ =	shalt  }
0x7c: {  	_ =	shalt  }
0x7d: {  	_ =	shalt  }
0x7e: {  	_ =	shalt  }
0x7f: {  	_ =	shalt  }
0x80: {  	_ =	shalt  }
0x81: {  	_ =	shalt  }
0x82: {  	_ =	shalt  }
0x83: {  	_ =	shalt  }
0x84: {  	_ =	shalt  }
0x85: {  	_ =	shalt  }
0x86: {  	_ =	shalt  }
0x87: {  	_ =	shalt  }
.Lfunc_end0:
.L_simem_size_0:
called_computation_lowered:
.L_overlay_start_0:
0x88: {  	s2 =	sld [smem:$0x3FD9]  }
0x89: {  	s3 =	sld [smem:$0x3FFE];
	_ =	sdelay $0x1  }
0x8a: {  	s1 =	srdreg.scid  }
0x8b: {  	s0 =	sand.u32 $0x1, s1  }
0x8c: {  	s17 =	sshll.u32 s0, $0xA;
	s2 =	sadd.s32 s3, s2  }
0x8d: {  	s2 =	sadd.s32 s2, s17  }
0x8e: {  	[smem:$0x3FC5] =	sst s2  }
0x8f: {  	_ = 	snop  }
0x90: {  	s2 =	sld [smem:$0x3FC9]  }
0x91: {  	s18 =	sld [smem:$0x3FC7]  }
0x92: {  	s4 =	sld [smem:$0x3FD0];
	(tm) =	ssettm $0x1  }
0x93: {  	s5 =	sld [smem:$0x3FFB];
	_ =	sdelay $0x3  }
0x94: {  	_ =	strace s5  }
0x95: {  	s5 =	sld [smem:$0x3FFC];
	_ =	sdelay $0x3  }
0x96: {  	_ =	strace s5  }
0x97: {  	s5 =	sld [smem:$0x3FFD];
	_ =	sdelay $0x3  }
0x98: {  	_ =	strace s5  }
0x99: {  	_ =	strace $0x8FFFFFFF  }
0x9a: {  	s19 =	sld [smem:$0x3FDB];
	_ =	sdelay $0x1  }
0x9b: {  	s6 =	simm.s32 $_scs_section_size  }
0x9c: {  	s7 =	simm.s32 $_size__tile_overlayer_lowered;
	s8 =	simm.s32 $_tile_overlayer_lowered  }
0x9d: {  	s22 =	simm.s32 $0x1BFF;
	s21 =	sshll.u32 s8, $0x1;
	s5 =	sadd.s32 s6, s19  }
0x9e: {  	s9 =	simm.s32 $0x0;
	s20 =	sshll.u32 s7, $0x1;
	s7 =	sadd.s32 s21, s5  }
0x9f: {  	[timem:s9], [sflag:s22] =	dma.local [hbm:s7], s20  }
0xa0: {  	_ =	swait.ge [sflag:s22], s20  }
0xa1: {  	s6 =	ssub.s32 $0x0, s20;
	[sflag:s22] =	ssyncset.done $0x0  }
0xa2: {  	[sflag:s22] =	ssyncadd.s32 s6;
	_ =	sdelay $0x1  }
0xa3: {  	s23 =	simm.s32 $0x1B8B  }
0xa4: {  	_ =	swait.ge [sflag:s23], $0x1  }
0xa5: {  	[sflag:s23] =	ssyncset.done $0x0  }
0xa6: {  	s25 =	simm.s32 $0x1B8E;
	s24 =	sld [smem:$0x3FFE];
	[sflag:s23] =	ssyncadd.s32 $0xFFFFFFFF  }
0xa7: {  	s26 =	simm.s32 $execute0_lowered;
	[smem:$0x3FD2] =	sst s25  }
0xa8: {  	s7 =	sshll.u32 s26, $0x1;
	_ =	strace $0x80000046;
	[dreg:$0x1] =	wrdreg $0xFFFFFFFF  }
0xa9: {  	s28 =	simm.s32 $_size_execute0_lowered;
	s5 =	sadd.s32 s5, s7;
	[dreg:$0x0] =	wrdreg $0x0  }
0xaa: {  	s7 =	sshll.u32 s28, $0x1;
	[dreg:$0x2] =	wrdreg s5  }
0xab: {  	[dreg:$0x3] =	wrdreg s7  }
0xac: {  	[dreg:$0x4] =	wrdreg $0xC0  }
0xad: {  	_ =	task [dreg:s9], $0x5FFFF  }
0xae: {  	[dreg:$0x1] =	wrdreg $0xFFFFFFFF  }
0xaf: {  	[dreg:$0x0] =	wrdreg $0x60  }
0xb0: {  	[dreg:$0x2] =	wrdreg s2  }
0xb1: {  	[dreg:$0x3] =	wrdreg s4  }
0xb2: {  	[dreg:$0x4] =	wrdreg s18  }
0xb3: {  	[dreg:$0x5] =	wrdreg s24  }
0xb4: {  	[dreg:$0x6] =	wrdreg $0x9  }
0xb5: {  	_ =	task.clear_ibuf [dreg:s9], $0x7FFFF;
	_ =	strace $0x90000046  }
0xb6: {  	s29 =	simm.s32 $0x9;
	_ =	strace $0x80000048  }
0xb7: {  	_ =	swait.ge [sflag:s29], $0x1  }
0xb8: {  	[sflag:s29] =	ssyncadd.s32 $0xFFFFFFFF  }
0xb9: {  	_ =	strace $0x90000048  }
0xba: {  	_ =	sfence  }
0xbb: {  	s30 =	sld [smem:$0x0];
	_ =	sdelay $0x2  }
0xbc: {  	s31 =	sshll.u32 s1, $0xD;
	s1 =	sshrl.u32 s1, $0x2  }
0xbd: {  	s3 =	sand.u32 $0x4000, s31;
	s1 =	sadd.s32 s1, s30  }
0xbe: {  	s0 =	sor.u32 s3, s0;
	s1 =	sshll.u32 s1, $0x11  }
0xbf: {  	s0 =	sor.u32 s1, s0  }
0xc0: {  	s0 =	sadd.s32 $0x8F2B, s0  }
0xc1: {  	[sflag:s0] =	ssyncadd.remote.s32 $0x1  }
0xc2: {  	_ =	sfence.sel $0xFFFF  }
0xc3: {  	[dreg:$0x0] =	wrdreg $0xFFFFFFFF;
	(pc) =	sbr.abs _section_cstart, $3  }
0xc4: {  	[dreg:$0x1] =	wrdreg $0xFFFFFFFF  }
0xc5: {  	_ =	task.clear_ibuf [dreg:s9], $0x2FFFF;
	_ =	strace $0x9FFFFFFF  }
0xc6: {  	(tm) =	ssettm $0x7FFFFFFF  }
0xc7: {  	_ =	shalt  }
tec
execute0_lowered:
.L_overlay_start_1:
0x0: {  	(tag) =	ssettag $0x1  }
0x1: {  	s1 =	rddreg [dreg:$0x0]  }
0x2: {  	s2 =	rddreg [dreg:$0x1]  }
0x3: {  	s3 =	srdreg.scid;
	s4 =	rddreg [dreg:$0x2]  }
0x4: {  	s0 =	stileid.u32;
	s7 =	rddreg [dreg:$0x3]  }
0x5: {  	s5 =	simm.s32 $0x0;
	s13 =	simm.s32 $0x10000;
	s14 =	simm.s32 $0x80  }
0x6: {  	s15 =	simm.s32 $0x1000;
	s16 =	simm.s32 $0x10800;
	s17 =	simm.s32 $0x8000  }
0x7: {  	s18 =	simm.s32 $0x10400;
	s19 =	simm.s32 $0x10C00;
	s20 =	simm.s32 $0x1  }
0x8: {  	s21 =	simm.s32 $0x2;
	s6 =	sand.u32 $0x1, s3;
	s26 =	sshll.u32 s0, $0x1  }
0x9: {  	s22 =	simm.s32 $0x11000;
	s23 =	simm.s32 $0x3;
	s8 =	sor.u32 s6, s26  }
0xa: {  	s24 =	simm.s32 $0x0;
	s28 =	ssub.s32 $0x2, s6;
	s9 =	smul.u32 $0xC80, s8  }
0xb: {  	[smem:$0x7FF] =	sst s5;
	s10 =	smul.u32 $0xC8, s8;
	s29 =	sshrl.u32 s28, $0x1  }
0xc: {  	_ =	strace $0x80000047;
	s12 =	ssub.s32 s28, s29;
	s11 =	sadd.s32 s9, s7  }
0xd: {  	s6 =	sadd.s32 $0xE10, s10;
	s10 =	sadd.s32 $0xE20, s10;
	s12 =	smax.u32 s12, $0x1  }
0xe: {  	s30 =	sshll.u32 s6, $0x9;
	s31 =	sshll.u32 s6, $0x4;
	s11 =	sadd.s32 $0x600, s11  }
0xf: {  	s7 =	sadd.s32 s4, s30;
	s8 =	sadd.s32 s2, s31;
	s9 =	sadd.s32 s1, s30  }
.LBB2_1:
0x10: {  	[tilespmem:s5], [sflag:$0x1] =	stream.linear.gather [hbm4b:s7+s5], $0x8000, $0x38;
	[tilespmem:$0x17400] =	vst v63  }
0x11: {  	_ = 	snop  }
0x12: {  	[tilespmem:s13], [sflag:$0x1] =	stream.linear.gather [hbm4b:s8+s5], $0x400, $0x38;
	[tilespmem:$0x17400] =	vst v63  }
0x13: {  	s25 =	simm.s32 $0x0  }
0x14: {  	[tilespmem:s16], [sflag:$0x1] =	stream.strided.gather [hbm4b:s9+s14], $0x400, s15, s14, $0x38;
	[tilespmem:$0x17400] =	vst v63  }
.LBB2_2:
0x15: {  	s26 =	sshllo.u32 s25, $0x1  }
0x16: {  	s26 =	smin.u32 s26, $0x18  }
0x17: {  	s26 =	sshll.u32 s26, $0x3  }
0x18: {  	s29 =	sadd.s32 s6, s26  }
0x19: {  	s28 =	sshll.u32 s29, $0x9  }
0x1a: {  	s30 =	sand.u32 $0xFFF000, s28  }
0x1b: {  	s29 =	sshll.u32 s29, $0x4;
	s28 =	simm.s32 $0x0;
	s31 =	sadd.s32 s4, s30  }
0x1c: {  	[tilespmem:s17], [sflag:$0x2] =	stream.linear.gather [hbm4b:s31+s28], $0x8000, $0x38;
	[tilespmem:$0x17400] =	vst v63  }
0x1d: {  	s29 =	sadd.s32 s2, s29  }
0x1e: {  	[tilespmem:s18], [sflag:$0x2] =	stream.linear.gather [hbm4b:s29+s28], $0x400, $0x38;
	[tilespmem:$0x17400] =	vst v63  }
0x1f: {  	s29 =	sadd.s32 s1, s30  }
0x20: {  	[tilespmem:s19], [sflag:$0x2] =	stream.strided.gather [hbm4b:s29+s14], $0x400, s15, s14, $0x38;
	[tilespmem:$0x17400] =	vst v63  }
0x21: {  	_ =	swait.ge [sflag:s20], $0x8000  }
0x22: {  	[sflag:s20] =	ssyncset.done $0x0  }
0x23: {  	[sflag:s20] =	ssyncadd.s32 $0xFFFF8000  }
0x24: {  	_ =	swait.ge [sflag:s20], $0x400  }
0x25: {  	[sflag:s20] =	ssyncset.done $0x0  }
0x26: {  	s29 =	sshll.u32 s25, $0xB;
	[sflag:s20] =	ssyncadd.s32 $0xFFFFFC00  }
0x27: {  	s29 =	sand.u32 $0x3FFFF800, s29;
	_ =	swait.ge [sflag:s20], $0x400  }
0x28: {  	s31 =	sadd.s32 $0x11000, s29;
	[sflag:s20] =	ssyncset.done $0x0  }
0x29: {  	s29 =	sshll.u32 s25, $0x1;
	v0 =	vmov s31;
	[sflag:s20] =	ssyncadd.s32 $0xFFFFFC00  }
.LBB2_3:
0x2a: {  	s30 =	sshll.u32 s28, $0x7  }
0x2b: {  	v11 =	vld [tilespmem:s30+$0x10800]  }
0x2c: {  	v10 =	vld [tilespmem:s30+$0x10810]  }
0x2d: {  	v9 =	vld [tilespmem:s30+$0x10820]  }
0x2e: {  	v8 =	vld [tilespmem:s30+$0x10830]  }
0x2f: {  	s31 =	sshll.u32 s28, $0xE;
	v7 =	vld [tilespmem:s30+$0x10840];
	s3 =	sadd.s32 $0x10000, s30  }
0x30: {  	v6 =	vld [tilespmem:s30+$0x10850];
	s31 =	sshra.s32 s31, $0x2;
	v1 =	vmov s3  }
0x31: {  	v5 =	vld [tilespmem:s30+$0x10860];
	v2 =	vmov s31  }
0x32: {  	p0 =	por $0x1, $0x1;
	v4 =	vld [tilespmem:s30+$0x10870];
	s31 =	simm.s32 $0x0  }
.LBB2_4:
0x33: {  	s3 =	sshll.u32 s31, $0x4  }
0x34: {  	s31 =	sshll.u32 s31, $0xB;
	s3 =	sand.u32 $0x3FFFFFF0, s3  }
0x35: {  	s31 =	sand.u32 $0x3FFFF800, s31;
	v3 =	vld.idx.msk [tilespmem:v1+s3+$0x0 ss:$0x1], $0xffff  }
0x36: {  	v12 =	vld.idx.msk [tilespmem:v2+s31+$0x0 ss:$0x1], $0xffff  }
0x37: {  	v13 =	vld.idx.msk [tilespmem:v2+s31+$0x10 ss:$0x1], $0xffff  }
0x38: {  	v14 =	vld.idx.msk [tilespmem:v2+s31+$0x20 ss:$0x1], $0xffff  }
0x39: {  	v15 =	vld.idx.msk [tilespmem:v2+s31+$0x30 ss:$0x1], $0xffff  }
0x3a: {  	v16 =	vld.idx.msk [tilespmem:v2+s31+$0x40 ss:$0x1], $0xffff  }
0x3b: {  	v17 =	vld.idx.msk [tilespmem:v2+s31+$0x50 ss:$0x1], $0xffff  }
0x3c: {  	v18 =	vld.idx.msk [tilespmem:v2+s31+$0x60 ss:$0x1], $0xffff  }
0x3d: {  	v19 =	vld.idx.msk [tilespmem:v2+s31+$0x70 ss:$0x1], $0xffff  }
0x3e: {  	v20 =	vld.idx.msk [tilespmem:v2+s31+$0x80 ss:$0x1], $0xffff  }
0x3f: {  	v21 =	vld.idx.msk [tilespmem:v2+s31+$0x90 ss:$0x1], $0xffff  }
0x40: {  	v22 =	vld.idx.msk [tilespmem:v2+s31+$0xA0 ss:$0x1], $0xffff  }
0x41: {  	v23 =	vld.idx.msk [tilespmem:v2+s31+$0xB0 ss:$0x1], $0xffff  }
0x42: {  	v24 =	vld.idx.msk [tilespmem:v2+s31+$0xC0 ss:$0x1], $0xffff  }
0x43: {  	v25 =	vld.idx.msk [tilespmem:v2+s31+$0xD0 ss:$0x1], $0xffff  }
0x44: {  	v26 =	vld.idx.msk [tilespmem:v2+s31+$0xE0 ss:$0x1], $0xffff  }
0x45: {  	v27 =	vld.idx.msk [tilespmem:v2+s31+$0xF0 ss:$0x1], $0xffff  }
0x46: {  	v28 =	vld.idx.msk [tilespmem:v2+s31+$0x100 ss:$0x1], $0xffff  }
0x47: {  	v29 =	vld.idx.msk [tilespmem:v2+s31+$0x110 ss:$0x1], $0xffff  }
0x48: {  	v30 =	vld.idx.msk [tilespmem:v2+s31+$0x120 ss:$0x1], $0xffff  }
0x49: {  	v31 =	vld.idx.msk [tilespmem:v2+s31+$0x130 ss:$0x1], $0xffff  }
0x4a: {  	v32 =	vld.idx.msk [tilespmem:v2+s31+$0x140 ss:$0x1], $0xffff  }
0x4b: {  	v33 =	vld.idx.msk [tilespmem:v2+s31+$0x150 ss:$0x1], $0xffff  }
0x4c: {  	v34 =	vld.idx.msk [tilespmem:v2+s31+$0x160 ss:$0x1], $0xffff  }
0x4d: {  	v35 =	vld.idx.msk [tilespmem:v2+s31+$0x170 ss:$0x1], $0xffff  }
0x4e: {  	v36 =	vld.idx.msk [tilespmem:v2+s31+$0x180 ss:$0x1], $0xffff  }
0x4f: {  	v37 =	vld.idx.msk [tilespmem:v2+s31+$0x190 ss:$0x1], $0xffff  }
0x50: {  	v38 =	vld.idx.msk [tilespmem:v2+s31+$0x1A0 ss:$0x1], $0xffff  }
0x51: {  	v39 =	vld.idx.msk [tilespmem:v2+s31+$0x1B0 ss:$0x1], $0xffff  }
0x52: {  	v40 =	vld.idx.msk [tilespmem:v2+s31+$0x1C0 ss:$0x1], $0xffff  }
0x53: {  	v41 =	vld.idx.msk [tilespmem:v2+s31+$0x1D0 ss:$0x1], $0xffff  }
0x54: {  	v42 =	vld.idx.msk [tilespmem:v2+s31+$0x1E0 ss:$0x1], $0xffff  }
0x55: {  	v43 =	vld.idx.msk [tilespmem:v2+s31+$0x1F0 ss:$0x1], $0xffff  }
0x56: {  	v44 =	vld.idx.msk [tilespmem:v2+s31+$0x200 ss:$0x1], $0xffff  }
0x57: {  	v45 =	vld.idx.msk [tilespmem:v2+s31+$0x210 ss:$0x1], $0xffff  }
0x58: {  	v46 =	vld.idx.msk [tilespmem:v2+s31+$0x220 ss:$0x1], $0xffff  }
0x59: {  	v47 =	vld.idx.msk [tilespmem:v2+s31+$0x230 ss:$0x1], $0xffff  }
0x5a: {  	v48 =	vld.idx.msk [tilespmem:v2+s31+$0x240 ss:$0x1], $0xffff  }
0x5b: {  	v49 =	vld.idx.msk [tilespmem:v2+s31+$0x250 ss:$0x1], $0xffff  }
0x5c: {  	v50 =	vld.idx.msk [tilespmem:v2+s31+$0x260 ss:$0x1], $0xffff  }
0x5d: {  	v51 =	vld.idx.msk [tilespmem:v2+s31+$0x270 ss:$0x1], $0xffff  }
0x5e: {  	v52 =	vld.idx.msk [tilespmem:v2+s31+$0x280 ss:$0x1], $0xffff  }
0x5f: {  	v54 =	vld.idx.msk [tilespmem:v2+s31+$0x290 ss:$0x1], $0xffff;
	v53 =	vbroadcast v3, $0x0  }
0x60: {  	v55 =	vld.idx.msk [tilespmem:v2+s31+$0x2A0 ss:$0x1], $0xffff  }
0x61: {  	v56 =	vld.idx.msk [tilespmem:v2+s31+$0x2B0 ss:$0x1], $0xffff;
	v12 =	vmul.f32 v12, v53;
	v13 =	vmul.f32 v13, v53  }
0x62: {  	v57 =	vld.idx.msk [tilespmem:v2+s31+$0x2C0 ss:$0x1], $0xffff;
	v14 =	vmul.f32 v14, v53;
	v61 =	vmul.f32 v15, v53  }
0x63: {  	v62 =	vmul.f32 v16, v53;
	v15 =	vbroadcast v3, $0x1;
	v16 =	vld.idx.msk [tilespmem:v2+s31+$0x2E0 ss:$0x1], $0xffff  }
0x64: {  	v63 =	vmul.f32 v17, v53;
	v58 =	vmul.f32 v18, v53;
	v18 =	vld.idx.msk [tilespmem:v2+s31+$0x2F0 ss:$0x1], $0xffff;
	v11 =	vadd.f32 v12, v11  }
0x65: {  	v59 =	vmul.f32 v19, v53;
	v17 =	vld.idx.msk [tilespmem:v2+s31+$0x310 ss:$0x1], $0xffff;
	v10 =	vadd.f32 v13, v10;
	v9 =	vadd.f32 v14, v9  }
0x66: {  	v19 =	vld.idx.msk [tilespmem:v2+s31+$0x320 ss:$0x1], $0xffff;
	v8 =	vadd.f32 v61, v8;
	v7 =	vadd.f32 v62, v7;
	v60 =	vmul.f32 v20, v15  }
0x67: {  	v13 =	vld.idx.msk [tilespmem:v2+s31+$0x2D0 ss:$0x1], $0xffff;
	v6 =	vadd.f32 v63, v6;
	v61 =	vmul.f32 v21, v15;
	v62 =	vmul.f32 v22, v15  }
0x68: {  	v20 =	vld.idx.msk [tilespmem:v2+s31+$0x300 ss:$0x1], $0xffff;
	v5 =	vadd.f32 v58, v5;
	v63 =	vmul.f32 v23, v15;
	v53 =	vmul.f32 v24, v15  }
0x69: {  	v4 =	vadd.f32 v59, v4;
	v22 =	vld.idx.msk [tilespmem:v2+s31+$0x330 ss:$0x1], $0xffff;
	v58 =	vmul.f32 v25, v15;
	v59 =	vbroadcast v3, $0x2  }
0x6a: {  	v24 =	vld.idx.msk [tilespmem:v2+s31+$0x340 ss:$0x1], $0xffff;
	v11 =	vadd.f32 v60, v11;
	v10 =	vadd.f32 v61, v10;
	v60 =	vmul.f32 v26, v15  }
0x6b: {  	v21 =	vld.idx.msk [tilespmem:v2+s31+$0x350 ss:$0x1], $0xffff;
	v9 =	vadd.f32 v62, v9;
	v61 =	vmul.f32 v27, v15;
	v62 =	vmul.f32 v28, v59  }
0x6c: {  	v25 =	vld.idx.msk [tilespmem:v2+s31+$0x360 ss:$0x1], $0xffff;
	v8 =	vadd.f32 v63, v8;
	v63 =	vmul.f32 v29, v59;
	v30 =	vmul.f32 v30, v59  }
0x6d: {  	v14 =	vld.idx.msk [tilespmem:v2+s31+$0x540 ss:$0x1], $0xffff;
	v7 =	vadd.f32 v53, v7;
	v31 =	vmul.f32 v31, v59;
	v32 =	vmul.f32 v32, v59  }
0x6e: {  	v6 =	vadd.f32 v58, v6;
	v27 =	vld.idx.msk [tilespmem:v2+s31+$0x370 ss:$0x1], $0xffff;
	v33 =	vmul.f32 v33, v59;
	v28 =	vbroadcast v3, $0x3  }
0x6f: {  	v15 =	vld.idx.msk [tilespmem:v2+s31+$0x380 ss:$0x1], $0xffff;
	v53 =	vmul.f32 v34, v59;
	v5 =	vadd.f32 v60, v5;
	v4 =	vadd.f32 v61, v4  }
0x70: {  	v26 =	vld.idx.msk [tilespmem:v2+s31+$0x390 ss:$0x1], $0xffff;
	v23 =	vmul.f32 v35, v59;
	v11 =	vadd.f32 v62, v11;
	v10 =	vadd.f32 v63, v10  }
0x71: {  	v29 =	vld.idx.msk [tilespmem:v2+s31+$0x3A0 ss:$0x1], $0xffff;
	v9 =	vadd.f32 v30, v9;
	v58 =	vmul.f32 v36, v28;
	v59 =	vmul.f32 v37, v28  }
0x72: {  	v34 =	vld.idx.msk [tilespmem:v2+s31+$0x3F0 ss:$0x1], $0xffff;
	v8 =	vadd.f32 v31, v8;
	v60 =	vmul.f32 v38, v28;
	v61 =	vmul.f32 v39, v28  }
0x73: {  	v35 =	vld.idx.msk [tilespmem:v2+s31+$0x420 ss:$0x1], $0xffff;
	v7 =	vadd.f32 v32, v7;
	v62 =	vmul.f32 v40, v28;
	v63 =	vbroadcast v3, $0x4  }
0x74: {  	v30 =	vld.idx.msk [tilespmem:v2+s31+$0x3B0 ss:$0x1], $0xffff;
	v6 =	vadd.f32 v33, v6;
	v40 =	vmul.f32 v41, v28;
	v41 =	vmul.f32 v42, v28  }
0x75: {  	v32 =	vld.idx.msk [tilespmem:v2+s31+$0x3C0 ss:$0x1], $0xffff;
	v42 =	vmul.f32 v43, v28;
	v5 =	vadd.f32 v53, v5;
	v4 =	vadd.f32 v23, v4  }
0x76: {  	v31 =	vld.idx.msk [tilespmem:v2+s31+$0x3E0 ss:$0x1], $0xffff;
	v11 =	vadd.f32 v58, v11;
	v10 =	vadd.f32 v59, v10;
	v43 =	vmul.f32 v44, v63  }
0x77: {  	v36 =	vld.idx.msk [tilespmem:v2+s31+$0x400 ss:$0x1], $0xffff;
	v9 =	vadd.f32 v60, v9;
	v44 =	vmul.f32 v45, v63;
	v45 =	vmul.f32 v46, v63  }
0x78: {  	v37 =	vld.idx.msk [tilespmem:v2+s31+$0x410 ss:$0x1], $0xffff;
	v8 =	vadd.f32 v61, v8;
	v46 =	vmul.f32 v47, v63;
	v47 =	vmul.f32 v48, v63  }
0x79: {  	v28 =	vld.idx.msk [tilespmem:v2+s31+$0x430 ss:$0x1], $0xffff;
	v7 =	vadd.f32 v62, v7;
	v48 =	vmul.f32 v49, v63;
	v49 =	vbroadcast v3, $0x5  }
0x7a: {  	v39 =	vld.idx.msk [tilespmem:v2+s31+$0x440 ss:$0x1], $0xffff;
	v6 =	vadd.f32 v40, v6;
	v50 =	vmul.f32 v50, v63;
	v51 =	vmul.f32 v51, v63  }
0x7b: {  	v38 =	vld.idx.msk [tilespmem:v2+s31+$0x460 ss:$0x1], $0xffff;
	v62 =	vbroadcast v3, $0x6;
	v40 =	vbroadcast v3, $0x9;
	v5 =	vadd.f32 v41, v5  }
0x7c: {  	v33 =	vld.idx.msk [tilespmem:v2+s31+$0x490 ss:$0x1], $0xffff;
	v4 =	vadd.f32 v42, v4;
	v11 =	vadd.f32 v43, v11;
	v53 =	vmul.f32 v52, v49  }
0x7d: {  	v23 =	vld.idx.msk [tilespmem:v2+s31+$0x3D0 ss:$0x1], $0xffff;
	v10 =	vadd.f32 v44, v10;
	v54 =	vmul.f32 v54, v49;
	v58 =	vmul.f32 v55, v49  }
0x7e: {  	v9 =	vadd.f32 v45, v9;
	v41 =	vld.idx.msk [tilespmem:v2+s31+$0x450 ss:$0x1], $0xffff;
	v59 =	vmul.f32 v56, v49;
	v60 =	vmul.f32 v57, v49  }
0x7f: {  	v8 =	vadd.f32 v46, v8;
	v42 =	vld.idx.msk [tilespmem:v2+s31+$0x470 ss:$0x1], $0xffff;
	v61 =	vmul.f32 v13, v49;
	v63 =	vmul.f32 v16, v49  }
0x80: {  	v7 =	vadd.f32 v47, v7;
	v44 =	vld.idx.msk [tilespmem:v2+s31+$0x480 ss:$0x1], $0xffff;
	v46 =	vmul.f32 v18, v49;
	v47 =	vmul.f32 v20, v62  }
0x81: {  	v6 =	vadd.f32 v48, v6;
	v43 =	vld.idx.msk [tilespmem:v2+s31+$0x4A0 ss:$0x1], $0xffff;
	v17 =	vmul.f32 v17, v62;
	v48 =	vmul.f32 v19, v62  }
0x82: {  	v45 =	vld.idx.msk [tilespmem:v2+s31+$0x4B0 ss:$0x1], $0xffff;
	v49 =	vmul.f32 v22, v62;
	v52 =	vmul.f32 v21, v62;
	v5 =	vadd.f32 v50, v5  }
0x83: {  	v18 =	vld.idx.msk [tilespmem:v2+s31+$0x4C0 ss:$0x1], $0xffff;
	v13 =	vmul.f32 v27, v62;
	v4 =	vadd.f32 v51, v4;
	v11 =	vadd.f32 v53, v11  }
0x84: {  	v20 =	vld.idx.msk [tilespmem:v2+s31+$0x4D0 ss:$0x1], $0xffff;
	v33 =	vmul.f32 v33, v40;
	v10 =	vadd.f32 v54, v10;
	v9 =	vadd.f32 v58, v9  }
0x85: {  	v16 =	vld.idx.msk [tilespmem:v2+s31+$0x4E0 ss:$0x1], $0xffff;
	v8 =	vadd.f32 v59, v8;
	v50 =	vmul.f32 v24, v62;
	v51 =	vbroadcast v3, $0x7  }
0x86: {  	v22 =	vld.idx.msk [tilespmem:v2+s31+$0x500 ss:$0x1], $0xffff;
	v7 =	vadd.f32 v60, v7;
	v53 =	vmul.f32 v25, v62;
	v60 =	vbroadcast v3, $0x8  }
0x87: {  	v21 =	vld.idx.msk [tilespmem:v2+s31+$0x530 ss:$0x1], $0xffff;
	v6 =	vadd.f32 v61, v6;
	v54 =	vmul.f32 v15, v51;
	v55 =	vmul.f32 v26, v51  }
0x88: {  	v27 =	vld.idx.msk [tilespmem:v2+s31+$0x560 ss:$0x1], $0xffff;
	v5 =	vadd.f32 v63, v5;
	v56 =	vmul.f32 v29, v51;
	v57 =	vmul.f32 v30, v51  }
0x89: {  	v19 =	vld.idx.msk [tilespmem:v2+s31+$0x5A0 ss:$0x1], $0xffff;
	v4 =	vadd.f32 v46, v4;
	v58 =	vmul.f32 v32, v51;
	v59 =	vmul.f32 v23, v51  }
0x8a: {  	v24 =	vld.idx.msk [tilespmem:v2+s31+$0x510 ss:$0x1], $0xffff;
	v11 =	vadd.f32 v47, v11;
	v61 =	vmul.f32 v31, v51;
	v62 =	vmul.f32 v34, v51  }
0x8b: {  	v25 =	vld.idx.msk [tilespmem:v2+s31+$0x570 ss:$0x1], $0xffff;
	v10 =	vadd.f32 v17, v10;
	v63 =	vmul.f32 v36, v60;
	v34 =	vmul.f32 v37, v60  }
0x8c: {  	v17 =	vld.idx.msk [tilespmem:v2+s31+$0x4F0 ss:$0x1], $0xffff;
	v9 =	vadd.f32 v48, v9;
	v35 =	vmul.f32 v35, v60;
	v36 =	vmul.f32 v28, v60  }
0x8d: {  	v7 =	vadd.f32 v50, v7;
	v15 =	vld.idx.msk [tilespmem:v2+s31+$0x520 ss:$0x1], $0xffff;
	v37 =	vmul.f32 v39, v60;
	v50 =	vbroadcast v3, $0xA  }
0x8e: {  	v8 =	vadd.f32 v49, v8;
	v26 =	vld.idx.msk [tilespmem:v2+s31+$0x550 ss:$0x1], $0xffff;
	v39 =	vmul.f32 v41, v60;
	v41 =	vmul.f32 v38, v60  }
0x8f: {  	v6 =	vadd.f32 v52, v6;
	v29 =	vld.idx.msk [tilespmem:v2+s31+$0x580 ss:$0x1], $0xffff;
	v23 =	vmul.f32 v42, v60;
	v46 =	vmul.f32 v44, v40  }
0x90: {  	v31 =	vld.idx.msk [tilespmem:v2+s31+$0x590 ss:$0x1], $0xffff;
	v47 =	vmul.f32 v43, v40;
	v48 =	vmul.f32 v45, v40;
	v5 =	vadd.f32 v53, v5  }
0x91: {  	v28 =	vld.idx.msk [tilespmem:v2+s31+$0x5B0 ss:$0x1], $0xffff;
	v49 =	vmul.f32 v18, v40;
	v4 =	vadd.f32 v13, v4;
	v11 =	vadd.f32 v54, v11  }
0x92: {  	v32 =	vld.idx.msk [tilespmem:v2+s31+$0x5C0 ss:$0x1], $0xffff;
	v52 =	vmul.f32 v20, v40;
	v10 =	vadd.f32 v55, v10;
	v9 =	vadd.f32 v56, v9  }
0x93: {  	v51 =	vld.idx.msk [tilespmem:v2+s31+$0x610 ss:$0x1], $0xffff;
	v16 =	vmul.f32 v16, v40;
	v8 =	vadd.f32 v57, v8;
	v7 =	vadd.f32 v58, v7  }
0x94: {  	v38 =	vld.idx.msk [tilespmem:v2+s31+$0x690 ss:$0x1], $0xffff;
	v6 =	vadd.f32 v59, v6;
	v55 =	vmul.f32 v22, v50;
	v60 =	vmul.f32 v21, v50  }
0x95: {  	v42 =	vld.idx.msk [tilespmem:v2+s31+$0x6B0 ss:$0x1], $0xffff;
	v14 =	vmul.f32 v14, v50;
	v5 =	vadd.f32 v61, v5;
	v4 =	vadd.f32 v62, v4  }
0x96: {  	v44 =	vld.idx.msk [tilespmem:v2+s31+$0x6C0 ss:$0x1], $0xffff;
	v57 =	vmul.f32 v24, v50;
	v11 =	vadd.f32 v63, v11;
	v10 =	vadd.f32 v34, v10  }
0x97: {  	v53 =	vld.idx.msk [tilespmem:v2+s31+$0x620 ss:$0x1], $0xffff;
	v30 =	vmul.f32 v25, v50;
	v9 =	vadd.f32 v35, v9;
	v8 =	vadd.f32 v36, v8  }
0x98: {  	v56 =	vld.idx.msk [tilespmem:v2+s31+$0x630 ss:$0x1], $0xffff;
	v7 =	vadd.f32 v37, v7;
	v6 =	vadd.f32 v39, v6;
	v62 =	vbroadcast v3, $0xB  }
0x99: {  	v58 =	vld.idx.msk [tilespmem:v2+s31+$0x640 ss:$0x1], $0xffff;
	v63 =	vmul.f32 v27, v50;
	v54 =	vmul.f32 v17, v40;
	v5 =	vadd.f32 v41, v5  }
0x9a: {  	v24 =	vld.idx.msk [tilespmem:v2+s31+$0x670 ss:$0x1], $0xffff;
	v59 =	vmul.f32 v15, v50;
	v4 =	vadd.f32 v23, v4;
	v11 =	vadd.f32 v46, v11  }
0x9b: {  	v34 =	vld.idx.msk [tilespmem:v2+s31+$0x5D0 ss:$0x1], $0xffff;
	v61 =	vmul.f32 v26, v50;
	v10 =	vadd.f32 v33, v10;
	v9 =	vadd.f32 v47, v9  }
0x9c: {  	v35 =	vld.idx.msk [tilespmem:v2+s31+$0x5E0 ss:$0x1], $0xffff;
	v8 =	vadd.f32 v48, v8;
	v7 =	vadd.f32 v49, v7;
	v37 =	vmul.f32 v29, v62  }
0x9d: {  	v15 =	vld.idx.msk [tilespmem:v2+s31+$0x650 ss:$0x1], $0xffff;
	v6 =	vadd.f32 v52, v6;
	v39 =	vmul.f32 v31, v62;
	v19 =	vmul.f32 v19, v62  }
0x9e: {  	v17 =	vld.idx.msk [tilespmem:v2+s31+$0x660 ss:$0x1], $0xffff;
	v41 =	vmul.f32 v28, v62;
	v5 =	vadd.f32 v16, v5;
	v4 =	vadd.f32 v54, v4  }
0x9f: {  	v40 =	vld.idx.msk [tilespmem:v2+s31+$0x6A0 ss:$0x1], $0xffff;
	v46 =	vbroadcast v3, $0xC;
	v11 =	vadd.f32 v55, v11;
	v10 =	vadd.f32 v57, v10  }
0xa0: {  	v23 =	vld.idx.msk [tilespmem:v2+s31+$0x5F0 ss:$0x1], $0xffff;
	v43 =	vmul.f32 v32, v62;
	v9 =	vadd.f32 v59, v9;
	v8 =	vadd.f32 v60, v8  }
0xa1: {  	v33 =	vld.idx.msk [tilespmem:v2+s31+$0x600 ss:$0x1], $0xffff;
	v7 =	vadd.f32 v14, v7;
	v51 =	vmul.f32 v51, v46;
	v53 =	vmul.f32 v53, v46  }
0xa2: {  	v47 =	vld.idx.msk [tilespmem:v2+s31+$0x6D0 ss:$0x1], $0xffff;
	v6 =	vadd.f32 v61, v6;
	v55 =	vmul.f32 v56, v46;
	v57 =	vmul.f32 v58, v46  }
0xa3: {  	v49 =	vld.idx.msk [tilespmem:v2+s31+$0x6E0 ss:$0x1], $0xffff;
	v58 =	vbroadcast v3, $0xD;
	v45 =	vmul.f32 v34, v62;
	v5 =	vadd.f32 v63, v5  }
0xa4: {  	v52 =	vld.idx.msk [tilespmem:v2+s31+$0x6F0 ss:$0x1], $0xffff;
	v48 =	vmul.f32 v35, v62;
	v4 =	vadd.f32 v30, v4;
	v11 =	vadd.f32 v37, v11  }
0xa5: {  	v29 =	vld.idx.msk [tilespmem:v2+s31+$0x740 ss:$0x1], $0xffff;
	v10 =	vadd.f32 v39, v10;
	v60 =	vmul.f32 v15, v46;
	v61 =	vmul.f32 v17, v46  }
0xa6: {  	v32 =	vld.idx.msk [tilespmem:v2+s31+$0x750 ss:$0x1], $0xffff;
	v9 =	vadd.f32 v19, v9;
	v63 =	vmul.f32 v24, v46;
	v31 =	vmul.f32 v38, v58  }
0xa7: {  	v14 =	vld.idx.msk [tilespmem:v2+s31+$0x680 ss:$0x1], $0xffff;
	v8 =	vadd.f32 v41, v8;
	v35 =	vmul.f32 v42, v58;
	v36 =	vmul.f32 v44, v58  }
0xa8: {  	v54 =	vld.idx.msk [tilespmem:v2+s31+$0x700 ss:$0x1], $0xffff;
	v7 =	vadd.f32 v43, v7;
	v39 =	vbroadcast v3, $0xE;
	v3 =	vbroadcast v3, $0xF  }
0xa9: {  	v56 =	vld.idx.msk [tilespmem:v2+s31+$0x710 ss:$0x1], $0xffff;
	v21 =	vmul.f32 v23, v62;
	v6 =	vadd.f32 v45, v6;
	v50 =	vmul.f32 v33, v46  }
0xaa: {  	v59 =	vld.idx.msk [tilespmem:v2+s31+$0x720 ss:$0x1], $0xffff;
	v33 =	vmul.f32 v40, v58;
	v38 =	vmul.f32 v47, v58;
	v5 =	vadd.f32 v48, v5  }
0xab: {  	v34 =	vld.idx.msk [tilespmem:v2+s31+$0x760 ss:$0x1], $0xffff;
	v41 =	vmul.f32 v49, v58;
	v10 =	vadd.f32 v51, v10;
	v9 =	vadd.f32 v53, v9  }
0xac: {  	v37 =	vld.idx.msk [tilespmem:v2+s31+$0x770 ss:$0x1], $0xffff;
	v43 =	vmul.f32 v52, v58;
	v8 =	vadd.f32 v55, v8;
	v7 =	vadd.f32 v57, v7  }
0xad: {  	v42 =	vld.idx.msk [tilespmem:v2+s31+$0x790 ss:$0x1], $0xffff;
	v51 =	vmul.f32 v29, v39;
	v53 =	vmul.f32 v32, v39;
	v4 =	vadd.f32 v21, v4  }
0xae: {  	v62 =	vld.idx.msk [tilespmem:v2+s31+$0x730 ss:$0x1], $0xffff;
	v11 =	vadd.f32 v50, v11;
	v14 =	vmul.f32 v14, v58;
	v6 =	vadd.f32 v60, v6  }
0xaf: {  	v40 =	vld.idx.msk [tilespmem:v2+s31+$0x780 ss:$0x1], $0xffff;
	v44 =	vmul.f32 v54, v39;
	v5 =	vadd.f32 v61, v5;
	v10 =	vadd.f32 v31, v10  }
0xb0: {  	v45 =	vld.idx.msk [tilespmem:v2+s31+$0x7A0 ss:$0x1], $0xffff;
	v46 =	vmul.f32 v56, v39;
	v9 =	vadd.f32 v33, v9;
	v8 =	vadd.f32 v35, v8  }
0xb1: {  	v52 =	vld.idx.msk [tilespmem:v2+s31+$0x7D0 ss:$0x1], $0xffff;
	v47 =	vmul.f32 v59, v39;
	v7 =	vadd.f32 v36, v7;
	v4 =	vadd.f32 v63, v4  }
0xb2: {  	v48 =	vld.idx.msk [tilespmem:v2+s31+$0x7B0 ss:$0x1], $0xffff;
	v55 =	vmul.f32 v34, v39;
	v11 =	vadd.f32 v14, v11;
	v6 =	vadd.f32 v38, v6  }
0xb3: {  	v50 =	vld.idx.msk [tilespmem:v2+s31+$0x7C0 ss:$0x1], $0xffff;
	v56 =	vmul.f32 v37, v39;
	v18 =	vmul.f32 v42, v3;
	v5 =	vadd.f32 v41, v5  }
0xb4: {  	v54 =	vld.idx.msk [tilespmem:v2+s31+$0x7E0 ss:$0x1], $0xffff;
	v49 =	vmul.f32 v62, v39;
	v10 =	vadd.f32 v46, v10;
	v9 =	vadd.f32 v47, v9  }
0xb5: {  	v57 =	vld.idx.msk [tilespmem:v2+s31+$0x7F0 ss:$0x1], $0xffff;
	v7 =	vadd.f32 v51, v7;
	v58 =	vmul.f32 v40, v3;
	v4 =	vadd.f32 v43, v4  }
0xb6: {  	v59 =	vmul.f32 v45, v3;
	v11 =	vadd.f32 v44, v11;
	v6 =	vadd.f32 v53, v6  }
0xb7: {  	p1 =	por p0, p0;
	v62 =	vmul.f32 v52, v3;
	v8 =	vadd.f32 v49, v8;
	v5 =	vadd.f32 v55, v5  }
.Ltmp0:
0xb8: {  	v60 =	vmul.f32 v48, v3;
	v10 =	vadd.f32 v18, v10;
	v9 =	vadd.f32 v59, v9;
	(pc) =	sbr.rel @p1 .LBB2_4-.Ltmp0, $4  }
0xb9: {  	v61 =	vmul.f32 v50, v3;
	v63 =	vmul.f32 v54, v3;
	v4 =	vadd.f32 v56, v4  }
0xba: {  	v3 =	vmul.f32 v57, v3;
	v11 =	vadd.f32 v58, v11;
	v6 =	vadd.f32 v62, v6  }
0xbb: {  	v8 =	vadd.f32 v60, v8;
	v7 =	vadd.f32 v61, v7  }
0xbc: {  	p0 =	por $0x0, $0x0;
	s31 =	simm.s32 $0x1;
	v5 =	vadd.f32 v63, v5;
	v4 =	vadd.f32 v3, v4  }
0xbd: {  	_ =	sdelay $0x3  }
0xbe: {  	[tilespmem:v0+s30+$0x0 ss:$0x1] =	vst.idx.msk $0xffff, v11  }
0xbf: {  	s28 =	sadd.s32 $0x1, s28;
	[tilespmem:v0+s30+$0x10 ss:$0x1] =	vst.idx.msk $0xffff, v10  }
0xc0: {  	p0 =	sne.s32 s28, $0x8;
	[tilespmem:v0+s30+$0x20 ss:$0x1] =	vst.idx.msk $0xffff, v9  }
.Ltmp1:
0xc1: {  	[tilespmem:v0+s30+$0x30 ss:$0x1] =	vst.idx.msk $0xffff, v8;
	(pc) =	sbr.rel @p0 .LBB2_3-.Ltmp1, $4  }
0xc2: {  	[tilespmem:v0+s30+$0x40 ss:$0x1] =	vst.idx.msk $0xffff, v7  }
0xc3: {  	[tilespmem:v0+s30+$0x50 ss:$0x1] =	vst.idx.msk $0xffff, v6  }
0xc4: {  	[tilespmem:v0+s30+$0x60 ss:$0x1] =	vst.idx.msk $0xffff, v5  }
0xc5: {  	[tilespmem:v0+s30+$0x70 ss:$0x1] =	vst.idx.msk $0xffff, v4  }
0xc6: {  	s3 =	smin.u32 s29, $0x16  }
0xc7: {  	s3 =	sshll.u32 s3, $0x3  }
0xc8: {  	s3 =	sadd.s32 s3, s10  }
0xc9: {  	s28 =	sshll.u32 s3, $0x9  }
0xca: {  	s31 =	sand.u32 $0xFFF000, s28  }
0xcb: {  	s3 =	sshll.u32 s3, $0x4;
	s28 =	simm.s32 $0x0;
	s30 =	sadd.s32 s4, s31  }
0xcc: {  	[tilespmem:s28], [sflag:$0x1] =	stream.linear.gather [hbm4b:s30+s28], $0x8000, $0x38;
	[tilespmem:$0x17400] =	vst v63  }
0xcd: {  	s3 =	sadd.s32 s2, s3  }
0xce: {  	[tilespmem:s13], [sflag:$0x1] =	stream.linear.gather [hbm4b:s3+s28], $0x400, $0x38;
	[tilespmem:$0x17400] =	vst v63  }
0xcf: {  	s31 =	sadd.s32 s1, s31  }
0xd0: {  	[tilespmem:s16], [sflag:$0x1] =	stream.strided.gather [hbm4b:s31+s14], $0x400, s15, s14, $0x38;
	[tilespmem:$0x17400] =	vst v63  }
0xd1: {  	_ =	swait.ge [sflag:s21], $0x8000  }
0xd2: {  	[sflag:s21] =	ssyncset.done $0x0  }
0xd3: {  	[sflag:s21] =	ssyncadd.s32 $0xFFFF8000  }
0xd4: {  	_ =	swait.ge [sflag:s21], $0x400  }
0xd5: {  	[sflag:s21] =	ssyncset.done $0x0  }
0xd6: {  	[sflag:s21] =	ssyncadd.s32 $0xFFFFFC00  }
0xd7: {  	_ =	swait.ge [sflag:s21], $0x400  }
0xd8: {  	[sflag:s21] =	ssyncset.done $0x0  }
0xd9: {  	[sflag:s21] =	ssyncadd.s32 $0xFFFFFC00  }
.LBB2_7:
0xda: {  	s3 =	sshll.u32 s28, $0x7  }
0xdb: {  	v10 =	vld [tilespmem:s3+$0x10C00]  }
0xdc: {  	v9 =	vld [tilespmem:s3+$0x10C10]  }
0xdd: {  	v8 =	vld [tilespmem:s3+$0x10C20]  }
0xde: {  	s29 =	sshll.u32 s28, $0xE;
	v7 =	vld [tilespmem:s3+$0x10C30]  }
0xdf: {  	v6 =	vld [tilespmem:s3+$0x10C40];
	s29 =	sshra.s32 s29, $0x2;
	s30 =	sadd.s32 $0x10400, s3  }
0xe0: {  	v5 =	vld [tilespmem:s3+$0x10C50];
	s29 =	sadd.s32 $0x8000, s29;
	v0 =	vmov s30  }
0xe1: {  	v4 =	vld [tilespmem:s3+$0x10C60];
	v1 =	vmov s29  }
0xe2: {  	p0 =	por $0x1, $0x1;
	v3 =	vld [tilespmem:s3+$0x10C70];
	s29 =	simm.s32 $0x0  }
.LBB2_8:
0xe3: {  	s3 =	sshll.u32 s29, $0x4  }
0xe4: {  	s29 =	sshll.u32 s29, $0xB;
	s3 =	sand.u32 $0x3FFFFFF0, s3  }
0xe5: {  	s29 =	sand.u32 $0x3FFFF800, s29;
	v2 =	vld.idx.msk [tilespmem:v0+s3+$0x0 ss:$0x1], $0xffff  }
0xe6: {  	v11 =	vld.idx.msk [tilespmem:v1+s29+$0x0 ss:$0x1], $0xffff  }
0xe7: {  	v12 =	vld.idx.msk [tilespmem:v1+s29+$0x10 ss:$0x1], $0xffff  }
0xe8: {  	v13 =	vld.idx.msk [tilespmem:v1+s29+$0x20 ss:$0x1], $0xffff  }
0xe9: {  	v14 =	vld.idx.msk [tilespmem:v1+s29+$0x30 ss:$0x1], $0xffff  }
0xea: {  	v15 =	vld.idx.msk [tilespmem:v1+s29+$0x40 ss:$0x1], $0xffff  }
0xeb: {  	v16 =	vld.idx.msk [tilespmem:v1+s29+$0x50 ss:$0x1], $0xffff  }
0xec: {  	v17 =	vld.idx.msk [tilespmem:v1+s29+$0x60 ss:$0x1], $0xffff  }
0xed: {  	v18 =	vld.idx.msk [tilespmem:v1+s29+$0x70 ss:$0x1], $0xffff  }
0xee: {  	v19 =	vld.idx.msk [tilespmem:v1+s29+$0x80 ss:$0x1], $0xffff  }
0xef: {  	v20 =	vld.idx.msk [tilespmem:v1+s29+$0x90 ss:$0x1], $0xffff  }
0xf0: {  	v21 =	vld.idx.msk [tilespmem:v1+s29+$0xA0 ss:$0x1], $0xffff  }
0xf1: {  	v22 =	vld.idx.msk [tilespmem:v1+s29+$0xB0 ss:$0x1], $0xffff  }
0xf2: {  	v23 =	vld.idx.msk [tilespmem:v1+s29+$0xC0 ss:$0x1], $0xffff  }
0xf3: {  	v24 =	vld.idx.msk [tilespmem:v1+s29+$0xD0 ss:$0x1], $0xffff  }
0xf4: {  	v25 =	vld.idx.msk [tilespmem:v1+s29+$0xE0 ss:$0x1], $0xffff  }
0xf5: {  	v26 =	vld.idx.msk [tilespmem:v1+s29+$0xF0 ss:$0x1], $0xffff  }
0xf6: {  	v27 =	vld.idx.msk [tilespmem:v1+s29+$0x100 ss:$0x1], $0xffff  }
0xf7: {  	v28 =	vld.idx.msk [tilespmem:v1+s29+$0x110 ss:$0x1], $0xffff  }
0xf8: {  	v29 =	vld.idx.msk [tilespmem:v1+s29+$0x120 ss:$0x1], $0xffff  }
0xf9: {  	v30 =	vld.idx.msk [tilespmem:v1+s29+$0x130 ss:$0x1], $0xffff  }
0xfa: {  	v31 =	vld.idx.msk [tilespmem:v1+s29+$0x140 ss:$0x1], $0xffff  }
0xfb: {  	v32 =	vld.idx.msk [tilespmem:v1+s29+$0x150 ss:$0x1], $0xffff  }
0xfc: {  	v33 =	vld.idx.msk [tilespmem:v1+s29+$0x160 ss:$0x1], $0xffff  }
0xfd: {  	v34 =	vld.idx.msk [tilespmem:v1+s29+$0x170 ss:$0x1], $0xffff  }
0xfe: {  	v35 =	vld.idx.msk [tilespmem:v1+s29+$0x180 ss:$0x1], $0xffff  }
0xff: {  	v36 =	vld.idx.msk [tilespmem:v1+s29+$0x190 ss:$0x1], $0xffff  }
0x100: {  	v37 =	vld.idx.msk [tilespmem:v1+s29+$0x1A0 ss:$0x1], $0xffff  }
0x101: {  	v38 =	vld.idx.msk [tilespmem:v1+s29+$0x1B0 ss:$0x1], $0xffff  }
0x102: {  	v39 =	vld.idx.msk [tilespmem:v1+s29+$0x1C0 ss:$0x1], $0xffff  }
0x103: {  	v40 =	vld.idx.msk [tilespmem:v1+s29+$0x1D0 ss:$0x1], $0xffff  }
0x104: {  	v41 =	vld.idx.msk [tilespmem:v1+s29+$0x1E0 ss:$0x1], $0xffff  }
0x105: {  	v42 =	vld.idx.msk [tilespmem:v1+s29+$0x1F0 ss:$0x1], $0xffff  }
0x106: {  	v43 =	vld.idx.msk [tilespmem:v1+s29+$0x200 ss:$0x1], $0xffff  }
0x107: {  	v44 =	vld.idx.msk [tilespmem:v1+s29+$0x210 ss:$0x1], $0xffff  }
0x108: {  	v45 =	vld.idx.msk [tilespmem:v1+s29+$0x220 ss:$0x1], $0xffff  }
0x109: {  	v46 =	vld.idx.msk [tilespmem:v1+s29+$0x230 ss:$0x1], $0xffff  }
0x10a: {  	v47 =	vld.idx.msk [tilespmem:v1+s29+$0x240 ss:$0x1], $0xffff  }
0x10b: {  	v48 =	vld.idx.msk [tilespmem:v1+s29+$0x250 ss:$0x1], $0xffff  }
0x10c: {  	v49 =	vld.idx.msk [tilespmem:v1+s29+$0x260 ss:$0x1], $0xffff  }
0x10d: {  	v50 =	vld.idx.msk [tilespmem:v1+s29+$0x270 ss:$0x1], $0xffff  }
0x10e: {  	v51 =	vld.idx.msk [tilespmem:v1+s29+$0x280 ss:$0x1], $0xffff;
	v52 =	vbroadcast v2, $0x0  }
0x10f: {  	v53 =	vld.idx.msk [tilespmem:v1+s29+$0x290 ss:$0x1], $0xffff  }
0x110: {  	v54 =	vld.idx.msk [tilespmem:v1+s29+$0x2A0 ss:$0x1], $0xffff;
	v62 =	vbroadcast v2, $0x1;
	v11 =	vmul.f32 v11, v52  }
0x111: {  	v55 =	vld.idx.msk [tilespmem:v1+s29+$0x2B0 ss:$0x1], $0xffff;
	v12 =	vmul.f32 v12, v52;
	v13 =	vmul.f32 v13, v52  }
0x112: {  	v56 =	vld.idx.msk [tilespmem:v1+s29+$0x2C0 ss:$0x1], $0xffff;
	v61 =	vmul.f32 v15, v52;
	v63 =	vmul.f32 v17, v52  }
0x113: {  	v15 =	vld.idx.msk [tilespmem:v1+s29+$0x2E0 ss:$0x1], $0xffff;
	v57 =	vmul.f32 v19, v62;
	v58 =	vmul.f32 v21, v62  }
0x114: {  	v17 =	vld.idx.msk [tilespmem:v1+s29+$0x2F0 ss:$0x1], $0xffff;
	v59 =	vmul.f32 v23, v62;
	v10 =	vadd.f32 v11, v10;
	v11 =	vmul.f32 v14, v52  }
0x115: {  	v19 =	vld.idx.msk [tilespmem:v1+s29+$0x300 ss:$0x1], $0xffff;
	v60 =	vmul.f32 v24, v62;
	v9 =	vadd.f32 v12, v9;
	v8 =	vadd.f32 v13, v8  }
0x116: {  	v21 =	vld.idx.msk [tilespmem:v1+s29+$0x330 ss:$0x1], $0xffff;
	v6 =	vadd.f32 v61, v6;
	v7 =	vadd.f32 v11, v7;
	v11 =	vmul.f32 v16, v52  }
0x117: {  	v23 =	vld.idx.msk [tilespmem:v1+s29+$0x340 ss:$0x1], $0xffff;
	v4 =	vadd.f32 v63, v4;
	v61 =	vbroadcast v2, $0x2;
	v52 =	vmul.f32 v18, v52  }
0x118: {  	v24 =	vld.idx.msk [tilespmem:v1+s29+$0x360 ss:$0x1], $0xffff;
	v10 =	vadd.f32 v57, v10;
	v5 =	vadd.f32 v11, v5;
	v11 =	vmul.f32 v20, v62  }
0x119: {  	v12 =	vld.idx.msk [tilespmem:v1+s29+$0x2D0 ss:$0x1], $0xffff;
	v8 =	vadd.f32 v58, v8;
	v6 =	vadd.f32 v59, v6;
	v63 =	vmul.f32 v27, v61  }
0x11a: {  	v14 =	vld.idx.msk [tilespmem:v1+s29+$0x380 ss:$0x1], $0xffff;
	v57 =	vmul.f32 v30, v61;
	v9 =	vadd.f32 v11, v9;
	v11 =	vmul.f32 v22, v62  }
0x11b: {  	v13 =	vld.idx.msk [tilespmem:v1+s29+$0x540 ss:$0x1], $0xffff;
	v58 =	vmul.f32 v32, v61;
	v59 =	vbroadcast v2, $0x3;
	v3 =	vadd.f32 v52, v3  }
0x11c: {  	v16 =	vld.idx.msk [tilespmem:v1+s29+$0x310 ss:$0x1], $0xffff;
	v52 =	vmul.f32 v29, v61;
	v7 =	vadd.f32 v11, v7;
	v11 =	vmul.f32 v25, v62  }
0x11d: {  	v18 =	vld.idx.msk [tilespmem:v1+s29+$0x320 ss:$0x1], $0xffff;
	v10 =	vadd.f32 v63, v10;
	v63 =	vbroadcast v2, $0x4;
	v40 =	vmul.f32 v40, v59  }
0x11e: {  	v30 =	vld.idx.msk [tilespmem:v1+s29+$0x3E0 ss:$0x1], $0xffff;
	v41 =	vmul.f32 v41, v59;
	v4 =	vadd.f32 v11, v4;
	v11 =	vmul.f32 v28, v61  }
0x11f: {  	v27 =	vld.idx.msk [tilespmem:v1+s29+$0x430 ss:$0x1], $0xffff;
	v5 =	vadd.f32 v60, v5;
	v22 =	vmul.f32 v34, v61;
	v60 =	vmul.f32 v35, v59  }
0x120: {  	v32 =	vld.idx.msk [tilespmem:v1+s29+$0x490 ss:$0x1], $0xffff;
	v43 =	vmul.f32 v43, v63;
	v9 =	vadd.f32 v11, v9;
	v11 =	vmul.f32 v31, v61  }
0x121: {  	v20 =	vld.idx.msk [tilespmem:v1+s29+$0x350 ss:$0x1], $0xffff;
	v44 =	vmul.f32 v44, v63;
	v46 =	vmul.f32 v46, v63  }
0x122: {  	v29 =	vld.idx.msk [tilespmem:v1+s29+$0x3B0 ss:$0x1], $0xffff;
	v47 =	vmul.f32 v47, v63;
	v6 =	vadd.f32 v11, v6;
	v11 =	vmul.f32 v33, v61  }
0x123: {  	v8 =	vadd.f32 v52, v8;
	v35 =	vld.idx.msk [tilespmem:v1+s29+$0x400 ss:$0x1], $0xffff;
	v49 =	vmul.f32 v49, v63;
	v62 =	vmul.f32 v26, v62  }
0x124: {  	v34 =	vld.idx.msk [tilespmem:v1+s29+$0x420 ss:$0x1], $0xffff;
	v5 =	vadd.f32 v58, v5;
	v4 =	vadd.f32 v11, v4;
	v11 =	vmul.f32 v37, v59  }
0x125: {  	v26 =	vld.idx.msk [tilespmem:v1+s29+$0x370 ss:$0x1], $0xffff;
	v10 =	vadd.f32 v60, v10;
	v58 =	vbroadcast v2, $0x6;
	v3 =	vadd.f32 v62, v3  }
0x126: {  	v25 =	vld.idx.msk [tilespmem:v1+s29+$0x390 ss:$0x1], $0xffff;
	v7 =	vadd.f32 v57, v7;
	v8 =	vadd.f32 v11, v8;
	v11 =	vmul.f32 v39, v59  }
0x127: {  	v28 =	vld.idx.msk [tilespmem:v1+s29+$0x3A0 ss:$0x1], $0xffff;
	v62 =	vmul.f32 v38, v59;
	v5 =	vadd.f32 v40, v5;
	v10 =	vadd.f32 v43, v10  }
0x128: {  	v38 =	vld.idx.msk [tilespmem:v1+s29+$0x440 ss:$0x1], $0xffff;
	v3 =	vadd.f32 v22, v3;
	v6 =	vadd.f32 v11, v6;
	v11 =	vmul.f32 v42, v59  }
0x129: {  	v40 =	vld.idx.msk [tilespmem:v1+s29+$0x450 ss:$0x1], $0xffff;
	v16 =	vmul.f32 v16, v58;
	v7 =	vadd.f32 v62, v7;
	v61 =	vmul.f32 v36, v59  }
0x12a: {  	v43 =	vld.idx.msk [tilespmem:v1+s29+$0x480 ss:$0x1], $0xffff;
	v24 =	vmul.f32 v24, v58;
	v3 =	vadd.f32 v11, v3;
	v11 =	vmul.f32 v45, v63  }
0x12b: {  	v31 =	vld.idx.msk [tilespmem:v1+s29+$0x3C0 ss:$0x1], $0xffff;
	v62 =	vmul.f32 v23, v58;
	v7 =	vadd.f32 v46, v7;
	v9 =	vadd.f32 v61, v9  }
0x12c: {  	v22 =	vld.idx.msk [tilespmem:v1+s29+$0x3D0 ss:$0x1], $0xffff;
	v4 =	vadd.f32 v41, v4;
	v8 =	vadd.f32 v11, v8;
	v11 =	vmul.f32 v48, v63  }
0x12d: {  	v23 =	vld.idx.msk [tilespmem:v1+s29+$0x510 ss:$0x1], $0xffff;
	v6 =	vadd.f32 v47, v6;
	v47 =	vbroadcast v2, $0x8;
	v48 =	vbroadcast v2, $0x5  }
0x12e: {  	v33 =	vld.idx.msk [tilespmem:v1+s29+$0x3F0 ss:$0x1], $0xffff;
	v61 =	vmul.f32 v18, v58;
	v5 =	vadd.f32 v11, v5;
	v11 =	vmul.f32 v50, v63  }
0x12f: {  	v36 =	vld.idx.msk [tilespmem:v1+s29+$0x410 ss:$0x1], $0xffff;
	v4 =	vadd.f32 v49, v4;
	v49 =	vmul.f32 v35, v47;
	v52 =	vmul.f32 v51, v48  }
0x130: {  	v37 =	vld.idx.msk [tilespmem:v1+s29+$0x460 ss:$0x1], $0xffff;
	v53 =	vmul.f32 v53, v48;
	v3 =	vadd.f32 v11, v3;
	v11 =	vmul.f32 v55, v48  }
0x131: {  	v9 =	vadd.f32 v44, v9;
	v41 =	vld.idx.msk [tilespmem:v1+s29+$0x470 ss:$0x1], $0xffff;
	v54 =	vmul.f32 v54, v48;
	v57 =	vmul.f32 v56, v48  }
0x132: {  	v44 =	vld.idx.msk [tilespmem:v1+s29+$0x4B0 ss:$0x1], $0xffff;
	v59 =	vmul.f32 v15, v48;
	v7 =	vadd.f32 v11, v7;
	v11 =	vmul.f32 v12, v48  }
0x133: {  	v42 =	vld.idx.msk [tilespmem:v1+s29+$0x4A0 ss:$0x1], $0xffff;
	v60 =	vmul.f32 v17, v48;
	v63 =	vbroadcast v2, $0x7  }
0x134: {  	v17 =	vld.idx.msk [tilespmem:v1+s29+$0x4C0 ss:$0x1], $0xffff;
	v10 =	vadd.f32 v52, v10;
	v5 =	vadd.f32 v11, v5;
	v11 =	vmul.f32 v19, v58  }
0x135: {  	v15 =	vld.idx.msk [tilespmem:v1+s29+$0x4E0 ss:$0x1], $0xffff;
	v51 =	vmul.f32 v34, v47;
	v9 =	vadd.f32 v53, v9;
	v8 =	vadd.f32 v54, v8  }
0x136: {  	v50 =	vld.idx.msk [tilespmem:v1+s29+$0x580 ss:$0x1], $0xffff;
	v39 =	vmul.f32 v28, v63;
	v10 =	vadd.f32 v11, v10;
	v11 =	vmul.f32 v21, v58  }
0x137: {  	v56 =	vld.idx.msk [tilespmem:v1+s29+$0x5C0 ss:$0x1], $0xffff;
	v6 =	vadd.f32 v57, v6;
	v45 =	vmul.f32 v31, v63;
	v46 =	vmul.f32 v22, v63  }
0x138: {  	v34 =	vld.idx.msk [tilespmem:v1+s29+$0x720 ss:$0x1], $0xffff;
	v52 =	vmul.f32 v27, v47;
	v7 =	vadd.f32 v11, v7;
	v11 =	vmul.f32 v20, v58  }
0x139: {  	v4 =	vadd.f32 v59, v4;
	v53 =	vld.idx.msk [tilespmem:v1+s29+$0x5A0 ss:$0x1], $0xffff;
	v54 =	vmul.f32 v40, v47;
	v55 =	vbroadcast v2, $0x9  }
0x13a: {  	v27 =	vld.idx.msk [tilespmem:v1+s29+$0x5B0 ss:$0x1], $0xffff;
	v9 =	vadd.f32 v16, v9;
	v5 =	vadd.f32 v11, v5;
	v11 =	vmul.f32 v25, v63  }
0x13b: {  	v22 =	vmul.f32 v41, v47;
	v57 =	vld.idx.msk [tilespmem:v1+s29+$0x5D0 ss:$0x1], $0xffff;
	v3 =	vadd.f32 v60, v3;
	v8 =	vadd.f32 v61, v8  }
0x13c: {  	v59 =	vld.idx.msk [tilespmem:v1+s29+$0x5E0 ss:$0x1], $0xffff;
	v12 =	vmul.f32 v26, v58;
	v9 =	vadd.f32 v11, v9;
	v11 =	vmul.f32 v29, v63  }
0x13d: {  	v40 =	vld.idx.msk [tilespmem:v1+s29+$0x630 ss:$0x1], $0xffff;
	v26 =	vmul.f32 v14, v63;
	v4 =	vadd.f32 v24, v4;
	v48 =	vmul.f32 v33, v63  }
0x13e: {  	v31 =	vld.idx.msk [tilespmem:v1+s29+$0x710 ss:$0x1], $0xffff;
	v32 =	vmul.f32 v32, v55;
	v7 =	vadd.f32 v11, v7;
	v11 =	vmul.f32 v30, v63  }
0x13f: {  	v16 =	vld.idx.msk [tilespmem:v1+s29+$0x4F0 ss:$0x1], $0xffff;
	v6 =	vadd.f32 v62, v6;
	v61 =	vmul.f32 v44, v55;
	v33 =	vbroadcast v2, $0xD  }
0x140: {  	v14 =	vld.idx.msk [tilespmem:v1+s29+$0x520 ss:$0x1], $0xffff;
	v3 =	vadd.f32 v12, v3;
	v4 =	vadd.f32 v11, v4;
	v11 =	vmul.f32 v36, v47  }
0x141: {  	v24 =	vld.idx.msk [tilespmem:v1+s29+$0x570 ss:$0x1], $0xffff;
	v15 =	vmul.f32 v15, v55;
	v8 =	vadd.f32 v39, v8;
	v6 =	vadd.f32 v45, v6  }
0x142: {  	v60 =	vld.idx.msk [tilespmem:v1+s29+$0x5F0 ss:$0x1], $0xffff;
	v3 =	vadd.f32 v48, v3;
	v9 =	vadd.f32 v11, v9;
	v11 =	vmul.f32 v38, v47  }
0x143: {  	v62 =	vld.idx.msk [tilespmem:v1+s29+$0x600 ss:$0x1], $0xffff;
	v8 =	vadd.f32 v51, v8;
	v10 =	vadd.f32 v26, v10;
	v58 =	vmul.f32 v43, v55  }
0x144: {  	v21 =	vld.idx.msk [tilespmem:v1+s29+$0x500 ss:$0x1], $0xffff;
	v3 =	vadd.f32 v22, v3;
	v6 =	vadd.f32 v11, v6;
	v11 =	vmul.f32 v37, v47  }
0x145: {  	v20 =	vld.idx.msk [tilespmem:v1+s29+$0x530 ss:$0x1], $0xffff;
	v10 =	vadd.f32 v49, v10;
	v5 =	vadd.f32 v46, v5;
	v46 =	vbroadcast v2, $0xB  }
0x146: {  	v26 =	vld.idx.msk [tilespmem:v1+s29+$0x560 ss:$0x1], $0xffff;
	v63 =	vbroadcast v2, $0xA;
	v4 =	vadd.f32 v11, v4;
	v11 =	vmul.f32 v42, v55  }
0x147: {  	v19 =	vld.idx.msk [tilespmem:v1+s29+$0x4D0 ss:$0x1], $0xffff;
	v10 =	vadd.f32 v58, v10;
	v50 =	vmul.f32 v50, v46;
	v18 =	vmul.f32 v53, v46  }
0x148: {  	v45 =	vld.idx.msk [tilespmem:v1+s29+$0x660 ss:$0x1], $0xffff;
	v59 =	vmul.f32 v59, v46;
	v8 =	vadd.f32 v11, v8;
	v11 =	vmul.f32 v17, v55  }
0x149: {  	v25 =	vld.idx.msk [tilespmem:v1+s29+$0x550 ss:$0x1], $0xffff;
	v5 =	vadd.f32 v54, v5;
	v39 =	vmul.f32 v21, v63;
	v41 =	vmul.f32 v23, v63  }
0x14a: {  	v30 =	vld.idx.msk [tilespmem:v1+s29+$0x590 ss:$0x1], $0xffff;
	v44 =	vmul.f32 v20, v63;
	v6 =	vadd.f32 v11, v6;
	v11 =	vmul.f32 v16, v55  }
0x14b: {  	v51 =	vld.idx.msk [tilespmem:v1+s29+$0x690 ss:$0x1], $0xffff;
	v7 =	vadd.f32 v52, v7;
	v13 =	vmul.f32 v13, v63;
	v48 =	vmul.f32 v26, v63  }
0x14c: {  	v58 =	vld.idx.msk [tilespmem:v1+s29+$0x6D0 ss:$0x1], $0xffff;
	v37 =	vmul.f32 v19, v55;
	v3 =	vadd.f32 v11, v3;
	v11 =	vmul.f32 v14, v63  }
0x14d: {  	v43 =	vld.idx.msk [tilespmem:v1+s29+$0x650 ss:$0x1], $0xffff;
	v20 =	vmul.f32 v60, v46;
	v7 =	vadd.f32 v61, v7;
	v9 =	vadd.f32 v32, v9  }
0x14e: {  	v49 =	vld.idx.msk [tilespmem:v1+s29+$0x680 ss:$0x1], $0xffff;
	v5 =	vadd.f32 v37, v5;
	v8 =	vadd.f32 v11, v8;
	v11 =	vmul.f32 v25, v63  }
0x14f: {  	v53 =	vld.idx.msk [tilespmem:v1+s29+$0x6A0 ss:$0x1], $0xffff;
	v10 =	vadd.f32 v39, v10;
	v52 =	vmul.f32 v30, v46;
	v7 =	vadd.f32 v44, v7  }
0x150: {  	v36 =	vld.idx.msk [tilespmem:v1+s29+$0x610 ss:$0x1], $0xffff;
	v9 =	vadd.f32 v41, v9;
	v5 =	vadd.f32 v11, v5;
	v11 =	vmul.f32 v24, v63  }
0x151: {  	v38 =	vld.idx.msk [tilespmem:v1+s29+$0x620 ss:$0x1], $0xffff;
	v10 =	vadd.f32 v50, v10;
	v44 =	vmul.f32 v58, v33;
	v4 =	vadd.f32 v15, v4  }
0x152: {  	v42 =	vld.idx.msk [tilespmem:v1+s29+$0x640 ss:$0x1], $0xffff;
	v9 =	vadd.f32 v52, v9;
	v3 =	vadd.f32 v11, v3;
	v11 =	vmul.f32 v27, v46  }
0x153: {  	v47 =	vld.idx.msk [tilespmem:v1+s29+$0x670 ss:$0x1], $0xffff;
	v4 =	vadd.f32 v48, v4;
	v55 =	vmul.f32 v56, v46;
	v6 =	vadd.f32 v13, v6  }
0x154: {  	v56 =	vld.idx.msk [tilespmem:v1+s29+$0x6C0 ss:$0x1], $0xffff;
	v7 =	vadd.f32 v11, v7;
	v11 =	vmul.f32 v57, v46;
	v57 =	vbroadcast v2, $0xC  }
0x155: {  	v54 =	vld.idx.msk [tilespmem:v1+s29+$0x6B0 ss:$0x1], $0xffff;
	v4 =	vadd.f32 v59, v4;
	v13 =	vmul.f32 v49, v33;
	v6 =	vadd.f32 v55, v6  }
0x156: {  	v60 =	vld.idx.msk [tilespmem:v1+s29+$0x6E0 ss:$0x1], $0xffff;
	v5 =	vadd.f32 v11, v5;
	v11 =	vmul.f32 v62, v57;
	v61 =	vmul.f32 v36, v57  }
0x157: {  	v39 =	vld.idx.msk [tilespmem:v1+s29+$0x750 ss:$0x1], $0xffff;
	v8 =	vadd.f32 v18, v8;
	v63 =	vmul.f32 v38, v57;
	v32 =	vmul.f32 v42, v57  }
0x158: {  	v30 =	vld.idx.msk [tilespmem:v1+s29+$0x700 ss:$0x1], $0xffff;
	v35 =	vmul.f32 v45, v57;
	v10 =	vadd.f32 v11, v10;
	v11 =	vmul.f32 v40, v57  }
0x159: {  	v50 =	vld.idx.msk [tilespmem:v1+s29+$0x7A0 ss:$0x1], $0xffff;
	v3 =	vadd.f32 v20, v3;
	v37 =	vmul.f32 v47, v57;
	v42 =	vmul.f32 v56, v33  }
0x15a: {  	v52 =	vld.idx.msk [tilespmem:v1+s29+$0x7B0 ss:$0x1], $0xffff;
	v45 =	vbroadcast v2, $0xE;
	v7 =	vadd.f32 v11, v7;
	v11 =	vmul.f32 v43, v57  }
0x15b: {  	v62 =	vld.idx.msk [tilespmem:v1+s29+$0x6F0 ss:$0x1], $0xffff;
	v2 =	vbroadcast v2, $0xF;
	v9 =	vadd.f32 v61, v9;
	v8 =	vadd.f32 v63, v8  }
0x15c: {  	v36 =	vld.idx.msk [tilespmem:v1+s29+$0x730 ss:$0x1], $0xffff;
	v6 =	vadd.f32 v32, v6;
	v5 =	vadd.f32 v11, v5;
	v11 =	vmul.f32 v51, v33  }
0x15d: {  	v47 =	vld.idx.msk [tilespmem:v1+s29+$0x790 ss:$0x1], $0xffff;
	v4 =	vadd.f32 v35, v4;
	v3 =	vadd.f32 v37, v3;
	v40 =	vmul.f32 v53, v33  }
0x15e: {  	v41 =	vld.idx.msk [tilespmem:v1+s29+$0x760 ss:$0x1], $0xffff;
	v49 =	vmul.f32 v30, v45;
	v9 =	vadd.f32 v11, v9;
	v11 =	vmul.f32 v54, v33  }
0x15f: {  	v38 =	vld.idx.msk [tilespmem:v1+s29+$0x740 ss:$0x1], $0xffff;
	v56 =	vmul.f32 v39, v45;
	v61 =	vmul.f32 v52, v2;
	v10 =	vadd.f32 v13, v10  }
0x160: {  	v43 =	vld.idx.msk [tilespmem:v1+s29+$0x770 ss:$0x1], $0xffff;
	v8 =	vadd.f32 v40, v8;
	v7 =	vadd.f32 v11, v7;
	v11 =	vmul.f32 v60, v33  }
0x161: {  	v46 =	vld.idx.msk [tilespmem:v1+s29+$0x780 ss:$0x1], $0xffff;
	v6 =	vadd.f32 v42, v6;
	v48 =	vmul.f32 v62, v33;
	v53 =	vmul.f32 v36, v45  }
0x162: {  	v55 =	vld.idx.msk [tilespmem:v1+s29+$0x7D0 ss:$0x1], $0xffff;
	v17 =	vmul.f32 v47, v2;
	v4 =	vadd.f32 v11, v4;
	v11 =	vmul.f32 v31, v45  }
0x163: {  	v59 =	vld.idx.msk [tilespmem:v1+s29+$0x7F0 ss:$0x1], $0xffff;
	v51 =	vmul.f32 v34, v45;
	v10 =	vadd.f32 v49, v10;
	v5 =	vadd.f32 v44, v5  }
0x164: {  	v57 =	vld.idx.msk [tilespmem:v1+s29+$0x7E0 ss:$0x1], $0xffff;
	v3 =	vadd.f32 v48, v3;
	v9 =	vadd.f32 v11, v9;
	v11 =	vmul.f32 v38, v45  }
0x165: {  	v54 =	vld.idx.msk [tilespmem:v1+s29+$0x7C0 ss:$0x1], $0xffff;
	v8 =	vadd.f32 v51, v8;
	v58 =	vmul.f32 v43, v45;
	v5 =	vadd.f32 v56, v5  }
0x166: {  	v60 =	vmul.f32 v46, v2;
	v6 =	vadd.f32 v11, v6;
	v11 =	vmul.f32 v41, v45  }
0x167: {  	p1 =	por p0, p0;
	v62 =	vmul.f32 v55, v2;
	v3 =	vadd.f32 v58, v3;
	v7 =	vadd.f32 v53, v7  }
.Ltmp2:
0x168: {  	v10 =	vadd.f32 v60, v10;
	v4 =	vadd.f32 v11, v4;
	v11 =	vmul.f32 v50, v2;
	(pc) =	sbr.rel @p1 .LBB2_8-.Ltmp2, $4  }
0x169: {  	v63 =	vmul.f32 v57, v2;
	v5 =	vadd.f32 v62, v5;
	v7 =	vadd.f32 v61, v7  }
0x16a: {  	v8 =	vadd.f32 v11, v8;
	v11 =	vmul.f32 v54, v2;
	v2 =	vmul.f32 v59, v2  }
0x16b: {  	v9 =	vadd.f32 v17, v9;
	v4 =	vadd.f32 v63, v4  }
0x16c: {  	p0 =	por $0x0, $0x0;
	s29 =	simm.s32 $0x1;
	v6 =	vadd.f32 v11, v6;
	v3 =	vadd.f32 v2, v3  }
0x16d: {  	s3 =	sadd.s32 s26, s28  }
0x16e: {  	s3 =	sshll.u32 s3, $0x7  }
0x16f: {  	s3 =	sand.u32 $0x3FFFFF80, s3  }
0x170: {  	[tilespmem:s3+$0x11000] =	vst v10  }
0x171: {  	s28 =	sadd.s32 $0x1, s28;
	[tilespmem:s3+$0x11010] =	vst v9  }
0x172: {  	p0 =	sne.s32 s28, $0x8;
	[tilespmem:s3+$0x11020] =	vst v8  }
.Ltmp3:
0x173: {  	[tilespmem:s3+$0x11030] =	vst v7;
	(pc) =	sbr.rel @p0 .LBB2_7-.Ltmp3, $4  }
0x174: {  	[tilespmem:s3+$0x11040] =	vst v6  }
0x175: {  	[tilespmem:s3+$0x11050] =	vst v5  }
0x176: {  	[tilespmem:s3+$0x11060] =	vst v4  }
0x177: {  	[tilespmem:s3+$0x11070] =	vst v3  }
0x178: {  	s25 =	sadd.s32 $0x1, s25  }
0x179: {  	p0 =	sne.s32 s25, $0xD  }
.Ltmp4:
0x17a: {  	_ = 	snop;
	(pc) =	sbr.rel @p0 .LBB2_2-.Ltmp4, $1  }
0x17b: {  	_ =	sdelay $0x3  }
0x17c: {  	_ =	swait.ge [sflag:s20], $0x8000  }
0x17d: {  	[sflag:s20] =	ssyncset.done $0x0  }
0x17e: {  	[sflag:s20] =	ssyncadd.s32 $0xFFFF8000  }
0x17f: {  	_ =	swait.ge [sflag:s20], $0x400  }
0x180: {  	[sflag:s20] =	ssyncset.done $0x0  }
0x181: {  	[sflag:s20] =	ssyncadd.s32 $0xFFFFFC00  }
0x182: {  	s24 =	sadd.s32 $0x1, s24;
	_ =	swait.ge [sflag:s20], $0x400  }
0x183: {  	p0 =	sne.s32 s24, s12;
	[sflag:s20] =	ssyncset.done $0x0  }
.Ltmp5:
0x184: {  	[sflag:s20] =	ssyncadd.s32 $0xFFFFFC00;
	(pc) =	sbr.rel @p0 .LBB2_1-.Ltmp5, $4  }
0x185: {  	[hbm4b:s11+s5] =	stream.linear.scatter [tilespmem:s22], [sflag:$0x3], $0x6400, $0x38;
	[tilespmem:$0x17400] =	vst v63  }
0x186: {  	_ =	swait.ge [sflag:s23], $0x6400  }
0x187: {  	[sflag:s23] =	ssyncset.done $0x0  }
0x188: {  	[sflag:s23] =	ssyncadd.s32 $0xFFFF9C00  }
0x189: {  	_ =	sfence.sel $0x180000  }
0x18a: {  	[bflag:$0x0] =	sbarrier.arrive $0xFFFF  }
0x18b: {  	_ =	strace $0x90000047  }
0x18c: {  	[bflag:$0x2] =	sbarrier.arrive $0xFFFF  }
0x18d: {  	p0 =	sne.s32 s0, $0x0;
	s0 =	rddreg [dreg:$0x4]  }
0x18e: {  	s0 =	sadd.s32 @!p0 $0x100000, s0  }
0x18f: {  	[sflag:s0] =	ssyncadd.tile.s32 @!p0 $0x1;
	_ =	shalt  }
.Lfunc_end2:
_tile_overlayer_lowered:
.L_overlay_start_2:
0x190: {  	(tag) =	ssettag $0x2  }
0x191: {  	s0 =	rddreg [dreg:$0x0];
	s2 =	stileid.u32  }
0x192: {  	s1 =	rddreg [dreg:$0x1];
	p0 =	sne.s32 s2, $0x0  }
0x193: {  	s3 =	rddreg [dreg:$0x2];
	[bflag:$0x3] =	sbarrier.arrive $0xFFFF;
	s2 =	simm.s32 @!p0 $0x1C03  }
0x194: {  	[timem:s3], [sflag:s2] =	dma.local @!p0 [hbm:s0], s1  }
0x195: {  	s0 =	simm.s32 @!p0 $0x3  }
0x196: {  	_ =	swait.ge @!p0 [sflag:s0], s1  }
0x197: {  	s1 =	ssub.s32 @!p0 $0x0, s1;
	[sflag:s0] =	ssyncset.done @!p0 $0x0  }
0x198: {  	[sflag:s0] =	ssyncadd.s32 @!p0 s1  }
0x199: {  	[bflag:$0x3] =	sbarrier.arrive $0xFFFF  }
0x19a: {  	_ =	shalt  }

</sc_bundles>
